<compile_context>
chip_gen: v7x
topology: tpu7x:2x2x1
jax: 0.10.2.dev20260603
libtpu: 0.0.44.dev20260713+nightly
codegen_flags: <defaults>
</compile_context>

<pallas_src>
import functools

import jax
import jax.numpy as jnp
from jax import lax
from jax.experimental import pallas as pl
from jax.experimental.pallas import tpu as pltpu
from jax.experimental.pallas import tpu_sc as plsc

_F32 = jnp.float32
_I32 = jnp.int32
_NPIX = 512 * 512
_NSAMP = 16


def _sc_stats_body(x_hbm, char_hbm, aff_hbm, out_hbm,
                   xb00, xb01, xb10, xb11,
                   tb00, tb01, tb10, tb11,
                   iatab, ibtab, statsbuf, sem0, sem1):
    cid = lax.axis_index("c")
    sid = lax.axis_index("s")
    wid = sid * 2 + cid
    r0 = pl.multiple_of(wid * 16, 16)
    m0 = wid * 8
    start = pl.multiple_of(jnp.clip(m0 - 8, 0, 232), 8)

    def build_tab(cb, carry):
        j = cb * 16 + lax.iota(_I32, 16)
        ia = j >> 1
        ib = jnp.clip(ia + ((j & 1) * 2 - 1), 0, 255)
        iatab[pl.ds(cb * 16, 16)] = ia
        ibtab[pl.ds(cb * 16, 16)] = ib
        return carry
    lax.fori_loop(0, 32, build_tab, 0)

    def copies(b, xb0, xb1, tb0, tb1, sem):
        return (
            pltpu.make_async_copy(
                x_hbm.at[b, 0, pl.ds(r0, 16), :], xb0, sem),
            pltpu.make_async_copy(
                x_hbm.at[b, 1, pl.ds(r0, 16), :], xb1, sem),
            pltpu.make_async_copy(
                char_hbm.at[b, 0, pl.ds(start, 24), :], tb0, sem),
            pltpu.make_async_copy(
                aff_hbm.at[b, 0, pl.ds(start, 24), :], tb1, sem),
        )

    def issue(b, xb0, xb1, tb0, tb1, sem):
        for d in copies(b, xb0, xb1, tb0, tb1, sem):
            d.start()

    def drain(b, xb0, xb1, tb0, tb1, sem):
        for d in copies(b, xb0, xb1, tb0, tb1, sem):
            d.wait()

    def channel_stats(xbuf, tbuf):
        def percb(cb, acc):
            cnt_e, cnt_o, pos_e, pos_o, tot = acc
            co = cb * 16
            ia = iatab[pl.ds(co, 16)]
            ib = ibtab[pl.ds(co, 16)]

            def wrow(mrow):
                rv = jnp.full((16,), mrow - start, _I32)
                return 0.1875 * plsc.load_gather(tbuf, [rv, ia]) \
                    + 0.0625 * plsc.load_gather(tbuf, [rv, ib])

            w_prev = wrow(jnp.clip(m0 - 1, 0, 255))
            w_cur = wrow(m0)
            for m in range(8):
                mm = m0 + m
                w_next = wrow(jnp.clip(mm + 1, 0, 255))
                t3 = 3.0 * w_cur
                te = t3 + w_prev
                to = t3 + w_next
                de = xbuf[2 * m, pl.ds(co, 16)] - te
                do = xbuf[2 * m + 1, pl.ds(co, 16)] - to
                le = de * de
                lo = do * do
                tot = tot + (le + lo)
                pme = te > 0.0
                pmo = to > 0.0
                pos_e = pos_e + jnp.where(pme, le, 0.0)
                pos_o = pos_o + jnp.where(pmo, lo, 0.0)
                cnt_e = cnt_e + plsc.all_reduce_population_count(pme)
                cnt_o = cnt_o + plsc.all_reduce_population_count(pmo)
                w_prev, w_cur = w_cur, w_next
            return (cnt_e, cnt_o, pos_e, pos_o, tot)

        z = jnp.zeros((16,), _F32)
        zi = jnp.zeros((16,), _I32)
        ce, cx, pe, px, tt = plsc.parallel_loop(
            0, 32, carry=(zi, zi, z, z, z))(percb)
        cnt_total = (jnp.sum(ce) + jnp.sum(cx)).astype(_F32) * 0.0625
        return cnt_total, jnp.sum(pe + px), jnp.sum(tt)

    lanes = lax.iota(_I32, 16)

    def accum(acc, b, c, stats):
        accc, accp, acct = acc
        cs, ps, ts = stats
        m = lanes == (b * 2 + c)
        return (accc + jnp.where(m, cs, 0.0),
                accp + jnp.where(m, ps, 0.0),
                acct + jnp.where(m, ts, 0.0))

    issue(0, xb00, xb01, tb00, tb01, sem0)

    def per_pair(i, acc):
        b = 2 * i
        drain(b, xb00, xb01, tb00, tb01, sem0)
        issue(b + 1, xb10, xb11, tb10, tb11, sem1)
        acc = accum(acc, b, 0, channel_stats(xb00, tb00))
        acc = accum(acc, b, 1, channel_stats(xb01, tb01))
        drain(b + 1, xb10, xb11, tb10, tb11, sem1)

        @pl.when(i < 3)
        def _():
            issue(b + 2, xb00, xb01, tb00, tb01, sem0)
        acc = accum(acc, b + 1, 0, channel_stats(xb10, tb10))
        acc = accum(acc, b + 1, 1, channel_stats(xb11, tb11))
        return acc

    z = jnp.zeros((16,), _F32)
    accc, accp, acct = lax.fori_loop(0, 4, per_pair, (z, z, z))
    statsbuf[pl.ds(0, 16)] = accc
    statsbuf[pl.ds(16, 16)] = accp
    statsbuf[pl.ds(32, 16)] = acct
    pltpu.sync_copy(statsbuf, out_hbm.at[wid])


_sc_stats = functools.partial(
    pl.kernel,
    out_type=jax.ShapeDtypeStruct((32, 48), _F32),
    mesh=plsc.VectorSubcoreMesh(core_axis_name="c", subcore_axis_name="s"),
    compiler_params=pltpu.CompilerParams(needs_layout_passes=False),
    scratch_types=[
        pltpu.VMEM((16, 512), _F32), pltpu.VMEM((16, 512), _F32),
        pltpu.VMEM((16, 512), _F32), pltpu.VMEM((16, 512), _F32),
        pltpu.VMEM((24, 256), _F32), pltpu.VMEM((24, 256), _F32),
        pltpu.VMEM((24, 256), _F32), pltpu.VMEM((24, 256), _F32),
        pltpu.VMEM((512,), _I32), pltpu.VMEM((512,), _I32),
        pltpu.VMEM((48,), _F32),
        pltpu.SemaphoreType.DMA, pltpu.SemaphoreType.DMA,
    ],
)(_sc_stats_body)


def _sc_negdump_body(x_hbm, char_hbm, aff_hbm, out_hbm,
                     xbuf, tbuf, negbuf, iatab, ibtab):
    cid = lax.axis_index("c")
    sid = lax.axis_index("s")
    wid = sid * 2 + cid
    r0 = pl.multiple_of(wid * 16, 16)
    m0 = wid * 8
    start = pl.multiple_of(jnp.clip(m0 - 8, 0, 232), 8)

    def build_tab(cb, carry):
        j = cb * 16 + lax.iota(_I32, 16)
        ia = j >> 1
        ib = jnp.clip(ia + ((j & 1) * 2 - 1), 0, 255)
        iatab[pl.ds(cb * 16, 16)] = ia
        ibtab[pl.ds(cb * 16, 16)] = ib
        return carry
    lax.fori_loop(0, 32, build_tab, 0)

    def per_b(b, carry):
        for c, t_hbm in ((0, char_hbm), (1, aff_hbm)):
            pltpu.sync_copy(x_hbm.at[b, c, pl.ds(r0, 16), :], xbuf)
            pltpu.sync_copy(t_hbm.at[b, 0, pl.ds(start, 24), :], tbuf)

            def percb(cb, inner):
                co = cb * 16
                ia = iatab[pl.ds(co, 16)]
                ib = ibtab[pl.ds(co, 16)]

                def urow(mrow):
                    rv = jnp.full((16,), mrow - start, _I32)
                    return 0.75 * plsc.load_gather(tbuf, [rv, ia]) \
                        + 0.25 * plsc.load_gather(tbuf, [rv, ib])

                u_prev = urow(jnp.clip(m0 - 1, 0, 255))
                u_cur = urow(m0)
                for m in range(8):
                    mm = m0 + m
                    u_next = urow(jnp.clip(mm + 1, 0, 255))
                    um75 = 0.75 * u_cur
                    te = um75 + 0.25 * u_prev
                    to = um75 + 0.25 * u_next
                    de = xbuf[2 * m, pl.ds(co, 16)] - te
                    do = xbuf[2 * m + 1, pl.ds(co, 16)] - to
                    le = de * de
                    lo = do * do
                    negbuf[pl.ds(2 * m * 512 + co, 16)] = (
                        jnp.where(te > 0.0, -1.0, le))
                    negbuf[pl.ds((2 * m + 1) * 512 + co, 16)] = (
                        jnp.where(to > 0.0, -1.0, lo))
                    u_prev, u_cur = u_cur, u_next
                return inner
            lax.fori_loop(0, 32, percb, 0)
            s = b * 2 + c
            pltpu.sync_copy(negbuf,
                            out_hbm.at[pl.ds(s * _NPIX + r0 * 512, 8192)])
        return carry
    lax.fori_loop(0, 8, per_b, 0)


_sc_negdump = functools.partial(
    pl.kernel,
    out_type=jax.ShapeDtypeStruct((_NSAMP * _NPIX,), _F32),
    mesh=plsc.VectorSubcoreMesh(core_axis_name="c", subcore_axis_name="s"),
    compiler_params=pltpu.CompilerParams(needs_layout_passes=False),
    scratch_types=[
        pltpu.VMEM((16, 512), _F32),
        pltpu.VMEM((24, 256), _F32),
        pltpu.VMEM((8192,), _F32),
        pltpu.VMEM((512,), _I32), pltpu.VMEM((512,), _I32),
    ],
)(_sc_negdump_body)


def _sc_topk_body(neg_hbm, k_hbm, out_hbm, nbuf, kbuf, obuf):
    cid = lax.axis_index("c")
    sid = lax.axis_index("s")
    wid = sid * 2 + cid

    @pl.when(wid < _NSAMP)
    def _():
        s = wid
        lanes = lax.iota(_I32, 16)
        pltpu.sync_copy(k_hbm, kbuf)
        kf = jnp.sum(jnp.where(lanes == s, kbuf[...], 0))

        def count_ge(midbits):
            midv = plsc.bitcast(jnp.full((16,), midbits, _I32), _F32)

            def chunk(ch, tot):
                pltpu.sync_copy(
                    neg_hbm.at[pl.ds(s * _NPIX + ch * 16384, 16384)], nbuf)

                def blk(i, acc):
                    v = nbuf[pl.ds(i * 16, 16)]
                    return acc + jnp.where(v >= midv, 1, 0)
                accv = lax.fori_loop(0, 1024, blk, jnp.zeros((16,), _I32))
                return tot + jnp.sum(accv)
            return lax.fori_loop(0, 16, chunk, 0)

        def bs(it, lohi):
            lo, hi = lohi
            mid = lo + (hi - lo) // 2
            c = count_ge(mid)
            take = c >= kf
            return (jnp.where(take, mid, lo), jnp.where(take, hi, mid))
        lo, _hi = lax.fori_loop(0, 31, bs, (0, 0x7F800000))

        thrv = plsc.bitcast(jnp.full((16,), lo, _I32), _F32)

        def chunk2(ch, carry):
            pltpu.sync_copy(
                neg_hbm.at[pl.ds(s * _NPIX + ch * 16384, 16384)], nbuf)

            def blk(i, c2):
                cv, sv = c2
                v = nbuf[pl.ds(i * 16, 16)]
                gt = v > thrv
                return (cv + jnp.where(gt, 1.0, 0.0),
                        sv + jnp.where(gt, v, 0.0))
            return lax.fori_loop(0, 1024, blk, carry)
        zf = jnp.zeros((16,), _F32)
        cntv, sumv = lax.fori_loop(0, 16, chunk2, (zf, zf))
        cnt_gt = jnp.sum(cntv)
        sum_gt = jnp.sum(sumv)
        res = jnp.where(lanes == 0, sum_gt,
                        jnp.where(lanes == 1, cnt_gt,
                                  jnp.where(lanes == 2, thrv, 0.0)))
        obuf[pl.ds(0, 16)] = res
        pltpu.sync_copy(obuf, out_hbm.at[pl.ds(s * 16, 16)])


_sc_topk = functools.partial(
    pl.kernel,
    out_type=jax.ShapeDtypeStruct((_NSAMP * 16,), _F32),
    mesh=plsc.VectorSubcoreMesh(core_axis_name="c", subcore_axis_name="s"),
    compiler_params=pltpu.CompilerParams(needs_layout_passes=False),
    scratch_types=[
        pltpu.VMEM((16384,), _F32),
        pltpu.VMEM((16,), _I32),
        pltpu.VMEM((16,), _F32),
    ],
)(_sc_topk_body)


def kernel(x, char_target, aff_target):
    parts = _sc_stats(x, char_target, aff_target)
    st = parts.reshape(32, 3, 16).sum(axis=0)
    cnt, pos_sum, tot_sum = st[0], st[1], st[2]
    neg_sum = tot_sum - pos_sum

    n = _NPIX
    p = cnt.astype(_I32)
    k0 = (p.astype(_F32) * 3.0).astype(_I32)
    kk = jnp.where(k0 + p > n, n - p, k0)
    need = (kk >= 10) & (kk < n - p)

    def general_topk():
        neg = _sc_negdump(x, char_target, aff_target)
        fbr = _sc_topk(neg, kk).reshape(_NSAMP, 16)
        return fbr[:, 0] + (kk.astype(_F32) - fbr[:, 1]) * fbr[:, 2]

    topk_fb = lax.cond(jnp.any(need), general_topk, lambda: neg_sum)
    topk_sum = jnp.where(need, topk_fb, neg_sum)

    pos_mean = pos_sum / jnp.maximum(p, 1)
    topk_mean = topk_sum / jnp.maximum(kk, 1)
    mean_all = tot_sum / n
    per_sample = jnp.where(kk < 10, mean_all, pos_mean + topk_mean)
    return jnp.sum(per_sample) / 8.0

# --- scband reference (transcript-rebuilt; emitter-appended) ---
"""Pipeline reference for scband-mse-ohem-loss-1022202217305 (READ-ONLY COPY).

The authoritative reference and input builder live on the scoring server;
editing this copy changes nothing except your own understanding.
"""

import jax, jax.numpy as jnp
import numpy as np
from jax import image as jax_image

POSITIVE_MULT = 3.0


def setup_inputs(seed: int = 0) -> dict:
    key = jax.random.key(seed)
    k1, k2, k3 = jax.random.split(key, 3)
    return {
        "x": jax.random.normal(k1, (8, 2, 512, 512), dtype=jnp.float32),
        "char_target": jax.random.normal(k2, (8, 1, 256, 256), dtype=jnp.float32),
        "aff_target": jax.random.normal(k3, (8, 1, 256, 256), dtype=jnp.float32),
    }


def _mse_ohem_single(img, target):
    img = img.reshape(-1)
    target = target.reshape(-1)
    positive_mask = target > 0
    sample_loss = (img - target) ** 2
    num_positive = positive_mask.sum()
    k = (num_positive.astype(jnp.float32) * POSITIVE_MULT).astype(num_positive.dtype)
    num_all = img.shape[0]
    k = jnp.where(k + num_positive > num_all, num_all - num_positive, k)
    pos_sum = jnp.sum(jnp.where(positive_mask, sample_loss, 0.0))
    pos_mean = pos_sum / jnp.maximum(num_positive, 1)
    neg_vals = jnp.where(positive_mask, -jnp.inf, sample_loss)
    neg_sorted = -jnp.sort(-neg_vals)
    idx = jnp.arange(num_all)
    topk_sum = jnp.sum(jnp.where(idx < k, neg_sorted, 0.0))
    topk_mean = topk_sum / jnp.maximum(k, 1)
    return jnp.where(k < 10, sample_loss.mean(), pos_mean + topk_mean)


def reference(x, char_target, aff_target):
    # torch forward receives x as a 1-list and y as a 2-tuple; here the
    # payload tensors are passed directly.
    predict_r = x[:, 0, :, :]
    predict_a = x[:, 1, :, :]
    B = x.shape[0]
    H, W = predict_r.shape[1], predict_r.shape[2]
    char_t = jax_image.resize(char_target, (B, char_target.shape[1], H, W), method="bilinear")
    aff_t = jax_image.resize(aff_target, (B, aff_target.shape[1], H, W), method="bilinear")
    losses = []
    for i in range(B):
        char_loss = _mse_ohem_single(predict_r[i], char_t[i])
        aff_loss = _mse_ohem_single(predict_a[i], aff_t[i])
        losses.append(char_loss + aff_loss)
    return jnp.stack(losses, 0).mean()

if __name__ == "__main__":
    import jax
    _d = setup_inputs()
    print(jax.jit(kernel)(*tuple(_d.values())))

</pallas_src>

<mosaic_0001>
#map = affine_map<(d0, d1) -> (0)>
module attributes {stable_mosaic.version = 14 : i64} {
  func.func @_sc_topk_body(%arg0: i32, %arg1: i32, %arg2: memref<4194304xf32, #tpu.memory_space<hbm>>, %arg3: memref<16xi32, #tpu.memory_space<hbm>>, %arg4: memref<256xf32, #tpu.memory_space<hbm>>, %arg5: memref<16384xf32, #tpu.memory_space<vmem>>, %arg6: memref<16xi32, #tpu.memory_space<vmem>>, %arg7: memref<16xf32, #tpu.memory_space<vmem>>) attributes {dimension_semantics = [#tpu.dimension_semantics<core_parallel>, #tpu.dimension_semantics<subcore_parallel>], iteration_bounds = array<i64: 2, 16>, scalar_prefetch = 0 : i64, scratch_operands = 3 : i64, tpu.core_type = #tpu.core_type<sc_vector_subcore>, window_params = [{transform_indices = #map}, {transform_indices = #map}, {transform_indices = #map}]} {
    %mul3A = arith.constant 2 : i32
    %mul3A_0 = arith.muli %arg1, %mul3A : i32
    %add3A = arith.addi %mul3A_0, %arg0 : i32
    %lt3A = arith.constant 16 : i32
    %lt3A_1 = arith.cmpi slt, %add3A, %lt3A : i32
    %convert_element_type3A = arith.extui %lt3A_1 : i1 to i32
    %cond3A = arith.constant 0 : i32
    %cond3A_2 = arith.cmpi ne, %convert_element_type3A, %cond3A : i32
    scf.if %cond3A_2 {
      %iota3A = tpu.iota {dimensions = array<i32: 0>} : vector<16xi32>
      "tpu.region"() ({
        %run_scoped3A = tpu.sem_alloc : memref<!tpu.dma_semaphore, #tpu.memory_space<semaphore_mem>>
        tpu.enqueue_dma source(%arg3 : memref<16xi32, #tpu.memory_space<hbm>>) target(%arg6 : memref<16xi32, #tpu.memory_space<vmem>>) target_semaphore(%run_scoped3A : memref<!tpu.dma_semaphore, #tpu.memory_space<semaphore_mem>>)
        tpu.wait_dma2 semaphore(%run_scoped3A : memref<!tpu.dma_semaphore, #tpu.memory_space<semaphore_mem>>) src(%arg3 : memref<16xi32, #tpu.memory_space<hbm>>) dst(%arg6 : memref<16xi32, #tpu.memory_space<vmem>>)
        tpu.yield
      }) : () -> ()
      %eq3A = vector.broadcast %add3A : i32 to vector<16xi32>
      %eq3A_3 = arith.cmpi eq, %iota3A, %eq3A : vector<16xi32>
      %get3A = arith.constant 0 : index
      %get3A_4 = tpu.vector_load %arg6[%get3A] {strides = array<i32>} : memref<16xi32, #tpu.memory_space<vmem>>, vector<16xi32>,
      %jit3A = arith.constant 0 : i32
      %broadcast_in_dim3A = vector.broadcast %jit3A : i32 to vector<16xi32>
      %select_n3A = arith.select %eq3A_3, %get3A_4, %broadcast_in_dim3A : vector<16xi1>, vector<16xi32>
      %reduce_sum3A = arith.constant true
      %reduce_sum3A_5 = vector.broadcast %reduce_sum3A : i1 to vector<16xi1>
      %reduce_sum3A_6 = tpu.scan <sum>, %select_n3A masked %reduce_sum3A_5 : vector<16xi32>, vector<16xi1> -> vector<16xi32>
      %reduce_sum3A_7 = vector.extract %reduce_sum3A_6[15] : i32 from vector<16xi32>
      %scan3A = arith.constant 0 : i32
      %scan3A_8 = arith.constant 2139095040 : i32
      %scan3A_9 = arith.constant 0 : i32
      %scan3A_10 = arith.constant 31 : i32
      %scan3A_11 = arith.addi %scan3A_9, %scan3A_10 : i32
      %scan3A_12 = arith.constant 1 : i32
      %scan3A_13:2 = scf.for %scan3A_51 = %scan3A_9 to %scan3A_11 step %scan3A_12 iter_args(%scan3A_52 = %scan3A, %scan3A_53 = %scan3A_8) -> (i32, i32)  : i32 {
        %sub3A = arith.subi %scan3A_53, %scan3A_52 : i32
        %jit3A_54 = arith.constant 2 : i32
        %div3A = arith.divsi %sub3A, %jit3A_54 : i32
        %sign3A = arith.constant 0 : i32
        %sign3A_55 = arith.cmpi sgt, %sub3A, %sign3A : i32
        %sign3A_56 = arith.extui %sign3A_55 : i1 to i32
        %sign3A_57 = arith.constant 0 : i32
        %sign3A_58 = arith.cmpi slt, %sub3A, %sign3A_57 : i32
        %sign3A_59 = arith.extui %sign3A_58 : i1 to i32
        %sign3A_60 = arith.subi %sign3A_56, %sign3A_59 : i32
        %sign3A_61 = arith.constant 0 : i32
        %sign3A_62 = arith.cmpi sgt, %jit3A_54, %sign3A_61 : i32
        %sign3A_63 = arith.extui %sign3A_62 : i1 to i32
        %sign3A_64 = arith.constant 0 : i32
        %sign3A_65 = arith.cmpi slt, %jit3A_54, %sign3A_64 : i32
        %sign3A_66 = arith.extui %sign3A_65 : i1 to i32
        %sign3A_67 = arith.subi %sign3A_63, %sign3A_66 : i32
        %ne3A = arith.cmpi ne, %sign3A_60, %sign3A_67 : i32
        %rem3A = arith.remsi %sub3A, %jit3A_54 : i32
        %ne3A_68 = arith.constant 0 : i32
        %ne3A_69 = arith.cmpi ne, %rem3A, %ne3A_68 : i32
        %and3A = arith.andi %ne3A, %ne3A_69 : i1
        %sub3A_70 = arith.constant 1 : i32
        %sub3A_71 = arith.subi %div3A, %sub3A_70 : i32
        %select_n3A_72 = arith.select %and3A, %sub3A_71, %div3A : i32
        %add3A_73 = arith.addi %scan3A_52, %select_n3A_72 : i32
        %broadcast_in_dim3A_74 = vector.broadcast %add3A_73 : i32 to vector<16xi32>
        %bitcast3A_75 = vector.bitcast %broadcast_in_dim3A_74 : vector<16xi32> to vector<16xf32>
        %scan3A_76 = arith.constant 0 : i32
        %scan3A_77 = arith.constant 0 : i32
        %scan3A_78 = arith.constant 16 : i32
        %scan3A_79 = arith.addi %scan3A_77, %scan3A_78 : i32
        %scan3A_80 = arith.constant 1 : i32
        %scan3A_81 = scf.for %scan3A_85 = %scan3A_77 to %scan3A_79 step %scan3A_80 iter_args(%scan3A_86 = %scan3A_76) -> (i32)  : i32 {
          %mul3A_87 = arith.constant 262144 : i32
          %mul3A_88 = arith.muli %add3A, %mul3A_87 : i32
          %mul3A_89 = arith.constant 16384 : i32
          %mul3A_90 = arith.muli %scan3A_85, %mul3A_89 : i32
          %add3A_91 = arith.addi %mul3A_88, %mul3A_90 : i32
          "tpu.region"() ({
            %run_scoped3A = tpu.sem_alloc : memref<!tpu.dma_semaphore, #tpu.memory_space<semaphore_mem>>
            %dma_start3A = tpu.memref_slice %arg2[%add3A_91] : memref<4194304xf32, #tpu.memory_space<hbm>> -> memref<16384xf32, #tpu.memory_space<hbm>>
            %dma_start3A_105 = tpu.memref_slice %arg2[%add3A_91] : memref<4194304xf32, #tpu.memory_space<hbm>> -> memref<16384xf32, #tpu.memory_space<hbm>>
            tpu.enqueue_dma source(%dma_start3A_105 : memref<16384xf32, #tpu.memory_space<hbm>>) target(%arg5 : memref<16384xf32, #tpu.memory_space<vmem>>) target_semaphore(%run_scoped3A : memref<!tpu.dma_semaphore, #tpu.memory_space<semaphore_mem>>)
            %dma_wait3A = tpu.memref_slice %arg2[%add3A_91] : memref<4194304xf32, #tpu.memory_space<hbm>> -> memref<16384xf32, #tpu.memory_space<hbm>>
            %dma_wait3A_106 = tpu.memref_slice %arg2[%add3A_91] : memref<4194304xf32, #tpu.memory_space<hbm>> -> memref<16384xf32, #tpu.memory_space<hbm>>
            tpu.wait_dma2 semaphore(%run_scoped3A : memref<!tpu.dma_semaphore, #tpu.memory_space<semaphore_mem>>) src(%dma_wait3A_106 : memref<16384xf32, #tpu.memory_space<hbm>>) dst(%arg5 : memref<16384xf32, #tpu.memory_space<vmem>>)
            tpu.yield
          }) : () -> ()
          %broadcast_in_dim3A_92 = arith.constant 0 : i32
          %broadcast_in_dim3A_93 = vector.broadcast %broadcast_in_dim3A_92 : i32 to vector<16xi32>
          %scan3A_94 = arith.constant 0 : i32
          %scan3A_95 = arith.constant 1024 : i32
          %scan3A_96 = arith.addi %scan3A_94, %scan3A_95 : i32
          %scan3A_97 = arith.constant 1 : i32
          %scan3A_98 = scf.for %scan3A_105 = %scan3A_94 to %scan3A_96 step %scan3A_97 iter_args(%scan3A_106 = %broadcast_in_dim3A_93) -> (vector<16xi32>)  : i32 {
            %mul3A_107 = arith.constant 16 : i32
            %mul3A_108 = arith.muli %scan3A_105, %mul3A_107 : i32
            %get3A_109 = arith.index_cast %mul3A_108 : i32 to index
            %get3A_110 = tpu.vector_load %arg5[%get3A_109] {strides = array<i32>} : memref<16384xf32, #tpu.memory_space<vmem>>, vector<16xf32>,
            %ge3A_111 = arith.cmpf oge, %get3A_110, %bitcast3A_75 : vector<16xf32>
            %jit3A_112 = arith.constant 1 : i32
            %jit3A_113 = arith.constant 0 : i32
            %broadcast_in_dim3A_114 = vector.broadcast %jit3A_112 : i32 to vector<16xi32>
            %broadcast_in_dim3A_115 = vector.broadcast %jit3A_113 : i32 to vector<16xi32>
            %select_n3A_116 = arith.select %ge3A_111, %broadcast_in_dim3A_114, %broadcast_in_dim3A_115 : vector<16xi1>, vector<16xi32>
            %add3A_117 = arith.addi %scan3A_106, %select_n3A_116 : vector<16xi32>
            scf.yield %add3A_117 : vector<16xi32>
          }
          %scan3A_99 = arith.constant 1024 : i32
          %reduce_sum3A_100 = arith.constant true
          %reduce_sum3A_101 = vector.broadcast %reduce_sum3A_100 : i1 to vector<16xi1>
          %reduce_sum3A_102 = tpu.scan <sum>, %scan3A_98 masked %reduce_sum3A_101 : vector<16xi32>, vector<16xi1> -> vector<16xi32>
          %reduce_sum3A_103 = vector.extract %reduce_sum3A_102[15] : i32 from vector<16xi32>
          %add3A_104 = arith.addi %scan3A_86, %reduce_sum3A_103 : i32
          scf.yield %add3A_104 : i32
        }
        %scan3A_82 = arith.constant 16 : i32
        %ge3A = arith.cmpi sge, %scan3A_81, %reduce_sum3A_7 : i32
        %select_n3A_83 = arith.select %ge3A, %add3A_73, %scan3A_52 : i32
        %select_n3A_84 = arith.select %ge3A, %scan3A_53, %add3A_73 : i32
        scf.yield %select_n3A_83, %select_n3A_84 : i32, i32
      }
      %scan3A_14 = arith.constant 31 : i32
      %broadcast_in_dim3A_15 = vector.broadcast %scan3A_13#0 : i32 to vector<16xi32>
      %bitcast3A = vector.bitcast %broadcast_in_dim3A_15 : vector<16xi32> to vector<16xf32>
      %broadcast_in_dim3A_16 = arith.constant 0.000000e+00 : f32
      %broadcast_in_dim3A_17 = vector.broadcast %broadcast_in_dim3A_16 : f32 to vector<16xf32>
      %scan3A_18 = arith.constant 0 : i32
      %scan3A_19 = arith.constant 16 : i32
      %scan3A_20 = arith.addi %scan3A_18, %scan3A_19 : i32
      %scan3A_21 = arith.constant 1 : i32
      %scan3A_22:2 = scf.for %scan3A_51 = %scan3A_18 to %scan3A_20 step %scan3A_21 iter_args(%scan3A_52 = %broadcast_in_dim3A_17, %scan3A_53 = %broadcast_in_dim3A_17) -> (vector<16xf32>, vector<16xf32>)  : i32 {
        %mul3A_54 = arith.constant 262144 : i32
        %mul3A_55 = arith.muli %add3A, %mul3A_54 : i32
        %mul3A_56 = arith.constant 16384 : i32
        %mul3A_57 = arith.muli %scan3A_51, %mul3A_56 : i32
        %add3A_58 = arith.addi %mul3A_55, %mul3A_57 : i32
        "tpu.region"() ({
          %run_scoped3A = tpu.sem_alloc : memref<!tpu.dma_semaphore, #tpu.memory_space<semaphore_mem>>
          %dma_start3A = tpu.memref_slice %arg2[%add3A_58] : memref<4194304xf32, #tpu.memory_space<hbm>> -> memref<16384xf32, #tpu.memory_space<hbm>>
          %dma_start3A_65 = tpu.memref_slice %arg2[%add3A_58] : memref<4194304xf32, #tpu.memory_space<hbm>> -> memref<16384xf32, #tpu.memory_space<hbm>>
          tpu.enqueue_dma source(%dma_start3A_65 : memref<16384xf32, #tpu.memory_space<hbm>>) target(%arg5 : memref<16384xf32, #tpu.memory_space<vmem>>) target_semaphore(%run_scoped3A : memref<!tpu.dma_semaphore, #tpu.memory_space<semaphore_mem>>)
          %dma_wait3A = tpu.memref_slice %arg2[%add3A_58] : memref<4194304xf32, #tpu.memory_space<hbm>> -> memref<16384xf32, #tpu.memory_space<hbm>>
          %dma_wait3A_66 = tpu.memref_slice %arg2[%add3A_58] : memref<4194304xf32, #tpu.memory_space<hbm>> -> memref<16384xf32, #tpu.memory_space<hbm>>
          tpu.wait_dma2 semaphore(%run_scoped3A : memref<!tpu.dma_semaphore, #tpu.memory_space<semaphore_mem>>) src(%dma_wait3A_66 : memref<16384xf32, #tpu.memory_space<hbm>>) dst(%arg5 : memref<16384xf32, #tpu.memory_space<vmem>>)
          tpu.yield
        }) : () -> ()
        %scan3A_59 = arith.constant 0 : i32
        %scan3A_60 = arith.constant 1024 : i32
        %scan3A_61 = arith.addi %scan3A_59, %scan3A_60 : i32
        %scan3A_62 = arith.constant 1 : i32
        %scan3A_63:2 = scf.for %scan3A_65 = %scan3A_59 to %scan3A_61 step %scan3A_62 iter_args(%scan3A_66 = %scan3A_52, %scan3A_67 = %scan3A_53) -> (vector<16xf32>, vector<16xf32>)  : i32 {
          %mul3A_68 = arith.constant 16 : i32
          %mul3A_69 = arith.muli %scan3A_65, %mul3A_68 : i32
          %get3A_70 = arith.index_cast %mul3A_69 : i32 to index
          %get3A_71 = tpu.vector_load %arg5[%get3A_70] {strides = array<i32>} : memref<16384xf32, #tpu.memory_space<vmem>>, vector<16xf32>,
          %gt3A = arith.cmpf ogt, %get3A_71, %bitcast3A : vector<16xf32>
          %jit3A_72 = arith.constant 1.000000e+00 : f32
          %jit3A_73 = arith.constant 0.000000e+00 : f32
          %broadcast_in_dim3A_74 = vector.broadcast %jit3A_72 : f32 to vector<16xf32>
          %broadcast_in_dim3A_75 = vector.broadcast %jit3A_73 : f32 to vector<16xf32>
          %select_n3A_76 = arith.select %gt3A, %broadcast_in_dim3A_74, %broadcast_in_dim3A_75 : vector<16xi1>, vector<16xf32>
          %add3A_77 = arith.addf %scan3A_66, %select_n3A_76 : vector<16xf32>
          %jit3A_78 = arith.constant 0.000000e+00 : f32
          %broadcast_in_dim3A_79 = vector.broadcast %jit3A_78 : f32 to vector<16xf32>
          %select_n3A_80 = arith.select %gt3A, %get3A_71, %broadcast_in_dim3A_79 : vector<16xi1>, vector<16xf32>
          %add3A_81 = arith.addf %scan3A_67, %select_n3A_80 : vector<16xf32>
          scf.yield %add3A_77, %add3A_81 : vector<16xf32>, vector<16xf32>
        }
        %scan3A_64 = arith.constant 1024 : i32
        scf.yield %scan3A_63#0, %scan3A_63#1 : vector<16xf32>, vector<16xf32>
      }
      %scan3A_23 = arith.constant 16 : i32
      %reduce_sum3A_24 = arith.constant true
      %reduce_sum3A_25 = vector.broadcast %reduce_sum3A_24 : i1 to vector<16xi1>
      %reduce_sum3A_26 = tpu.scan <sum>, %scan3A_22#0 masked %reduce_sum3A_25 : vector<16xf32>, vector<16xi1> -> vector<16xf32>
      %reduce_sum3A_27 = vector.extract %reduce_sum3A_26[15] : f32 from vector<16xf32>
      %reduce_sum3A_28 = arith.constant true
      %reduce_sum3A_29 = vector.broadcast %reduce_sum3A_28 : i1 to vector<16xi1>
      %reduce_sum3A_30 = tpu.scan <sum>, %scan3A_22#1 masked %reduce_sum3A_29 : vector<16xf32>, vector<16xi1> -> vector<16xf32>
      %reduce_sum3A_31 = vector.extract %reduce_sum3A_30[15] : f32 from vector<16xf32>
      %eq3A_32 = arith.constant 0 : i32
      %eq3A_33 = vector.broadcast %eq3A_32 : i32 to vector<16xi32>
      %eq3A_34 = arith.cmpi eq, %iota3A, %eq3A_33 : vector<16xi32>
      %eq3A_35 = arith.constant 1 : i32
      %eq3A_36 = vector.broadcast %eq3A_35 : i32 to vector<16xi32>
      %eq3A_37 = arith.cmpi eq, %iota3A, %eq3A_36 : vector<16xi32>
      %eq3A_38 = arith.constant 2 : i32
      %eq3A_39 = vector.broadcast %eq3A_38 : i32 to vector<16xi32>
      %eq3A_40 = arith.cmpi eq, %iota3A, %eq3A_39 : vector<16xi32>
      %jit3A_41 = arith.constant 0.000000e+00 : f32
      %broadcast_in_dim3A_42 = vector.broadcast %jit3A_41 : f32 to vector<16xf32>
      %select_n3A_43 = arith.select %eq3A_40, %bitcast3A, %broadcast_in_dim3A_42 : vector<16xi1>, vector<16xf32>
      %broadcast_in_dim3A_44 = vector.broadcast %reduce_sum3A_27 : f32 to vector<16xf32>
      %select_n3A_45 = arith.select %eq3A_37, %broadcast_in_dim3A_44, %select_n3A_43 : vector<16xi1>, vector<16xf32>
      %broadcast_in_dim3A_46 = vector.broadcast %reduce_sum3A_31 : f32 to vector<16xf32>
      %select_n3A_47 = arith.select %eq3A_34, %broadcast_in_dim3A_46, %select_n3A_45 : vector<16xi1>, vector<16xf32>
      %swap3A = arith.constant 0 : index
      %swap3A_48 = tpu.vector_load %arg7[%swap3A] {strides = array<i32>} : memref<16xf32, #tpu.memory_space<vmem>>, vector<16xf32>,
      tpu.vector_store %arg7[%swap3A], %select_n3A_47 {strides = array<i32>} : memref<16xf32, #tpu.memory_space<vmem>>, vector<16xf32>,
      %mul3A_49 = arith.constant 16 : i32
      %mul3A_50 = arith.muli %add3A, %mul3A_49 : i32
      "tpu.region"() ({
        %run_scoped3A = tpu.sem_alloc : memref<!tpu.dma_semaphore, #tpu.memory_space<semaphore_mem>>
        %dma_start3A = tpu.memref_slice %arg4[%mul3A_50] : memref<256xf32, #tpu.memory_space<hbm>> -> memref<16xf32, #tpu.memory_space<hbm>>
        %dma_start3A_51 = tpu.memref_slice %arg4[%mul3A_50] : memref<256xf32, #tpu.memory_space<hbm>> -> memref<16xf32, #tpu.memory_space<hbm>>
        tpu.enqueue_dma source(%arg7 : memref<16xf32, #tpu.memory_space<vmem>>) target(%dma_start3A_51 : memref<16xf32, #tpu.memory_space<hbm>>) target_semaphore(%run_scoped3A : memref<!tpu.dma_semaphore, #tpu.memory_space<semaphore_mem>>)
        %dma_wait3A = tpu.memref_slice %arg4[%mul3A_50] : memref<256xf32, #tpu.memory_space<hbm>> -> memref<16xf32, #tpu.memory_space<hbm>>
        %dma_wait3A_52 = tpu.memref_slice %arg4[%mul3A_50] : memref<256xf32, #tpu.memory_space<hbm>> -> memref<16xf32, #tpu.memory_space<hbm>>
        tpu.wait_dma2 semaphore(%run_scoped3A : memref<!tpu.dma_semaphore, #tpu.memory_space<semaphore_mem>>) src(%arg7 : memref<16xf32, #tpu.memory_space<vmem>>) dst(%dma_wait3A_52 : memref<16xf32, #tpu.memory_space<hbm>>)
        tpu.yield
      }) : () -> ()
    } else {
    }
    return
  }
}

#map = affine_map<(d0, d1) -> (0, 0, 0, 0)>
#map1 = affine_map<(d0, d1) -> (0)>
module attributes {stable_mosaic.version = 14 : i64} {
  func.func @_sc_negdump_body(%arg0: i32, %arg1: i32, %arg2: memref<8x2x512x512xf32, #tpu.memory_space<hbm>>, %arg3: memref<8x1x256x256xf32, #tpu.memory_space<hbm>>, %arg4: memref<8x1x256x256xf32, #tpu.memory_space<hbm>>, %arg5: memref<4194304xf32, #tpu.memory_space<hbm>>, %arg6: memref<16x512xf32, #tpu.memory_space<vmem>>, %arg7: memref<24x256xf32, #tpu.memory_space<vmem>>, %arg8: memref<8192xf32, #tpu.memory_space<vmem>>, %arg9: memref<512xi32, #tpu.memory_space<vmem>>, %arg10: memref<512xi32, #tpu.memory_space<vmem>>) attributes {dimension_semantics = [#tpu.dimension_semantics<core_parallel>, #tpu.dimension_semantics<subcore_parallel>], iteration_bounds = array<i64: 2, 16>, scalar_prefetch = 0 : i64, scratch_operands = 5 : i64, tpu.core_type = #tpu.core_type<sc_vector_subcore>, window_params = [{transform_indices = #map}, {transform_indices = #map}, {transform_indices = #map}, {transform_indices = #map1}]} {
    %mul3A = arith.constant 2 : i32
    %mul3A_0 = arith.muli %arg1, %mul3A : i32
    %add3A = arith.addi %mul3A_0, %arg0 : i32
    %mul3A_1 = arith.constant 16 : i32
    %mul3A_2 = arith.muli %add3A, %mul3A_1 : i32
    %multiple_of3A = tpu.assume_multiple %mul3A_2, 16 : i32
    %mul3A_3 = arith.constant 8 : i32
    %mul3A_4 = arith.muli %add3A, %mul3A_3 : i32
    %sub3A = arith.constant 8 : i32
    %sub3A_5 = arith.subi %mul3A_4, %sub3A : i32
    %jit3A = arith.constant 0 : i32
    %jit3A_6 = arith.constant 232 : i32
    %max3A = arith.maxsi %jit3A, %sub3A_5 : i32
    %min3A = arith.minsi %jit3A_6, %max3A : i32
    %multiple_of3A_7 = tpu.assume_multiple %min3A, 8 : i32
    %scan3A = arith.constant 0 : i32
    %scan3A_8 = arith.constant 0 : i32
    %scan3A_9 = arith.constant 32 : i32
    %scan3A_10 = arith.addi %scan3A_8, %scan3A_9 : i32
    %scan3A_11 = arith.constant 1 : i32
    scf.for %scan3A_19 = %scan3A_8 to %scan3A_10 step %scan3A_11  : i32 {
      %mul3A_20 = arith.constant 16 : i32
      %mul3A_21 = arith.muli %scan3A_19, %mul3A_20 : i32
      %iota3A = tpu.iota {dimensions = array<i32: 0>} : vector<16xi32>
      %add3A_22 = vector.broadcast %mul3A_21 : i32 to vector<16xi32>
      %add3A_23 = arith.addi %add3A_22, %iota3A : vector<16xi32>
      %shift_right_arithmetic3A = arith.constant 1 : i32
      %shift_right_arithmetic3A_24 = vector.broadcast %shift_right_arithmetic3A : i32 to vector<16xi32>
      %shift_right_arithmetic3A_25 = arith.shrsi %add3A_23, %shift_right_arithmetic3A_24 : vector<16xi32>
      %and3A = arith.constant 1 : i32
      %and3A_26 = vector.broadcast %and3A : i32 to vector<16xi32>
      %and3A_27 = arith.andi %add3A_23, %and3A_26 : vector<16xi32>
      %mul3A_28 = arith.constant 2 : i32
      %mul3A_29 = vector.broadcast %mul3A_28 : i32 to vector<16xi32>
      %mul3A_30 = arith.muli %and3A_27, %mul3A_29 : vector<16xi32>
      %sub3A_31 = arith.constant 1 : i32
      %sub3A_32 = vector.broadcast %sub3A_31 : i32 to vector<16xi32>
      %sub3A_33 = arith.subi %mul3A_30, %sub3A_32 : vector<16xi32>
      %add3A_34 = arith.addi %shift_right_arithmetic3A_25, %sub3A_33 : vector<16xi32>
      %jit3A_35 = arith.constant 0 : i32
      %jit3A_36 = arith.constant 255 : i32
      %max3A_37 = vector.broadcast %jit3A_35 : i32 to vector<16xi32>
      %max3A_38 = arith.maxsi %max3A_37, %add3A_34 : vector<16xi32>
      %min3A_39 = vector.broadcast %jit3A_36 : i32 to vector<16xi32>
      %min3A_40 = arith.minsi %min3A_39, %max3A_38 : vector<16xi32>
      %mul3A_41 = arith.constant 16 : i32
      %mul3A_42 = arith.muli %scan3A_19, %mul3A_41 : i32
      %swap3A = arith.index_cast %mul3A_42 : i32 to index
      %swap3A_43 = tpu.vector_load %arg9[%swap3A] {strides = array<i32>} : memref<512xi32, #tpu.memory_space<vmem>>, vector<16xi32>,
      tpu.vector_store %arg9[%swap3A], %shift_right_arithmetic3A_25 {strides = array<i32>} : memref<512xi32, #tpu.memory_space<vmem>>, vector<16xi32>,
      %mul3A_44 = arith.constant 16 : i32
      %mul3A_45 = arith.muli %scan3A_19, %mul3A_44 : i32
      %swap3A_46 = arith.index_cast %mul3A_45 : i32 to index
      %swap3A_47 = tpu.vector_load %arg10[%swap3A_46] {strides = array<i32>} : memref<512xi32, #tpu.memory_space<vmem>>, vector<16xi32>,
      tpu.vector_store %arg10[%swap3A_46], %min3A_40 {strides = array<i32>} : memref<512xi32, #tpu.memory_space<vmem>>, vector<16xi32>,
    }
    %scan3A_12 = arith.constant 32 : i32
    %scan3A_13 = arith.constant 0 : i32
    %scan3A_14 = arith.constant 0 : i32
    %scan3A_15 = arith.constant 8 : i32
    %scan3A_16 = arith.addi %scan3A_14, %scan3A_15 : i32
    %scan3A_17 = arith.constant 1 : i32
    scf.for %scan3A_19 = %scan3A_14 to %scan3A_16 step %scan3A_17  : i32 {
      %run_scoped3A = arith.constant 0 : i32
      "tpu.region"() ({
        %run_scoped3A_53 = tpu.sem_alloc : memref<!tpu.dma_semaphore, #tpu.memory_space<semaphore_mem>>
        %dma_start3A = arith.constant 0 : i32
        %dma_start3A_54 = tpu.memref_slice %arg2[%scan3A_19, %run_scoped3A, %multiple_of3A, %dma_start3A] : memref<8x2x512x512xf32, #tpu.memory_space<hbm>> -> memref<1x1x16x512xf32, #tpu.memory_space<hbm>>
        %dma_start3A_55 = tpu.memref_squeeze %dma_start3A_54 : memref<1x1x16x512xf32, #tpu.memory_space<hbm>> -> memref<16x512xf32, #tpu.memory_space<hbm>>
        %dma_start3A_56 = arith.constant 0 : i32
        %dma_start3A_57 = tpu.memref_slice %arg2[%scan3A_19, %run_scoped3A, %multiple_of3A, %dma_start3A_56] : memref<8x2x512x512xf32, #tpu.memory_space<hbm>> -> memref<1x1x16x512xf32, #tpu.memory_space<hbm>>
        %dma_start3A_58 = tpu.memref_squeeze %dma_start3A_57 : memref<1x1x16x512xf32, #tpu.memory_space<hbm>> -> memref<16x512xf32, #tpu.memory_space<hbm>>
        tpu.enqueue_dma source(%dma_start3A_58 : memref<16x512xf32, #tpu.memory_space<hbm>>) target(%arg6 : memref<16x512xf32, #tpu.memory_space<vmem>>) target_semaphore(%run_scoped3A_53 : memref<!tpu.dma_semaphore, #tpu.memory_space<semaphore_mem>>)
        %dma_wait3A = arith.constant 0 : i32
        %dma_wait3A_59 = tpu.memref_slice %arg2[%scan3A_19, %run_scoped3A, %multiple_of3A, %dma_wait3A] : memref<8x2x512x512xf32, #tpu.memory_space<hbm>> -> memref<1x1x16x512xf32, #tpu.memory_space<hbm>>
        %dma_wait3A_60 = tpu.memref_squeeze %dma_wait3A_59 : memref<1x1x16x512xf32, #tpu.memory_space<hbm>> -> memref<16x512xf32, #tpu.memory_space<hbm>>
        %dma_wait3A_61 = arith.constant 0 : i32
        %dma_wait3A_62 = tpu.memref_slice %arg2[%scan3A_19, %run_scoped3A, %multiple_of3A, %dma_wait3A_61] : memref<8x2x512x512xf32, #tpu.memory_space<hbm>> -> memref<1x1x16x512xf32, #tpu.memory_space<hbm>>
        %dma_wait3A_63 = tpu.memref_squeeze %dma_wait3A_62 : memref<1x1x16x512xf32, #tpu.memory_space<hbm>> -> memref<16x512xf32, #tpu.memory_space<hbm>>
        tpu.wait_dma2 semaphore(%run_scoped3A_53 : memref<!tpu.dma_semaphore, #tpu.memory_space<semaphore_mem>>) src(%dma_wait3A_63 : memref<16x512xf32, #tpu.memory_space<hbm>>) dst(%arg6 : memref<16x512xf32, #tpu.memory_space<vmem>>)
        tpu.yield
      }) : () -> ()
      %run_scoped3A_20 = arith.constant 0 : i32
      "tpu.region"() ({
        %run_scoped3A_53 = tpu.sem_alloc : memref<!tpu.dma_semaphore, #tpu.memory_space<semaphore_mem>>
        %dma_start3A = arith.constant 0 : i32
        %dma_start3A_54 = tpu.memref_slice %arg3[%scan3A_19, %run_scoped3A_20, %multiple_of3A_7, %dma_start3A] : memref<8x1x256x256xf32, #tpu.memory_space<hbm>> -> memref<1x1x24x256xf32, #tpu.memory_space<hbm>>
        %dma_start3A_55 = tpu.memref_squeeze %dma_start3A_54 : memref<1x1x24x256xf32, #tpu.memory_space<hbm>> -> memref<24x256xf32, #tpu.memory_space<hbm>>
        %dma_start3A_56 = arith.constant 0 : i32
        %dma_start3A_57 = tpu.memref_slice %arg3[%scan3A_19, %run_scoped3A_20, %multiple_of3A_7, %dma_start3A_56] : memref<8x1x256x256xf32, #tpu.memory_space<hbm>> -> memref<1x1x24x256xf32, #tpu.memory_space<hbm>>
        %dma_start3A_58 = tpu.memref_squeeze %dma_start3A_57 : memref<1x1x24x256xf32, #tpu.memory_space<hbm>> -> memref<24x256xf32, #tpu.memory_space<hbm>>
        tpu.enqueue_dma source(%dma_start3A_58 : memref<24x256xf32, #tpu.memory_space<hbm>>) target(%arg7 : memref<24x256xf32, #tpu.memory_space<vmem>>) target_semaphore(%run_scoped3A_53 : memref<!tpu.dma_semaphore, #tpu.memory_space<semaphore_mem>>)
        %dma_wait3A = arith.constant 0 : i32
        %dma_wait3A_59 = tpu.memref_slice %arg3[%scan3A_19, %run_scoped3A_20, %multiple_of3A_7, %dma_wait3A] : memref<8x1x256x256xf32, #tpu.memory_space<hbm>> -> memref<1x1x24x256xf32, #tpu.memory_space<hbm>>
        %dma_wait3A_60 = tpu.memref_squeeze %dma_wait3A_59 : memref<1x1x24x256xf32, #tpu.memory_space<hbm>> -> memref<24x256xf32, #tpu.memory_space<hbm>>
        %dma_wait3A_61 = arith.constant 0 : i32
        %dma_wait3A_62 = tpu.memref_slice %arg3[%scan3A_19, %run_scoped3A_20, %multiple_of3A_7, %dma_wait3A_61] : memref<8x1x256x256xf32, #tpu.memory_space<hbm>> -> memref<1x1x24x256xf32, #tpu.memory_space<hbm>>
        %dma_wait3A_63 = tpu.memref_squeeze %dma_wait3A_62 : memref<1x1x24x256xf32, #tpu.memory_space<hbm>> -> memref<24x256xf32, #tpu.memory_space<hbm>>
        tpu.wait_dma2 semaphore(%run_scoped3A_53 : memref<!tpu.dma_semaphore, #tpu.memory_space<semaphore_mem>>) src(%dma_wait3A_63 : memref<24x256xf32, #tpu.memory_space<hbm>>) dst(%arg7 : memref<24x256xf32, #tpu.memory_space<vmem>>)
        tpu.yield
      }) : () -> ()
      %scan3A_21 = arith.constant 0 : i32
      %scan3A_22 = arith.constant 0 : i32
      %scan3A_23 = arith.constant 32 : i32
      %scan3A_24 = arith.addi %scan3A_22, %scan3A_23 : i32
      %scan3A_25 = arith.constant 1 : i32
      scf.for %scan3A_53 = %scan3A_22 to %scan3A_24 step %scan3A_25  : i32 {
        %mul3A_54 = arith.constant 16 : i32
        %mul3A_55 = arith.muli %scan3A_53, %mul3A_54 : i32
        %get3A = arith.index_cast %mul3A_55 : i32 to index
        %get3A_56 = tpu.vector_load %arg9[%get3A] {strides = array<i32>} : memref<512xi32, #tpu.memory_space<vmem>>, vector<16xi32>,
        %get3A_57 = arith.index_cast %mul3A_55 : i32 to index
        %get3A_58 = tpu.vector_load %arg10[%get3A_57] {strides = array<i32>} : memref<512xi32, #tpu.memory_space<vmem>>, vector<16xi32>,
        %sub3A_59 = arith.constant 1 : i32
        %sub3A_60 = arith.subi %mul3A_4, %sub3A_59 : i32
        %jit3A_61 = arith.constant 0 : i32
        %jit3A_62 = arith.constant 255 : i32
        %max3A_63 = arith.maxsi %jit3A_61, %sub3A_60 : i32
        %min3A_64 = arith.minsi %jit3A_62, %max3A_63 : i32
        %sub3A_65 = arith.subi %min3A_64, %multiple_of3A_7 : i32
        %broadcast_in_dim3A = vector.broadcast %sub3A_65 : i32 to vector<16xi32>
        %gather3A = tpu.vector_load_idx %arg7[%broadcast_in_dim3A, %get3A_56] : memref<24x256xf32, #tpu.memory_space<vmem>>[vector<16xi32>, vector<16xi32>], vector<16xf32>,
        %mul3A_66 = arith.constant 7.500000e-01 : f32
        %mul3A_67 = vector.broadcast %mul3A_66 : f32 to vector<16xf32>
        %mul3A_68 = arith.mulf %mul3A_67, %gather3A : vector<16xf32>
        %gather3A_69 = tpu.vector_load_idx %arg7[%broadcast_in_dim3A, %get3A_58] : memref<24x256xf32, #tpu.memory_space<vmem>>[vector<16xi32>, vector<16xi32>], vector<16xf32>,
        %mul3A_70 = arith.constant 2.500000e-01 : f32
        %mul3A_71 = vector.broadcast %mul3A_70 : f32 to vector<16xf32>
        %mul3A_72 = arith.mulf %mul3A_71, %gather3A_69 : vector<16xf32>
        %add3A_73 = arith.addf %mul3A_68, %mul3A_72 : vector<16xf32>
        %sub3A_74 = arith.subi %mul3A_4, %multiple_of3A_7 : i32
        %broadcast_in_dim3A_75 = vector.broadcast %sub3A_74 : i32 to vector<16xi32>
        %gather3A_76 = tpu.vector_load_idx %arg7[%broadcast_in_dim3A_75, %get3A_56] : memref<24x256xf32, #tpu.memory_space<vmem>>[vector<16xi32>, vector<16xi32>], vector<16xf32>,
        %mul3A_77 = arith.constant 7.500000e-01 : f32
        %mul3A_78 = vector.broadcast %mul3A_77 : f32 to vector<16xf32>
        %mul3A_79 = arith.mulf %mul3A_78, %gather3A_76 : vector<16xf32>
        %gather3A_80 = tpu.vector_load_idx %arg7[%broadcast_in_dim3A_75, %get3A_58] : memref<24x256xf32, #tpu.memory_space<vmem>>[vector<16xi32>, vector<16xi32>], vector<16xf32>,
        %mul3A_81 = arith.constant 2.500000e-01 : f32
        %mul3A_82 = vector.broadcast %mul3A_81 : f32 to vector<16xf32>
        %mul3A_83 = arith.mulf %mul3A_82, %gather3A_80 : vector<16xf32>
        %add3A_84 = arith.addf %mul3A_79, %mul3A_83 : vector<16xf32>
        %add3A_85 = arith.constant 0 : i32
        %add3A_86 = arith.addi %mul3A_4, %add3A_85 : i32
        %add3A_87 = arith.constant 1 : i32
        %add3A_88 = arith.addi %add3A_86, %add3A_87 : i32
        %jit3A_89 = arith.constant 0 : i32
        %jit3A_90 = arith.constant 255 : i32
        %max3A_91 = arith.maxsi %jit3A_89, %add3A_88 : i32
        %min3A_92 = arith.minsi %jit3A_90, %max3A_91 : i32
        %sub3A_93 = arith.subi %min3A_92, %multiple_of3A_7 : i32
        %broadcast_in_dim3A_94 = vector.broadcast %sub3A_93 : i32 to vector<16xi32>
        %gather3A_95 = tpu.vector_load_idx %arg7[%broadcast_in_dim3A_94, %get3A_56] : memref<24x256xf32, #tpu.memory_space<vmem>>[vector<16xi32>, vector<16xi32>], vector<16xf32>,
        %mul3A_96 = arith.constant 7.500000e-01 : f32
        %mul3A_97 = vector.broadcast %mul3A_96 : f32 to vector<16xf32>
        %mul3A_98 = arith.mulf %mul3A_97, %gather3A_95 : vector<16xf32>
        %gather3A_99 = tpu.vector_load_idx %arg7[%broadcast_in_dim3A_94, %get3A_58] : memref<24x256xf32, #tpu.memory_space<vmem>>[vector<16xi32>, vector<16xi32>], vector<16xf32>,
        %mul3A_100 = arith.constant 2.500000e-01 : f32
        %mul3A_101 = vector.broadcast %mul3A_100 : f32 to vector<16xf32>
        %mul3A_102 = arith.mulf %mul3A_101, %gather3A_99 : vector<16xf32>
        %add3A_103 = arith.addf %mul3A_98, %mul3A_102 : vector<16xf32>
        %mul3A_104 = arith.constant 7.500000e-01 : f32
        %mul3A_105 = vector.broadcast %mul3A_104 : f32 to vector<16xf32>
        %mul3A_106 = arith.mulf %mul3A_105, %add3A_84 : vector<16xf32>
        %mul3A_107 = arith.constant 2.500000e-01 : f32
        %mul3A_108 = vector.broadcast %mul3A_107 : f32 to vector<16xf32>
        %mul3A_109 = arith.mulf %mul3A_108, %add3A_73 : vector<16xf32>
        %add3A_110 = arith.addf %mul3A_106, %mul3A_109 : vector<16xf32>
        %mul3A_111 = arith.constant 2.500000e-01 : f32
        %mul3A_112 = vector.broadcast %mul3A_111 : f32 to vector<16xf32>
        %mul3A_113 = arith.mulf %mul3A_112, %add3A_103 : vector<16xf32>
        %add3A_114 = arith.addf %mul3A_106, %mul3A_113 : vector<16xf32>
        %get3A_115 = arith.constant 0 : i32
        %get3A_116 = arith.index_cast %get3A_115 : i32 to index
        %get3A_117 = arith.index_cast %mul3A_55 : i32 to index
        %get3A_118 = tpu.vector_load %arg6[%get3A_116, %get3A_117] {strides = array<i32>} : memref<16x512xf32, #tpu.memory_space<vmem>>, vector<16xf32>,
        %sub3A_119 = arith.subf %get3A_118, %add3A_110 : vector<16xf32>
        %get3A_120 = arith.constant 1 : i32
        %get3A_121 = arith.index_cast %get3A_120 : i32 to index
        %get3A_122 = arith.index_cast %mul3A_55 : i32 to index
        %get3A_123 = tpu.vector_load %arg6[%get3A_121, %get3A_122] {strides = array<i32>} : memref<16x512xf32, #tpu.memory_space<vmem>>, vector<16xf32>,
        %sub3A_124 = arith.subf %get3A_123, %add3A_114 : vector<16xf32>
        %mul3A_125 = arith.mulf %sub3A_119, %sub3A_119 : vector<16xf32>
        %mul3A_126 = arith.mulf %sub3A_124, %sub3A_124 : vector<16xf32>
        %gt3A = arith.constant 0.000000e+00 : f32
        %gt3A_127 = vector.broadcast %gt3A : f32 to vector<16xf32>
        %gt3A_128 = arith.cmpf ogt, %add3A_110, %gt3A_127 : vector<16xf32>
        %jit3A_129 = arith.constant -1.000000e+00 : f32
        %broadcast_in_dim3A_130 = vector.broadcast %jit3A_129 : f32 to vector<16xf32>
        %select_n3A = arith.select %gt3A_128, %broadcast_in_dim3A_130, %mul3A_125 : vector<16xi1>, vector<16xf32>
        %add3A_131 = arith.constant 0 : i32
        %add3A_132 = arith.addi %add3A_131, %mul3A_55 : i32
        %swap3A = arith.index_cast %add3A_132 : i32 to index
        %swap3A_133 = tpu.vector_load %arg8[%swap3A] {strides = array<i32>} : memref<8192xf32, #tpu.memory_space<vmem>>, vector<16xf32>,
        tpu.vector_store %arg8[%swap3A], %select_n3A {strides = array<i32>} : memref<8192xf32, #tpu.memory_space<vmem>>, vector<16xf32>,
        %gt3A_134 = arith.constant 0.000000e+00 : f32
        %gt3A_135 = vector.broadcast %gt3A_134 : f32 to vector<16xf32>
        %gt3A_136 = arith.cmpf ogt, %add3A_114, %gt3A_135 : vector<16xf32>
        %jit3A_137 = arith.constant -1.000000e+00 : f32
        %broadcast_in_dim3A_138 = vector.broadcast %jit3A_137 : f32 to vector<16xf32>
        %select_n3A_139 = arith.select %gt3A_136, %broadcast_in_dim3A_138, %mul3A_126 : vector<16xi1>, vector<16xf32>
        %add3A_140 = arith.constant 512 : i32
        %add3A_141 = arith.addi %add3A_140, %mul3A_55 : i32
        %swap3A_142 = arith.index_cast %add3A_141 : i32 to index
        %swap3A_143 = tpu.vector_load %arg8[%swap3A_142] {strides = array<i32>} : memref<8192xf32, #tpu.memory_space<vmem>>, vector<16xf32>,
        tpu.vector_store %arg8[%swap3A_142], %select_n3A_139 {strides = array<i32>} : memref<8192xf32, #tpu.memory_space<vmem>>, vector<16xf32>,
        %add3A_144 = arith.constant 1 : i32
        %add3A_145 = arith.addi %mul3A_4, %add3A_144 : i32
        %add3A_146 = arith.constant 1 : i32
        %add3A_147 = arith.addi %add3A_145, %add3A_146 : i32
        %jit3A_148 = arith.constant 0 : i32
        %jit3A_149 = arith.constant 255 : i32
        %max3A_150 = arith.maxsi %jit3A_148, %add3A_147 : i32
        %min3A_151 = arith.minsi %jit3A_149, %max3A_150 : i32
        %sub3A_152 = arith.subi %min3A_151, %multiple_of3A_7 : i32
        %broadcast_in_dim3A_153 = vector.broadcast %sub3A_152 : i32 to vector<16xi32>
        %gather3A_154 = tpu.vector_load_idx %arg7[%broadcast_in_dim3A_153, %get3A_56] : memref<24x256xf32, #tpu.memory_space<vmem>>[vector<16xi32>, vector<16xi32>], vector<16xf32>,
        %mul3A_155 = arith.constant 7.500000e-01 : f32
        %mul3A_156 = vector.broadcast %mul3A_155 : f32 to vector<16xf32>
        %mul3A_157 = arith.mulf %mul3A_156, %gather3A_154 : vector<16xf32>
        %gather3A_158 = tpu.vector_load_idx %arg7[%broadcast_in_dim3A_153, %get3A_58] : memref<24x256xf32, #tpu.memory_space<vmem>>[vector<16xi32>, vector<16xi32>], vector<16xf32>,
        %mul3A_159 = arith.constant 2.500000e-01 : f32
        %mul3A_160 = vector.broadcast %mul3A_159 : f32 to vector<16xf32>
        %mul3A_161 = arith.mulf %mul3A_160, %gather3A_158 : vector<16xf32>
        %add3A_162 = arith.addf %mul3A_157, %mul3A_161 : vector<16xf32>
        %mul3A_163 = arith.constant 7.500000e-01 : f32
        %mul3A_164 = vector.broadcast %mul3A_163 : f32 to vector<16xf32>
        %mul3A_165 = arith.mulf %mul3A_164, %add3A_103 : vector<16xf32>
        %mul3A_166 = arith.constant 2.500000e-01 : f32
        %mul3A_167 = vector.broadcast %mul3A_166 : f32 to vector<16xf32>
        %mul3A_168 = arith.mulf %mul3A_167, %add3A_84 : vector<16xf32>
        %add3A_169 = arith.addf %mul3A_165, %mul3A_168 : vector<16xf32>
        %mul3A_170 = arith.constant 2.500000e-01 : f32
        %mul3A_171 = vector.broadcast %mul3A_170 : f32 to vector<16xf32>
        %mul3A_172 = arith.mulf %mul3A_171, %add3A_162 : vector<16xf32>
        %add3A_173 = arith.addf %mul3A_165, %mul3A_172 : vector<16xf32>
        %get3A_174 = arith.constant 2 : i32
        %get3A_175 = arith.index_cast %get3A_174 : i32 to index
        %get3A_176 = arith.index_cast %mul3A_55 : i32 to index
        %get3A_177 = tpu.vector_load %arg6[%get3A_175, %get3A_176] {strides = array<i32>} : memref<16x512xf32, #tpu.memory_space<vmem>>, vector<16xf32>,
        %sub3A_178 = arith.subf %get3A_177, %add3A_169 : vector<16xf32>
        %get3A_179 = arith.constant 3 : i32
        %get3A_180 = arith.index_cast %get3A_179 : i32 to index
        %get3A_181 = arith.index_cast %mul3A_55 : i32 to index
        %get3A_182 = tpu.vector_load %arg6[%get3A_180, %get3A_181] {strides = array<i32>} : memref<16x512xf32, #tpu.memory_space<vmem>>, vector<16xf32>,
        %sub3A_183 = arith.subf %get3A_182, %add3A_173 : vector<16xf32>
        %mul3A_184 = arith.mulf %sub3A_178, %sub3A_178 : vector<16xf32>
        %mul3A_185 = arith.mulf %sub3A_183, %sub3A_183 : vector<16xf32>
        %gt3A_186 = arith.constant 0.000000e+00 : f32
        %gt3A_187 = vector.broadcast %gt3A_186 : f32 to vector<16xf32>
        %gt3A_188 = arith.cmpf ogt, %add3A_169, %gt3A_187 : vector<16xf32>
        %jit3A_189 = arith.constant -1.000000e+00 : f32
        %broadcast_in_dim3A_190 = vector.broadcast %jit3A_189 : f32 to vector<16xf32>
        %select_n3A_191 = arith.select %gt3A_188, %broadcast_in_dim3A_190, %mul3A_184 : vector<16xi1>, vector<16xf32>
        %add3A_192 = arith.constant 1024 : i32
        %add3A_193 = arith.addi %add3A_192, %mul3A_55 : i32
        %swap3A_194 = arith.index_cast %add3A_193 : i32 to index
        %swap3A_195 = tpu.vector_load %arg8[%swap3A_194] {strides = array<i32>} : memref<8192xf32, #tpu.memory_space<vmem>>, vector<16xf32>,
        tpu.vector_store %arg8[%swap3A_194], %select_n3A_191 {strides = array<i32>} : memref<8192xf32, #tpu.memory_space<vmem>>, vector<16xf32>,
        %gt3A_196 = arith.constant 0.000000e+00 : f32
        %gt3A_197 = vector.broadcast %gt3A_196 : f32 to vector<16xf32>
        %gt3A_198 = arith.cmpf ogt, %add3A_173, %gt3A_197 : vector<16xf32>
        %jit3A_199 = arith.constant -1.000000e+00 : f32
        %broadcast_in_dim3A_200 = vector.broadcast %jit3A_199 : f32 to vector<16xf32>
        %select_n3A_201 = arith.select %gt3A_198, %broadcast_in_dim3A_200, %mul3A_185 : vector<16xi1>, vector<16xf32>
        %add3A_202 = arith.constant 1536 : i32
        %add3A_203 = arith.addi %add3A_202, %mul3A_55 : i32
        %swap3A_204 = arith.index_cast %add3A_203 : i32 to index
        %swap3A_205 = tpu.vector_load %arg8[%swap3A_204] {strides = array<i32>} : memref<8192xf32, #tpu.memory_space<vmem>>, vector<16xf32>,
        tpu.vector_store %arg8[%swap3A_204], %select_n3A_201 {strides = array<i32>} : memref<8192xf32, #tpu.memory_space<vmem>>, vector<16xf32>,
        %add3A_206 = arith.constant 2 : i32
        %add3A_207 = arith.addi %mul3A_4, %add3A_206 : i32
        %add3A_208 = arith.constant 1 : i32
        %add3A_209 = arith.addi %add3A_207, %add3A_208 : i32
        %jit3A_210 = arith.constant 0 : i32
        %jit3A_211 = arith.constant 255 : i32
        %max3A_212 = arith.maxsi %jit3A_210, %add3A_209 : i32
        %min3A_213 = arith.minsi %jit3A_211, %max3A_212 : i32
        %sub3A_214 = arith.subi %min3A_213, %multiple_of3A_7 : i32
        %broadcast_in_dim3A_215 = vector.broadcast %sub3A_214 : i32 to vector<16xi32>
        %gather3A_216 = tpu.vector_load_idx %arg7[%broadcast_in_dim3A_215, %get3A_56] : memref<24x256xf32, #tpu.memory_space<vmem>>[vector<16xi32>, vector<16xi32>], vector<16xf32>,
        %mul3A_217 = arith.constant 7.500000e-01 : f32
        %mul3A_218 = vector.broadcast %mul3A_217 : f32 to vector<16xf32>
        %mul3A_219 = arith.mulf %mul3A_218, %gather3A_216 : vector<16xf32>
        %gather3A_220 = tpu.vector_load_idx %arg7[%broadcast_in_dim3A_215, %get3A_58] : memref<24x256xf32, #tpu.memory_space<vmem>>[vector<16xi32>, vector<16xi32>], vector<16xf32>,
        %mul3A_221 = arith.constant 2.500000e-01 : f32
        %mul3A_222 = vector.broadcast %mul3A_221 : f32 to vector<16xf32>
        %mul3A_223 = arith.mulf %mul3A_222, %gather3A_220 : vector<16xf32>
        %add3A_224 = arith.addf %mul3A_219, %mul3A_223 : vector<16xf32>
        %mul3A_225 = arith.constant 7.500000e-01 : f32
        %mul3A_226 = vector.broadcast %mul3A_225 : f32 to vector<16xf32>
        %mul3A_227 = arith.mulf %mul3A_226, %add3A_162 : vector<16xf32>
        %mul3A_228 = arith.constant 2.500000e-01 : f32
        %mul3A_229 = vector.broadcast %mul3A_228 : f32 to vector<16xf32>
        %mul3A_230 = arith.mulf %mul3A_229, %add3A_103 : vector<16xf32>
        %add3A_231 = arith.addf %mul3A_227, %mul3A_230 : vector<16xf32>
        %mul3A_232 = arith.constant 2.500000e-01 : f32
        %mul3A_233 = vector.broadcast %mul3A_232 : f32 to vector<16xf32>
        %mul3A_234 = arith.mulf %mul3A_233, %add3A_224 : vector<16xf32>
        %add3A_235 = arith.addf %mul3A_227, %mul3A_234 : vector<16xf32>
        %get3A_236 = arith.constant 4 : i32
        %get3A_237 = arith.index_cast %get3A_236 : i32 to index
        %get3A_238 = arith.index_cast %mul3A_55 : i32 to index
        %get3A_239 = tpu.vector_load %arg6[%get3A_237, %get3A_238] {strides = array<i32>} : memref<16x512xf32, #tpu.memory_space<vmem>>, vector<16xf32>,
        %sub3A_240 = arith.subf %get3A_239, %add3A_231 : vector<16xf32>
        %get3A_241 = arith.constant 5 : i32
        %get3A_242 = arith.index_cast %get3A_241 : i32 to index
        %get3A_243 = arith.index_cast %mul3A_55 : i32 to index
        %get3A_244 = tpu.vector_load %arg6[%get3A_242, %get3A_243] {strides = array<i32>} : memref<16x512xf32, #tpu.memory_space<vmem>>, vector<16xf32>,
        %sub3A_245 = arith.subf %get3A_244, %add3A_235 : vector<16xf32>
        %mul3A_246 = arith.mulf %sub3A_240, %sub3A_240 : vector<16xf32>
        %mul3A_247 = arith.mulf %sub3A_245, %sub3A_245 : vector<16xf32>
        %gt3A_248 = arith.constant 0.000000e+00 : f32
        %gt3A_249 = vector.broadcast %gt3A_248 : f32 to vector<16xf32>
        %gt3A_250 = arith.cmpf ogt, %add3A_231, %gt3A_249 : vector<16xf32>
        %jit3A_251 = arith.constant -1.000000e+00 : f32
        %broadcast_in_dim3A_252 = vector.broadcast %jit3A_251 : f32 to vector<16xf32>
        %select_n3A_253 = arith.select %gt3A_250, %broadcast_in_dim3A_252, %mul3A_246 : vector<16xi1>, vector<16xf32>
        %add3A_254 = arith.constant 2048 : i32
        %add3A_255 = arith.addi %add3A_254, %mul3A_55 : i32
        %swap3A_256 = arith.index_cast %add3A_255 : i32 to index
        %swap3A_257 = tpu.vector_load %arg8[%swap3A_256] {strides = array<i32>} : memref<8192xf32, #tpu.memory_space<vmem>>, vector<16xf32>,
        tpu.vector_store %arg8[%swap3A_256], %select_n3A_253 {strides = array<i32>} : memref<8192xf32, #tpu.memory_space<vmem>>, vector<16xf32>,
        %gt3A_258 = arith.constant 0.000000e+00 : f32
        %gt3A_259 = vector.broadcast %gt3A_258 : f32 to vector<16xf32>
        %gt3A_260 = arith.cmpf ogt, %add3A_235, %gt3A_259 : vector<16xf32>
        %jit3A_261 = arith.constant -1.000000e+00 : f32
        %broadcast_in_dim3A_262 = vector.broadcast %jit3A_261 : f32 to vector<16xf32>
        %select_n3A_263 = arith.select %gt3A_260, %broadcast_in_dim3A_262, %mul3A_247 : vector<16xi1>, vector<16xf32>
        %add3A_264 = arith.constant 2560 : i32
        %add3A_265 = arith.addi %add3A_264, %mul3A_55 : i32
        %swap3A_266 = arith.index_cast %add3A_265 : i32 to index
        %swap3A_267 = tpu.vector_load %arg8[%swap3A_266] {strides = array<i32>} : memref<8192xf32, #tpu.memory_space<vmem>>, vector<16xf32>,
        tpu.vector_store %arg8[%swap3A_266], %select_n3A_263 {strides = array<i32>} : memref<8192xf32, #tpu.memory_space<vmem>>, vector<16xf32>,
        %add3A_268 = arith.constant 3 : i32
        %add3A_269 = arith.addi %mul3A_4, %add3A_268 : i32
        %add3A_270 = arith.constant 1 : i32
        %add3A_271 = arith.addi %add3A_269, %add3A_270 : i32
        %jit3A_272 = arith.constant 0 : i32
        %jit3A_273 = arith.constant 255 : i32
        %max3A_274 = arith.maxsi %jit3A_272, %add3A_271 : i32
        %min3A_275 = arith.minsi %jit3A_273, %max3A_274 : i32
        %sub3A_276 = arith.subi %min3A_275, %multiple_of3A_7 : i32
        %broadcast_in_dim3A_277 = vector.broadcast %sub3A_276 : i32 to vector<16xi32>
        %gather3A_278 = tpu.vector_load_idx %arg7[%broadcast_in_dim3A_277, %get3A_56] : memref<24x256xf32, #tpu.memory_space<vmem>>[vector<16xi32>, vector<16xi32>], vector<16xf32>,
        %mul3A_279 = arith.constant 7.500000e-01 : f32
        %mul3A_280 = vector.broadcast %mul3A_279 : f32 to vector<16xf32>
        %mul3A_281 = arith.mulf %mul3A_280, %gather3A_278 : vector<16xf32>
        %gather3A_282 = tpu.vector_load_idx %arg7[%broadcast_in_dim3A_277, %get3A_58] : memref<24x256xf32, #tpu.memory_space<vmem>>[vector<16xi32>, vector<16xi32>], vector<16xf32>,
        %mul3A_283 = arith.constant 2.500000e-01 : f32
        %mul3A_284 = vector.broadcast %mul3A_283 : f32 to vector<16xf32>
        %mul3A_285 = arith.mulf %mul3A_284, %gather3A_282 : vector<16xf32>
        %add3A_286 = arith.addf %mul3A_281, %mul3A_285 : vector<16xf32>
        %mul3A_287 = arith.constant 7.500000e-01 : f32
        %mul3A_288 = vector.broadcast %mul3A_287 : f32 to vector<16xf32>
        %mul3A_289 = arith.mulf %mul3A_288, %add3A_224 : vector<16xf32>
        %mul3A_290 = arith.constant 2.500000e-01 : f32
        %mul3A_291 = vector.broadcast %mul3A_290 : f32 to vector<16xf32>
        %mul3A_292 = arith.mulf %mul3A_291, %add3A_162 : vector<16xf32>
        %add3A_293 = arith.addf %mul3A_289, %mul3A_292 : vector<16xf32>
        %mul3A_294 = arith.constant 2.500000e-01 : f32
        %mul3A_295 = vector.broadcast %mul3A_294 : f32 to vector<16xf32>
        %mul3A_296 = arith.mulf %mul3A_295, %add3A_286 : vector<16xf32>
        %add3A_297 = arith.addf %mul3A_289, %mul3A_296 : vector<16xf32>
        %get3A_298 = arith.constant 6 : i32
        %get3A_299 = arith.index_cast %get3A_298 : i32 to index
        %get3A_300 = arith.index_cast %mul3A_55 : i32 to index
        %get3A_301 = tpu.vector_load %arg6[%get3A_299, %get3A_300] {strides = array<i32>} : memref<16x512xf32, #tpu.memory_space<vmem>>, vector<16xf32>,
        %sub3A_302 = arith.subf %get3A_301, %add3A_293 : vector<16xf32>
        %get3A_303 = arith.constant 7 : i32
        %get3A_304 = arith.index_cast %get3A_303 : i32 to index
        %get3A_305 = arith.index_cast %mul3A_55 : i32 to index
        %get3A_306 = tpu.vector_load %arg6[%get3A_304, %get3A_305] {strides = array<i32>} : memref<16x512xf32, #tpu.memory_space<vmem>>, vector<16xf32>,
        %sub3A_307 = arith.subf %get3A_306, %add3A_297 : vector<16xf32>
        %mul3A_308 = arith.mulf %sub3A_302, %sub3A_302 : vector<16xf32>
        %mul3A_309 = arith.mulf %sub3A_307, %sub3A_307 : vector<16xf32>
        %gt3A_310 = arith.constant 0.000000e+00 : f32
        %gt3A_311 = vector.broadcast %gt3A_310 : f32 to vector<16xf32>
        %gt3A_312 = arith.cmpf ogt, %add3A_293, %gt3A_311 : vector<16xf32>
        %jit3A_313 = arith.constant -1.000000e+00 : f32
        %broadcast_in_dim3A_314 = vector.broadcast %jit3A_313 : f32 to vector<16xf32>
        %select_n3A_315 = arith.select %gt3A_312, %broadcast_in_dim3A_314, %mul3A_308 : vector<16xi1>, vector<16xf32>
        %add3A_316 = arith.constant 3072 : i32
        %add3A_317 = arith.addi %add3A_316, %mul3A_55 : i32
        %swap3A_318 = arith.index_cast %add3A_317 : i32 to index
        %swap3A_319 = tpu.vector_load %arg8[%swap3A_318] {strides = array<i32>} : memref<8192xf32, #tpu.memory_space<vmem>>, vector<16xf32>,
        tpu.vector_store %arg8[%swap3A_318], %select_n3A_315 {strides = array<i32>} : memref<8192xf32, #tpu.memory_space<vmem>>, vector<16xf32>,
        %gt3A_320 = arith.constant 0.000000e+00 : f32
        %gt3A_321 = vector.broadcast %gt3A_320 : f32 to vector<16xf32>
        %gt3A_322 = arith.cmpf ogt, %add3A_297, %gt3A_321 : vector<16xf32>
        %jit3A_323 = arith.constant -1.000000e+00 : f32
        %broadcast_in_dim3A_324 = vector.broadcast %jit3A_323 : f32 to vector<16xf32>
        %select_n3A_325 = arith.select %gt3A_322, %broadcast_in_dim3A_324, %mul3A_309 : vector<16xi1>, vector<16xf32>
        %add3A_326 = arith.constant 3584 : i32
        %add3A_327 = arith.addi %add3A_326, %mul3A_55 : i32
        %swap3A_328 = arith.index_cast %add3A_327 : i32 to index
        %swap3A_329 = tpu.vector_load %arg8[%swap3A_328] {strides = array<i32>} : memref<8192xf32, #tpu.memory_space<vmem>>, vector<16xf32>,
        tpu.vector_store %arg8[%swap3A_328], %select_n3A_325 {strides = array<i32>} : memref<8192xf32, #tpu.memory_space<vmem>>, vector<16xf32>,
        %add3A_330 = arith.constant 4 : i32
        %add3A_331 = arith.addi %mul3A_4, %add3A_330 : i32
        %add3A_332 = arith.constant 1 : i32
        %add3A_333 = arith.addi %add3A_331, %add3A_332 : i32
        %jit3A_334 = arith.constant 0 : i32
        %jit3A_335 = arith.constant 255 : i32
        %max3A_336 = arith.maxsi %jit3A_334, %add3A_333 : i32
        %min3A_337 = arith.minsi %jit3A_335, %max3A_336 : i32
        %sub3A_338 = arith.subi %min3A_337, %multiple_of3A_7 : i32
        %broadcast_in_dim3A_339 = vector.broadcast %sub3A_338 : i32 to vector<16xi32>
        %gather3A_340 = tpu.vector_load_idx %arg7[%broadcast_in_dim3A_339, %get3A_56] : memref<24x256xf32, #tpu.memory_space<vmem>>[vector<16xi32>, vector<16xi32>], vector<16xf32>,
        %mul3A_341 = arith.constant 7.500000e-01 : f32
        %mul3A_342 = vector.broadcast %mul3A_341 : f32 to vector<16xf32>
        %mul3A_343 = arith.mulf %mul3A_342, %gather3A_340 : vector<16xf32>
        %gather3A_344 = tpu.vector_load_idx %arg7[%broadcast_in_dim3A_339, %get3A_58] : memref<24x256xf32, #tpu.memory_space<vmem>>[vector<16xi32>, vector<16xi32>], vector<16xf32>,
        %mul3A_345 = arith.constant 2.500000e-01 : f32
        %mul3A_346 = vector.broadcast %mul3A_345 : f32 to vector<16xf32>
        %mul3A_347 = arith.mulf %mul3A_346, %gather3A_344 : vector<16xf32>
        %add3A_348 = arith.addf %mul3A_343, %mul3A_347 : vector<16xf32>
        %mul3A_349 = arith.constant 7.500000e-01 : f32
        %mul3A_350 = vector.broadcast %mul3A_349 : f32 to vector<16xf32>
        %mul3A_351 = arith.mulf %mul3A_350, %add3A_286 : vector<16xf32>
        %mul3A_352 = arith.constant 2.500000e-01 : f32
        %mul3A_353 = vector.broadcast %mul3A_352 : f32 to vector<16xf32>
        %mul3A_354 = arith.mulf %mul3A_353, %add3A_224 : vector<16xf32>
        %add3A_355 = arith.addf %mul3A_351, %mul3A_354 : vector<16xf32>
        %mul3A_356 = arith.constant 2.500000e-01 : f32
        %mul3A_357 = vector.broadcast %mul3A_356 : f32 to vector<16xf32>
        %mul3A_358 = arith.mulf %mul3A_357, %add3A_348 : vector<16xf32>
        %add3A_359 = arith.addf %mul3A_351, %mul3A_358 : vector<16xf32>
        %get3A_360 = arith.constant 8 : i32
        %get3A_361 = arith.index_cast %get3A_360 : i32 to index
        %get3A_362 = arith.index_cast %mul3A_55 : i32 to index
        %get3A_363 = tpu.vector_load %arg6[%get3A_361, %get3A_362] {strides = array<i32>} : memref<16x512xf32, #tpu.memory_space<vmem>>, vector<16xf32>,
        %sub3A_364 = arith.subf %get3A_363, %add3A_355 : vector<16xf32>
        %get3A_365 = arith.constant 9 : i32
        %get3A_366 = arith.index_cast %get3A_365 : i32 to index
        %get3A_367 = arith.index_cast %mul3A_55 : i32 to index
        %get3A_368 = tpu.vector_load %arg6[%get3A_366, %get3A_367] {strides = array<i32>} : memref<16x512xf32, #tpu.memory_space<vmem>>, vector<16xf32>,
        %sub3A_369 = arith.subf %get3A_368, %add3A_359 : vector<16xf32>
        %mul3A_370 = arith.mulf %sub3A_364, %sub3A_364 : vector<16xf32>
        %mul3A_371 = arith.mulf %sub3A_369, %sub3A_369 : vector<16xf32>
        %gt3A_372 = arith.constant 0.000000e+00 : f32
        %gt3A_373 = vector.broadcast %gt3A_372 : f32 to vector<16xf32>
        %gt3A_374 = arith.cmpf ogt, %add3A_355, %gt3A_373 : vector<16xf32>
        %jit3A_375 = arith.constant -1.000000e+00 : f32
        %broadcast_in_dim3A_376 = vector.broadcast %jit3A_375 : f32 to vector<16xf32>
        %select_n3A_377 = arith.select %gt3A_374, %broadcast_in_dim3A_376, %mul3A_370 : vector<16xi1>, vector<16xf32>
        %add3A_378 = arith.constant 4096 : i32
        %add3A_379 = arith.addi %add3A_378, %mul3A_55 : i32
        %swap3A_380 = arith.index_cast %add3A_379 : i32 to index
        %swap3A_381 = tpu.vector_load %arg8[%swap3A_380] {strides = array<i32>} : memref<8192xf32, #tpu.memory_space<vmem>>, vector<16xf32>,
        tpu.vector_store %arg8[%swap3A_380], %select_n3A_377 {strides = array<i32>} : memref<8192xf32, #tpu.memory_space<vmem>>, vector<16xf32>,
        %gt3A_382 = arith.constant 0.000000e+00 : f32
        %gt3A_383 = vector.broadcast %gt3A_382 : f32 to vector<16xf32>
        %gt3A_384 = arith.cmpf ogt, %add3A_359, %gt3A_383 : vector<16xf32>
        %jit3A_385 = arith.constant -1.000000e+00 : f32
        %broadcast_in_dim3A_386 = vector.broadcast %jit3A_385 : f32 to vector<16xf32>
        %select_n3A_387 = arith.select %gt3A_384, %broadcast_in_dim3A_386, %mul3A_371 : vector<16xi1>, vector<16xf32>
        %add3A_388 = arith.constant 4608 : i32
        %add3A_389 = arith.addi %add3A_388, %mul3A_55 : i32
        %swap3A_390 = arith.index_cast %add3A_389 : i32 to index
        %swap3A_391 = tpu.vector_load %arg8[%swap3A_390] {strides = array<i32>} : memref<8192xf32, #tpu.memory_space<vmem>>, vector<16xf32>,
        tpu.vector_store %arg8[%swap3A_390], %select_n3A_387 {strides = array<i32>} : memref<8192xf32, #tpu.memory_space<vmem>>, vector<16xf32>,
        %add3A_392 = arith.constant 5 : i32
        %add3A_393 = arith.addi %mul3A_4, %add3A_392 : i32
        %add3A_394 = arith.constant 1 : i32
        %add3A_395 = arith.addi %add3A_393, %add3A_394 : i32
        %jit3A_396 = arith.constant 0 : i32
        %jit3A_397 = arith.constant 255 : i32
        %max3A_398 = arith.maxsi %jit3A_396, %add3A_395 : i32
        %min3A_399 = arith.minsi %jit3A_397, %max3A_398 : i32
        %sub3A_400 = arith.subi %min3A_399, %multiple_of3A_7 : i32
        %broadcast_in_dim3A_401 = vector.broadcast %sub3A_400 : i32 to vector<16xi32>
        %gather3A_402 = tpu.vector_load_idx %arg7[%broadcast_in_dim3A_401, %get3A_56] : memref<24x256xf32, #tpu.memory_space<vmem>>[vector<16xi32>, vector<16xi32>], vector<16xf32>,
        %mul3A_403 = arith.constant 7.500000e-01 : f32
        %mul3A_404 = vector.broadcast %mul3A_403 : f32 to vector<16xf32>
        %mul3A_405 = arith.mulf %mul3A_404, %gather3A_402 : vector<16xf32>
        %gather3A_406 = tpu.vector_load_idx %arg7[%broadcast_in_dim3A_401, %get3A_58] : memref<24x256xf32, #tpu.memory_space<vmem>>[vector<16xi32>, vector<16xi32>], vector<16xf32>,
        %mul3A_407 = arith.constant 2.500000e-01 : f32
        %mul3A_408 = vector.broadcast %mul3A_407 : f32 to vector<16xf32>
        %mul3A_409 = arith.mulf %mul3A_408, %gather3A_406 : vector<16xf32>
        %add3A_410 = arith.addf %mul3A_405, %mul3A_409 : vector<16xf32>
        %mul3A_411 = arith.constant 7.500000e-01 : f32
        %mul3A_412 = vector.broadcast %mul3A_411 : f32 to vector<16xf32>
        %mul3A_413 = arith.mulf %mul3A_412, %add3A_348 : vector<16xf32>
        %mul3A_414 = arith.constant 2.500000e-01 : f32
        %mul3A_415 = vector.broadcast %mul3A_414 : f32 to vector<16xf32>
        %mul3A_416 = arith.mulf %mul3A_415, %add3A_286 : vector<16xf32>
        %add3A_417 = arith.addf %mul3A_413, %mul3A_416 : vector<16xf32>
        %mul3A_418 = arith.constant 2.500000e-01 : f32
        %mul3A_419 = vector.broadcast %mul3A_418 : f32 to vector<16xf32>
        %mul3A_420 = arith.mulf %mul3A_419, %add3A_410 : vector<16xf32>
        %add3A_421 = arith.addf %mul3A_413, %mul3A_420 : vector<16xf32>
        %get3A_422 = arith.constant 10 : i32
        %get3A_423 = arith.index_cast %get3A_422 : i32 to index
        %get3A_424 = arith.index_cast %mul3A_55 : i32 to index
        %get3A_425 = tpu.vector_load %arg6[%get3A_423, %get3A_424] {strides = array<i32>} : memref<16x512xf32, #tpu.memory_space<vmem>>, vector<16xf32>,
        %sub3A_426 = arith.subf %get3A_425, %add3A_417 : vector<16xf32>
        %get3A_427 = arith.constant 11 : i32
        %get3A_428 = arith.index_cast %get3A_427 : i32 to index
        %get3A_429 = arith.index_cast %mul3A_55 : i32 to index
        %get3A_430 = tpu.vector_load %arg6[%get3A_428, %get3A_429] {strides = array<i32>} : memref<16x512xf32, #tpu.memory_space<vmem>>, vector<16xf32>,
        %sub3A_431 = arith.subf %get3A_430, %add3A_421 : vector<16xf32>
        %mul3A_432 = arith.mulf %sub3A_426, %sub3A_426 : vector<16xf32>
        %mul3A_433 = arith.mulf %sub3A_431, %sub3A_431 : vector<16xf32>
        %gt3A_434 = arith.constant 0.000000e+00 : f32
        %gt3A_435 = vector.broadcast %gt3A_434 : f32 to vector<16xf32>
        %gt3A_436 = arith.cmpf ogt, %add3A_417, %gt3A_435 : vector<16xf32>
        %jit3A_437 = arith.constant -1.000000e+00 : f32
        %broadcast_in_dim3A_438 = vector.broadcast %jit3A_437 : f32 to vector<16xf32>
        %select_n3A_439 = arith.select %gt3A_436, %broadcast_in_dim3A_438, %mul3A_432 : vector<16xi1>, vector<16xf32>
        %add3A_440 = arith.constant 5120 : i32
        %add3A_441 = arith.addi %add3A_440, %mul3A_55 : i32
        %swap3A_442 = arith.index_cast %add3A_441 : i32 to index
        %swap3A_443 = tpu.vector_load %arg8[%swap3A_442] {strides = array<i32>} : memref<8192xf32, #tpu.memory_space<vmem>>, vector<16xf32>,
        tpu.vector_store %arg8[%swap3A_442], %select_n3A_439 {strides = array<i32>} : memref<8192xf32, #tpu.memory_space<vmem>>, vector<16xf32>,
        %gt3A_444 = arith.constant 0.000000e+00 : f32
        %gt3A_445 = vector.broadcast %gt3A_444 : f32 to vector<16xf32>
        %gt3A_446 = arith.cmpf ogt, %add3A_421, %gt3A_445 : vector<16xf32>
        %jit3A_447 = arith.constant -1.000000e+00 : f32
        %broadcast_in_dim3A_448 = vector.broadcast %jit3A_447 : f32 to vector<16xf32>
        %select_n3A_449 = arith.select %gt3A_446, %broadcast_in_dim3A_448, %mul3A_433 : vector<16xi1>, vector<16xf32>
        %add3A_450 = arith.constant 5632 : i32
        %add3A_451 = arith.addi %add3A_450, %mul3A_55 : i32
        %swap3A_452 = arith.index_cast %add3A_451 : i32 to index
        %swap3A_453 = tpu.vector_load %arg8[%swap3A_452] {strides = array<i32>} : memref<8192xf32, #tpu.memory_space<vmem>>, vector<16xf32>,
        tpu.vector_store %arg8[%swap3A_452], %select_n3A_449 {strides = array<i32>} : memref<8192xf32, #tpu.memory_space<vmem>>, vector<16xf32>,
        %add3A_454 = arith.constant 6 : i32
        %add3A_455 = arith.addi %mul3A_4, %add3A_454 : i32
        %add3A_456 = arith.constant 1 : i32
        %add3A_457 = arith.addi %add3A_455, %add3A_456 : i32
        %jit3A_458 = arith.constant 0 : i32
        %jit3A_459 = arith.constant 255 : i32
        %max3A_460 = arith.maxsi %jit3A_458, %add3A_457 : i32
        %min3A_461 = arith.minsi %jit3A_459, %max3A_460 : i32
        %sub3A_462 = arith.subi %min3A_461, %multiple_of3A_7 : i32
        %broadcast_in_dim3A_463 = vector.broadcast %sub3A_462 : i32 to vector<16xi32>
        %gather3A_464 = tpu.vector_load_idx %arg7[%broadcast_in_dim3A_463, %get3A_56] : memref<24x256xf32, #tpu.memory_space<vmem>>[vector<16xi32>, vector<16xi32>], vector<16xf32>,
        %mul3A_465 = arith.constant 7.500000e-01 : f32
        %mul3A_466 = vector.broadcast %mul3A_465 : f32 to vector<16xf32>
        %mul3A_467 = arith.mulf %mul3A_466, %gather3A_464 : vector<16xf32>
        %gather3A_468 = tpu.vector_load_idx %arg7[%broadcast_in_dim3A_463, %get3A_58] : memref<24x256xf32, #tpu.memory_space<vmem>>[vector<16xi32>, vector<16xi32>], vector<16xf32>,
        %mul3A_469 = arith.constant 2.500000e-01 : f32
        %mul3A_470 = vector.broadcast %mul3A_469 : f32 to vector<16xf32>
        %mul3A_471 = arith.mulf %mul3A_470, %gather3A_468 : vector<16xf32>
        %add3A_472 = arith.addf %mul3A_467, %mul3A_471 : vector<16xf32>
        %mul3A_473 = arith.constant 7.500000e-01 : f32
        %mul3A_474 = vector.broadcast %mul3A_473 : f32 to vector<16xf32>
        %mul3A_475 = arith.mulf %mul3A_474, %add3A_410 : vector<16xf32>
        %mul3A_476 = arith.constant 2.500000e-01 : f32
        %mul3A_477 = vector.broadcast %mul3A_476 : f32 to vector<16xf32>
        %mul3A_478 = arith.mulf %mul3A_477, %add3A_348 : vector<16xf32>
        %add3A_479 = arith.addf %mul3A_475, %mul3A_478 : vector<16xf32>
        %mul3A_480 = arith.constant 2.500000e-01 : f32
        %mul3A_481 = vector.broadcast %mul3A_480 : f32 to vector<16xf32>
        %mul3A_482 = arith.mulf %mul3A_481, %add3A_472 : vector<16xf32>
        %add3A_483 = arith.addf %mul3A_475, %mul3A_482 : vector<16xf32>
        %get3A_484 = arith.constant 12 : i32
        %get3A_485 = arith.index_cast %get3A_484 : i32 to index
        %get3A_486 = arith.index_cast %mul3A_55 : i32 to index
        %get3A_487 = tpu.vector_load %arg6[%get3A_485, %get3A_486] {strides = array<i32>} : memref<16x512xf32, #tpu.memory_space<vmem>>, vector<16xf32>,
        %sub3A_488 = arith.subf %get3A_487, %add3A_479 : vector<16xf32>
        %get3A_489 = arith.constant 13 : i32
        %get3A_490 = arith.index_cast %get3A_489 : i32 to index
        %get3A_491 = arith.index_cast %mul3A_55 : i32 to index
        %get3A_492 = tpu.vector_load %arg6[%get3A_490, %get3A_491] {strides = array<i32>} : memref<16x512xf32, #tpu.memory_space<vmem>>, vector<16xf32>,
        %sub3A_493 = arith.subf %get3A_492, %add3A_483 : vector<16xf32>
        %mul3A_494 = arith.mulf %sub3A_488, %sub3A_488 : vector<16xf32>
        %mul3A_495 = arith.mulf %sub3A_493, %sub3A_493 : vector<16xf32>
        %gt3A_496 = arith.constant 0.000000e+00 : f32
        %gt3A_497 = vector.broadcast %gt3A_496 : f32 to vector<16xf32>
        %gt3A_498 = arith.cmpf ogt, %add3A_479, %gt3A_497 : vector<16xf32>
        %jit3A_499 = arith.constant -1.000000e+00 : f32
        %broadcast_in_dim3A_500 = vector.broadcast %jit3A_499 : f32 to vector<16xf32>
        %select_n3A_501 = arith.select %gt3A_498, %broadcast_in_dim3A_500, %mul3A_494 : vector<16xi1>, vector<16xf32>
        %add3A_502 = arith.constant 6144 : i32
        %add3A_503 = arith.addi %add3A_502, %mul3A_55 : i32
        %swap3A_504 = arith.index_cast %add3A_503 : i32 to index
        %swap3A_505 = tpu.vector_load %arg8[%swap3A_504] {strides = array<i32>} : memref<8192xf32, #tpu.memory_space<vmem>>, vector<16xf32>,
        tpu.vector_store %arg8[%swap3A_504], %select_n3A_501 {strides = array<i32>} : memref<8192xf32, #tpu.memory_space<vmem>>, vector<16xf32>,
        %gt3A_506 = arith.constant 0.000000e+00 : f32
        %gt3A_507 = vector.broadcast %gt3A_506 : f32 to vector<16xf32>
        %gt3A_508 = arith.cmpf ogt, %add3A_483, %gt3A_507 : vector<16xf32>
        %jit3A_509 = arith.constant -1.000000e+00 : f32
        %broadcast_in_dim3A_510 = vector.broadcast %jit3A_509 : f32 to vector<16xf32>
        %select_n3A_511 = arith.select %gt3A_508, %broadcast_in_dim3A_510, %mul3A_495 : vector<16xi1>, vector<16xf32>
        %add3A_512 = arith.constant 6656 : i32
        %add3A_513 = arith.addi %add3A_512, %mul3A_55 : i32
        %swap3A_514 = arith.index_cast %add3A_513 : i32 to index
        %swap3A_515 = tpu.vector_load %arg8[%swap3A_514] {strides = array<i32>} : memref<8192xf32, #tpu.memory_space<vmem>>, vector<16xf32>,
        tpu.vector_store %arg8[%swap3A_514], %select_n3A_511 {strides = array<i32>} : memref<8192xf32, #tpu.memory_space<vmem>>, vector<16xf32>,
        %add3A_516 = arith.constant 7 : i32
        %add3A_517 = arith.addi %mul3A_4, %add3A_516 : i32
        %add3A_518 = arith.constant 1 : i32
        %add3A_519 = arith.addi %add3A_517, %add3A_518 : i32
        %jit3A_520 = arith.constant 0 : i32
        %jit3A_521 = arith.constant 255 : i32
        %max3A_522 = arith.maxsi %jit3A_520, %add3A_519 : i32
        %min3A_523 = arith.minsi %jit3A_521, %max3A_522 : i32
        %sub3A_524 = arith.subi %min3A_523, %multiple_of3A_7 : i32
        %broadcast_in_dim3A_525 = vector.broadcast %sub3A_524 : i32 to vector<16xi32>
        %gather3A_526 = tpu.vector_load_idx %arg7[%broadcast_in_dim3A_525, %get3A_56] : memref<24x256xf32, #tpu.memory_space<vmem>>[vector<16xi32>, vector<16xi32>], vector<16xf32>,
        %mul3A_527 = arith.constant 7.500000e-01 : f32
        %mul3A_528 = vector.broadcast %mul3A_527 : f32 to vector<16xf32>
        %mul3A_529 = arith.mulf %mul3A_528, %gather3A_526 : vector<16xf32>
        %gather3A_530 = tpu.vector_load_idx %arg7[%broadcast_in_dim3A_525, %get3A_58] : memref<24x256xf32, #tpu.memory_space<vmem>>[vector<16xi32>, vector<16xi32>], vector<16xf32>,
        %mul3A_531 = arith.constant 2.500000e-01 : f32
        %mul3A_532 = vector.broadcast %mul3A_531 : f32 to vector<16xf32>
        %mul3A_533 = arith.mulf %mul3A_532, %gather3A_530 : vector<16xf32>
        %add3A_534 = arith.addf %mul3A_529, %mul3A_533 : vector<16xf32>
        %mul3A_535 = arith.constant 7.500000e-01 : f32
        %mul3A_536 = vector.broadcast %mul3A_535 : f32 to vector<16xf32>
        %mul3A_537 = arith.mulf %mul3A_536, %add3A_472 : vector<16xf32>
        %mul3A_538 = arith.constant 2.500000e-01 : f32
        %mul3A_539 = vector.broadcast %mul3A_538 : f32 to vector<16xf32>
        %mul3A_540 = arith.mulf %mul3A_539, %add3A_410 : vector<16xf32>
        %add3A_541 = arith.addf %mul3A_537, %mul3A_540 : vector<16xf32>
        %mul3A_542 = arith.constant 2.500000e-01 : f32
        %mul3A_543 = vector.broadcast %mul3A_542 : f32 to vector<16xf32>
        %mul3A_544 = arith.mulf %mul3A_543, %add3A_534 : vector<16xf32>
        %add3A_545 = arith.addf %mul3A_537, %mul3A_544 : vector<16xf32>
        %get3A_546 = arith.constant 14 : i32
        %get3A_547 = arith.index_cast %get3A_546 : i32 to index
        %get3A_548 = arith.index_cast %mul3A_55 : i32 to index
        %get3A_549 = tpu.vector_load %arg6[%get3A_547, %get3A_548] {strides = array<i32>} : memref<16x512xf32, #tpu.memory_space<vmem>>, vector<16xf32>,
        %sub3A_550 = arith.subf %get3A_549, %add3A_541 : vector<16xf32>
        %get3A_551 = arith.constant 15 : i32
        %get3A_552 = arith.index_cast %get3A_551 : i32 to index
        %get3A_553 = arith.index_cast %mul3A_55 : i32 to index
        %get3A_554 = tpu.vector_load %arg6[%get3A_552, %get3A_553] {strides = array<i32>} : memref<16x512xf32, #tpu.memory_space<vmem>>, vector<16xf32>,
        %sub3A_555 = arith.subf %get3A_554, %add3A_545 : vector<16xf32>
        %mul3A_556 = arith.mulf %sub3A_550, %sub3A_550 : vector<16xf32>
        %mul3A_557 = arith.mulf %sub3A_555, %sub3A_555 : vector<16xf32>
        %gt3A_558 = arith.constant 0.000000e+00 : f32
        %gt3A_559 = vector.broadcast %gt3A_558 : f32 to vector<16xf32>
        %gt3A_560 = arith.cmpf ogt, %add3A_541, %gt3A_559 : vector<16xf32>
        %jit3A_561 = arith.constant -1.000000e+00 : f32
        %broadcast_in_dim3A_562 = vector.broadcast %jit3A_561 : f32 to vector<16xf32>
        %select_n3A_563 = arith.select %gt3A_560, %broadcast_in_dim3A_562, %mul3A_556 : vector<16xi1>, vector<16xf32>
        %add3A_564 = arith.constant 7168 : i32
        %add3A_565 = arith.addi %add3A_564, %mul3A_55 : i32
        %swap3A_566 = arith.index_cast %add3A_565 : i32 to index
        %swap3A_567 = tpu.vector_load %arg8[%swap3A_566] {strides = array<i32>} : memref<8192xf32, #tpu.memory_space<vmem>>, vector<16xf32>,
        tpu.vector_store %arg8[%swap3A_566], %select_n3A_563 {strides = array<i32>} : memref<8192xf32, #tpu.memory_space<vmem>>, vector<16xf32>,
        %gt3A_568 = arith.constant 0.000000e+00 : f32
        %gt3A_569 = vector.broadcast %gt3A_568 : f32 to vector<16xf32>
        %gt3A_570 = arith.cmpf ogt, %add3A_545, %gt3A_569 : vector<16xf32>
        %jit3A_571 = arith.constant -1.000000e+00 : f32
        %broadcast_in_dim3A_572 = vector.broadcast %jit3A_571 : f32 to vector<16xf32>
        %select_n3A_573 = arith.select %gt3A_570, %broadcast_in_dim3A_572, %mul3A_557 : vector<16xi1>, vector<16xf32>
        %add3A_574 = arith.constant 7680 : i32
        %add3A_575 = arith.addi %add3A_574, %mul3A_55 : i32
        %swap3A_576 = arith.index_cast %add3A_575 : i32 to index
        %swap3A_577 = tpu.vector_load %arg8[%swap3A_576] {strides = array<i32>} : memref<8192xf32, #tpu.memory_space<vmem>>, vector<16xf32>,
        tpu.vector_store %arg8[%swap3A_576], %select_n3A_573 {strides = array<i32>} : memref<8192xf32, #tpu.memory_space<vmem>>, vector<16xf32>,
      }
      %scan3A_26 = arith.constant 32 : i32
      %mul3A_27 = arith.constant 2 : i32
      %mul3A_28 = arith.muli %scan3A_19, %mul3A_27 : i32
      %add3A_29 = arith.constant 0 : i32
      %add3A_30 = arith.addi %mul3A_28, %add3A_29 : i32
      %mul3A_31 = arith.constant 262144 : i32
      %mul3A_32 = arith.muli %add3A_30, %mul3A_31 : i32
      %mul3A_33 = arith.constant 512 : i32
      %mul3A_34 = arith.muli %multiple_of3A, %mul3A_33 : i32
      %add3A_35 = arith.addi %mul3A_32, %mul3A_34 : i32
      "tpu.region"() ({
        %run_scoped3A_53 = tpu.sem_alloc : memref<!tpu.dma_semaphore, #tpu.memory_space<semaphore_mem>>
        %dma_start3A = tpu.memref_slice %arg5[%add3A_35] : memref<4194304xf32, #tpu.memory_space<hbm>> -> memref<8192xf32, #tpu.memory_space<hbm>>
        %dma_start3A_54 = tpu.memref_slice %arg5[%add3A_35] : memref<4194304xf32, #tpu.memory_space<hbm>> -> memref<8192xf32, #tpu.memory_space<hbm>>
        tpu.enqueue_dma source(%arg8 : memref<8192xf32, #tpu.memory_space<vmem>>) target(%dma_start3A_54 : memref<8192xf32, #tpu.memory_space<hbm>>) target_semaphore(%run_scoped3A_53 : memref<!tpu.dma_semaphore, #tpu.memory_space<semaphore_mem>>)
        %dma_wait3A = tpu.memref_slice %arg5[%add3A_35] : memref<4194304xf32, #tpu.memory_space<hbm>> -> memref<8192xf32, #tpu.memory_space<hbm>>
        %dma_wait3A_55 = tpu.memref_slice %arg5[%add3A_35] : memref<4194304xf32, #tpu.memory_space<hbm>> -> memref<8192xf32, #tpu.memory_space<hbm>>
        tpu.wait_dma2 semaphore(%run_scoped3A_53 : memref<!tpu.dma_semaphore, #tpu.memory_space<semaphore_mem>>) src(%arg8 : memref<8192xf32, #tpu.memory_space<vmem>>) dst(%dma_wait3A_55 : memref<8192xf32, #tpu.memory_space<hbm>>)
        tpu.yield
      }) : () -> ()
      %run_scoped3A_36 = arith.constant 1 : i32
      "tpu.region"() ({
        %run_scoped3A_53 = tpu.sem_alloc : memref<!tpu.dma_semaphore, #tpu.memory_space<semaphore_mem>>
        %dma_start3A = arith.constant 0 : i32
        %dma_start3A_54 = tpu.memref_slice %arg2[%scan3A_19, %run_scoped3A_36, %multiple_of3A, %dma_start3A] : memref<8x2x512x512xf32, #tpu.memory_space<hbm>> -> memref<1x1x16x512xf32, #tpu.memory_space<hbm>>
        %dma_start3A_55 = tpu.memref_squeeze %dma_start3A_54 : memref<1x1x16x512xf32, #tpu.memory_space<hbm>> -> memref<16x512xf32, #tpu.memory_space<hbm>>
        %dma_start3A_56 = arith.constant 0 : i32
        %dma_start3A_57 = tpu.memref_slice %arg2[%scan3A_19, %run_scoped3A_36, %multiple_of3A, %dma_start3A_56] : memref<8x2x512x512xf32, #tpu.memory_space<hbm>> -> memref<1x1x16x512xf32, #tpu.memory_space<hbm>>
        %dma_start3A_58 = tpu.memref_squeeze %dma_start3A_57 : memref<1x1x16x512xf32, #tpu.memory_space<hbm>> -> memref<16x512xf32, #tpu.memory_space<hbm>>
        tpu.enqueue_dma source(%dma_start3A_58 : memref<16x512xf32, #tpu.memory_space<hbm>>) target(%arg6 : memref<16x512xf32, #tpu.memory_space<vmem>>) target_semaphore(%run_scoped3A_53 : memref<!tpu.dma_semaphore, #tpu.memory_space<semaphore_mem>>)
        %dma_wait3A = arith.constant 0 : i32
        %dma_wait3A_59 = tpu.memref_slice %arg2[%scan3A_19, %run_scoped3A_36, %multiple_of3A, %dma_wait3A] : memref<8x2x512x512xf32, #tpu.memory_space<hbm>> -> memref<1x1x16x512xf32, #tpu.memory_space<hbm>>
        %dma_wait3A_60 = tpu.memref_squeeze %dma_wait3A_59 : memref<1x1x16x512xf32, #tpu.memory_space<hbm>> -> memref<16x512xf32, #tpu.memory_space<hbm>>
        %dma_wait3A_61 = arith.constant 0 : i32
        %dma_wait3A_62 = tpu.memref_slice %arg2[%scan3A_19, %run_scoped3A_36, %multiple_of3A, %dma_wait3A_61] : memref<8x2x512x512xf32, #tpu.memory_space<hbm>> -> memref<1x1x16x512xf32, #tpu.memory_space<hbm>>
        %dma_wait3A_63 = tpu.memref_squeeze %dma_wait3A_62 : memref<1x1x16x512xf32, #tpu.memory_space<hbm>> -> memref<16x512xf32, #tpu.memory_space<hbm>>
        tpu.wait_dma2 semaphore(%run_scoped3A_53 : memref<!tpu.dma_semaphore, #tpu.memory_space<semaphore_mem>>) src(%dma_wait3A_63 : memref<16x512xf32, #tpu.memory_space<hbm>>) dst(%arg6 : memref<16x512xf32, #tpu.memory_space<vmem>>)
        tpu.yield
      }) : () -> ()
      %run_scoped3A_37 = arith.constant 0 : i32
      "tpu.region"() ({
        %run_scoped3A_53 = tpu.sem_alloc : memref<!tpu.dma_semaphore, #tpu.memory_space<semaphore_mem>>
        %dma_start3A = arith.constant 0 : i32
        %dma_start3A_54 = tpu.memref_slice %arg4[%scan3A_19, %run_scoped3A_37, %multiple_of3A_7, %dma_start3A] : memref<8x1x256x256xf32, #tpu.memory_space<hbm>> -> memref<1x1x24x256xf32, #tpu.memory_space<hbm>>
        %dma_start3A_55 = tpu.memref_squeeze %dma_start3A_54 : memref<1x1x24x256xf32, #tpu.memory_space<hbm>> -> memref<24x256xf32, #tpu.memory_space<hbm>>
        %dma_start3A_56 = arith.constant 0 : i32
        %dma_start3A_57 = tpu.memref_slice %arg4[%scan3A_19, %run_scoped3A_37, %multiple_of3A_7, %dma_start3A_56] : memref<8x1x256x256xf32, #tpu.memory_space<hbm>> -> memref<1x1x24x256xf32, #tpu.memory_space<hbm>>
        %dma_start3A_58 = tpu.memref_squeeze %dma_start3A_57 : memref<1x1x24x256xf32, #tpu.memory_space<hbm>> -> memref<24x256xf32, #tpu.memory_space<hbm>>
        tpu.enqueue_dma source(%dma_start3A_58 : memref<24x256xf32, #tpu.memory_space<hbm>>) target(%arg7 : memref<24x256xf32, #tpu.memory_space<vmem>>) target_semaphore(%run_scoped3A_53 : memref<!tpu.dma_semaphore, #tpu.memory_space<semaphore_mem>>)
        %dma_wait3A = arith.constant 0 : i32
        %dma_wait3A_59 = tpu.memref_slice %arg4[%scan3A_19, %run_scoped3A_37, %multiple_of3A_7, %dma_wait3A] : memref<8x1x256x256xf32, #tpu.memory_space<hbm>> -> memref<1x1x24x256xf32, #tpu.memory_space<hbm>>
        %dma_wait3A_60 = tpu.memref_squeeze %dma_wait3A_59 : memref<1x1x24x256xf32, #tpu.memory_space<hbm>> -> memref<24x256xf32, #tpu.memory_space<hbm>>
        %dma_wait3A_61 = arith.constant 0 : i32
        %dma_wait3A_62 = tpu.memref_slice %arg4[%scan3A_19, %run_scoped3A_37, %multiple_of3A_7, %dma_wait3A_61] : memref<8x1x256x256xf32, #tpu.memory_space<hbm>> -> memref<1x1x24x256xf32, #tpu.memory_space<hbm>>
        %dma_wait3A_63 = tpu.memref_squeeze %dma_wait3A_62 : memref<1x1x24x256xf32, #tpu.memory_space<hbm>> -> memref<24x256xf32, #tpu.memory_space<hbm>>
        tpu.wait_dma2 semaphore(%run_scoped3A_53 : memref<!tpu.dma_semaphore, #tpu.memory_space<semaphore_mem>>) src(%dma_wait3A_63 : memref<24x256xf32, #tpu.memory_space<hbm>>) dst(%arg7 : memref<24x256xf32, #tpu.memory_space<vmem>>)
        tpu.yield
      }) : () -> ()
      %scan3A_38 = arith.constant 0 : i32
      %scan3A_39 = arith.constant 0 : i32
      %scan3A_40 = arith.constant 32 : i32
      %scan3A_41 = arith.addi %scan3A_39, %scan3A_40 : i32
      %scan3A_42 = arith.constant 1 : i32
      scf.for %scan3A_53 = %scan3A_39 to %scan3A_41 step %scan3A_42  : i32 {
        %mul3A_54 = arith.constant 16 : i32
        %mul3A_55 = arith.muli %scan3A_53, %mul3A_54 : i32
        %get3A = arith.index_cast %mul3A_55 : i32 to index
        %get3A_56 = tpu.vector_load %arg9[%get3A] {strides = array<i32>} : memref<512xi32, #tpu.memory_space<vmem>>, vector<16xi32>,
        %get3A_57 = arith.index_cast %mul3A_55 : i32 to index
        %get3A_58 = tpu.vector_load %arg10[%get3A_57] {strides = array<i32>} : memref<512xi32, #tpu.memory_space<vmem>>, vector<16xi32>,
        %sub3A_59 = arith.constant 1 : i32
        %sub3A_60 = arith.subi %mul3A_4, %sub3A_59 : i32
        %jit3A_61 = arith.constant 0 : i32
        %jit3A_62 = arith.constant 255 : i32
        %max3A_63 = arith.maxsi %jit3A_61, %sub3A_60 : i32
        %min3A_64 = arith.minsi %jit3A_62, %max3A_63 : i32
        %sub3A_65 = arith.subi %min3A_64, %multiple_of3A_7 : i32
        %broadcast_in_dim3A = vector.broadcast %sub3A_65 : i32 to vector<16xi32>
        %gather3A = tpu.vector_load_idx %arg7[%broadcast_in_dim3A, %get3A_56] : memref<24x256xf32, #tpu.memory_space<vmem>>[vector<16xi32>, vector<16xi32>], vector<16xf32>,
        %mul3A_66 = arith.constant 7.500000e-01 : f32
        %mul3A_67 = vector.broadcast %mul3A_66 : f32 to vector<16xf32>
        %mul3A_68 = arith.mulf %mul3A_67, %gather3A : vector<16xf32>
        %gather3A_69 = tpu.vector_load_idx %arg7[%broadcast_in_dim3A, %get3A_58] : memref<24x256xf32, #tpu.memory_space<vmem>>[vector<16xi32>, vector<16xi32>], vector<16xf32>,
        %mul3A_70 = arith.constant 2.500000e-01 : f32
        %mul3A_71 = vector.broadcast %mul3A_70 : f32 to vector<16xf32>
        %mul3A_72 = arith.mulf %mul3A_71, %gather3A_69 : vector<16xf32>
        %add3A_73 = arith.addf %mul3A_68, %mul3A_72 : vector<16xf32>
        %sub3A_74 = arith.subi %mul3A_4, %multiple_of3A_7 : i32
        %broadcast_in_dim3A_75 = vector.broadcast %sub3A_74 : i32 to vector<16xi32>
        %gather3A_76 = tpu.vector_load_idx %arg7[%broadcast_in_dim3A_75, %get3A_56] : memref<24x256xf32, #tpu.memory_space<vmem>>[vector<16xi32>, vector<16xi32>], vector<16xf32>,
        %mul3A_77 = arith.constant 7.500000e-01 : f32
        %mul3A_78 = vector.broadcast %mul3A_77 : f32 to vector<16xf32>
        %mul3A_79 = arith.mulf %mul3A_78, %gather3A_76 : vector<16xf32>
        %gather3A_80 = tpu.vector_load_idx %arg7[%broadcast_in_dim3A_75, %get3A_58] : memref<24x256xf32, #tpu.memory_space<vmem>>[vector<16xi32>, vector<16xi32>], vector<16xf32>,
        %mul3A_81 = arith.constant 2.500000e-01 : f32
        %mul3A_82 = vector.broadcast %mul3A_81 : f32 to vector<16xf32>
        %mul3A_83 = arith.mulf %mul3A_82, %gather3A_80 : vector<16xf32>
        %add3A_84 = arith.addf %mul3A_79, %mul3A_83 : vector<16xf32>
        %add3A_85 = arith.constant 0 : i32
        %add3A_86 = arith.addi %mul3A_4, %add3A_85 : i32
        %add3A_87 = arith.constant 1 : i32
        %add3A_88 = arith.addi %add3A_86, %add3A_87 : i32
        %jit3A_89 = arith.constant 0 : i32
        %jit3A_90 = arith.constant 255 : i32
        %max3A_91 = arith.maxsi %jit3A_89, %add3A_88 : i32
        %min3A_92 = arith.minsi %jit3A_90, %max3A_91 : i32
        %sub3A_93 = arith.subi %min3A_92, %multiple_of3A_7 : i32
        %broadcast_in_dim3A_94 = vector.broadcast %sub3A_93 : i32 to vector<16xi32>
        %gather3A_95 = tpu.vector_load_idx %arg7[%broadcast_in_dim3A_94, %get3A_56] : memref<24x256xf32, #tpu.memory_space<vmem>>[vector<16xi32>, vector<16xi32>], vector<16xf32>,
        %mul3A_96 = arith.constant 7.500000e-01 : f32
        %mul3A_97 = vector.broadcast %mul3A_96 : f32 to vector<16xf32>
        %mul3A_98 = arith.mulf %mul3A_97, %gather3A_95 : vector<16xf32>
        %gather3A_99 = tpu.vector_load_idx %arg7[%broadcast_in_dim3A_94, %get3A_58] : memref<24x256xf32, #tpu.memory_space<vmem>>[vector<16xi32>, vector<16xi32>], vector<16xf32>,
        %mul3A_100 = arith.constant 2.500000e-01 : f32
        %mul3A_101 = vector.broadcast %mul3A_100 : f32 to vector<16xf32>
        %mul3A_102 = arith.mulf %mul3A_101, %gather3A_99 : vector<16xf32>
        %add3A_103 = arith.addf %mul3A_98, %mul3A_102 : vector<16xf32>
        %mul3A_104 = arith.constant 7.500000e-01 : f32
        %mul3A_105 = vector.broadcast %mul3A_104 : f32 to vector<16xf32>
        %mul3A_106 = arith.mulf %mul3A_105, %add3A_84 : vector<16xf32>
        %mul3A_107 = arith.constant 2.500000e-01 : f32
        %mul3A_108 = vector.broadcast %mul3A_107 : f32 to vector<16xf32>
        %mul3A_109 = arith.mulf %mul3A_108, %add3A_73 : vector<16xf32>
        %add3A_110 = arith.addf %mul3A_106, %mul3A_109 : vector<16xf32>
        %mul3A_111 = arith.constant 2.500000e-01 : f32
        %mul3A_112 = vector.broadcast %mul3A_111 : f32 to vector<16xf32>
        %mul3A_113 = arith.mulf %mul3A_112, %add3A_103 : vector<16xf32>
        %add3A_114 = arith.addf %mul3A_106, %mul3A_113 : vector<16xf32>
        %get3A_115 = arith.constant 0 : i32
        %get3A_116 = arith.index_cast %get3A_115 : i32 to index
        %get3A_117 = arith.index_cast %mul3A_55 : i32 to index
        %get3A_118 = tpu.vector_load %arg6[%get3A_116, %get3A_117] {strides = array<i32>} : memref<16x512xf32, #tpu.memory_space<vmem>>, vector<16xf32>,
        %sub3A_119 = arith.subf %get3A_118, %add3A_110 : vector<16xf32>
        %get3A_120 = arith.constant 1 : i32
        %get3A_121 = arith.index_cast %get3A_120 : i32 to index
        %get3A_122 = arith.index_cast %mul3A_55 : i32 to index
        %get3A_123 = tpu.vector_load %arg6[%get3A_121, %get3A_122] {strides = array<i32>} : memref<16x512xf32, #tpu.memory_space<vmem>>, vector<16xf32>,
        %sub3A_124 = arith.subf %get3A_123, %add3A_114 : vector<16xf32>
        %mul3A_125 = arith.mulf %sub3A_119, %sub3A_119 : vector<16xf32>
        %mul3A_126 = arith.mulf %sub3A_124, %sub3A_124 : vector<16xf32>
        %gt3A = arith.constant 0.000000e+00 : f32
        %gt3A_127 = vector.broadcast %gt3A : f32 to vector<16xf32>
        %gt3A_128 = arith.cmpf ogt, %add3A_110, %gt3A_127 : vector<16xf32>
        %jit3A_129 = arith.constant -1.000000e+00 : f32
        %broadcast_in_dim3A_130 = vector.broadcast %jit3A_129 : f32 to vector<16xf32>
        %select_n3A = arith.select %gt3A_128, %broadcast_in_dim3A_130, %mul3A_125 : vector<16xi1>, vector<16xf32>
        %add3A_131 = arith.constant 0 : i32
        %add3A_132 = arith.addi %add3A_131, %mul3A_55 : i32
        %swap3A = arith.index_cast %add3A_132 : i32 to index
        %swap3A_133 = tpu.vector_load %arg8[%swap3A] {strides = array<i32>} : memref<8192xf32, #tpu.memory_space<vmem>>, vector<16xf32>,
        tpu.vector_store %arg8[%swap3A], %select_n3A {strides = array<i32>} : memref<8192xf32, #tpu.memory_space<vmem>>, vector<16xf32>,
        %gt3A_134 = arith.constant 0.000000e+00 : f32
        %gt3A_135 = vector.broadcast %gt3A_134 : f32 to vector<16xf32>
        %gt3A_136 = arith.cmpf ogt, %add3A_114, %gt3A_135 : vector<16xf32>
        %jit3A_137 = arith.constant -1.000000e+00 : f32
        %broadcast_in_dim3A_138 = vector.broadcast %jit3A_137 : f32 to vector<16xf32>
        %select_n3A_139 = arith.select %gt3A_136, %broadcast_in_dim3A_138, %mul3A_126 : vector<16xi1>, vector<16xf32>
        %add3A_140 = arith.constant 512 : i32
        %add3A_141 = arith.addi %add3A_140, %mul3A_55 : i32
        %swap3A_142 = arith.index_cast %add3A_141 : i32 to index
        %swap3A_143 = tpu.vector_load %arg8[%swap3A_142] {strides = array<i32>} : memref<8192xf32, #tpu.memory_space<vmem>>, vector<16xf32>,
        tpu.vector_store %arg8[%swap3A_142], %select_n3A_139 {strides = array<i32>} : memref<8192xf32, #tpu.memory_space<vmem>>, vector<16xf32>,
        %add3A_144 = arith.constant 1 : i32
        %add3A_145 = arith.addi %mul3A_4, %add3A_144 : i32
        %add3A_146 = arith.constant 1 : i32
        %add3A_147 = arith.addi %add3A_145, %add3A_146 : i32
        %jit3A_148 = arith.constant 0 : i32
        %jit3A_149 = arith.constant 255 : i32
        %max3A_150 = arith.maxsi %jit3A_148, %add3A_147 : i32
        %min3A_151 = arith.minsi %jit3A_149, %max3A_150 : i32
        %sub3A_152 = arith.subi %min3A_151, %multiple_of3A_7 : i32
        %broadcast_in_dim3A_153 = vector.broadcast %sub3A_152 : i32 to vector<16xi32>
        %gather3A_154 = tpu.vector_load_idx %arg7[%broadcast_in_dim3A_153, %get3A_56] : memref<24x256xf32, #tpu.memory_space<vmem>>[vector<16xi32>, vector<16xi32>], vector<16xf32>,
        %mul3A_155 = arith.constant 7.500000e-01 : f32
        %mul3A_156 = vector.broadcast %mul3A_155 : f32 to vector<16xf32>
        %mul3A_157 = arith.mulf %mul3A_156, %gather3A_154 : vector<16xf32>
        %gather3A_158 = tpu.vector_load_idx %arg7[%broadcast_in_dim3A_153, %get3A_58] : memref<24x256xf32, #tpu.memory_space<vmem>>[vector<16xi32>, vector<16xi32>], vector<16xf32>,
        %mul3A_159 = arith.constant 2.500000e-01 : f32
        %mul3A_160 = vector.broadcast %mul3A_159 : f32 to vector<16xf32>
        %mul3A_161 = arith.mulf %mul3A_160, %gather3A_158 : vector<16xf32>
        %add3A_162 = arith.addf %mul3A_157, %mul3A_161 : vector<16xf32>
        %mul3A_163 = arith.constant 7.500000e-01 : f32
        %mul3A_164 = vector.broadcast %mul3A_163 : f32 to vector<16xf32>
        %mul3A_165 = arith.mulf %mul3A_164, %add3A_103 : vector<16xf32>
        %mul3A_166 = arith.constant 2.500000e-01 : f32
        %mul3A_167 = vector.broadcast %mul3A_166 : f32 to vector<16xf32>
        %mul3A_168 = arith.mulf %mul3A_167, %add3A_84 : vector<16xf32>
        %add3A_169 = arith.addf %mul3A_165, %mul3A_168 : vector<16xf32>
        %mul3A_170 = arith.constant 2.500000e-01 : f32
        %mul3A_171 = vector.broadcast %mul3A_170 : f32 to vector<16xf32>
        %mul3A_172 = arith.mulf %mul3A_171, %add3A_162 : vector<16xf32>
        %add3A_173 = arith.addf %mul3A_165, %mul3A_172 : vector<16xf32>
        %get3A_174 = arith.constant 2 : i32
        %get3A_175 = arith.index_cast %get3A_174 : i32 to index
        %get3A_176 = arith.index_cast %mul3A_55 : i32 to index
        %get3A_177 = tpu.vector_load %arg6[%get3A_175, %get3A_176] {strides = array<i32>} : memref<16x512xf32, #tpu.memory_space<vmem>>, vector<16xf32>,
        %sub3A_178 = arith.subf %get3A_177, %add3A_169 : vector<16xf32>
        %get3A_179 = arith.constant 3 : i32
        %get3A_180 = arith.index_cast %get3A_179 : i32 to index
        %get3A_181 = arith.index_cast %mul3A_55 : i32 to index
        %get3A_182 = tpu.vector_load %arg6[%get3A_180, %get3A_181] {strides = array<i32>} : memref<16x512xf32, #tpu.memory_space<vmem>>, vector<16xf32>,
        %sub3A_183 = arith.subf %get3A_182, %add3A_173 : vector<16xf32>
        %mul3A_184 = arith.mulf %sub3A_178, %sub3A_178 : vector<16xf32>
        %mul3A_185 = arith.mulf %sub3A_183, %sub3A_183 : vector<16xf32>
        %gt3A_186 = arith.constant 0.000000e+00 : f32
        %gt3A_187 = vector.broadcast %gt3A_186 : f32 to vector<16xf32>
        %gt3A_188 = arith.cmpf ogt, %add3A_169, %gt3A_187 : vector<16xf32>
        %jit3A_189 = arith.constant -1.000000e+00 : f32
        %broadcast_in_dim3A_190 = vector.broadcast %jit3A_189 : f32 to vector<16xf32>
        %select_n3A_191 = arith.select %gt3A_188, %broadcast_in_dim3A_190, %mul3A_184 : vector<16xi1>, vector<16xf32>
        %add3A_192 = arith.constant 1024 : i32
        %add3A_193 = arith.addi %add3A_192, %mul3A_55 : i32
        %swap3A_194 = arith.index_cast %add3A_193 : i32 to index
        %swap3A_195 = tpu.vector_load %arg8[%swap3A_194] {strides = array<i32>} : memref<8192xf32, #tpu.memory_space<vmem>>, vector<16xf32>,
        tpu.vector_store %arg8[%swap3A_194], %select_n3A_191 {strides = array<i32>} : memref<8192xf32, #tpu.memory_space<vmem>>, vector<16xf32>,
        %gt3A_196 = arith.constant 0.000000e+00 : f32
        %gt3A_197 = vector.broadcast %gt3A_196 : f32 to vector<16xf32>
        %gt3A_198 = arith.cmpf ogt, %add3A_173, %gt3A_197 : vector<16xf32>
        %jit3A_199 = arith.constant -1.000000e+00 : f32
        %broadcast_in_dim3A_200 = vector.broadcast %jit3A_199 : f32 to vector<16xf32>
        %select_n3A_201 = arith.select %gt3A_198, %broadcast_in_dim3A_200, %mul3A_185 : vector<16xi1>, vector<16xf32>
        %add3A_202 = arith.constant 1536 : i32
        %add3A_203 = arith.addi %add3A_202, %mul3A_55 : i32
        %swap3A_204 = arith.index_cast %add3A_203 : i32 to index
        %swap3A_205 = tpu.vector_load %arg8[%swap3A_204] {strides = array<i32>} : memref<8192xf32, #tpu.memory_space<vmem>>, vector<16xf32>,
        tpu.vector_store %arg8[%swap3A_204], %select_n3A_201 {strides = array<i32>} : memref<8192xf32, #tpu.memory_space<vmem>>, vector<16xf32>,
        %add3A_206 = arith.constant 2 : i32
        %add3A_207 = arith.addi %mul3A_4, %add3A_206 : i32
        %add3A_208 = arith.constant 1 : i32
        %add3A_209 = arith.addi %add3A_207, %add3A_208 : i32
        %jit3A_210 = arith.constant 0 : i32
        %jit3A_211 = arith.constant 255 : i32
        %max3A_212 = arith.maxsi %jit3A_210, %add3A_209 : i32
        %min3A_213 = arith.minsi %jit3A_211, %max3A_212 : i32
        %sub3A_214 = arith.subi %min3A_213, %multiple_of3A_7 : i32
        %broadcast_in_dim3A_215 = vector.broadcast %sub3A_214 : i32 to vector<16xi32>
        %gather3A_216 = tpu.vector_load_idx %arg7[%broadcast_in_dim3A_215, %get3A_56] : memref<24x256xf32, #tpu.memory_space<vmem>>[vector<16xi32>, vector<16xi32>], vector<16xf32>,
        %mul3A_217 = arith.constant 7.500000e-01 : f32
        %mul3A_218 = vector.broadcast %mul3A_217 : f32 to vector<16xf32>
        %mul3A_219 = arith.mulf %mul3A_218, %gather3A_216 : vector<16xf32>
        %gather3A_220 = tpu.vector_load_idx %arg7[%broadcast_in_dim3A_215, %get3A_58] : memref<24x256xf32, #tpu.memory_space<vmem>>[vector<16xi32>, vector<16xi32>], vector<16xf32>,
        %mul3A_221 = arith.constant 2.500000e-01 : f32
        %mul3A_222 = vector.broadcast %mul3A_221 : f32 to vector<16xf32>
        %mul3A_223 = arith.mulf %mul3A_222, %gather3A_220 : vector<16xf32>
        %add3A_224 = arith.addf %mul3A_219, %mul3A_223 : vector<16xf32>
        %mul3A_225 = arith.constant 7.500000e-01 : f32
        %mul3A_226 = vector.broadcast %mul3A_225 : f32 to vector<16xf32>
        %mul3A_227 = arith.mulf %mul3A_226, %add3A_162 : vector<16xf32>
        %mul3A_228 = arith.constant 2.500000e-01 : f32
        %mul3A_229 = vector.broadcast %mul3A_228 : f32 to vector<16xf32>
        %mul3A_230 = arith.mulf %mul3A_229, %add3A_103 : vector<16xf32>
        %add3A_231 = arith.addf %mul3A_227, %mul3A_230 : vector<16xf32>
        %mul3A_232 = arith.constant 2.500000e-01 : f32
        %mul3A_233 = vector.broadcast %mul3A_232 : f32 to vector<16xf32>
        %mul3A_234 = arith.mulf %mul3A_233, %add3A_224 : vector<16xf32>
        %add3A_235 = arith.addf %mul3A_227, %mul3A_234 : vector<16xf32>
        %get3A_236 = arith.constant 4 : i32
        %get3A_237 = arith.index_cast %get3A_236 : i32 to index
        %get3A_238 = arith.index_cast %mul3A_55 : i32 to index
        %get3A_239 = tpu.vector_load %arg6[%get3A_237, %get3A_238] {strides = array<i32>} : memref<16x512xf32, #tpu.memory_space<vmem>>, vector<16xf32>,
        %sub3A_240 = arith.subf %get3A_239, %add3A_231 : vector<16xf32>
        %get3A_241 = arith.constant 5 : i32
        %get3A_242 = arith.index_cast %get3A_241 : i32 to index
        %get3A_243 = arith.index_cast %mul3A_55 : i32 to index
        %get3A_244 = tpu.vector_load %arg6[%get3A_242, %get3A_243] {strides = array<i32>} : memref<16x512xf32, #tpu.memory_space<vmem>>, vector<16xf32>,
        %sub3A_245 = arith.subf %get3A_244, %add3A_235 : vector<16xf32>
        %mul3A_246 = arith.mulf %sub3A_240, %sub3A_240 : vector<16xf32>
        %mul3A_247 = arith.mulf %sub3A_245, %sub3A_245 : vector<16xf32>
        %gt3A_248 = arith.constant 0.000000e+00 : f32
        %gt3A_249 = vector.broadcast %gt3A_248 : f32 to vector<16xf32>
        %gt3A_250 = arith.cmpf ogt, %add3A_231, %gt3A_249 : vector<16xf32>
        %jit3A_251 = arith.constant -1.000000e+00 : f32
        %broadcast_in_dim3A_252 = vector.broadcast %jit3A_251 : f32 to vector<16xf32>
        %select_n3A_253 = arith.select %gt3A_250, %broadcast_in_dim3A_252, %mul3A_246 : vector<16xi1>, vector<16xf32>
        %add3A_254 = arith.constant 2048 : i32
        %add3A_255 = arith.addi %add3A_254, %mul3A_55 : i32
        %swap3A_256 = arith.index_cast %add3A_255 : i32 to index
        %swap3A_257 = tpu.vector_load %arg8[%swap3A_256] {strides = array<i32>} : memref<8192xf32, #tpu.memory_space<vmem>>, vector<16xf32>,
        tpu.vector_store %arg8[%swap3A_256], %select_n3A_253 {strides = array<i32>} : memref<8192xf32, #tpu.memory_space<vmem>>, vector<16xf32>,
        %gt3A_258 = arith.constant 0.000000e+00 : f32
        %gt3A_259 = vector.broadcast %gt3A_258 : f32 to vector<16xf32>
        %gt3A_260 = arith.cmpf ogt, %add3A_235, %gt3A_259 : vector<16xf32>
        %jit3A_261 = arith.constant -1.000000e+00 : f32
        %broadcast_in_dim3A_262 = vector.broadcast %jit3A_261 : f32 to vector<16xf32>
        %select_n3A_263 = arith.select %gt3A_260, %broadcast_in_dim3A_262, %mul3A_247 : vector<16xi1>, vector<16xf32>
        %add3A_264 = arith.constant 2560 : i32
        %add3A_265 = arith.addi %add3A_264, %mul3A_55 : i32
        %swap3A_266 = arith.index_cast %add3A_265 : i32 to index
        %swap3A_267 = tpu.vector_load %arg8[%swap3A_266] {strides = array<i32>} : memref<8192xf32, #tpu.memory_space<vmem>>, vector<16xf32>,
        tpu.vector_store %arg8[%swap3A_266], %select_n3A_263 {strides = array<i32>} : memref<8192xf32, #tpu.memory_space<vmem>>, vector<16xf32>,
        %add3A_268 = arith.constant 3 : i32
        %add3A_269 = arith.addi %mul3A_4, %add3A_268 : i32
        %add3A_270 = arith.constant 1 : i32
        %add3A_271 = arith.addi %add3A_269, %add3A_270 : i32
        %jit3A_272 = arith.constant 0 : i32
        %jit3A_273 = arith.constant 255 : i32
        %max3A_274 = arith.maxsi %jit3A_272, %add3A_271 : i32
        %min3A_275 = arith.minsi %jit3A_273, %max3A_274 : i32
        %sub3A_276 = arith.subi %min3A_275, %multiple_of3A_7 : i32
        %broadcast_in_dim3A_277 = vector.broadcast %sub3A_276 : i32 to vector<16xi32>
        %gather3A_278 = tpu.vector_load_idx %arg7[%broadcast_in_dim3A_277, %get3A_56] : memref<24x256xf32, #tpu.memory_space<vmem>>[vector<16xi32>, vector<16xi32>], vector<16xf32>,
        %mul3A_279 = arith.constant 7.500000e-01 : f32
        %mul3A_280 = vector.broadcast %mul3A_279 : f32 to vector<16xf32>
        %mul3A_281 = arith.mulf %mul3A_280, %gather3A_278 : vector<16xf32>
        %gather3A_282 = tpu.vector_load_idx %arg7[%broadcast_in_dim3A_277, %get3A_58] : memref<24x256xf32, #tpu.memory_space<vmem>>[vector<16xi32>, vector<16xi32>], vector<16xf32>,
        %mul3A_283 = arith.constant 2.500000e-01 : f32
        %mul3A_284 = vector.broadcast %mul3A_283 : f32 to vector<16xf32>
        %mul3A_285 = arith.mulf %mul3A_284, %gather3A_282 : vector<16xf32>
        %add3A_286 = arith.addf %mul3A_281, %mul3A_285 : vector<16xf32>
        %mul3A_287 = arith.constant 7.500000e-01 : f32
        %mul3A_288 = vector.broadcast %mul3A_287 : f32 to vector<16xf32>
        %mul3A_289 = arith.mulf %mul3A_288, %add3A_224 : vector<16xf32>
        %mul3A_290 = arith.constant 2.500000e-01 : f32
        %mul3A_291 = vector.broadcast %mul3A_290 : f32 to vector<16xf32>
        %mul3A_292 = arith.mulf %mul3A_291, %add3A_162 : vector<16xf32>
        %add3A_293 = arith.addf %mul3A_289, %mul3A_292 : vector<16xf32>
        %mul3A_294 = arith.constant 2.500000e-01 : f32
        %mul3A_295 = vector.broadcast %mul3A_294 : f32 to vector<16xf32>
        %mul3A_296 = arith.mulf %mul3A_295, %add3A_286 : vector<16xf32>
        %add3A_297 = arith.addf %mul3A_289, %mul3A_296 : vector<16xf32>
        %get3A_298 = arith.constant 6 : i32
        %get3A_299 = arith.index_cast %get3A_298 : i32 to index
        %get3A_300 = arith.index_cast %mul3A_55 : i32 to index
        %get3A_301 = tpu.vector_load %arg6[%get3A_299, %get3A_300] {strides = array<i32>} : memref<16x512xf32, #tpu.memory_space<vmem>>, vector<16xf32>,
        %sub3A_302 = arith.subf %get3A_301, %add3A_293 : vector<16xf32>
        %get3A_303 = arith.constant 7 : i32
        %get3A_304 = arith.index_cast %get3A_303 : i32 to index
        %get3A_305 = arith.index_cast %mul3A_55 : i32 to index
        %get3A_306 = tpu.vector_load %arg6[%get3A_304, %get3A_305] {strides = array<i32>} : memref<16x512xf32, #tpu.memory_space<vmem>>, vector<16xf32>,
        %sub3A_307 = arith.subf %get3A_306, %add3A_297 : vector<16xf32>
        %mul3A_308 = arith.mulf %sub3A_302, %sub3A_302 : vector<16xf32>
        %mul3A_309 = arith.mulf %sub3A_307, %sub3A_307 : vector<16xf32>
        %gt3A_310 = arith.constant 0.000000e+00 : f32
        %gt3A_311 = vector.broadcast %gt3A_310 : f32 to vector<16xf32>
        %gt3A_312 = arith.cmpf ogt, %add3A_293, %gt3A_311 : vector<16xf32>
        %jit3A_313 = arith.constant -1.000000e+00 : f32
        %broadcast_in_dim3A_314 = vector.broadcast %jit3A_313 : f32 to vector<16xf32>
        %select_n3A_315 = arith.select %gt3A_312, %broadcast_in_dim3A_314, %mul3A_308 : vector<16xi1>, vector<16xf32>
        %add3A_316 = arith.constant 3072 : i32
        %add3A_317 = arith.addi %add3A_316, %mul3A_55 : i32
        %swap3A_318 = arith.index_cast %add3A_317 : i32 to index
        %swap3A_319 = tpu.vector_load %arg8[%swap3A_318] {strides = array<i32>} : memref<8192xf32, #tpu.memory_space<vmem>>, vector<16xf32>,
        tpu.vector_store %arg8[%swap3A_318], %select_n3A_315 {strides = array<i32>} : memref<8192xf32, #tpu.memory_space<vmem>>, vector<16xf32>,
        %gt3A_320 = arith.constant 0.000000e+00 : f32
        %gt3A_321 = vector.broadcast %gt3A_320 : f32 to vector<16xf32>
        %gt3A_322 = arith.cmpf ogt, %add3A_297, %gt3A_321 : vector<16xf32>
        %jit3A_323 = arith.constant -1.000000e+00 : f32
        %broadcast_in_dim3A_324 = vector.broadcast %jit3A_323 : f32 to vector<16xf32>
        %select_n3A_325 = arith.select %gt3A_322, %broadcast_in_dim3A_324, %mul3A_309 : vector<16xi1>, vector<16xf32>
        %add3A_326 = arith.constant 3584 : i32
        %add3A_327 = arith.addi %add3A_326, %mul3A_55 : i32
        %swap3A_328 = arith.index_cast %add3A_327 : i32 to index
        %swap3A_329 = tpu.vector_load %arg8[%swap3A_328] {strides = array<i32>} : memref<8192xf32, #tpu.memory_space<vmem>>, vector<16xf32>,
        tpu.vector_store %arg8[%swap3A_328], %select_n3A_325 {strides = array<i32>} : memref<8192xf32, #tpu.memory_space<vmem>>, vector<16xf32>,
        %add3A_330 = arith.constant 4 : i32
        %add3A_331 = arith.addi %mul3A_4, %add3A_330 : i32
        %add3A_332 = arith.constant 1 : i32
        %add3A_333 = arith.addi %add3A_331, %add3A_332 : i32
        %jit3A_334 = arith.constant 0 : i32
        %jit3A_335 = arith.constant 255 : i32
        %max3A_336 = arith.maxsi %jit3A_334, %add3A_333 : i32
        %min3A_337 = arith.minsi %jit3A_335, %max3A_336 : i32
        %sub3A_338 = arith.subi %min3A_337, %multiple_of3A_7 : i32
        %broadcast_in_dim3A_339 = vector.broadcast %sub3A_338 : i32 to vector<16xi32>
        %gather3A_340 = tpu.vector_load_idx %arg7[%broadcast_in_dim3A_339, %get3A_56] : memref<24x256xf32, #tpu.memory_space<vmem>>[vector<16xi32>, vector<16xi32>], vector<16xf32>,
        %mul3A_341 = arith.constant 7.500000e-01 : f32
        %mul3A_342 = vector.broadcast %mul3A_341 : f32 to vector<16xf32>
        %mul3A_343 = arith.mulf %mul3A_342, %gather3A_340 : vector<16xf32>
        %gather3A_344 = tpu.vector_load_idx %arg7[%broadcast_in_dim3A_339, %get3A_58] : memref<24x256xf32, #tpu.memory_space<vmem>>[vector<16xi32>, vector<16xi32>], vector<16xf32>,
        %mul3A_345 = arith.constant 2.500000e-01 : f32
        %mul3A_346 = vector.broadcast %mul3A_345 : f32 to vector<16xf32>
        %mul3A_347 = arith.mulf %mul3A_346, %gather3A_344 : vector<16xf32>
        %add3A_348 = arith.addf %mul3A_343, %mul3A_347 : vector<16xf32>
        %mul3A_349 = arith.constant 7.500000e-01 : f32
        %mul3A_350 = vector.broadcast %mul3A_349 : f32 to vector<16xf32>
        %mul3A_351 = arith.mulf %mul3A_350, %add3A_286 : vector<16xf32>
        %mul3A_352 = arith.constant 2.500000e-01 : f32
        %mul3A_353 = vector.broadcast %mul3A_352 : f32 to vector<16xf32>
        %mul3A_354 = arith.mulf %mul3A_353, %add3A_224 : vector<16xf32>
        %add3A_355 = arith.addf %mul3A_351, %mul3A_354 : vector<16xf32>
        %mul3A_356 = arith.constant 2.500000e-01 : f32
        %mul3A_357 = vector.broadcast %mul3A_356 : f32 to vector<16xf32>
        %mul3A_358 = arith.mulf %mul3A_357, %add3A_348 : vector<16xf32>
        %add3A_359 = arith.addf %mul3A_351, %mul3A_358 : vector<16xf32>
        %get3A_360 = arith.constant 8 : i32
        %get3A_361 = arith.index_cast %get3A_360 : i32 to index
        %get3A_362 = arith.index_cast %mul3A_55 : i32 to index
        %get3A_363 = tpu.vector_load %arg6[%get3A_361, %get3A_362] {strides = array<i32>} : memref<16x512xf32, #tpu.memory_space<vmem>>, vector<16xf32>,
        %sub3A_364 = arith.subf %get3A_363, %add3A_355 : vector<16xf32>
        %get3A_365 = arith.constant 9 : i32
        %get3A_366 = arith.index_cast %get3A_365 : i32 to index
        %get3A_367 = arith.index_cast %mul3A_55 : i32 to index
        %get3A_368 = tpu.vector_load %arg6[%get3A_366, %get3A_367] {strides = array<i32>} : memref<16x512xf32, #tpu.memory_space<vmem>>, vector<16xf32>,
        %sub3A_369 = arith.subf %get3A_368, %add3A_359 : vector<16xf32>
        %mul3A_370 = arith.mulf %sub3A_364, %sub3A_364 : vector<16xf32>
        %mul3A_371 = arith.mulf %sub3A_369, %sub3A_369 : vector<16xf32>
        %gt3A_372 = arith.constant 0.000000e+00 : f32
        %gt3A_373 = vector.broadcast %gt3A_372 : f32 to vector<16xf32>
        %gt3A_374 = arith.cmpf ogt, %add3A_355, %gt3A_373 : vector<16xf32>
        %jit3A_375 = arith.constant -1.000000e+00 : f32
        %broadcast_in_dim3A_376 = vector.broadcast %jit3A_375 : f32 to vector<16xf32>
        %select_n3A_377 = arith.select %gt3A_374, %broadcast_in_dim3A_376, %mul3A_370 : vector<16xi1>, vector<16xf32>
        %add3A_378 = arith.constant 4096 : i32
        %add3A_379 = arith.addi %add3A_378, %mul3A_55 : i32
        %swap3A_380 = arith.index_cast %add3A_379 : i32 to index
        %swap3A_381 = tpu.vector_load %arg8[%swap3A_380] {strides = array<i32>} : memref<8192xf32, #tpu.memory_space<vmem>>, vector<16xf32>,
        tpu.vector_store %arg8[%swap3A_380], %select_n3A_377 {strides = array<i32>} : memref<8192xf32, #tpu.memory_space<vmem>>, vector<16xf32>,
        %gt3A_382 = arith.constant 0.000000e+00 : f32
        %gt3A_383 = vector.broadcast %gt3A_382 : f32 to vector<16xf32>
        %gt3A_384 = arith.cmpf ogt, %add3A_359, %gt3A_383 : vector<16xf32>
        %jit3A_385 = arith.constant -1.000000e+00 : f32
        %broadcast_in_dim3A_386 = vector.broadcast %jit3A_385 : f32 to vector<16xf32>
        %select_n3A_387 = arith.select %gt3A_384, %broadcast_in_dim3A_386, %mul3A_371 : vector<16xi1>, vector<16xf32>
        %add3A_388 = arith.constant 4608 : i32
        %add3A_389 = arith.addi %add3A_388, %mul3A_55 : i32
        %swap3A_390 = arith.index_cast %add3A_389 : i32 to index
        %swap3A_391 = tpu.vector_load %arg8[%swap3A_390] {strides = array<i32>} : memref<8192xf32, #tpu.memory_space<vmem>>, vector<16xf32>,
        tpu.vector_store %arg8[%swap3A_390], %select_n3A_387 {strides = array<i32>} : memref<8192xf32, #tpu.memory_space<vmem>>, vector<16xf32>,
        %add3A_392 = arith.constant 5 : i32
        %add3A_393 = arith.addi %mul3A_4, %add3A_392 : i32
        %add3A_394 = arith.constant 1 : i32
        %add3A_395 = arith.addi %add3A_393, %add3A_394 : i32
        %jit3A_396 = arith.constant 0 : i32
        %jit3A_397 = arith.constant 255 : i32
        %max3A_398 = arith.maxsi %jit3A_396, %add3A_395 : i32
        %min3A_399 = arith.minsi %jit3A_397, %max3A_398 : i32
        %sub3A_400 = arith.subi %min3A_399, %multiple_of3A_7 : i32
        %broadcast_in_dim3A_401 = vector.broadcast %sub3A_400 : i32 to vector<16xi32>
        %gather3A_402 = tpu.vector_load_idx %arg7[%broadcast_in_dim3A_401, %get3A_56] : memref<24x256xf32, #tpu.memory_space<vmem>>[vector<16xi32>, vector<16xi32>], vector<16xf32>,
        %mul3A_403 = arith.constant 7.500000e-01 : f32
        %mul3A_404 = vector.broadcast %mul3A_403 : f32 to vector<16xf32>
        %mul3A_405 = arith.mulf %mul3A_404, %gather3A_402 : vector<16xf32>
        %gather3A_406 = tpu.vector_load_idx %arg7[%broadcast_in_dim3A_401, %get3A_58] : memref<24x256xf32, #tpu.memory_space<vmem>>[vector<16xi32>, vector<16xi32>], vector<16xf32>,
        %mul3A_407 = arith.constant 2.500000e-01 : f32
        %mul3A_408 = vector.broadcast %mul3A_407 : f32 to vector<16xf32>
        %mul3A_409 = arith.mulf %mul3A_408, %gather3A_406 : vector<16xf32>
        %add3A_410 = arith.addf %mul3A_405, %mul3A_409 : vector<16xf32>
        %mul3A_411 = arith.constant 7.500000e-01 : f32
        %mul3A_412 = vector.broadcast %mul3A_411 : f32 to vector<16xf32>
        %mul3A_413 = arith.mulf %mul3A_412, %add3A_348 : vector<16xf32>
        %mul3A_414 = arith.constant 2.500000e-01 : f32
        %mul3A_415 = vector.broadcast %mul3A_414 : f32 to vector<16xf32>
        %mul3A_416 = arith.mulf %mul3A_415, %add3A_286 : vector<16xf32>
        %add3A_417 = arith.addf %mul3A_413, %mul3A_416 : vector<16xf32>
        %mul3A_418 = arith.constant 2.500000e-01 : f32
        %mul3A_419 = vector.broadcast %mul3A_418 : f32 to vector<16xf32>
        %mul3A_420 = arith.mulf %mul3A_419, %add3A_410 : vector<16xf32>
        %add3A_421 = arith.addf %mul3A_413, %mul3A_420 : vector<16xf32>
        %get3A_422 = arith.constant 10 : i32
        %get3A_423 = arith.index_cast %get3A_422 : i32 to index
        %get3A_424 = arith.index_cast %mul3A_55 : i32 to index
        %get3A_425 = tpu.vector_load %arg6[%get3A_423, %get3A_424] {strides = array<i32>} : memref<16x512xf32, #tpu.memory_space<vmem>>, vector<16xf32>,
        %sub3A_426 = arith.subf %get3A_425, %add3A_417 : vector<16xf32>
        %get3A_427 = arith.constant 11 : i32
        %get3A_428 = arith.index_cast %get3A_427 : i32 to index
        %get3A_429 = arith.index_cast %mul3A_55 : i32 to index
        %get3A_430 = tpu.vector_load %arg6[%get3A_428, %get3A_429] {strides = array<i32>} : memref<16x512xf32, #tpu.memory_space<vmem>>, vector<16xf32>,
        %sub3A_431 = arith.subf %get3A_430, %add3A_421 : vector<16xf32>
        %mul3A_432 = arith.mulf %sub3A_426, %sub3A_426 : vector<16xf32>
        %mul3A_433 = arith.mulf %sub3A_431, %sub3A_431 : vector<16xf32>
        %gt3A_434 = arith.constant 0.000000e+00 : f32
        %gt3A_435 = vector.broadcast %gt3A_434 : f32 to vector<16xf32>
        %gt3A_436 = arith.cmpf ogt, %add3A_417, %gt3A_435 : vector<16xf32>
        %jit3A_437 = arith.constant -1.000000e+00 : f32
        %broadcast_in_dim3A_438 = vector.broadcast %jit3A_437 : f32 to vector<16xf32>
        %select_n3A_439 = arith.select %gt3A_436, %broadcast_in_dim3A_438, %mul3A_432 : vector<16xi1>, vector<16xf32>
        %add3A_440 = arith.constant 5120 : i32
        %add3A_441 = arith.addi %add3A_440, %mul3A_55 : i32
        %swap3A_442 = arith.index_cast %add3A_441 : i32 to index
        %swap3A_443 = tpu.vector_load %arg8[%swap3A_442] {strides = array<i32>} : memref<8192xf32, #tpu.memory_space<vmem>>, vector<16xf32>,
        tpu.vector_store %arg8[%swap3A_442], %select_n3A_439 {strides = array<i32>} : memref<8192xf32, #tpu.memory_space<vmem>>, vector<16xf32>,
        %gt3A_444 = arith.constant 0.000000e+00 : f32
        %gt3A_445 = vector.broadcast %gt3A_444 : f32 to vector<16xf32>
        %gt3A_446 = arith.cmpf ogt, %add3A_421, %gt3A_445 : vector<16xf32>
        %jit3A_447 = arith.constant -1.000000e+00 : f32
        %broadcast_in_dim3A_448 = vector.broadcast %jit3A_447 : f32 to vector<16xf32>
        %select_n3A_449 = arith.select %gt3A_446, %broadcast_in_dim3A_448, %mul3A_433 : vector<16xi1>, vector<16xf32>
        %add3A_450 = arith.constant 5632 : i32
        %add3A_451 = arith.addi %add3A_450, %mul3A_55 : i32
        %swap3A_452 = arith.index_cast %add3A_451 : i32 to index
        %swap3A_453 = tpu.vector_load %arg8[%swap3A_452] {strides = array<i32>} : memref<8192xf32, #tpu.memory_space<vmem>>, vector<16xf32>,
        tpu.vector_store %arg8[%swap3A_452], %select_n3A_449 {strides = array<i32>} : memref<8192xf32, #tpu.memory_space<vmem>>, vector<16xf32>,
        %add3A_454 = arith.constant 6 : i32
        %add3A_455 = arith.addi %mul3A_4, %add3A_454 : i32
        %add3A_456 = arith.constant 1 : i32
        %add3A_457 = arith.addi %add3A_455, %add3A_456 : i32
        %jit3A_458 = arith.constant 0 : i32
        %jit3A_459 = arith.constant 255 : i32
        %max3A_460 = arith.maxsi %jit3A_458, %add3A_457 : i32
        %min3A_461 = arith.minsi %jit3A_459, %max3A_460 : i32
        %sub3A_462 = arith.subi %min3A_461, %multiple_of3A_7 : i32
        %broadcast_in_dim3A_463 = vector.broadcast %sub3A_462 : i32 to vector<16xi32>
        %gather3A_464 = tpu.vector_load_idx %arg7[%broadcast_in_dim3A_463, %get3A_56] : memref<24x256xf32, #tpu.memory_space<vmem>>[vector<16xi32>, vector<16xi32>], vector<16xf32>,
        %mul3A_465 = arith.constant 7.500000e-01 : f32
        %mul3A_466 = vector.broadcast %mul3A_465 : f32 to vector<16xf32>
        %mul3A_467 = arith.mulf %mul3A_466, %gather3A_464 : vector<16xf32>
        %gather3A_468 = tpu.vector_load_idx %arg7[%broadcast_in_dim3A_463, %get3A_58] : memref<24x256xf32, #tpu.memory_space<vmem>>[vector<16xi32>, vector<16xi32>], vector<16xf32>,
        %mul3A_469 = arith.constant 2.500000e-01 : f32
        %mul3A_470 = vector.broadcast %mul3A_469 : f32 to vector<16xf32>
        %mul3A_471 = arith.mulf %mul3A_470, %gather3A_468 : vector<16xf32>
        %add3A_472 = arith.addf %mul3A_467, %mul3A_471 : vector<16xf32>
        %mul3A_473 = arith.constant 7.500000e-01 : f32
        %mul3A_474 = vector.broadcast %mul3A_473 : f32 to vector<16xf32>
        %mul3A_475 = arith.mulf %mul3A_474, %add3A_410 : vector<16xf32>
        %mul3A_476 = arith.constant 2.500000e-01 : f32
        %mul3A_477 = vector.broadcast %mul3A_476 : f32 to vector<16xf32>
        %mul3A_478 = arith.mulf %mul3A_477, %add3A_348 : vector<16xf32>
        %add3A_479 = arith.addf %mul3A_475, %mul3A_478 : vector<16xf32>
        %mul3A_480 = arith.constant 2.500000e-01 : f32
        %mul3A_481 = vector.broadcast %mul3A_480 : f32 to vector<16xf32>
        %mul3A_482 = arith.mulf %mul3A_481, %add3A_472 : vector<16xf32>
        %add3A_483 = arith.addf %mul3A_475, %mul3A_482 : vector<16xf32>
        %get3A_484 = arith.constant 12 : i32
        %get3A_485 = arith.index_cast %get3A_484 : i32 to index
        %get3A_486 = arith.index_cast %mul3A_55 : i32 to index
        %get3A_487 = tpu.vector_load %arg6[%get3A_485, %get3A_486] {strides = array<i32>} : memref<16x512xf32, #tpu.memory_space<vmem>>, vector<16xf32>,
        %sub3A_488 = arith.subf %get3A_487, %add3A_479 : vector<16xf32>
        %get3A_489 = arith.constant 13 : i32
        %get3A_490 = arith.index_cast %get3A_489 : i32 to index
        %get3A_491 = arith.index_cast %mul3A_55 : i32 to index
        %get3A_492 = tpu.vector_load %arg6[%get3A_490, %get3A_491] {strides = array<i32>} : memref<16x512xf32, #tpu.memory_space<vmem>>, vector<16xf32>,
        %sub3A_493 = arith.subf %get3A_492, %add3A_483 : vector<16xf32>
        %mul3A_494 = arith.mulf %sub3A_488, %sub3A_488 : vector<16xf32>
        %mul3A_495 = arith.mulf %sub3A_493, %sub3A_493 : vector<16xf32>
        %gt3A_496 = arith.constant 0.000000e+00 : f32
        %gt3A_497 = vector.broadcast %gt3A_496 : f32 to vector<16xf32>
        %gt3A_498 = arith.cmpf ogt, %add3A_479, %gt3A_497 : vector<16xf32>
        %jit3A_499 = arith.constant -1.000000e+00 : f32
        %broadcast_in_dim3A_500 = vector.broadcast %jit3A_499 : f32 to vector<16xf32>
        %select_n3A_501 = arith.select %gt3A_498, %broadcast_in_dim3A_500, %mul3A_494 : vector<16xi1>, vector<16xf32>
        %add3A_502 = arith.constant 6144 : i32
        %add3A_503 = arith.addi %add3A_502, %mul3A_55 : i32
        %swap3A_504 = arith.index_cast %add3A_503 : i32 to index
        %swap3A_505 = tpu.vector_load %arg8[%swap3A_504] {strides = array<i32>} : memref<8192xf32, #tpu.memory_space<vmem>>, vector<16xf32>,
        tpu.vector_store %arg8[%swap3A_504], %select_n3A_501 {strides = array<i32>} : memref<8192xf32, #tpu.memory_space<vmem>>, vector<16xf32>,
        %gt3A_506 = arith.constant 0.000000e+00 : f32
        %gt3A_507 = vector.broadcast %gt3A_506 : f32 to vector<16xf32>
        %gt3A_508 = arith.cmpf ogt, %add3A_483, %gt3A_507 : vector<16xf32>
        %jit3A_509 = arith.constant -1.000000e+00 : f32
        %broadcast_in_dim3A_510 = vector.broadcast %jit3A_509 : f32 to vector<16xf32>
        %select_n3A_511 = arith.select %gt3A_508, %broadcast_in_dim3A_510, %mul3A_495 : vector<16xi1>, vector<16xf32>
        %add3A_512 = arith.constant 6656 : i32
        %add3A_513 = arith.addi %add3A_512, %mul3A_55 : i32
        %swap3A_514 = arith.index_cast %add3A_513 : i32 to index
        %swap3A_515 = tpu.vector_load %arg8[%swap3A_514] {strides = array<i32>} : memref<8192xf32, #tpu.memory_space<vmem>>, vector<16xf32>,
        tpu.vector_store %arg8[%swap3A_514], %select_n3A_511 {strides = array<i32>} : memref<8192xf32, #tpu.memory_space<vmem>>, vector<16xf32>,
        %add3A_516 = arith.constant 7 : i32
        %add3A_517 = arith.addi %mul3A_4, %add3A_516 : i32
        %add3A_518 = arith.constant 1 : i32
        %add3A_519 = arith.addi %add3A_517, %add3A_518 : i32
        %jit3A_520 = arith.constant 0 : i32
        %jit3A_521 = arith.constant 255 : i32
        %max3A_522 = arith.maxsi %jit3A_520, %add3A_519 : i32
        %min3A_523 = arith.minsi %jit3A_521, %max3A_522 : i32
        %sub3A_524 = arith.subi %min3A_523, %multiple_of3A_7 : i32
        %broadcast_in_dim3A_525 = vector.broadcast %sub3A_524 : i32 to vector<16xi32>
        %gather3A_526 = tpu.vector_load_idx %arg7[%broadcast_in_dim3A_525, %get3A_56] : memref<24x256xf32, #tpu.memory_space<vmem>>[vector<16xi32>, vector<16xi32>], vector<16xf32>,
        %mul3A_527 = arith.constant 7.500000e-01 : f32
        %mul3A_528 = vector.broadcast %mul3A_527 : f32 to vector<16xf32>
        %mul3A_529 = arith.mulf %mul3A_528, %gather3A_526 : vector<16xf32>
        %gather3A_530 = tpu.vector_load_idx %arg7[%broadcast_in_dim3A_525, %get3A_58] : memref<24x256xf32, #tpu.memory_space<vmem>>[vector<16xi32>, vector<16xi32>], vector<16xf32>,
        %mul3A_531 = arith.constant 2.500000e-01 : f32
        %mul3A_532 = vector.broadcast %mul3A_531 : f32 to vector<16xf32>
        %mul3A_533 = arith.mulf %mul3A_532, %gather3A_530 : vector<16xf32>
        %add3A_534 = arith.addf %mul3A_529, %mul3A_533 : vector<16xf32>
        %mul3A_535 = arith.constant 7.500000e-01 : f32
        %mul3A_536 = vector.broadcast %mul3A_535 : f32 to vector<16xf32>
        %mul3A_537 = arith.mulf %mul3A_536, %add3A_472 : vector<16xf32>
        %mul3A_538 = arith.constant 2.500000e-01 : f32
        %mul3A_539 = vector.broadcast %mul3A_538 : f32 to vector<16xf32>
        %mul3A_540 = arith.mulf %mul3A_539, %add3A_410 : vector<16xf32>
        %add3A_541 = arith.addf %mul3A_537, %mul3A_540 : vector<16xf32>
        %mul3A_542 = arith.constant 2.500000e-01 : f32
        %mul3A_543 = vector.broadcast %mul3A_542 : f32 to vector<16xf32>
        %mul3A_544 = arith.mulf %mul3A_543, %add3A_534 : vector<16xf32>
        %add3A_545 = arith.addf %mul3A_537, %mul3A_544 : vector<16xf32>
        %get3A_546 = arith.constant 14 : i32
        %get3A_547 = arith.index_cast %get3A_546 : i32 to index
        %get3A_548 = arith.index_cast %mul3A_55 : i32 to index
        %get3A_549 = tpu.vector_load %arg6[%get3A_547, %get3A_548] {strides = array<i32>} : memref<16x512xf32, #tpu.memory_space<vmem>>, vector<16xf32>,
        %sub3A_550 = arith.subf %get3A_549, %add3A_541 : vector<16xf32>
        %get3A_551 = arith.constant 15 : i32
        %get3A_552 = arith.index_cast %get3A_551 : i32 to index
        %get3A_553 = arith.index_cast %mul3A_55 : i32 to index
        %get3A_554 = tpu.vector_load %arg6[%get3A_552, %get3A_553] {strides = array<i32>} : memref<16x512xf32, #tpu.memory_space<vmem>>, vector<16xf32>,
        %sub3A_555 = arith.subf %get3A_554, %add3A_545 : vector<16xf32>
        %mul3A_556 = arith.mulf %sub3A_550, %sub3A_550 : vector<16xf32>
        %mul3A_557 = arith.mulf %sub3A_555, %sub3A_555 : vector<16xf32>
        %gt3A_558 = arith.constant 0.000000e+00 : f32
        %gt3A_559 = vector.broadcast %gt3A_558 : f32 to vector<16xf32>
        %gt3A_560 = arith.cmpf ogt, %add3A_541, %gt3A_559 : vector<16xf32>
        %jit3A_561 = arith.constant -1.000000e+00 : f32
        %broadcast_in_dim3A_562 = vector.broadcast %jit3A_561 : f32 to vector<16xf32>
        %select_n3A_563 = arith.select %gt3A_560, %broadcast_in_dim3A_562, %mul3A_556 : vector<16xi1>, vector<16xf32>
        %add3A_564 = arith.constant 7168 : i32
        %add3A_565 = arith.addi %add3A_564, %mul3A_55 : i32
        %swap3A_566 = arith.index_cast %add3A_565 : i32 to index
        %swap3A_567 = tpu.vector_load %arg8[%swap3A_566] {strides = array<i32>} : memref<8192xf32, #tpu.memory_space<vmem>>, vector<16xf32>,
        tpu.vector_store %arg8[%swap3A_566], %select_n3A_563 {strides = array<i32>} : memref<8192xf32, #tpu.memory_space<vmem>>, vector<16xf32>,
        %gt3A_568 = arith.constant 0.000000e+00 : f32
        %gt3A_569 = vector.broadcast %gt3A_568 : f32 to vector<16xf32>
        %gt3A_570 = arith.cmpf ogt, %add3A_545, %gt3A_569 : vector<16xf32>
        %jit3A_571 = arith.constant -1.000000e+00 : f32
        %broadcast_in_dim3A_572 = vector.broadcast %jit3A_571 : f32 to vector<16xf32>
        %select_n3A_573 = arith.select %gt3A_570, %broadcast_in_dim3A_572, %mul3A_557 : vector<16xi1>, vector<16xf32>
        %add3A_574 = arith.constant 7680 : i32
        %add3A_575 = arith.addi %add3A_574, %mul3A_55 : i32
        %swap3A_576 = arith.index_cast %add3A_575 : i32 to index
        %swap3A_577 = tpu.vector_load %arg8[%swap3A_576] {strides = array<i32>} : memref<8192xf32, #tpu.memory_space<vmem>>, vector<16xf32>,
        tpu.vector_store %arg8[%swap3A_576], %select_n3A_573 {strides = array<i32>} : memref<8192xf32, #tpu.memory_space<vmem>>, vector<16xf32>,
      }
      %scan3A_43 = arith.constant 32 : i32
      %mul3A_44 = arith.constant 2 : i32
      %mul3A_45 = arith.muli %scan3A_19, %mul3A_44 : i32
      %add3A_46 = arith.constant 1 : i32
      %add3A_47 = arith.addi %mul3A_45, %add3A_46 : i32
      %mul3A_48 = arith.constant 262144 : i32
      %mul3A_49 = arith.muli %add3A_47, %mul3A_48 : i32
      %mul3A_50 = arith.constant 512 : i32
      %mul3A_51 = arith.muli %multiple_of3A, %mul3A_50 : i32
      %add3A_52 = arith.addi %mul3A_49, %mul3A_51 : i32
      "tpu.region"() ({
        %run_scoped3A_53 = tpu.sem_alloc : memref<!tpu.dma_semaphore, #tpu.memory_space<semaphore_mem>>
        %dma_start3A = tpu.memref_slice %arg5[%add3A_52] : memref<4194304xf32, #tpu.memory_space<hbm>> -> memref<8192xf32, #tpu.memory_space<hbm>>
        %dma_start3A_54 = tpu.memref_slice %arg5[%add3A_52] : memref<4194304xf32, #tpu.memory_space<hbm>> -> memref<8192xf32, #tpu.memory_space<hbm>>
        tpu.enqueue_dma source(%arg8 : memref<8192xf32, #tpu.memory_space<vmem>>) target(%dma_start3A_54 : memref<8192xf32, #tpu.memory_space<hbm>>) target_semaphore(%run_scoped3A_53 : memref<!tpu.dma_semaphore, #tpu.memory_space<semaphore_mem>>)
        %dma_wait3A = tpu.memref_slice %arg5[%add3A_52] : memref<4194304xf32, #tpu.memory_space<hbm>> -> memref<8192xf32, #tpu.memory_space<hbm>>
        %dma_wait3A_55 = tpu.memref_slice %arg5[%add3A_52] : memref<4194304xf32, #tpu.memory_space<hbm>> -> memref<8192xf32, #tpu.memory_space<hbm>>
        tpu.wait_dma2 semaphore(%run_scoped3A_53 : memref<!tpu.dma_semaphore, #tpu.memory_space<semaphore_mem>>) src(%arg8 : memref<8192xf32, #tpu.memory_space<vmem>>) dst(%dma_wait3A_55 : memref<8192xf32, #tpu.memory_space<hbm>>)
        tpu.yield
      }) : () -> ()
    }
    %scan3A_18 = arith.constant 8 : i32
    return
  }
}

#map = affine_map<(d0, d1) -> (0, 0, 0, 0)>
#map1 = affine_map<(d0, d1) -> (0, 0)>
module attributes {stable_mosaic.version = 14 : i64} {
  func.func @_sc_stats_body(%arg0: i32, %arg1: i32, %arg2: memref<8x2x512x512xf32, #tpu.memory_space<hbm>>, %arg3: memref<8x1x256x256xf32, #tpu.memory_space<hbm>>, %arg4: memref<8x1x256x256xf32, #tpu.memory_space<hbm>>, %arg5: memref<32x48xf32, #tpu.memory_space<hbm>>, %arg6: memref<16x512xf32, #tpu.memory_space<vmem>>, %arg7: memref<16x512xf32, #tpu.memory_space<vmem>>, %arg8: memref<16x512xf32, #tpu.memory_space<vmem>>, %arg9: memref<16x512xf32, #tpu.memory_space<vmem>>, %arg10: memref<24x256xf32, #tpu.memory_space<vmem>>, %arg11: memref<24x256xf32, #tpu.memory_space<vmem>>, %arg12: memref<24x256xf32, #tpu.memory_space<vmem>>, %arg13: memref<24x256xf32, #tpu.memory_space<vmem>>, %arg14: memref<512xi32, #tpu.memory_space<vmem>>, %arg15: memref<512xi32, #tpu.memory_space<vmem>>, %arg16: memref<48xf32, #tpu.memory_space<vmem>>, %arg17: memref<!tpu.dma_semaphore, #tpu.memory_space<semaphore_mem>>, %arg18: memref<!tpu.dma_semaphore, #tpu.memory_space<semaphore_mem>>) attributes {dimension_semantics = [#tpu.dimension_semantics<core_parallel>, #tpu.dimension_semantics<subcore_parallel>], iteration_bounds = array<i64: 2, 16>, scalar_prefetch = 0 : i64, scratch_operands = 13 : i64, tpu.core_type = #tpu.core_type<sc_vector_subcore>, window_params = [{transform_indices = #map}, {transform_indices = #map}, {transform_indices = #map}, {transform_indices = #map1}]} {
    %mul3A = arith.constant 2 : i32
    %mul3A_0 = arith.muli %arg1, %mul3A : i32
    %add3A = arith.addi %mul3A_0, %arg0 : i32
    %mul3A_1 = arith.constant 16 : i32
    %mul3A_2 = arith.muli %add3A, %mul3A_1 : i32
    %multiple_of3A = tpu.assume_multiple %mul3A_2, 16 : i32
    %mul3A_3 = arith.constant 8 : i32
    %mul3A_4 = arith.muli %add3A, %mul3A_3 : i32
    %sub3A = arith.constant 8 : i32
    %sub3A_5 = arith.subi %mul3A_4, %sub3A : i32
    %jit3A = arith.constant 0 : i32
    %jit3A_6 = arith.constant 232 : i32
    %max3A = arith.maxsi %jit3A, %sub3A_5 : i32
    %min3A = arith.minsi %jit3A_6, %max3A : i32
    %multiple_of3A_7 = tpu.assume_multiple %min3A, 8 : i32
    %scan3A = arith.constant 0 : i32
    %scan3A_8 = arith.constant 0 : i32
    %scan3A_9 = arith.constant 32 : i32
    %scan3A_10 = arith.addi %scan3A_8, %scan3A_9 : i32
    %scan3A_11 = arith.constant 1 : i32
    scf.for %scan3A_56 = %scan3A_8 to %scan3A_10 step %scan3A_11  : i32 {
      %mul3A_57 = arith.constant 16 : i32
      %mul3A_58 = arith.muli %scan3A_56, %mul3A_57 : i32
      %iota3A_59 = tpu.iota {dimensions = array<i32: 0>} : vector<16xi32>
      %add3A_60 = vector.broadcast %mul3A_58 : i32 to vector<16xi32>
      %add3A_61 = arith.addi %add3A_60, %iota3A_59 : vector<16xi32>
      %shift_right_arithmetic3A = arith.constant 1 : i32
      %shift_right_arithmetic3A_62 = vector.broadcast %shift_right_arithmetic3A : i32 to vector<16xi32>
      %shift_right_arithmetic3A_63 = arith.shrsi %add3A_61, %shift_right_arithmetic3A_62 : vector<16xi32>
      %and3A = arith.constant 1 : i32
      %and3A_64 = vector.broadcast %and3A : i32 to vector<16xi32>
      %and3A_65 = arith.andi %add3A_61, %and3A_64 : vector<16xi32>
      %mul3A_66 = arith.constant 2 : i32
      %mul3A_67 = vector.broadcast %mul3A_66 : i32 to vector<16xi32>
      %mul3A_68 = arith.muli %and3A_65, %mul3A_67 : vector<16xi32>
      %sub3A_69 = arith.constant 1 : i32
      %sub3A_70 = vector.broadcast %sub3A_69 : i32 to vector<16xi32>
      %sub3A_71 = arith.subi %mul3A_68, %sub3A_70 : vector<16xi32>
      %add3A_72 = arith.addi %shift_right_arithmetic3A_63, %sub3A_71 : vector<16xi32>
      %jit3A_73 = arith.constant 0 : i32
      %jit3A_74 = arith.constant 255 : i32
      %max3A_75 = vector.broadcast %jit3A_73 : i32 to vector<16xi32>
      %max3A_76 = arith.maxsi %max3A_75, %add3A_72 : vector<16xi32>
      %min3A_77 = vector.broadcast %jit3A_74 : i32 to vector<16xi32>
      %min3A_78 = arith.minsi %min3A_77, %max3A_76 : vector<16xi32>
      %mul3A_79 = arith.constant 16 : i32
      %mul3A_80 = arith.muli %scan3A_56, %mul3A_79 : i32
      %swap3A_81 = arith.index_cast %mul3A_80 : i32 to index
      %swap3A_82 = tpu.vector_load %arg14[%swap3A_81] {strides = array<i32>} : memref<512xi32, #tpu.memory_space<vmem>>, vector<16xi32>,
      tpu.vector_store %arg14[%swap3A_81], %shift_right_arithmetic3A_63 {strides = array<i32>} : memref<512xi32, #tpu.memory_space<vmem>>, vector<16xi32>,
      %mul3A_83 = arith.constant 16 : i32
      %mul3A_84 = arith.muli %scan3A_56, %mul3A_83 : i32
      %swap3A_85 = arith.index_cast %mul3A_84 : i32 to index
      %swap3A_86 = tpu.vector_load %arg15[%swap3A_85] {strides = array<i32>} : memref<512xi32, #tpu.memory_space<vmem>>, vector<16xi32>,
      tpu.vector_store %arg15[%swap3A_85], %min3A_78 {strides = array<i32>} : memref<512xi32, #tpu.memory_space<vmem>>, vector<16xi32>,
    }
    %scan3A_12 = arith.constant 32 : i32
    %iota3A = tpu.iota {dimensions = array<i32: 0>} : vector<16xi32>
    %dma_start3A = arith.constant 0 : i32
    %dma_start3A_13 = arith.constant 0 : i32
    %dma_start3A_14 = arith.constant 0 : i32
    %dma_start3A_15 = tpu.memref_slice %arg2[%dma_start3A, %dma_start3A_13, %multiple_of3A, %dma_start3A_14] : memref<8x2x512x512xf32, #tpu.memory_space<hbm>> -> memref<1x1x16x512xf32, #tpu.memory_space<hbm>>
    %dma_start3A_16 = tpu.memref_squeeze %dma_start3A_15 : memref<1x1x16x512xf32, #tpu.memory_space<hbm>> -> memref<16x512xf32, #tpu.memory_space<hbm>>
    %dma_start3A_17 = arith.constant 0 : i32
    %dma_start3A_18 = tpu.memref_slice %arg2[%dma_start3A, %dma_start3A_13, %multiple_of3A, %dma_start3A_17] : memref<8x2x512x512xf32, #tpu.memory_space<hbm>> -> memref<1x1x16x512xf32, #tpu.memory_space<hbm>>
    %dma_start3A_19 = tpu.memref_squeeze %dma_start3A_18 : memref<1x1x16x512xf32, #tpu.memory_space<hbm>> -> memref<16x512xf32, #tpu.memory_space<hbm>>
    tpu.enqueue_dma source(%dma_start3A_19 : memref<16x512xf32, #tpu.memory_space<hbm>>) target(%arg6 : memref<16x512xf32, #tpu.memory_space<vmem>>) target_semaphore(%arg17 : memref<!tpu.dma_semaphore, #tpu.memory_space<semaphore_mem>>)
    %dma_start3A_20 = arith.constant 0 : i32
    %dma_start3A_21 = arith.constant 1 : i32
    %dma_start3A_22 = arith.constant 0 : i32
    %dma_start3A_23 = tpu.memref_slice %arg2[%dma_start3A_20, %dma_start3A_21, %multiple_of3A, %dma_start3A_22] : memref<8x2x512x512xf32, #tpu.memory_space<hbm>> -> memref<1x1x16x512xf32, #tpu.memory_space<hbm>>
    %dma_start3A_24 = tpu.memref_squeeze %dma_start3A_23 : memref<1x1x16x512xf32, #tpu.memory_space<hbm>> -> memref<16x512xf32, #tpu.memory_space<hbm>>
    %dma_start3A_25 = arith.constant 0 : i32
    %dma_start3A_26 = tpu.memref_slice %arg2[%dma_start3A_20, %dma_start3A_21, %multiple_of3A, %dma_start3A_25] : memref<8x2x512x512xf32, #tpu.memory_space<hbm>> -> memref<1x1x16x512xf32, #tpu.memory_space<hbm>>
    %dma_start3A_27 = tpu.memref_squeeze %dma_start3A_26 : memref<1x1x16x512xf32, #tpu.memory_space<hbm>> -> memref<16x512xf32, #tpu.memory_space<hbm>>
    tpu.enqueue_dma source(%dma_start3A_27 : memref<16x512xf32, #tpu.memory_space<hbm>>) target(%arg7 : memref<16x512xf32, #tpu.memory_space<vmem>>) target_semaphore(%arg17 : memref<!tpu.dma_semaphore, #tpu.memory_space<semaphore_mem>>)
    %dma_start3A_28 = arith.constant 0 : i32
    %dma_start3A_29 = arith.constant 0 : i32
    %dma_start3A_30 = arith.constant 0 : i32
    %dma_start3A_31 = tpu.memref_slice %arg3[%dma_start3A_28, %dma_start3A_29, %multiple_of3A_7, %dma_start3A_30] : memref<8x1x256x256xf32, #tpu.memory_space<hbm>> -> memref<1x1x24x256xf32, #tpu.memory_space<hbm>>
    %dma_start3A_32 = tpu.memref_squeeze %dma_start3A_31 : memref<1x1x24x256xf32, #tpu.memory_space<hbm>> -> memref<24x256xf32, #tpu.memory_space<hbm>>
    %dma_start3A_33 = arith.constant 0 : i32
    %dma_start3A_34 = tpu.memref_slice %arg3[%dma_start3A_28, %dma_start3A_29, %multiple_of3A_7, %dma_start3A_33] : memref<8x1x256x256xf32, #tpu.memory_space<hbm>> -> memref<1x1x24x256xf32, #tpu.memory_space<hbm>>
    %dma_start3A_35 = tpu.memref_squeeze %dma_start3A_34 : memref<1x1x24x256xf32, #tpu.memory_space<hbm>> -> memref<24x256xf32, #tpu.memory_space<hbm>>
    tpu.enqueue_dma source(%dma_start3A_35 : memref<24x256xf32, #tpu.memory_space<hbm>>) target(%arg10 : memref<24x256xf32, #tpu.memory_space<vmem>>) target_semaphore(%arg17 : memref<!tpu.dma_semaphore, #tpu.memory_space<semaphore_mem>>)
    %dma_start3A_36 = arith.constant 0 : i32
    %dma_start3A_37 = arith.constant 0 : i32
    %dma_start3A_38 = arith.constant 0 : i32
    %dma_start3A_39 = tpu.memref_slice %arg4[%dma_start3A_36, %dma_start3A_37, %multiple_of3A_7, %dma_start3A_38] : memref<8x1x256x256xf32, #tpu.memory_space<hbm>> -> memref<1x1x24x256xf32, #tpu.memory_space<hbm>>
    %dma_start3A_40 = tpu.memref_squeeze %dma_start3A_39 : memref<1x1x24x256xf32, #tpu.memory_space<hbm>> -> memref<24x256xf32, #tpu.memory_space<hbm>>
    %dma_start3A_41 = arith.constant 0 : i32
    %dma_start3A_42 = tpu.memref_slice %arg4[%dma_start3A_36, %dma_start3A_37, %multiple_of3A_7, %dma_start3A_41] : memref<8x1x256x256xf32, #tpu.memory_space<hbm>> -> memref<1x1x24x256xf32, #tpu.memory_space<hbm>>
    %dma_start3A_43 = tpu.memref_squeeze %dma_start3A_42 : memref<1x1x24x256xf32, #tpu.memory_space<hbm>> -> memref<24x256xf32, #tpu.memory_space<hbm>>
    tpu.enqueue_dma source(%dma_start3A_43 : memref<24x256xf32, #tpu.memory_space<hbm>>) target(%arg11 : memref<24x256xf32, #tpu.memory_space<vmem>>) target_semaphore(%arg17 : memref<!tpu.dma_semaphore, #tpu.memory_space<semaphore_mem>>)
    %broadcast_in_dim3A = arith.constant 0.000000e+00 : f32
    %broadcast_in_dim3A_44 = vector.broadcast %broadcast_in_dim3A : f32 to vector<16xf32>
    %scan3A_45 = arith.constant 0 : i32
    %scan3A_46 = arith.constant 4 : i32
    %scan3A_47 = arith.addi %scan3A_45, %scan3A_46 : i32
    %scan3A_48 = arith.constant 1 : i32
    %scan3A_49:3 = scf.for %scan3A_56 = %scan3A_45 to %scan3A_47 step %scan3A_48 iter_args(%scan3A_57 = %broadcast_in_dim3A_44, %scan3A_58 = %broadcast_in_dim3A_44, %scan3A_59 = %broadcast_in_dim3A_44) -> (vector<16xf32>, vector<16xf32>, vector<16xf32>)  : i32 {
      %mul3A_60 = arith.constant 2 : i32
      %mul3A_61 = arith.muli %mul3A_60, %scan3A_56 : i32
      %dma_wait3A = arith.constant 0 : i32
      %dma_wait3A_62 = arith.constant 0 : i32
      %dma_wait3A_63 = tpu.memref_slice %arg2[%mul3A_61, %dma_wait3A, %multiple_of3A, %dma_wait3A_62] : memref<8x2x512x512xf32, #tpu.memory_space<hbm>> -> memref<1x1x16x512xf32, #tpu.memory_space<hbm>>
      %dma_wait3A_64 = tpu.memref_squeeze %dma_wait3A_63 : memref<1x1x16x512xf32, #tpu.memory_space<hbm>> -> memref<16x512xf32, #tpu.memory_space<hbm>>
      %dma_wait3A_65 = arith.constant 0 : i32
      %dma_wait3A_66 = tpu.memref_slice %arg2[%mul3A_61, %dma_wait3A, %multiple_of3A, %dma_wait3A_65] : memref<8x2x512x512xf32, #tpu.memory_space<hbm>> -> memref<1x1x16x512xf32, #tpu.memory_space<hbm>>
      %dma_wait3A_67 = tpu.memref_squeeze %dma_wait3A_66 : memref<1x1x16x512xf32, #tpu.memory_space<hbm>> -> memref<16x512xf32, #tpu.memory_space<hbm>>
      tpu.wait_dma2 semaphore(%arg17 : memref<!tpu.dma_semaphore, #tpu.memory_space<semaphore_mem>>) src(%dma_wait3A_67 : memref<16x512xf32, #tpu.memory_space<hbm>>) dst(%arg6 : memref<16x512xf32, #tpu.memory_space<vmem>>)
      %dma_wait3A_68 = arith.constant 1 : i32
      %dma_wait3A_69 = arith.constant 0 : i32
      %dma_wait3A_70 = tpu.memref_slice %arg2[%mul3A_61, %dma_wait3A_68, %multiple_of3A, %dma_wait3A_69] : memref<8x2x512x512xf32, #tpu.memory_space<hbm>> -> memref<1x1x16x512xf32, #tpu.memory_space<hbm>>
      %dma_wait3A_71 = tpu.memref_squeeze %dma_wait3A_70 : memref<1x1x16x512xf32, #tpu.memory_space<hbm>> -> memref<16x512xf32, #tpu.memory_space<hbm>>
      %dma_wait3A_72 = arith.constant 0 : i32
      %dma_wait3A_73 = tpu.memref_slice %arg2[%mul3A_61, %dma_wait3A_68, %multiple_of3A, %dma_wait3A_72] : memref<8x2x512x512xf32, #tpu.memory_space<hbm>> -> memref<1x1x16x512xf32, #tpu.memory_space<hbm>>
      %dma_wait3A_74 = tpu.memref_squeeze %dma_wait3A_73 : memref<1x1x16x512xf32, #tpu.memory_space<hbm>> -> memref<16x512xf32, #tpu.memory_space<hbm>>
      tpu.wait_dma2 semaphore(%arg17 : memref<!tpu.dma_semaphore, #tpu.memory_space<semaphore_mem>>) src(%dma_wait3A_74 : memref<16x512xf32, #tpu.memory_space<hbm>>) dst(%arg7 : memref<16x512xf32, #tpu.memory_space<vmem>>)
      %dma_wait3A_75 = arith.constant 0 : i32
      %dma_wait3A_76 = arith.constant 0 : i32
      %dma_wait3A_77 = tpu.memref_slice %arg3[%mul3A_61, %dma_wait3A_75, %multiple_of3A_7, %dma_wait3A_76] : memref<8x1x256x256xf32, #tpu.memory_space<hbm>> -> memref<1x1x24x256xf32, #tpu.memory_space<hbm>>
      %dma_wait3A_78 = tpu.memref_squeeze %dma_wait3A_77 : memref<1x1x24x256xf32, #tpu.memory_space<hbm>> -> memref<24x256xf32, #tpu.memory_space<hbm>>
      %dma_wait3A_79 = arith.constant 0 : i32
      %dma_wait3A_80 = tpu.memref_slice %arg3[%mul3A_61, %dma_wait3A_75, %multiple_of3A_7, %dma_wait3A_79] : memref<8x1x256x256xf32, #tpu.memory_space<hbm>> -> memref<1x1x24x256xf32, #tpu.memory_space<hbm>>
      %dma_wait3A_81 = tpu.memref_squeeze %dma_wait3A_80 : memref<1x1x24x256xf32, #tpu.memory_space<hbm>> -> memref<24x256xf32, #tpu.memory_space<hbm>>
      tpu.wait_dma2 semaphore(%arg17 : memref<!tpu.dma_semaphore, #tpu.memory_space<semaphore_mem>>) src(%dma_wait3A_81 : memref<24x256xf32, #tpu.memory_space<hbm>>) dst(%arg10 : memref<24x256xf32, #tpu.memory_space<vmem>>)
      %dma_wait3A_82 = arith.constant 0 : i32
      %dma_wait3A_83 = arith.constant 0 : i32
      %dma_wait3A_84 = tpu.memref_slice %arg4[%mul3A_61, %dma_wait3A_82, %multiple_of3A_7, %dma_wait3A_83] : memref<8x1x256x256xf32, #tpu.memory_space<hbm>> -> memref<1x1x24x256xf32, #tpu.memory_space<hbm>>
      %dma_wait3A_85 = tpu.memref_squeeze %dma_wait3A_84 : memref<1x1x24x256xf32, #tpu.memory_space<hbm>> -> memref<24x256xf32, #tpu.memory_space<hbm>>
      %dma_wait3A_86 = arith.constant 0 : i32
      %dma_wait3A_87 = tpu.memref_slice %arg4[%mul3A_61, %dma_wait3A_82, %multiple_of3A_7, %dma_wait3A_86] : memref<8x1x256x256xf32, #tpu.memory_space<hbm>> -> memref<1x1x24x256xf32, #tpu.memory_space<hbm>>
      %dma_wait3A_88 = tpu.memref_squeeze %dma_wait3A_87 : memref<1x1x24x256xf32, #tpu.memory_space<hbm>> -> memref<24x256xf32, #tpu.memory_space<hbm>>
      tpu.wait_dma2 semaphore(%arg17 : memref<!tpu.dma_semaphore, #tpu.memory_space<semaphore_mem>>) src(%dma_wait3A_88 : memref<24x256xf32, #tpu.memory_space<hbm>>) dst(%arg11 : memref<24x256xf32, #tpu.memory_space<vmem>>)
      %add3A_89 = arith.constant 1 : i32
      %add3A_90 = arith.addi %mul3A_61, %add3A_89 : i32
      %dma_start3A_91 = arith.constant 0 : i32
      %dma_start3A_92 = arith.constant 0 : i32
      %dma_start3A_93 = tpu.memref_slice %arg2[%add3A_90, %dma_start3A_91, %multiple_of3A, %dma_start3A_92] : memref<8x2x512x512xf32, #tpu.memory_space<hbm>> -> memref<1x1x16x512xf32, #tpu.memory_space<hbm>>
      %dma_start3A_94 = tpu.memref_squeeze %dma_start3A_93 : memref<1x1x16x512xf32, #tpu.memory_space<hbm>> -> memref<16x512xf32, #tpu.memory_space<hbm>>
      %dma_start3A_95 = arith.constant 0 : i32
      %dma_start3A_96 = tpu.memref_slice %arg2[%add3A_90, %dma_start3A_91, %multiple_of3A, %dma_start3A_95] : memref<8x2x512x512xf32, #tpu.memory_space<hbm>> -> memref<1x1x16x512xf32, #tpu.memory_space<hbm>>
      %dma_start3A_97 = tpu.memref_squeeze %dma_start3A_96 : memref<1x1x16x512xf32, #tpu.memory_space<hbm>> -> memref<16x512xf32, #tpu.memory_space<hbm>>
      tpu.enqueue_dma source(%dma_start3A_97 : memref<16x512xf32, #tpu.memory_space<hbm>>) target(%arg8 : memref<16x512xf32, #tpu.memory_space<vmem>>) target_semaphore(%arg18 : memref<!tpu.dma_semaphore, #tpu.memory_space<semaphore_mem>>)
      %dma_start3A_98 = arith.constant 1 : i32
      %dma_start3A_99 = arith.constant 0 : i32
      %dma_start3A_100 = tpu.memref_slice %arg2[%add3A_90, %dma_start3A_98, %multiple_of3A, %dma_start3A_99] : memref<8x2x512x512xf32, #tpu.memory_space<hbm>> -> memref<1x1x16x512xf32, #tpu.memory_space<hbm>>
      %dma_start3A_101 = tpu.memref_squeeze %dma_start3A_100 : memref<1x1x16x512xf32, #tpu.memory_space<hbm>> -> memref<16x512xf32, #tpu.memory_space<hbm>>
      %dma_start3A_102 = arith.constant 0 : i32
      %dma_start3A_103 = tpu.memref_slice %arg2[%add3A_90, %dma_start3A_98, %multiple_of3A, %dma_start3A_102] : memref<8x2x512x512xf32, #tpu.memory_space<hbm>> -> memref<1x1x16x512xf32, #tpu.memory_space<hbm>>
      %dma_start3A_104 = tpu.memref_squeeze %dma_start3A_103 : memref<1x1x16x512xf32, #tpu.memory_space<hbm>> -> memref<16x512xf32, #tpu.memory_space<hbm>>
      tpu.enqueue_dma source(%dma_start3A_104 : memref<16x512xf32, #tpu.memory_space<hbm>>) target(%arg9 : memref<16x512xf32, #tpu.memory_space<vmem>>) target_semaphore(%arg18 : memref<!tpu.dma_semaphore, #tpu.memory_space<semaphore_mem>>)
      %dma_start3A_105 = arith.constant 0 : i32
      %dma_start3A_106 = arith.constant 0 : i32
      %dma_start3A_107 = tpu.memref_slice %arg3[%add3A_90, %dma_start3A_105, %multiple_of3A_7, %dma_start3A_106] : memref<8x1x256x256xf32, #tpu.memory_space<hbm>> -> memref<1x1x24x256xf32, #tpu.memory_space<hbm>>
      %dma_start3A_108 = tpu.memref_squeeze %dma_start3A_107 : memref<1x1x24x256xf32, #tpu.memory_space<hbm>> -> memref<24x256xf32, #tpu.memory_space<hbm>>
      %dma_start3A_109 = arith.constant 0 : i32
      %dma_start3A_110 = tpu.memref_slice %arg3[%add3A_90, %dma_start3A_105, %multiple_of3A_7, %dma_start3A_109] : memref<8x1x256x256xf32, #tpu.memory_space<hbm>> -> memref<1x1x24x256xf32, #tpu.memory_space<hbm>>
      %dma_start3A_111 = tpu.memref_squeeze %dma_start3A_110 : memref<1x1x24x256xf32, #tpu.memory_space<hbm>> -> memref<24x256xf32, #tpu.memory_space<hbm>>
      tpu.enqueue_dma source(%dma_start3A_111 : memref<24x256xf32, #tpu.memory_space<hbm>>) target(%arg12 : memref<24x256xf32, #tpu.memory_space<vmem>>) target_semaphore(%arg18 : memref<!tpu.dma_semaphore, #tpu.memory_space<semaphore_mem>>)
      %dma_start3A_112 = arith.constant 0 : i32
      %dma_start3A_113 = arith.constant 0 : i32
      %dma_start3A_114 = tpu.memref_slice %arg4[%add3A_90, %dma_start3A_112, %multiple_of3A_7, %dma_start3A_113] : memref<8x1x256x256xf32, #tpu.memory_space<hbm>> -> memref<1x1x24x256xf32, #tpu.memory_space<hbm>>
      %dma_start3A_115 = tpu.memref_squeeze %dma_start3A_114 : memref<1x1x24x256xf32, #tpu.memory_space<hbm>> -> memref<24x256xf32, #tpu.memory_space<hbm>>
      %dma_start3A_116 = arith.constant 0 : i32
      %dma_start3A_117 = tpu.memref_slice %arg4[%add3A_90, %dma_start3A_112, %multiple_of3A_7, %dma_start3A_116] : memref<8x1x256x256xf32, #tpu.memory_space<hbm>> -> memref<1x1x24x256xf32, #tpu.memory_space<hbm>>
      %dma_start3A_118 = tpu.memref_squeeze %dma_start3A_117 : memref<1x1x24x256xf32, #tpu.memory_space<hbm>> -> memref<24x256xf32, #tpu.memory_space<hbm>>
      tpu.enqueue_dma source(%dma_start3A_118 : memref<24x256xf32, #tpu.memory_space<hbm>>) target(%arg13 : memref<24x256xf32, #tpu.memory_space<vmem>>) target_semaphore(%arg18 : memref<!tpu.dma_semaphore, #tpu.memory_space<semaphore_mem>>)
      %broadcast_in_dim3A_119 = arith.constant 0.000000e+00 : f32
      %broadcast_in_dim3A_120 = vector.broadcast %broadcast_in_dim3A_119 : f32 to vector<16xf32>
      %broadcast_in_dim3A_121 = arith.constant 0 : i32
      %broadcast_in_dim3A_122 = vector.broadcast %broadcast_in_dim3A_121 : i32 to vector<16xi32>
      %parallel_loop3A = arith.constant 0 : i32
      %parallel_loop3A_123 = arith.constant 32 : i32
      %parallel_loop3A_124 = arith.constant 1 : i32
      %parallel_loop3A_125:5 = scf.for %parallel_loop3A_351 = %parallel_loop3A to %parallel_loop3A_123 step %parallel_loop3A_124 iter_args(%parallel_loop3A_352 = %broadcast_in_dim3A_122, %parallel_loop3A_353 = %broadcast_in_dim3A_122, %parallel_loop3A_354 = %broadcast_in_dim3A_120, %parallel_loop3A_355 = %broadcast_in_dim3A_120, %parallel_loop3A_356 = %broadcast_in_dim3A_120) -> (vector<16xi32>, vector<16xi32>, vector<16xf32>, vector<16xf32>, vector<16xf32>)  : i32 {
        %parallel_loop3A_357 = arith.constant 16 : i32
        %parallel_loop3A_358 = arith.muli %parallel_loop3A_351, %parallel_loop3A_357 : i32
        %parallel_loop3A_359 = arith.index_cast %parallel_loop3A_358 : i32 to index
        %parallel_loop3A_360 = tpu.vector_load %arg14[%parallel_loop3A_359] {strides = array<i32>} : memref<512xi32, #tpu.memory_space<vmem>>, vector<16xi32>,
        %parallel_loop3A_361 = arith.index_cast %parallel_loop3A_358 : i32 to index
        %parallel_loop3A_362 = tpu.vector_load %arg15[%parallel_loop3A_361] {strides = array<i32>} : memref<512xi32, #tpu.memory_space<vmem>>, vector<16xi32>,
        %parallel_loop3A_363 = arith.constant 1 : i32
        %parallel_loop3A_364 = arith.subi %mul3A_4, %parallel_loop3A_363 : i32
        %parallel_loop3A_365 = arith.constant 0 : i32
        %parallel_loop3A_366 = arith.constant 255 : i32
        %parallel_loop3A_367 = arith.maxsi %parallel_loop3A_365, %parallel_loop3A_364 : i32
        %parallel_loop3A_368 = arith.minsi %parallel_loop3A_366, %parallel_loop3A_367 : i32
        %parallel_loop3A_369 = arith.subi %parallel_loop3A_368, %multiple_of3A_7 : i32
        %parallel_loop3A_370 = vector.broadcast %parallel_loop3A_369 : i32 to vector<16xi32>
        %parallel_loop3A_371 = tpu.vector_load_idx %arg10[%parallel_loop3A_370, %parallel_loop3A_360] : memref<24x256xf32, #tpu.memory_space<vmem>>[vector<16xi32>, vector<16xi32>], vector<16xf32>,
        %parallel_loop3A_372 = arith.constant 1.875000e-01 : f32
        %parallel_loop3A_373 = vector.broadcast %parallel_loop3A_372 : f32 to vector<16xf32>
        %parallel_loop3A_374 = arith.mulf %parallel_loop3A_373, %parallel_loop3A_371 : vector<16xf32>
        %parallel_loop3A_375 = tpu.vector_load_idx %arg10[%parallel_loop3A_370, %parallel_loop3A_362] : memref<24x256xf32, #tpu.memory_space<vmem>>[vector<16xi32>, vector<16xi32>], vector<16xf32>,
        %parallel_loop3A_376 = arith.constant 6.250000e-02 : f32
        %parallel_loop3A_377 = vector.broadcast %parallel_loop3A_376 : f32 to vector<16xf32>
        %parallel_loop3A_378 = arith.mulf %parallel_loop3A_377, %parallel_loop3A_375 : vector<16xf32>
        %parallel_loop3A_379 = arith.addf %parallel_loop3A_374, %parallel_loop3A_378 : vector<16xf32>
        %parallel_loop3A_380 = arith.subi %mul3A_4, %multiple_of3A_7 : i32
        %parallel_loop3A_381 = vector.broadcast %parallel_loop3A_380 : i32 to vector<16xi32>
        %parallel_loop3A_382 = tpu.vector_load_idx %arg10[%parallel_loop3A_381, %parallel_loop3A_360] : memref<24x256xf32, #tpu.memory_space<vmem>>[vector<16xi32>, vector<16xi32>], vector<16xf32>,
        %parallel_loop3A_383 = arith.constant 1.875000e-01 : f32
        %parallel_loop3A_384 = vector.broadcast %parallel_loop3A_383 : f32 to vector<16xf32>
        %parallel_loop3A_385 = arith.mulf %parallel_loop3A_384, %parallel_loop3A_382 : vector<16xf32>
        %parallel_loop3A_386 = tpu.vector_load_idx %arg10[%parallel_loop3A_381, %parallel_loop3A_362] : memref<24x256xf32, #tpu.memory_space<vmem>>[vector<16xi32>, vector<16xi32>], vector<16xf32>,
        %parallel_loop3A_387 = arith.constant 6.250000e-02 : f32
        %parallel_loop3A_388 = vector.broadcast %parallel_loop3A_387 : f32 to vector<16xf32>
        %parallel_loop3A_389 = arith.mulf %parallel_loop3A_388, %parallel_loop3A_386 : vector<16xf32>
        %parallel_loop3A_390 = arith.addf %parallel_loop3A_385, %parallel_loop3A_389 : vector<16xf32>
        %parallel_loop3A_391 = arith.constant 0 : i32
        %parallel_loop3A_392 = arith.addi %mul3A_4, %parallel_loop3A_391 : i32
        %parallel_loop3A_393 = arith.constant 1 : i32
        %parallel_loop3A_394 = arith.addi %parallel_loop3A_392, %parallel_loop3A_393 : i32
        %parallel_loop3A_395 = arith.constant 0 : i32
        %parallel_loop3A_396 = arith.constant 255 : i32
        %parallel_loop3A_397 = arith.maxsi %parallel_loop3A_395, %parallel_loop3A_394 : i32
        %parallel_loop3A_398 = arith.minsi %parallel_loop3A_396, %parallel_loop3A_397 : i32
        %parallel_loop3A_399 = arith.subi %parallel_loop3A_398, %multiple_of3A_7 : i32
        %parallel_loop3A_400 = vector.broadcast %parallel_loop3A_399 : i32 to vector<16xi32>
        %parallel_loop3A_401 = tpu.vector_load_idx %arg10[%parallel_loop3A_400, %parallel_loop3A_360] : memref<24x256xf32, #tpu.memory_space<vmem>>[vector<16xi32>, vector<16xi32>], vector<16xf32>,
        %parallel_loop3A_402 = arith.constant 1.875000e-01 : f32
        %parallel_loop3A_403 = vector.broadcast %parallel_loop3A_402 : f32 to vector<16xf32>
        %parallel_loop3A_404 = arith.mulf %parallel_loop3A_403, %parallel_loop3A_401 : vector<16xf32>
        %parallel_loop3A_405 = tpu.vector_load_idx %arg10[%parallel_loop3A_400, %parallel_loop3A_362] : memref<24x256xf32, #tpu.memory_space<vmem>>[vector<16xi32>, vector<16xi32>], vector<16xf32>,
        %parallel_loop3A_406 = arith.constant 6.250000e-02 : f32
        %parallel_loop3A_407 = vector.broadcast %parallel_loop3A_406 : f32 to vector<16xf32>
        %parallel_loop3A_408 = arith.mulf %parallel_loop3A_407, %parallel_loop3A_405 : vector<16xf32>
        %parallel_loop3A_409 = arith.addf %parallel_loop3A_404, %parallel_loop3A_408 : vector<16xf32>
        %parallel_loop3A_410 = arith.constant 3.000000e+00 : f32
        %parallel_loop3A_411 = vector.broadcast %parallel_loop3A_410 : f32 to vector<16xf32>
        %parallel_loop3A_412 = arith.mulf %parallel_loop3A_411, %parallel_loop3A_390 : vector<16xf32>
        %parallel_loop3A_413 = arith.addf %parallel_loop3A_412, %parallel_loop3A_379 : vector<16xf32>
        %parallel_loop3A_414 = arith.addf %parallel_loop3A_412, %parallel_loop3A_409 : vector<16xf32>
        %parallel_loop3A_415 = arith.constant 0 : i32
        %parallel_loop3A_416 = arith.index_cast %parallel_loop3A_415 : i32 to index
        %parallel_loop3A_417 = arith.index_cast %parallel_loop3A_358 : i32 to index
        %parallel_loop3A_418 = tpu.vector_load %arg6[%parallel_loop3A_416, %parallel_loop3A_417] {strides = array<i32>} : memref<16x512xf32, #tpu.memory_space<vmem>>, vector<16xf32>,
        %parallel_loop3A_419 = arith.subf %parallel_loop3A_418, %parallel_loop3A_413 : vector<16xf32>
        %parallel_loop3A_420 = arith.constant 1 : i32
        %parallel_loop3A_421 = arith.index_cast %parallel_loop3A_420 : i32 to index
        %parallel_loop3A_422 = arith.index_cast %parallel_loop3A_358 : i32 to index
        %parallel_loop3A_423 = tpu.vector_load %arg6[%parallel_loop3A_421, %parallel_loop3A_422] {strides = array<i32>} : memref<16x512xf32, #tpu.memory_space<vmem>>, vector<16xf32>,
        %parallel_loop3A_424 = arith.subf %parallel_loop3A_423, %parallel_loop3A_414 : vector<16xf32>
        %parallel_loop3A_425 = arith.mulf %parallel_loop3A_419, %parallel_loop3A_419 : vector<16xf32>
        %parallel_loop3A_426 = arith.mulf %parallel_loop3A_424, %parallel_loop3A_424 : vector<16xf32>
        %parallel_loop3A_427 = arith.addf %parallel_loop3A_425, %parallel_loop3A_426 : vector<16xf32>
        %parallel_loop3A_428 = arith.addf %parallel_loop3A_356, %parallel_loop3A_427 : vector<16xf32>
        %parallel_loop3A_429 = arith.constant 0.000000e+00 : f32
        %parallel_loop3A_430 = vector.broadcast %parallel_loop3A_429 : f32 to vector<16xf32>
        %parallel_loop3A_431 = arith.cmpf ogt, %parallel_loop3A_413, %parallel_loop3A_430 : vector<16xf32>
        %parallel_loop3A_432 = arith.constant 0.000000e+00 : f32
        %parallel_loop3A_433 = vector.broadcast %parallel_loop3A_432 : f32 to vector<16xf32>
        %parallel_loop3A_434 = arith.cmpf ogt, %parallel_loop3A_414, %parallel_loop3A_433 : vector<16xf32>
        %parallel_loop3A_435 = arith.constant 0.000000e+00 : f32
        %parallel_loop3A_436 = vector.broadcast %parallel_loop3A_435 : f32 to vector<16xf32>
        %parallel_loop3A_437 = arith.select %parallel_loop3A_431, %parallel_loop3A_425, %parallel_loop3A_436 : vector<16xi1>, vector<16xf32>
        %parallel_loop3A_438 = arith.addf %parallel_loop3A_354, %parallel_loop3A_437 : vector<16xf32>
        %parallel_loop3A_439 = arith.constant 0.000000e+00 : f32
        %parallel_loop3A_440 = vector.broadcast %parallel_loop3A_439 : f32 to vector<16xf32>
        %parallel_loop3A_441 = arith.select %parallel_loop3A_434, %parallel_loop3A_426, %parallel_loop3A_440 : vector<16xi1>, vector<16xf32>
        %parallel_loop3A_442 = arith.addf %parallel_loop3A_355, %parallel_loop3A_441 : vector<16xf32>
        %parallel_loop3A_443 = tpu.all_reduce %parallel_loop3A_431 {dim = 0 : i64, kind = #tpu.reduction_kind<sum>} : vector<16xi1> -> vector<16xi32>
        %parallel_loop3A_444 = arith.addi %parallel_loop3A_352, %parallel_loop3A_443 : vector<16xi32>
        %parallel_loop3A_445 = tpu.all_reduce %parallel_loop3A_434 {dim = 0 : i64, kind = #tpu.reduction_kind<sum>} : vector<16xi1> -> vector<16xi32>
        %parallel_loop3A_446 = arith.addi %parallel_loop3A_353, %parallel_loop3A_445 : vector<16xi32>
        %parallel_loop3A_447 = arith.constant 1 : i32
        %parallel_loop3A_448 = arith.addi %mul3A_4, %parallel_loop3A_447 : i32
        %parallel_loop3A_449 = arith.constant 1 : i32
        %parallel_loop3A_450 = arith.addi %parallel_loop3A_448, %parallel_loop3A_449 : i32
        %parallel_loop3A_451 = arith.constant 0 : i32
        %parallel_loop3A_452 = arith.constant 255 : i32
        %parallel_loop3A_453 = arith.maxsi %parallel_loop3A_451, %parallel_loop3A_450 : i32
        %parallel_loop3A_454 = arith.minsi %parallel_loop3A_452, %parallel_loop3A_453 : i32
        %parallel_loop3A_455 = arith.subi %parallel_loop3A_454, %multiple_of3A_7 : i32
        %parallel_loop3A_456 = vector.broadcast %parallel_loop3A_455 : i32 to vector<16xi32>
        %parallel_loop3A_457 = tpu.vector_load_idx %arg10[%parallel_loop3A_456, %parallel_loop3A_360] : memref<24x256xf32, #tpu.memory_space<vmem>>[vector<16xi32>, vector<16xi32>], vector<16xf32>,
        %parallel_loop3A_458 = arith.constant 1.875000e-01 : f32
        %parallel_loop3A_459 = vector.broadcast %parallel_loop3A_458 : f32 to vector<16xf32>
        %parallel_loop3A_460 = arith.mulf %parallel_loop3A_459, %parallel_loop3A_457 : vector<16xf32>
        %parallel_loop3A_461 = tpu.vector_load_idx %arg10[%parallel_loop3A_456, %parallel_loop3A_362] : memref<24x256xf32, #tpu.memory_space<vmem>>[vector<16xi32>, vector<16xi32>], vector<16xf32>,
        %parallel_loop3A_462 = arith.constant 6.250000e-02 : f32
        %parallel_loop3A_463 = vector.broadcast %parallel_loop3A_462 : f32 to vector<16xf32>
        %parallel_loop3A_464 = arith.mulf %parallel_loop3A_463, %parallel_loop3A_461 : vector<16xf32>
        %parallel_loop3A_465 = arith.addf %parallel_loop3A_460, %parallel_loop3A_464 : vector<16xf32>
        %parallel_loop3A_466 = arith.constant 3.000000e+00 : f32
        %parallel_loop3A_467 = vector.broadcast %parallel_loop3A_466 : f32 to vector<16xf32>
        %parallel_loop3A_468 = arith.mulf %parallel_loop3A_467, %parallel_loop3A_409 : vector<16xf32>
        %parallel_loop3A_469 = arith.addf %parallel_loop3A_468, %parallel_loop3A_390 : vector<16xf32>
        %parallel_loop3A_470 = arith.addf %parallel_loop3A_468, %parallel_loop3A_465 : vector<16xf32>
        %parallel_loop3A_471 = arith.constant 2 : i32
        %parallel_loop3A_472 = arith.index_cast %parallel_loop3A_471 : i32 to index
        %parallel_loop3A_473 = arith.index_cast %parallel_loop3A_358 : i32 to index
        %parallel_loop3A_474 = tpu.vector_load %arg6[%parallel_loop3A_472, %parallel_loop3A_473] {strides = array<i32>} : memref<16x512xf32, #tpu.memory_space<vmem>>, vector<16xf32>,
        %parallel_loop3A_475 = arith.subf %parallel_loop3A_474, %parallel_loop3A_469 : vector<16xf32>
        %parallel_loop3A_476 = arith.constant 3 : i32
        %parallel_loop3A_477 = arith.index_cast %parallel_loop3A_476 : i32 to index
        %parallel_loop3A_478 = arith.index_cast %parallel_loop3A_358 : i32 to index
        %parallel_loop3A_479 = tpu.vector_load %arg6[%parallel_loop3A_477, %parallel_loop3A_478] {strides = array<i32>} : memref<16x512xf32, #tpu.memory_space<vmem>>, vector<16xf32>,
        %parallel_loop3A_480 = arith.subf %parallel_loop3A_479, %parallel_loop3A_470 : vector<16xf32>
        %parallel_loop3A_481 = arith.mulf %parallel_loop3A_475, %parallel_loop3A_475 : vector<16xf32>
        %parallel_loop3A_482 = arith.mulf %parallel_loop3A_480, %parallel_loop3A_480 : vector<16xf32>
        %parallel_loop3A_483 = arith.addf %parallel_loop3A_481, %parallel_loop3A_482 : vector<16xf32>
        %parallel_loop3A_484 = arith.addf %parallel_loop3A_428, %parallel_loop3A_483 : vector<16xf32>
        %parallel_loop3A_485 = arith.constant 0.000000e+00 : f32
        %parallel_loop3A_486 = vector.broadcast %parallel_loop3A_485 : f32 to vector<16xf32>
        %parallel_loop3A_487 = arith.cmpf ogt, %parallel_loop3A_469, %parallel_loop3A_486 : vector<16xf32>
        %parallel_loop3A_488 = arith.constant 0.000000e+00 : f32
        %parallel_loop3A_489 = vector.broadcast %parallel_loop3A_488 : f32 to vector<16xf32>
        %parallel_loop3A_490 = arith.cmpf ogt, %parallel_loop3A_470, %parallel_loop3A_489 : vector<16xf32>
        %parallel_loop3A_491 = arith.constant 0.000000e+00 : f32
        %parallel_loop3A_492 = vector.broadcast %parallel_loop3A_491 : f32 to vector<16xf32>
        %parallel_loop3A_493 = arith.select %parallel_loop3A_487, %parallel_loop3A_481, %parallel_loop3A_492 : vector<16xi1>, vector<16xf32>
        %parallel_loop3A_494 = arith.addf %parallel_loop3A_438, %parallel_loop3A_493 : vector<16xf32>
        %parallel_loop3A_495 = arith.constant 0.000000e+00 : f32
        %parallel_loop3A_496 = vector.broadcast %parallel_loop3A_495 : f32 to vector<16xf32>
        %parallel_loop3A_497 = arith.select %parallel_loop3A_490, %parallel_loop3A_482, %parallel_loop3A_496 : vector<16xi1>, vector<16xf32>
        %parallel_loop3A_498 = arith.addf %parallel_loop3A_442, %parallel_loop3A_497 : vector<16xf32>
        %parallel_loop3A_499 = tpu.all_reduce %parallel_loop3A_487 {dim = 0 : i64, kind = #tpu.reduction_kind<sum>} : vector<16xi1> -> vector<16xi32>
        %parallel_loop3A_500 = arith.addi %parallel_loop3A_444, %parallel_loop3A_499 : vector<16xi32>
        %parallel_loop3A_501 = tpu.all_reduce %parallel_loop3A_490 {dim = 0 : i64, kind = #tpu.reduction_kind<sum>} : vector<16xi1> -> vector<16xi32>
        %parallel_loop3A_502 = arith.addi %parallel_loop3A_446, %parallel_loop3A_501 : vector<16xi32>
        %parallel_loop3A_503 = arith.constant 2 : i32
        %parallel_loop3A_504 = arith.addi %mul3A_4, %parallel_loop3A_503 : i32
        %parallel_loop3A_505 = arith.constant 1 : i32
        %parallel_loop3A_506 = arith.addi %parallel_loop3A_504, %parallel_loop3A_505 : i32
        %parallel_loop3A_507 = arith.constant 0 : i32
        %parallel_loop3A_508 = arith.constant 255 : i32
        %parallel_loop3A_509 = arith.maxsi %parallel_loop3A_507, %parallel_loop3A_506 : i32
        %parallel_loop3A_510 = arith.minsi %parallel_loop3A_508, %parallel_loop3A_509 : i32
        %parallel_loop3A_511 = arith.subi %parallel_loop3A_510, %multiple_of3A_7 : i32
        %parallel_loop3A_512 = vector.broadcast %parallel_loop3A_511 : i32 to vector<16xi32>
        %parallel_loop3A_513 = tpu.vector_load_idx %arg10[%parallel_loop3A_512, %parallel_loop3A_360] : memref<24x256xf32, #tpu.memory_space<vmem>>[vector<16xi32>, vector<16xi32>], vector<16xf32>,
        %parallel_loop3A_514 = arith.constant 1.875000e-01 : f32
        %parallel_loop3A_515 = vector.broadcast %parallel_loop3A_514 : f32 to vector<16xf32>
        %parallel_loop3A_516 = arith.mulf %parallel_loop3A_515, %parallel_loop3A_513 : vector<16xf32>
        %parallel_loop3A_517 = tpu.vector_load_idx %arg10[%parallel_loop3A_512, %parallel_loop3A_362] : memref<24x256xf32, #tpu.memory_space<vmem>>[vector<16xi32>, vector<16xi32>], vector<16xf32>,
        %parallel_loop3A_518 = arith.constant 6.250000e-02 : f32
        %parallel_loop3A_519 = vector.broadcast %parallel_loop3A_518 : f32 to vector<16xf32>
        %parallel_loop3A_520 = arith.mulf %parallel_loop3A_519, %parallel_loop3A_517 : vector<16xf32>
        %parallel_loop3A_521 = arith.addf %parallel_loop3A_516, %parallel_loop3A_520 : vector<16xf32>
        %parallel_loop3A_522 = arith.constant 3.000000e+00 : f32
        %parallel_loop3A_523 = vector.broadcast %parallel_loop3A_522 : f32 to vector<16xf32>
        %parallel_loop3A_524 = arith.mulf %parallel_loop3A_523, %parallel_loop3A_465 : vector<16xf32>
        %parallel_loop3A_525 = arith.addf %parallel_loop3A_524, %parallel_loop3A_409 : vector<16xf32>
        %parallel_loop3A_526 = arith.addf %parallel_loop3A_524, %parallel_loop3A_521 : vector<16xf32>
        %parallel_loop3A_527 = arith.constant 4 : i32
        %parallel_loop3A_528 = arith.index_cast %parallel_loop3A_527 : i32 to index
        %parallel_loop3A_529 = arith.index_cast %parallel_loop3A_358 : i32 to index
        %parallel_loop3A_530 = tpu.vector_load %arg6[%parallel_loop3A_528, %parallel_loop3A_529] {strides = array<i32>} : memref<16x512xf32, #tpu.memory_space<vmem>>, vector<16xf32>,
        %parallel_loop3A_531 = arith.subf %parallel_loop3A_530, %parallel_loop3A_525 : vector<16xf32>
        %parallel_loop3A_532 = arith.constant 5 : i32
        %parallel_loop3A_533 = arith.index_cast %parallel_loop3A_532 : i32 to index
        %parallel_loop3A_534 = arith.index_cast %parallel_loop3A_358 : i32 to index
        %parallel_loop3A_535 = tpu.vector_load %arg6[%parallel_loop3A_533, %parallel_loop3A_534] {strides = array<i32>} : memref<16x512xf32, #tpu.memory_space<vmem>>, vector<16xf32>,
        %parallel_loop3A_536 = arith.subf %parallel_loop3A_535, %parallel_loop3A_526 : vector<16xf32>
        %parallel_loop3A_537 = arith.mulf %parallel_loop3A_531, %parallel_loop3A_531 : vector<16xf32>
        %parallel_loop3A_538 = arith.mulf %parallel_loop3A_536, %parallel_loop3A_536 : vector<16xf32>
        %parallel_loop3A_539 = arith.addf %parallel_loop3A_537, %parallel_loop3A_538 : vector<16xf32>
        %parallel_loop3A_540 = arith.addf %parallel_loop3A_484, %parallel_loop3A_539 : vector<16xf32>
        %parallel_loop3A_541 = arith.constant 0.000000e+00 : f32
        %parallel_loop3A_542 = vector.broadcast %parallel_loop3A_541 : f32 to vector<16xf32>
        %parallel_loop3A_543 = arith.cmpf ogt, %parallel_loop3A_525, %parallel_loop3A_542 : vector<16xf32>
        %parallel_loop3A_544 = arith.constant 0.000000e+00 : f32
        %parallel_loop3A_545 = vector.broadcast %parallel_loop3A_544 : f32 to vector<16xf32>
        %parallel_loop3A_546 = arith.cmpf ogt, %parallel_loop3A_526, %parallel_loop3A_545 : vector<16xf32>
        %parallel_loop3A_547 = arith.constant 0.000000e+00 : f32
        %parallel_loop3A_548 = vector.broadcast %parallel_loop3A_547 : f32 to vector<16xf32>
        %parallel_loop3A_549 = arith.select %parallel_loop3A_543, %parallel_loop3A_537, %parallel_loop3A_548 : vector<16xi1>, vector<16xf32>
        %parallel_loop3A_550 = arith.addf %parallel_loop3A_494, %parallel_loop3A_549 : vector<16xf32>
        %parallel_loop3A_551 = arith.constant 0.000000e+00 : f32
        %parallel_loop3A_552 = vector.broadcast %parallel_loop3A_551 : f32 to vector<16xf32>
        %parallel_loop3A_553 = arith.select %parallel_loop3A_546, %parallel_loop3A_538, %parallel_loop3A_552 : vector<16xi1>, vector<16xf32>
        %parallel_loop3A_554 = arith.addf %parallel_loop3A_498, %parallel_loop3A_553 : vector<16xf32>
        %parallel_loop3A_555 = tpu.all_reduce %parallel_loop3A_543 {dim = 0 : i64, kind = #tpu.reduction_kind<sum>} : vector<16xi1> -> vector<16xi32>
        %parallel_loop3A_556 = arith.addi %parallel_loop3A_500, %parallel_loop3A_555 : vector<16xi32>
        %parallel_loop3A_557 = tpu.all_reduce %parallel_loop3A_546 {dim = 0 : i64, kind = #tpu.reduction_kind<sum>} : vector<16xi1> -> vector<16xi32>
        %parallel_loop3A_558 = arith.addi %parallel_loop3A_502, %parallel_loop3A_557 : vector<16xi32>
        %parallel_loop3A_559 = arith.constant 3 : i32
        %parallel_loop3A_560 = arith.addi %mul3A_4, %parallel_loop3A_559 : i32
        %parallel_loop3A_561 = arith.constant 1 : i32
        %parallel_loop3A_562 = arith.addi %parallel_loop3A_560, %parallel_loop3A_561 : i32
        %parallel_loop3A_563 = arith.constant 0 : i32
        %parallel_loop3A_564 = arith.constant 255 : i32
        %parallel_loop3A_565 = arith.maxsi %parallel_loop3A_563, %parallel_loop3A_562 : i32
        %parallel_loop3A_566 = arith.minsi %parallel_loop3A_564, %parallel_loop3A_565 : i32
        %parallel_loop3A_567 = arith.subi %parallel_loop3A_566, %multiple_of3A_7 : i32
        %parallel_loop3A_568 = vector.broadcast %parallel_loop3A_567 : i32 to vector<16xi32>
        %parallel_loop3A_569 = tpu.vector_load_idx %arg10[%parallel_loop3A_568, %parallel_loop3A_360] : memref<24x256xf32, #tpu.memory_space<vmem>>[vector<16xi32>, vector<16xi32>], vector<16xf32>,
        %parallel_loop3A_570 = arith.constant 1.875000e-01 : f32
        %parallel_loop3A_571 = vector.broadcast %parallel_loop3A_570 : f32 to vector<16xf32>
        %parallel_loop3A_572 = arith.mulf %parallel_loop3A_571, %parallel_loop3A_569 : vector<16xf32>
        %parallel_loop3A_573 = tpu.vector_load_idx %arg10[%parallel_loop3A_568, %parallel_loop3A_362] : memref<24x256xf32, #tpu.memory_space<vmem>>[vector<16xi32>, vector<16xi32>], vector<16xf32>,
        %parallel_loop3A_574 = arith.constant 6.250000e-02 : f32
        %parallel_loop3A_575 = vector.broadcast %parallel_loop3A_574 : f32 to vector<16xf32>
        %parallel_loop3A_576 = arith.mulf %parallel_loop3A_575, %parallel_loop3A_573 : vector<16xf32>
        %parallel_loop3A_577 = arith.addf %parallel_loop3A_572, %parallel_loop3A_576 : vector<16xf32>
        %parallel_loop3A_578 = arith.constant 3.000000e+00 : f32
        %parallel_loop3A_579 = vector.broadcast %parallel_loop3A_578 : f32 to vector<16xf32>
        %parallel_loop3A_580 = arith.mulf %parallel_loop3A_579, %parallel_loop3A_521 : vector<16xf32>
        %parallel_loop3A_581 = arith.addf %parallel_loop3A_580, %parallel_loop3A_465 : vector<16xf32>
        %parallel_loop3A_582 = arith.addf %parallel_loop3A_580, %parallel_loop3A_577 : vector<16xf32>
        %parallel_loop3A_583 = arith.constant 6 : i32
        %parallel_loop3A_584 = arith.index_cast %parallel_loop3A_583 : i32 to index
        %parallel_loop3A_585 = arith.index_cast %parallel_loop3A_358 : i32 to index
        %parallel_loop3A_586 = tpu.vector_load %arg6[%parallel_loop3A_584, %parallel_loop3A_585] {strides = array<i32>} : memref<16x512xf32, #tpu.memory_space<vmem>>, vector<16xf32>,
        %parallel_loop3A_587 = arith.subf %parallel_loop3A_586, %parallel_loop3A_581 : vector<16xf32>
        %parallel_loop3A_588 = arith.constant 7 : i32
        %parallel_loop3A_589 = arith.index_cast %parallel_loop3A_588 : i32 to index
        %parallel_loop3A_590 = arith.index_cast %parallel_loop3A_358 : i32 to index
        %parallel_loop3A_591 = tpu.vector_load %arg6[%parallel_loop3A_589, %parallel_loop3A_590] {strides = array<i32>} : memref<16x512xf32, #tpu.memory_space<vmem>>, vector<16xf32>,
        %parallel_loop3A_592 = arith.subf %parallel_loop3A_591, %parallel_loop3A_582 : vector<16xf32>
        %parallel_loop3A_593 = arith.mulf %parallel_loop3A_587, %parallel_loop3A_587 : vector<16xf32>
        %parallel_loop3A_594 = arith.mulf %parallel_loop3A_592, %parallel_loop3A_592 : vector<16xf32>
        %parallel_loop3A_595 = arith.addf %parallel_loop3A_593, %parallel_loop3A_594 : vector<16xf32>
        %parallel_loop3A_596 = arith.addf %parallel_loop3A_540, %parallel_loop3A_595 : vector<16xf32>
        %parallel_loop3A_597 = arith.constant 0.000000e+00 : f32
        %parallel_loop3A_598 = vector.broadcast %parallel_loop3A_597 : f32 to vector<16xf32>
        %parallel_loop3A_599 = arith.cmpf ogt, %parallel_loop3A_581, %parallel_loop3A_598 : vector<16xf32>
        %parallel_loop3A_600 = arith.constant 0.000000e+00 : f32
        %parallel_loop3A_601 = vector.broadcast %parallel_loop3A_600 : f32 to vector<16xf32>
        %parallel_loop3A_602 = arith.cmpf ogt, %parallel_loop3A_582, %parallel_loop3A_601 : vector<16xf32>
        %parallel_loop3A_603 = arith.constant 0.000000e+00 : f32
        %parallel_loop3A_604 = vector.broadcast %parallel_loop3A_603 : f32 to vector<16xf32>
        %parallel_loop3A_605 = arith.select %parallel_loop3A_599, %parallel_loop3A_593, %parallel_loop3A_604 : vector<16xi1>, vector<16xf32>
        %parallel_loop3A_606 = arith.addf %parallel_loop3A_550, %parallel_loop3A_605 : vector<16xf32>
        %parallel_loop3A_607 = arith.constant 0.000000e+00 : f32
        %parallel_loop3A_608 = vector.broadcast %parallel_loop3A_607 : f32 to vector<16xf32>
        %parallel_loop3A_609 = arith.select %parallel_loop3A_602, %parallel_loop3A_594, %parallel_loop3A_608 : vector<16xi1>, vector<16xf32>
        %parallel_loop3A_610 = arith.addf %parallel_loop3A_554, %parallel_loop3A_609 : vector<16xf32>
        %parallel_loop3A_611 = tpu.all_reduce %parallel_loop3A_599 {dim = 0 : i64, kind = #tpu.reduction_kind<sum>} : vector<16xi1> -> vector<16xi32>
        %parallel_loop3A_612 = arith.addi %parallel_loop3A_556, %parallel_loop3A_611 : vector<16xi32>
        %parallel_loop3A_613 = tpu.all_reduce %parallel_loop3A_602 {dim = 0 : i64, kind = #tpu.reduction_kind<sum>} : vector<16xi1> -> vector<16xi32>
        %parallel_loop3A_614 = arith.addi %parallel_loop3A_558, %parallel_loop3A_613 : vector<16xi32>
        %parallel_loop3A_615 = arith.constant 4 : i32
        %parallel_loop3A_616 = arith.addi %mul3A_4, %parallel_loop3A_615 : i32
        %parallel_loop3A_617 = arith.constant 1 : i32
        %parallel_loop3A_618 = arith.addi %parallel_loop3A_616, %parallel_loop3A_617 : i32
        %parallel_loop3A_619 = arith.constant 0 : i32
        %parallel_loop3A_620 = arith.constant 255 : i32
        %parallel_loop3A_621 = arith.maxsi %parallel_loop3A_619, %parallel_loop3A_618 : i32
        %parallel_loop3A_622 = arith.minsi %parallel_loop3A_620, %parallel_loop3A_621 : i32
        %parallel_loop3A_623 = arith.subi %parallel_loop3A_622, %multiple_of3A_7 : i32
        %parallel_loop3A_624 = vector.broadcast %parallel_loop3A_623 : i32 to vector<16xi32>
        %parallel_loop3A_625 = tpu.vector_load_idx %arg10[%parallel_loop3A_624, %parallel_loop3A_360] : memref<24x256xf32, #tpu.memory_space<vmem>>[vector<16xi32>, vector<16xi32>], vector<16xf32>,
        %parallel_loop3A_626 = arith.constant 1.875000e-01 : f32
        %parallel_loop3A_627 = vector.broadcast %parallel_loop3A_626 : f32 to vector<16xf32>
        %parallel_loop3A_628 = arith.mulf %parallel_loop3A_627, %parallel_loop3A_625 : vector<16xf32>
        %parallel_loop3A_629 = tpu.vector_load_idx %arg10[%parallel_loop3A_624, %parallel_loop3A_362] : memref<24x256xf32, #tpu.memory_space<vmem>>[vector<16xi32>, vector<16xi32>], vector<16xf32>,
        %parallel_loop3A_630 = arith.constant 6.250000e-02 : f32
        %parallel_loop3A_631 = vector.broadcast %parallel_loop3A_630 : f32 to vector<16xf32>
        %parallel_loop3A_632 = arith.mulf %parallel_loop3A_631, %parallel_loop3A_629 : vector<16xf32>
        %parallel_loop3A_633 = arith.addf %parallel_loop3A_628, %parallel_loop3A_632 : vector<16xf32>
        %parallel_loop3A_634 = arith.constant 3.000000e+00 : f32
        %parallel_loop3A_635 = vector.broadcast %parallel_loop3A_634 : f32 to vector<16xf32>
        %parallel_loop3A_636 = arith.mulf %parallel_loop3A_635, %parallel_loop3A_577 : vector<16xf32>
        %parallel_loop3A_637 = arith.addf %parallel_loop3A_636, %parallel_loop3A_521 : vector<16xf32>
        %parallel_loop3A_638 = arith.addf %parallel_loop3A_636, %parallel_loop3A_633 : vector<16xf32>
        %parallel_loop3A_639 = arith.constant 8 : i32
        %parallel_loop3A_640 = arith.index_cast %parallel_loop3A_639 : i32 to index
        %parallel_loop3A_641 = arith.index_cast %parallel_loop3A_358 : i32 to index
        %parallel_loop3A_642 = tpu.vector_load %arg6[%parallel_loop3A_640, %parallel_loop3A_641] {strides = array<i32>} : memref<16x512xf32, #tpu.memory_space<vmem>>, vector<16xf32>,
        %parallel_loop3A_643 = arith.subf %parallel_loop3A_642, %parallel_loop3A_637 : vector<16xf32>
        %parallel_loop3A_644 = arith.constant 9 : i32
        %parallel_loop3A_645 = arith.index_cast %parallel_loop3A_644 : i32 to index
        %parallel_loop3A_646 = arith.index_cast %parallel_loop3A_358 : i32 to index
        %parallel_loop3A_647 = tpu.vector_load %arg6[%parallel_loop3A_645, %parallel_loop3A_646] {strides = array<i32>} : memref<16x512xf32, #tpu.memory_space<vmem>>, vector<16xf32>,
        %parallel_loop3A_648 = arith.subf %parallel_loop3A_647, %parallel_loop3A_638 : vector<16xf32>
        %parallel_loop3A_649 = arith.mulf %parallel_loop3A_643, %parallel_loop3A_643 : vector<16xf32>
        %parallel_loop3A_650 = arith.mulf %parallel_loop3A_648, %parallel_loop3A_648 : vector<16xf32>
        %parallel_loop3A_651 = arith.addf %parallel_loop3A_649, %parallel_loop3A_650 : vector<16xf32>
        %parallel_loop3A_652 = arith.addf %parallel_loop3A_596, %parallel_loop3A_651 : vector<16xf32>
        %parallel_loop3A_653 = arith.constant 0.000000e+00 : f32
        %parallel_loop3A_654 = vector.broadcast %parallel_loop3A_653 : f32 to vector<16xf32>
        %parallel_loop3A_655 = arith.cmpf ogt, %parallel_loop3A_637, %parallel_loop3A_654 : vector<16xf32>
        %parallel_loop3A_656 = arith.constant 0.000000e+00 : f32
        %parallel_loop3A_657 = vector.broadcast %parallel_loop3A_656 : f32 to vector<16xf32>
        %parallel_loop3A_658 = arith.cmpf ogt, %parallel_loop3A_638, %parallel_loop3A_657 : vector<16xf32>
        %parallel_loop3A_659 = arith.constant 0.000000e+00 : f32
        %parallel_loop3A_660 = vector.broadcast %parallel_loop3A_659 : f32 to vector<16xf32>
        %parallel_loop3A_661 = arith.select %parallel_loop3A_655, %parallel_loop3A_649, %parallel_loop3A_660 : vector<16xi1>, vector<16xf32>
        %parallel_loop3A_662 = arith.addf %parallel_loop3A_606, %parallel_loop3A_661 : vector<16xf32>
        %parallel_loop3A_663 = arith.constant 0.000000e+00 : f32
        %parallel_loop3A_664 = vector.broadcast %parallel_loop3A_663 : f32 to vector<16xf32>
        %parallel_loop3A_665 = arith.select %parallel_loop3A_658, %parallel_loop3A_650, %parallel_loop3A_664 : vector<16xi1>, vector<16xf32>
        %parallel_loop3A_666 = arith.addf %parallel_loop3A_610, %parallel_loop3A_665 : vector<16xf32>
        %parallel_loop3A_667 = tpu.all_reduce %parallel_loop3A_655 {dim = 0 : i64, kind = #tpu.reduction_kind<sum>} : vector<16xi1> -> vector<16xi32>
        %parallel_loop3A_668 = arith.addi %parallel_loop3A_612, %parallel_loop3A_667 : vector<16xi32>
        %parallel_loop3A_669 = tpu.all_reduce %parallel_loop3A_658 {dim = 0 : i64, kind = #tpu.reduction_kind<sum>} : vector<16xi1> -> vector<16xi32>
        %parallel_loop3A_670 = arith.addi %parallel_loop3A_614, %parallel_loop3A_669 : vector<16xi32>
        %parallel_loop3A_671 = arith.constant 5 : i32
        %parallel_loop3A_672 = arith.addi %mul3A_4, %parallel_loop3A_671 : i32
        %parallel_loop3A_673 = arith.constant 1 : i32
        %parallel_loop3A_674 = arith.addi %parallel_loop3A_672, %parallel_loop3A_673 : i32
        %parallel_loop3A_675 = arith.constant 0 : i32
        %parallel_loop3A_676 = arith.constant 255 : i32
        %parallel_loop3A_677 = arith.maxsi %parallel_loop3A_675, %parallel_loop3A_674 : i32
        %parallel_loop3A_678 = arith.minsi %parallel_loop3A_676, %parallel_loop3A_677 : i32
        %parallel_loop3A_679 = arith.subi %parallel_loop3A_678, %multiple_of3A_7 : i32
        %parallel_loop3A_680 = vector.broadcast %parallel_loop3A_679 : i32 to vector<16xi32>
        %parallel_loop3A_681 = tpu.vector_load_idx %arg10[%parallel_loop3A_680, %parallel_loop3A_360] : memref<24x256xf32, #tpu.memory_space<vmem>>[vector<16xi32>, vector<16xi32>], vector<16xf32>,
        %parallel_loop3A_682 = arith.constant 1.875000e-01 : f32
        %parallel_loop3A_683 = vector.broadcast %parallel_loop3A_682 : f32 to vector<16xf32>
        %parallel_loop3A_684 = arith.mulf %parallel_loop3A_683, %parallel_loop3A_681 : vector<16xf32>
        %parallel_loop3A_685 = tpu.vector_load_idx %arg10[%parallel_loop3A_680, %parallel_loop3A_362] : memref<24x256xf32, #tpu.memory_space<vmem>>[vector<16xi32>, vector<16xi32>], vector<16xf32>,
        %parallel_loop3A_686 = arith.constant 6.250000e-02 : f32
        %parallel_loop3A_687 = vector.broadcast %parallel_loop3A_686 : f32 to vector<16xf32>
        %parallel_loop3A_688 = arith.mulf %parallel_loop3A_687, %parallel_loop3A_685 : vector<16xf32>
        %parallel_loop3A_689 = arith.addf %parallel_loop3A_684, %parallel_loop3A_688 : vector<16xf32>
        %parallel_loop3A_690 = arith.constant 3.000000e+00 : f32
        %parallel_loop3A_691 = vector.broadcast %parallel_loop3A_690 : f32 to vector<16xf32>
        %parallel_loop3A_692 = arith.mulf %parallel_loop3A_691, %parallel_loop3A_633 : vector<16xf32>
        %parallel_loop3A_693 = arith.addf %parallel_loop3A_692, %parallel_loop3A_577 : vector<16xf32>
        %parallel_loop3A_694 = arith.addf %parallel_loop3A_692, %parallel_loop3A_689 : vector<16xf32>
        %parallel_loop3A_695 = arith.constant 10 : i32
        %parallel_loop3A_696 = arith.index_cast %parallel_loop3A_695 : i32 to index
        %parallel_loop3A_697 = arith.index_cast %parallel_loop3A_358 : i32 to index
        %parallel_loop3A_698 = tpu.vector_load %arg6[%parallel_loop3A_696, %parallel_loop3A_697] {strides = array<i32>} : memref<16x512xf32, #tpu.memory_space<vmem>>, vector<16xf32>,
        %parallel_loop3A_699 = arith.subf %parallel_loop3A_698, %parallel_loop3A_693 : vector<16xf32>
        %parallel_loop3A_700 = arith.constant 11 : i32
        %parallel_loop3A_701 = arith.index_cast %parallel_loop3A_700 : i32 to index
        %parallel_loop3A_702 = arith.index_cast %parallel_loop3A_358 : i32 to index
        %parallel_loop3A_703 = tpu.vector_load %arg6[%parallel_loop3A_701, %parallel_loop3A_702] {strides = array<i32>} : memref<16x512xf32, #tpu.memory_space<vmem>>, vector<16xf32>,
        %parallel_loop3A_704 = arith.subf %parallel_loop3A_703, %parallel_loop3A_694 : vector<16xf32>
        %parallel_loop3A_705 = arith.mulf %parallel_loop3A_699, %parallel_loop3A_699 : vector<16xf32>
        %parallel_loop3A_706 = arith.mulf %parallel_loop3A_704, %parallel_loop3A_704 : vector<16xf32>
        %parallel_loop3A_707 = arith.addf %parallel_loop3A_705, %parallel_loop3A_706 : vector<16xf32>
        %parallel_loop3A_708 = arith.addf %parallel_loop3A_652, %parallel_loop3A_707 : vector<16xf32>
        %parallel_loop3A_709 = arith.constant 0.000000e+00 : f32
        %parallel_loop3A_710 = vector.broadcast %parallel_loop3A_709 : f32 to vector<16xf32>
        %parallel_loop3A_711 = arith.cmpf ogt, %parallel_loop3A_693, %parallel_loop3A_710 : vector<16xf32>
        %parallel_loop3A_712 = arith.constant 0.000000e+00 : f32
        %parallel_loop3A_713 = vector.broadcast %parallel_loop3A_712 : f32 to vector<16xf32>
        %parallel_loop3A_714 = arith.cmpf ogt, %parallel_loop3A_694, %parallel_loop3A_713 : vector<16xf32>
        %parallel_loop3A_715 = arith.constant 0.000000e+00 : f32
        %parallel_loop3A_716 = vector.broadcast %parallel_loop3A_715 : f32 to vector<16xf32>
        %parallel_loop3A_717 = arith.select %parallel_loop3A_711, %parallel_loop3A_705, %parallel_loop3A_716 : vector<16xi1>, vector<16xf32>
        %parallel_loop3A_718 = arith.addf %parallel_loop3A_662, %parallel_loop3A_717 : vector<16xf32>
        %parallel_loop3A_719 = arith.constant 0.000000e+00 : f32
        %parallel_loop3A_720 = vector.broadcast %parallel_loop3A_719 : f32 to vector<16xf32>
        %parallel_loop3A_721 = arith.select %parallel_loop3A_714, %parallel_loop3A_706, %parallel_loop3A_720 : vector<16xi1>, vector<16xf32>
        %parallel_loop3A_722 = arith.addf %parallel_loop3A_666, %parallel_loop3A_721 : vector<16xf32>
        %parallel_loop3A_723 = tpu.all_reduce %parallel_loop3A_711 {dim = 0 : i64, kind = #tpu.reduction_kind<sum>} : vector<16xi1> -> vector<16xi32>
        %parallel_loop3A_724 = arith.addi %parallel_loop3A_668, %parallel_loop3A_723 : vector<16xi32>
        %parallel_loop3A_725 = tpu.all_reduce %parallel_loop3A_714 {dim = 0 : i64, kind = #tpu.reduction_kind<sum>} : vector<16xi1> -> vector<16xi32>
        %parallel_loop3A_726 = arith.addi %parallel_loop3A_670, %parallel_loop3A_725 : vector<16xi32>
        %parallel_loop3A_727 = arith.constant 6 : i32
        %parallel_loop3A_728 = arith.addi %mul3A_4, %parallel_loop3A_727 : i32
        %parallel_loop3A_729 = arith.constant 1 : i32
        %parallel_loop3A_730 = arith.addi %parallel_loop3A_728, %parallel_loop3A_729 : i32
        %parallel_loop3A_731 = arith.constant 0 : i32
        %parallel_loop3A_732 = arith.constant 255 : i32
        %parallel_loop3A_733 = arith.maxsi %parallel_loop3A_731, %parallel_loop3A_730 : i32
        %parallel_loop3A_734 = arith.minsi %parallel_loop3A_732, %parallel_loop3A_733 : i32
        %parallel_loop3A_735 = arith.subi %parallel_loop3A_734, %multiple_of3A_7 : i32
        %parallel_loop3A_736 = vector.broadcast %parallel_loop3A_735 : i32 to vector<16xi32>
        %parallel_loop3A_737 = tpu.vector_load_idx %arg10[%parallel_loop3A_736, %parallel_loop3A_360] : memref<24x256xf32, #tpu.memory_space<vmem>>[vector<16xi32>, vector<16xi32>], vector<16xf32>,
        %parallel_loop3A_738 = arith.constant 1.875000e-01 : f32
        %parallel_loop3A_739 = vector.broadcast %parallel_loop3A_738 : f32 to vector<16xf32>
        %parallel_loop3A_740 = arith.mulf %parallel_loop3A_739, %parallel_loop3A_737 : vector<16xf32>
        %parallel_loop3A_741 = tpu.vector_load_idx %arg10[%parallel_loop3A_736, %parallel_loop3A_362] : memref<24x256xf32, #tpu.memory_space<vmem>>[vector<16xi32>, vector<16xi32>], vector<16xf32>,
        %parallel_loop3A_742 = arith.constant 6.250000e-02 : f32
        %parallel_loop3A_743 = vector.broadcast %parallel_loop3A_742 : f32 to vector<16xf32>
        %parallel_loop3A_744 = arith.mulf %parallel_loop3A_743, %parallel_loop3A_741 : vector<16xf32>
        %parallel_loop3A_745 = arith.addf %parallel_loop3A_740, %parallel_loop3A_744 : vector<16xf32>
        %parallel_loop3A_746 = arith.constant 3.000000e+00 : f32
        %parallel_loop3A_747 = vector.broadcast %parallel_loop3A_746 : f32 to vector<16xf32>
        %parallel_loop3A_748 = arith.mulf %parallel_loop3A_747, %parallel_loop3A_689 : vector<16xf32>
        %parallel_loop3A_749 = arith.addf %parallel_loop3A_748, %parallel_loop3A_633 : vector<16xf32>
        %parallel_loop3A_750 = arith.addf %parallel_loop3A_748, %parallel_loop3A_745 : vector<16xf32>
        %parallel_loop3A_751 = arith.constant 12 : i32
        %parallel_loop3A_752 = arith.index_cast %parallel_loop3A_751 : i32 to index
        %parallel_loop3A_753 = arith.index_cast %parallel_loop3A_358 : i32 to index
        %parallel_loop3A_754 = tpu.vector_load %arg6[%parallel_loop3A_752, %parallel_loop3A_753] {strides = array<i32>} : memref<16x512xf32, #tpu.memory_space<vmem>>, vector<16xf32>,
        %parallel_loop3A_755 = arith.subf %parallel_loop3A_754, %parallel_loop3A_749 : vector<16xf32>
        %parallel_loop3A_756 = arith.constant 13 : i32
        %parallel_loop3A_757 = arith.index_cast %parallel_loop3A_756 : i32 to index
        %parallel_loop3A_758 = arith.index_cast %parallel_loop3A_358 : i32 to index
        %parallel_loop3A_759 = tpu.vector_load %arg6[%parallel_loop3A_757, %parallel_loop3A_758] {strides = array<i32>} : memref<16x512xf32, #tpu.memory_space<vmem>>, vector<16xf32>,
        %parallel_loop3A_760 = arith.subf %parallel_loop3A_759, %parallel_loop3A_750 : vector<16xf32>
        %parallel_loop3A_761 = arith.mulf %parallel_loop3A_755, %parallel_loop3A_755 : vector<16xf32>
        %parallel_loop3A_762 = arith.mulf %parallel_loop3A_760, %parallel_loop3A_760 : vector<16xf32>
        %parallel_loop3A_763 = arith.addf %parallel_loop3A_761, %parallel_loop3A_762 : vector<16xf32>
        %parallel_loop3A_764 = arith.addf %parallel_loop3A_708, %parallel_loop3A_763 : vector<16xf32>
        %parallel_loop3A_765 = arith.constant 0.000000e+00 : f32
        %parallel_loop3A_766 = vector.broadcast %parallel_loop3A_765 : f32 to vector<16xf32>
        %parallel_loop3A_767 = arith.cmpf ogt, %parallel_loop3A_749, %parallel_loop3A_766 : vector<16xf32>
        %parallel_loop3A_768 = arith.constant 0.000000e+00 : f32
        %parallel_loop3A_769 = vector.broadcast %parallel_loop3A_768 : f32 to vector<16xf32>
        %parallel_loop3A_770 = arith.cmpf ogt, %parallel_loop3A_750, %parallel_loop3A_769 : vector<16xf32>
        %parallel_loop3A_771 = arith.constant 0.000000e+00 : f32
        %parallel_loop3A_772 = vector.broadcast %parallel_loop3A_771 : f32 to vector<16xf32>
        %parallel_loop3A_773 = arith.select %parallel_loop3A_767, %parallel_loop3A_761, %parallel_loop3A_772 : vector<16xi1>, vector<16xf32>
        %parallel_loop3A_774 = arith.addf %parallel_loop3A_718, %parallel_loop3A_773 : vector<16xf32>
        %parallel_loop3A_775 = arith.constant 0.000000e+00 : f32
        %parallel_loop3A_776 = vector.broadcast %parallel_loop3A_775 : f32 to vector<16xf32>
        %parallel_loop3A_777 = arith.select %parallel_loop3A_770, %parallel_loop3A_762, %parallel_loop3A_776 : vector<16xi1>, vector<16xf32>
        %parallel_loop3A_778 = arith.addf %parallel_loop3A_722, %parallel_loop3A_777 : vector<16xf32>
        %parallel_loop3A_779 = tpu.all_reduce %parallel_loop3A_767 {dim = 0 : i64, kind = #tpu.reduction_kind<sum>} : vector<16xi1> -> vector<16xi32>
        %parallel_loop3A_780 = arith.addi %parallel_loop3A_724, %parallel_loop3A_779 : vector<16xi32>
        %parallel_loop3A_781 = tpu.all_reduce %parallel_loop3A_770 {dim = 0 : i64, kind = #tpu.reduction_kind<sum>} : vector<16xi1> -> vector<16xi32>
        %parallel_loop3A_782 = arith.addi %parallel_loop3A_726, %parallel_loop3A_781 : vector<16xi32>
        %parallel_loop3A_783 = arith.constant 7 : i32
        %parallel_loop3A_784 = arith.addi %mul3A_4, %parallel_loop3A_783 : i32
        %parallel_loop3A_785 = arith.constant 1 : i32
        %parallel_loop3A_786 = arith.addi %parallel_loop3A_784, %parallel_loop3A_785 : i32
        %parallel_loop3A_787 = arith.constant 0 : i32
        %parallel_loop3A_788 = arith.constant 255 : i32
        %parallel_loop3A_789 = arith.maxsi %parallel_loop3A_787, %parallel_loop3A_786 : i32
        %parallel_loop3A_790 = arith.minsi %parallel_loop3A_788, %parallel_loop3A_789 : i32
        %parallel_loop3A_791 = arith.subi %parallel_loop3A_790, %multiple_of3A_7 : i32
        %parallel_loop3A_792 = vector.broadcast %parallel_loop3A_791 : i32 to vector<16xi32>
        %parallel_loop3A_793 = tpu.vector_load_idx %arg10[%parallel_loop3A_792, %parallel_loop3A_360] : memref<24x256xf32, #tpu.memory_space<vmem>>[vector<16xi32>, vector<16xi32>], vector<16xf32>,
        %parallel_loop3A_794 = arith.constant 1.875000e-01 : f32
        %parallel_loop3A_795 = vector.broadcast %parallel_loop3A_794 : f32 to vector<16xf32>
        %parallel_loop3A_796 = arith.mulf %parallel_loop3A_795, %parallel_loop3A_793 : vector<16xf32>
        %parallel_loop3A_797 = tpu.vector_load_idx %arg10[%parallel_loop3A_792, %parallel_loop3A_362] : memref<24x256xf32, #tpu.memory_space<vmem>>[vector<16xi32>, vector<16xi32>], vector<16xf32>,
        %parallel_loop3A_798 = arith.constant 6.250000e-02 : f32
        %parallel_loop3A_799 = vector.broadcast %parallel_loop3A_798 : f32 to vector<16xf32>
        %parallel_loop3A_800 = arith.mulf %parallel_loop3A_799, %parallel_loop3A_797 : vector<16xf32>
        %parallel_loop3A_801 = arith.addf %parallel_loop3A_796, %parallel_loop3A_800 : vector<16xf32>
        %parallel_loop3A_802 = arith.constant 3.000000e+00 : f32
        %parallel_loop3A_803 = vector.broadcast %parallel_loop3A_802 : f32 to vector<16xf32>
        %parallel_loop3A_804 = arith.mulf %parallel_loop3A_803, %parallel_loop3A_745 : vector<16xf32>
        %parallel_loop3A_805 = arith.addf %parallel_loop3A_804, %parallel_loop3A_689 : vector<16xf32>
        %parallel_loop3A_806 = arith.addf %parallel_loop3A_804, %parallel_loop3A_801 : vector<16xf32>
        %parallel_loop3A_807 = arith.constant 14 : i32
        %parallel_loop3A_808 = arith.index_cast %parallel_loop3A_807 : i32 to index
        %parallel_loop3A_809 = arith.index_cast %parallel_loop3A_358 : i32 to index
        %parallel_loop3A_810 = tpu.vector_load %arg6[%parallel_loop3A_808, %parallel_loop3A_809] {strides = array<i32>} : memref<16x512xf32, #tpu.memory_space<vmem>>, vector<16xf32>,
        %parallel_loop3A_811 = arith.subf %parallel_loop3A_810, %parallel_loop3A_805 : vector<16xf32>
        %parallel_loop3A_812 = arith.constant 15 : i32
        %parallel_loop3A_813 = arith.index_cast %parallel_loop3A_812 : i32 to index
        %parallel_loop3A_814 = arith.index_cast %parallel_loop3A_358 : i32 to index
        %parallel_loop3A_815 = tpu.vector_load %arg6[%parallel_loop3A_813, %parallel_loop3A_814] {strides = array<i32>} : memref<16x512xf32, #tpu.memory_space<vmem>>, vector<16xf32>,
        %parallel_loop3A_816 = arith.subf %parallel_loop3A_815, %parallel_loop3A_806 : vector<16xf32>
        %parallel_loop3A_817 = arith.mulf %parallel_loop3A_811, %parallel_loop3A_811 : vector<16xf32>
        %parallel_loop3A_818 = arith.mulf %parallel_loop3A_816, %parallel_loop3A_816 : vector<16xf32>
        %parallel_loop3A_819 = arith.addf %parallel_loop3A_817, %parallel_loop3A_818 : vector<16xf32>
        %parallel_loop3A_820 = arith.addf %parallel_loop3A_764, %parallel_loop3A_819 : vector<16xf32>
        %parallel_loop3A_821 = arith.constant 0.000000e+00 : f32
        %parallel_loop3A_822 = vector.broadcast %parallel_loop3A_821 : f32 to vector<16xf32>
        %parallel_loop3A_823 = arith.cmpf ogt, %parallel_loop3A_805, %parallel_loop3A_822 : vector<16xf32>
        %parallel_loop3A_824 = arith.constant 0.000000e+00 : f32
        %parallel_loop3A_825 = vector.broadcast %parallel_loop3A_824 : f32 to vector<16xf32>
        %parallel_loop3A_826 = arith.cmpf ogt, %parallel_loop3A_806, %parallel_loop3A_825 : vector<16xf32>
        %parallel_loop3A_827 = arith.constant 0.000000e+00 : f32
        %parallel_loop3A_828 = vector.broadcast %parallel_loop3A_827 : f32 to vector<16xf32>
        %parallel_loop3A_829 = arith.select %parallel_loop3A_823, %parallel_loop3A_817, %parallel_loop3A_828 : vector<16xi1>, vector<16xf32>
        %parallel_loop3A_830 = arith.addf %parallel_loop3A_774, %parallel_loop3A_829 : vector<16xf32>
        %parallel_loop3A_831 = arith.constant 0.000000e+00 : f32
        %parallel_loop3A_832 = vector.broadcast %parallel_loop3A_831 : f32 to vector<16xf32>
        %parallel_loop3A_833 = arith.select %parallel_loop3A_826, %parallel_loop3A_818, %parallel_loop3A_832 : vector<16xi1>, vector<16xf32>
        %parallel_loop3A_834 = arith.addf %parallel_loop3A_778, %parallel_loop3A_833 : vector<16xf32>
        %parallel_loop3A_835 = tpu.all_reduce %parallel_loop3A_823 {dim = 0 : i64, kind = #tpu.reduction_kind<sum>} : vector<16xi1> -> vector<16xi32>
        %parallel_loop3A_836 = arith.addi %parallel_loop3A_780, %parallel_loop3A_835 : vector<16xi32>
        %parallel_loop3A_837 = tpu.all_reduce %parallel_loop3A_826 {dim = 0 : i64, kind = #tpu.reduction_kind<sum>} : vector<16xi1> -> vector<16xi32>
        %parallel_loop3A_838 = arith.addi %parallel_loop3A_782, %parallel_loop3A_837 : vector<16xi32>
        scf.yield %parallel_loop3A_836, %parallel_loop3A_838, %parallel_loop3A_830, %parallel_loop3A_834, %parallel_loop3A_820 : vector<16xi32>, vector<16xi32>, vector<16xf32>, vector<16xf32>, vector<16xf32>
      } {sc.loop_unroll_factor = 1 : i64, sc.parallel_access}
      %reduce_sum3A = arith.constant true
      %reduce_sum3A_126 = vector.broadcast %reduce_sum3A : i1 to vector<16xi1>
      %reduce_sum3A_127 = tpu.scan <sum>, %parallel_loop3A_125#0 masked %reduce_sum3A_126 : vector<16xi32>, vector<16xi1> -> vector<16xi32>
      %reduce_sum3A_128 = vector.extract %reduce_sum3A_127[15] : i32 from vector<16xi32>
      %reduce_sum3A_129 = arith.constant true
      %reduce_sum3A_130 = vector.broadcast %reduce_sum3A_129 : i1 to vector<16xi1>
      %reduce_sum3A_131 = tpu.scan <sum>, %parallel_loop3A_125#1 masked %reduce_sum3A_130 : vector<16xi32>, vector<16xi1> -> vector<16xi32>
      %reduce_sum3A_132 = vector.extract %reduce_sum3A_131[15] : i32 from vector<16xi32>
      %add3A_133 = arith.addi %reduce_sum3A_128, %reduce_sum3A_132 : i32
      %convert_element_type3A = arith.sitofp %add3A_133 : i32 to f32
      %mul3A_134 = arith.constant 6.250000e-02 : f32
      %mul3A_135 = arith.mulf %convert_element_type3A, %mul3A_134 : f32
      %add3A_136 = arith.addf %parallel_loop3A_125#2, %parallel_loop3A_125#3 : vector<16xf32>
      %reduce_sum3A_137 = arith.constant true
      %reduce_sum3A_138 = vector.broadcast %reduce_sum3A_137 : i1 to vector<16xi1>
      %reduce_sum3A_139 = tpu.scan <sum>, %add3A_136 masked %reduce_sum3A_138 : vector<16xf32>, vector<16xi1> -> vector<16xf32>
      %reduce_sum3A_140 = vector.extract %reduce_sum3A_139[15] : f32 from vector<16xf32>
      %reduce_sum3A_141 = arith.constant true
      %reduce_sum3A_142 = vector.broadcast %reduce_sum3A_141 : i1 to vector<16xi1>
      %reduce_sum3A_143 = tpu.scan <sum>, %parallel_loop3A_125#4 masked %reduce_sum3A_142 : vector<16xf32>, vector<16xi1> -> vector<16xf32>
      %reduce_sum3A_144 = vector.extract %reduce_sum3A_143[15] : f32 from vector<16xf32>
      %mul3A_145 = arith.constant 2 : i32
      %mul3A_146 = arith.muli %mul3A_61, %mul3A_145 : i32
      %add3A_147 = arith.constant 0 : i32
      %add3A_148 = arith.addi %mul3A_146, %add3A_147 : i32
      %eq3A = vector.broadcast %add3A_148 : i32 to vector<16xi32>
      %eq3A_149 = arith.cmpi eq, %iota3A, %eq3A : vector<16xi32>
      %jit3A_150 = arith.constant 0.000000e+00 : f32
      %broadcast_in_dim3A_151 = vector.broadcast %mul3A_135 : f32 to vector<16xf32>
      %broadcast_in_dim3A_152 = vector.broadcast %jit3A_150 : f32 to vector<16xf32>
      %select_n3A = arith.select %eq3A_149, %broadcast_in_dim3A_151, %broadcast_in_dim3A_152 : vector<16xi1>, vector<16xf32>
      %add3A_153 = arith.addf %scan3A_57, %select_n3A : vector<16xf32>
      %jit3A_154 = arith.constant 0.000000e+00 : f32
      %broadcast_in_dim3A_155 = vector.broadcast %reduce_sum3A_140 : f32 to vector<16xf32>
      %broadcast_in_dim3A_156 = vector.broadcast %jit3A_154 : f32 to vector<16xf32>
      %select_n3A_157 = arith.select %eq3A_149, %broadcast_in_dim3A_155, %broadcast_in_dim3A_156 : vector<16xi1>, vector<16xf32>
      %add3A_158 = arith.addf %scan3A_58, %select_n3A_157 : vector<16xf32>
      %jit3A_159 = arith.constant 0.000000e+00 : f32
      %broadcast_in_dim3A_160 = vector.broadcast %reduce_sum3A_144 : f32 to vector<16xf32>
      %broadcast_in_dim3A_161 = vector.broadcast %jit3A_159 : f32 to vector<16xf32>
      %select_n3A_162 = arith.select %eq3A_149, %broadcast_in_dim3A_160, %broadcast_in_dim3A_161 : vector<16xi1>, vector<16xf32>
      %add3A_163 = arith.addf %scan3A_59, %select_n3A_162 : vector<16xf32>
      %broadcast_in_dim3A_164 = arith.constant 0.000000e+00 : f32
      %broadcast_in_dim3A_165 = vector.broadcast %broadcast_in_dim3A_164 : f32 to vector<16xf32>
      %broadcast_in_dim3A_166 = arith.constant 0 : i32
      %broadcast_in_dim3A_167 = vector.broadcast %broadcast_in_dim3A_166 : i32 to vector<16xi32>
      %parallel_loop3A_168 = arith.constant 0 : i32
      %parallel_loop3A_169 = arith.constant 32 : i32
      %parallel_loop3A_170 = arith.constant 1 : i32
      %parallel_loop3A_171:5 = scf.for %parallel_loop3A_351 = %parallel_loop3A_168 to %parallel_loop3A_169 step %parallel_loop3A_170 iter_args(%parallel_loop3A_352 = %broadcast_in_dim3A_167, %parallel_loop3A_353 = %broadcast_in_dim3A_167, %parallel_loop3A_354 = %broadcast_in_dim3A_165, %parallel_loop3A_355 = %broadcast_in_dim3A_165, %parallel_loop3A_356 = %broadcast_in_dim3A_165) -> (vector<16xi32>, vector<16xi32>, vector<16xf32>, vector<16xf32>, vector<16xf32>)  : i32 {
        %parallel_loop3A_357 = arith.constant 16 : i32
        %parallel_loop3A_358 = arith.muli %parallel_loop3A_351, %parallel_loop3A_357 : i32
        %parallel_loop3A_359 = arith.index_cast %parallel_loop3A_358 : i32 to index
        %parallel_loop3A_360 = tpu.vector_load %arg14[%parallel_loop3A_359] {strides = array<i32>} : memref<512xi32, #tpu.memory_space<vmem>>, vector<16xi32>,
        %parallel_loop3A_361 = arith.index_cast %parallel_loop3A_358 : i32 to index
        %parallel_loop3A_362 = tpu.vector_load %arg15[%parallel_loop3A_361] {strides = array<i32>} : memref<512xi32, #tpu.memory_space<vmem>>, vector<16xi32>,
        %parallel_loop3A_363 = arith.constant 1 : i32
        %parallel_loop3A_364 = arith.subi %mul3A_4, %parallel_loop3A_363 : i32
        %parallel_loop3A_365 = arith.constant 0 : i32
        %parallel_loop3A_366 = arith.constant 255 : i32
        %parallel_loop3A_367 = arith.maxsi %parallel_loop3A_365, %parallel_loop3A_364 : i32
        %parallel_loop3A_368 = arith.minsi %parallel_loop3A_366, %parallel_loop3A_367 : i32
        %parallel_loop3A_369 = arith.subi %parallel_loop3A_368, %multiple_of3A_7 : i32
        %parallel_loop3A_370 = vector.broadcast %parallel_loop3A_369 : i32 to vector<16xi32>
        %parallel_loop3A_371 = tpu.vector_load_idx %arg11[%parallel_loop3A_370, %parallel_loop3A_360] : memref<24x256xf32, #tpu.memory_space<vmem>>[vector<16xi32>, vector<16xi32>], vector<16xf32>,
        %parallel_loop3A_372 = arith.constant 1.875000e-01 : f32
        %parallel_loop3A_373 = vector.broadcast %parallel_loop3A_372 : f32 to vector<16xf32>
        %parallel_loop3A_374 = arith.mulf %parallel_loop3A_373, %parallel_loop3A_371 : vector<16xf32>
        %parallel_loop3A_375 = tpu.vector_load_idx %arg11[%parallel_loop3A_370, %parallel_loop3A_362] : memref<24x256xf32, #tpu.memory_space<vmem>>[vector<16xi32>, vector<16xi32>], vector<16xf32>,
        %parallel_loop3A_376 = arith.constant 6.250000e-02 : f32
        %parallel_loop3A_377 = vector.broadcast %parallel_loop3A_376 : f32 to vector<16xf32>
        %parallel_loop3A_378 = arith.mulf %parallel_loop3A_377, %parallel_loop3A_375 : vector<16xf32>
        %parallel_loop3A_379 = arith.addf %parallel_loop3A_374, %parallel_loop3A_378 : vector<16xf32>
        %parallel_loop3A_380 = arith.subi %mul3A_4, %multiple_of3A_7 : i32
        %parallel_loop3A_381 = vector.broadcast %parallel_loop3A_380 : i32 to vector<16xi32>
        %parallel_loop3A_382 = tpu.vector_load_idx %arg11[%parallel_loop3A_381, %parallel_loop3A_360] : memref<24x256xf32, #tpu.memory_space<vmem>>[vector<16xi32>, vector<16xi32>], vector<16xf32>,
        %parallel_loop3A_383 = arith.constant 1.875000e-01 : f32
        %parallel_loop3A_384 = vector.broadcast %parallel_loop3A_383 : f32 to vector<16xf32>
        %parallel_loop3A_385 = arith.mulf %parallel_loop3A_384, %parallel_loop3A_382 : vector<16xf32>
        %parallel_loop3A_386 = tpu.vector_load_idx %arg11[%parallel_loop3A_381, %parallel_loop3A_362] : memref<24x256xf32, #tpu.memory_space<vmem>>[vector<16xi32>, vector<16xi32>], vector<16xf32>,
        %parallel_loop3A_387 = arith.constant 6.250000e-02 : f32
        %parallel_loop3A_388 = vector.broadcast %parallel_loop3A_387 : f32 to vector<16xf32>
        %parallel_loop3A_389 = arith.mulf %parallel_loop3A_388, %parallel_loop3A_386 : vector<16xf32>
        %parallel_loop3A_390 = arith.addf %parallel_loop3A_385, %parallel_loop3A_389 : vector<16xf32>
        %parallel_loop3A_391 = arith.constant 0 : i32
        %parallel_loop3A_392 = arith.addi %mul3A_4, %parallel_loop3A_391 : i32
        %parallel_loop3A_393 = arith.constant 1 : i32
        %parallel_loop3A_394 = arith.addi %parallel_loop3A_392, %parallel_loop3A_393 : i32
        %parallel_loop3A_395 = arith.constant 0 : i32
        %parallel_loop3A_396 = arith.constant 255 : i32
        %parallel_loop3A_397 = arith.maxsi %parallel_loop3A_395, %parallel_loop3A_394 : i32
        %parallel_loop3A_398 = arith.minsi %parallel_loop3A_396, %parallel_loop3A_397 : i32
        %parallel_loop3A_399 = arith.subi %parallel_loop3A_398, %multiple_of3A_7 : i32
        %parallel_loop3A_400 = vector.broadcast %parallel_loop3A_399 : i32 to vector<16xi32>
        %parallel_loop3A_401 = tpu.vector_load_idx %arg11[%parallel_loop3A_400, %parallel_loop3A_360] : memref<24x256xf32, #tpu.memory_space<vmem>>[vector<16xi32>, vector<16xi32>], vector<16xf32>,
        %parallel_loop3A_402 = arith.constant 1.875000e-01 : f32
        %parallel_loop3A_403 = vector.broadcast %parallel_loop3A_402 : f32 to vector<16xf32>
        %parallel_loop3A_404 = arith.mulf %parallel_loop3A_403, %parallel_loop3A_401 : vector<16xf32>
        %parallel_loop3A_405 = tpu.vector_load_idx %arg11[%parallel_loop3A_400, %parallel_loop3A_362] : memref<24x256xf32, #tpu.memory_space<vmem>>[vector<16xi32>, vector<16xi32>], vector<16xf32>,
        %parallel_loop3A_406 = arith.constant 6.250000e-02 : f32
        %parallel_loop3A_407 = vector.broadcast %parallel_loop3A_406 : f32 to vector<16xf32>
        %parallel_loop3A_408 = arith.mulf %parallel_loop3A_407, %parallel_loop3A_405 : vector<16xf32>
        %parallel_loop3A_409 = arith.addf %parallel_loop3A_404, %parallel_loop3A_408 : vector<16xf32>
        %parallel_loop3A_410 = arith.constant 3.000000e+00 : f32
        %parallel_loop3A_411 = vector.broadcast %parallel_loop3A_410 : f32 to vector<16xf32>
        %parallel_loop3A_412 = arith.mulf %parallel_loop3A_411, %parallel_loop3A_390 : vector<16xf32>
        %parallel_loop3A_413 = arith.addf %parallel_loop3A_412, %parallel_loop3A_379 : vector<16xf32>
        %parallel_loop3A_414 = arith.addf %parallel_loop3A_412, %parallel_loop3A_409 : vector<16xf32>
        %parallel_loop3A_415 = arith.constant 0 : i32
        %parallel_loop3A_416 = arith.index_cast %parallel_loop3A_415 : i32 to index
        %parallel_loop3A_417 = arith.index_cast %parallel_loop3A_358 : i32 to index
        %parallel_loop3A_418 = tpu.vector_load %arg7[%parallel_loop3A_416, %parallel_loop3A_417] {strides = array<i32>} : memref<16x512xf32, #tpu.memory_space<vmem>>, vector<16xf32>,
        %parallel_loop3A_419 = arith.subf %parallel_loop3A_418, %parallel_loop3A_413 : vector<16xf32>
        %parallel_loop3A_420 = arith.constant 1 : i32
        %parallel_loop3A_421 = arith.index_cast %parallel_loop3A_420 : i32 to index
        %parallel_loop3A_422 = arith.index_cast %parallel_loop3A_358 : i32 to index
        %parallel_loop3A_423 = tpu.vector_load %arg7[%parallel_loop3A_421, %parallel_loop3A_422] {strides = array<i32>} : memref<16x512xf32, #tpu.memory_space<vmem>>, vector<16xf32>,
        %parallel_loop3A_424 = arith.subf %parallel_loop3A_423, %parallel_loop3A_414 : vector<16xf32>
        %parallel_loop3A_425 = arith.mulf %parallel_loop3A_419, %parallel_loop3A_419 : vector<16xf32>
        %parallel_loop3A_426 = arith.mulf %parallel_loop3A_424, %parallel_loop3A_424 : vector<16xf32>
        %parallel_loop3A_427 = arith.addf %parallel_loop3A_425, %parallel_loop3A_426 : vector<16xf32>
        %parallel_loop3A_428 = arith.addf %parallel_loop3A_356, %parallel_loop3A_427 : vector<16xf32>
        %parallel_loop3A_429 = arith.constant 0.000000e+00 : f32
        %parallel_loop3A_430 = vector.broadcast %parallel_loop3A_429 : f32 to vector<16xf32>
        %parallel_loop3A_431 = arith.cmpf ogt, %parallel_loop3A_413, %parallel_loop3A_430 : vector<16xf32>
        %parallel_loop3A_432 = arith.constant 0.000000e+00 : f32
        %parallel_loop3A_433 = vector.broadcast %parallel_loop3A_432 : f32 to vector<16xf32>
        %parallel_loop3A_434 = arith.cmpf ogt, %parallel_loop3A_414, %parallel_loop3A_433 : vector<16xf32>
        %parallel_loop3A_435 = arith.constant 0.000000e+00 : f32
        %parallel_loop3A_436 = vector.broadcast %parallel_loop3A_435 : f32 to vector<16xf32>
        %parallel_loop3A_437 = arith.select %parallel_loop3A_431, %parallel_loop3A_425, %parallel_loop3A_436 : vector<16xi1>, vector<16xf32>
        %parallel_loop3A_438 = arith.addf %parallel_loop3A_354, %parallel_loop3A_437 : vector<16xf32>
        %parallel_loop3A_439 = arith.constant 0.000000e+00 : f32
        %parallel_loop3A_440 = vector.broadcast %parallel_loop3A_439 : f32 to vector<16xf32>
        %parallel_loop3A_441 = arith.select %parallel_loop3A_434, %parallel_loop3A_426, %parallel_loop3A_440 : vector<16xi1>, vector<16xf32>
        %parallel_loop3A_442 = arith.addf %parallel_loop3A_355, %parallel_loop3A_441 : vector<16xf32>
        %parallel_loop3A_443 = tpu.all_reduce %parallel_loop3A_431 {dim = 0 : i64, kind = #tpu.reduction_kind<sum>} : vector<16xi1> -> vector<16xi32>
        %parallel_loop3A_444 = arith.addi %parallel_loop3A_352, %parallel_loop3A_443 : vector<16xi32>
        %parallel_loop3A_445 = tpu.all_reduce %parallel_loop3A_434 {dim = 0 : i64, kind = #tpu.reduction_kind<sum>} : vector<16xi1> -> vector<16xi32>
        %parallel_loop3A_446 = arith.addi %parallel_loop3A_353, %parallel_loop3A_445 : vector<16xi32>
        %parallel_loop3A_447 = arith.constant 1 : i32
        %parallel_loop3A_448 = arith.addi %mul3A_4, %parallel_loop3A_447 : i32
        %parallel_loop3A_449 = arith.constant 1 : i32
        %parallel_loop3A_450 = arith.addi %parallel_loop3A_448, %parallel_loop3A_449 : i32
        %parallel_loop3A_451 = arith.constant 0 : i32
        %parallel_loop3A_452 = arith.constant 255 : i32
        %parallel_loop3A_453 = arith.maxsi %parallel_loop3A_451, %parallel_loop3A_450 : i32
        %parallel_loop3A_454 = arith.minsi %parallel_loop3A_452, %parallel_loop3A_453 : i32
        %parallel_loop3A_455 = arith.subi %parallel_loop3A_454, %multiple_of3A_7 : i32
        %parallel_loop3A_456 = vector.broadcast %parallel_loop3A_455 : i32 to vector<16xi32>
        %parallel_loop3A_457 = tpu.vector_load_idx %arg11[%parallel_loop3A_456, %parallel_loop3A_360] : memref<24x256xf32, #tpu.memory_space<vmem>>[vector<16xi32>, vector<16xi32>], vector<16xf32>,
        %parallel_loop3A_458 = arith.constant 1.875000e-01 : f32
        %parallel_loop3A_459 = vector.broadcast %parallel_loop3A_458 : f32 to vector<16xf32>
        %parallel_loop3A_460 = arith.mulf %parallel_loop3A_459, %parallel_loop3A_457 : vector<16xf32>
        %parallel_loop3A_461 = tpu.vector_load_idx %arg11[%parallel_loop3A_456, %parallel_loop3A_362] : memref<24x256xf32, #tpu.memory_space<vmem>>[vector<16xi32>, vector<16xi32>], vector<16xf32>,
        %parallel_loop3A_462 = arith.constant 6.250000e-02 : f32
        %parallel_loop3A_463 = vector.broadcast %parallel_loop3A_462 : f32 to vector<16xf32>
        %parallel_loop3A_464 = arith.mulf %parallel_loop3A_463, %parallel_loop3A_461 : vector<16xf32>
        %parallel_loop3A_465 = arith.addf %parallel_loop3A_460, %parallel_loop3A_464 : vector<16xf32>
        %parallel_loop3A_466 = arith.constant 3.000000e+00 : f32
        %parallel_loop3A_467 = vector.broadcast %parallel_loop3A_466 : f32 to vector<16xf32>
        %parallel_loop3A_468 = arith.mulf %parallel_loop3A_467, %parallel_loop3A_409 : vector<16xf32>
        %parallel_loop3A_469 = arith.addf %parallel_loop3A_468, %parallel_loop3A_390 : vector<16xf32>
        %parallel_loop3A_470 = arith.addf %parallel_loop3A_468, %parallel_loop3A_465 : vector<16xf32>
        %parallel_loop3A_471 = arith.constant 2 : i32
        %parallel_loop3A_472 = arith.index_cast %parallel_loop3A_471 : i32 to index
        %parallel_loop3A_473 = arith.index_cast %parallel_loop3A_358 : i32 to index
        %parallel_loop3A_474 = tpu.vector_load %arg7[%parallel_loop3A_472, %parallel_loop3A_473] {strides = array<i32>} : memref<16x512xf32, #tpu.memory_space<vmem>>, vector<16xf32>,
        %parallel_loop3A_475 = arith.subf %parallel_loop3A_474, %parallel_loop3A_469 : vector<16xf32>
        %parallel_loop3A_476 = arith.constant 3 : i32
        %parallel_loop3A_477 = arith.index_cast %parallel_loop3A_476 : i32 to index
        %parallel_loop3A_478 = arith.index_cast %parallel_loop3A_358 : i32 to index
        %parallel_loop3A_479 = tpu.vector_load %arg7[%parallel_loop3A_477, %parallel_loop3A_478] {strides = array<i32>} : memref<16x512xf32, #tpu.memory_space<vmem>>, vector<16xf32>,
        %parallel_loop3A_480 = arith.subf %parallel_loop3A_479, %parallel_loop3A_470 : vector<16xf32>
        %parallel_loop3A_481 = arith.mulf %parallel_loop3A_475, %parallel_loop3A_475 : vector<16xf32>
        %parallel_loop3A_482 = arith.mulf %parallel_loop3A_480, %parallel_loop3A_480 : vector<16xf32>
        %parallel_loop3A_483 = arith.addf %parallel_loop3A_481, %parallel_loop3A_482 : vector<16xf32>
        %parallel_loop3A_484 = arith.addf %parallel_loop3A_428, %parallel_loop3A_483 : vector<16xf32>
        %parallel_loop3A_485 = arith.constant 0.000000e+00 : f32
        %parallel_loop3A_486 = vector.broadcast %parallel_loop3A_485 : f32 to vector<16xf32>
        %parallel_loop3A_487 = arith.cmpf ogt, %parallel_loop3A_469, %parallel_loop3A_486 : vector<16xf32>
        %parallel_loop3A_488 = arith.constant 0.000000e+00 : f32
        %parallel_loop3A_489 = vector.broadcast %parallel_loop3A_488 : f32 to vector<16xf32>
        %parallel_loop3A_490 = arith.cmpf ogt, %parallel_loop3A_470, %parallel_loop3A_489 : vector<16xf32>
        %parallel_loop3A_491 = arith.constant 0.000000e+00 : f32
        %parallel_loop3A_492 = vector.broadcast %parallel_loop3A_491 : f32 to vector<16xf32>
        %parallel_loop3A_493 = arith.select %parallel_loop3A_487, %parallel_loop3A_481, %parallel_loop3A_492 : vector<16xi1>, vector<16xf32>
        %parallel_loop3A_494 = arith.addf %parallel_loop3A_438, %parallel_loop3A_493 : vector<16xf32>
        %parallel_loop3A_495 = arith.constant 0.000000e+00 : f32
        %parallel_loop3A_496 = vector.broadcast %parallel_loop3A_495 : f32 to vector<16xf32>
        %parallel_loop3A_497 = arith.select %parallel_loop3A_490, %parallel_loop3A_482, %parallel_loop3A_496 : vector<16xi1>, vector<16xf32>
        %parallel_loop3A_498 = arith.addf %parallel_loop3A_442, %parallel_loop3A_497 : vector<16xf32>
        %parallel_loop3A_499 = tpu.all_reduce %parallel_loop3A_487 {dim = 0 : i64, kind = #tpu.reduction_kind<sum>} : vector<16xi1> -> vector<16xi32>
        %parallel_loop3A_500 = arith.addi %parallel_loop3A_444, %parallel_loop3A_499 : vector<16xi32>
        %parallel_loop3A_501 = tpu.all_reduce %parallel_loop3A_490 {dim = 0 : i64, kind = #tpu.reduction_kind<sum>} : vector<16xi1> -> vector<16xi32>
        %parallel_loop3A_502 = arith.addi %parallel_loop3A_446, %parallel_loop3A_501 : vector<16xi32>
        %parallel_loop3A_503 = arith.constant 2 : i32
        %parallel_loop3A_504 = arith.addi %mul3A_4, %parallel_loop3A_503 : i32
        %parallel_loop3A_505 = arith.constant 1 : i32
        %parallel_loop3A_506 = arith.addi %parallel_loop3A_504, %parallel_loop3A_505 : i32
        %parallel_loop3A_507 = arith.constant 0 : i32
        %parallel_loop3A_508 = arith.constant 255 : i32
        %parallel_loop3A_509 = arith.maxsi %parallel_loop3A_507, %parallel_loop3A_506 : i32
        %parallel_loop3A_510 = arith.minsi %parallel_loop3A_508, %parallel_loop3A_509 : i32
        %parallel_loop3A_511 = arith.subi %parallel_loop3A_510, %multiple_of3A_7 : i32
        %parallel_loop3A_512 = vector.broadcast %parallel_loop3A_511 : i32 to vector<16xi32>
        %parallel_loop3A_513 = tpu.vector_load_idx %arg11[%parallel_loop3A_512, %parallel_loop3A_360] : memref<24x256xf32, #tpu.memory_space<vmem>>[vector<16xi32>, vector<16xi32>], vector<16xf32>,
        %parallel_loop3A_514 = arith.constant 1.875000e-01 : f32
        %parallel_loop3A_515 = vector.broadcast %parallel_loop3A_514 : f32 to vector<16xf32>
        %parallel_loop3A_516 = arith.mulf %parallel_loop3A_515, %parallel_loop3A_513 : vector<16xf32>
        %parallel_loop3A_517 = tpu.vector_load_idx %arg11[%parallel_loop3A_512, %parallel_loop3A_362] : memref<24x256xf32, #tpu.memory_space<vmem>>[vector<16xi32>, vector<16xi32>], vector<16xf32>,
        %parallel_loop3A_518 = arith.constant 6.250000e-02 : f32
        %parallel_loop3A_519 = vector.broadcast %parallel_loop3A_518 : f32 to vector<16xf32>
        %parallel_loop3A_520 = arith.mulf %parallel_loop3A_519, %parallel_loop3A_517 : vector<16xf32>
        %parallel_loop3A_521 = arith.addf %parallel_loop3A_516, %parallel_loop3A_520 : vector<16xf32>
        %parallel_loop3A_522 = arith.constant 3.000000e+00 : f32
        %parallel_loop3A_523 = vector.broadcast %parallel_loop3A_522 : f32 to vector<16xf32>
        %parallel_loop3A_524 = arith.mulf %parallel_loop3A_523, %parallel_loop3A_465 : vector<16xf32>
        %parallel_loop3A_525 = arith.addf %parallel_loop3A_524, %parallel_loop3A_409 : vector<16xf32>
        %parallel_loop3A_526 = arith.addf %parallel_loop3A_524, %parallel_loop3A_521 : vector<16xf32>
        %parallel_loop3A_527 = arith.constant 4 : i32
        %parallel_loop3A_528 = arith.index_cast %parallel_loop3A_527 : i32 to index
        %parallel_loop3A_529 = arith.index_cast %parallel_loop3A_358 : i32 to index
        %parallel_loop3A_530 = tpu.vector_load %arg7[%parallel_loop3A_528, %parallel_loop3A_529] {strides = array<i32>} : memref<16x512xf32, #tpu.memory_space<vmem>>, vector<16xf32>,
        %parallel_loop3A_531 = arith.subf %parallel_loop3A_530, %parallel_loop3A_525 : vector<16xf32>
        %parallel_loop3A_532 = arith.constant 5 : i32
        %parallel_loop3A_533 = arith.index_cast %parallel_loop3A_532 : i32 to index
        %parallel_loop3A_534 = arith.index_cast %parallel_loop3A_358 : i32 to index
        %parallel_loop3A_535 = tpu.vector_load %arg7[%parallel_loop3A_533, %parallel_loop3A_534] {strides = array<i32>} : memref<16x512xf32, #tpu.memory_space<vmem>>, vector<16xf32>,
        %parallel_loop3A_536 = arith.subf %parallel_loop3A_535, %parallel_loop3A_526 : vector<16xf32>
        %parallel_loop3A_537 = arith.mulf %parallel_loop3A_531, %parallel_loop3A_531 : vector<16xf32>
        %parallel_loop3A_538 = arith.mulf %parallel_loop3A_536, %parallel_loop3A_536 : vector<16xf32>
        %parallel_loop3A_539 = arith.addf %parallel_loop3A_537, %parallel_loop3A_538 : vector<16xf32>
        %parallel_loop3A_540 = arith.addf %parallel_loop3A_484, %parallel_loop3A_539 : vector<16xf32>
        %parallel_loop3A_541 = arith.constant 0.000000e+00 : f32
        %parallel_loop3A_542 = vector.broadcast %parallel_loop3A_541 : f32 to vector<16xf32>
        %parallel_loop3A_543 = arith.cmpf ogt, %parallel_loop3A_525, %parallel_loop3A_542 : vector<16xf32>
        %parallel_loop3A_544 = arith.constant 0.000000e+00 : f32
        %parallel_loop3A_545 = vector.broadcast %parallel_loop3A_544 : f32 to vector<16xf32>
        %parallel_loop3A_546 = arith.cmpf ogt, %parallel_loop3A_526, %parallel_loop3A_545 : vector<16xf32>
        %parallel_loop3A_547 = arith.constant 0.000000e+00 : f32
        %parallel_loop3A_548 = vector.broadcast %parallel_loop3A_547 : f32 to vector<16xf32>
        %parallel_loop3A_549 = arith.select %parallel_loop3A_543, %parallel_loop3A_537, %parallel_loop3A_548 : vector<16xi1>, vector<16xf32>
        %parallel_loop3A_550 = arith.addf %parallel_loop3A_494, %parallel_loop3A_549 : vector<16xf32>
        %parallel_loop3A_551 = arith.constant 0.000000e+00 : f32
        %parallel_loop3A_552 = vector.broadcast %parallel_loop3A_551 : f32 to vector<16xf32>
        %parallel_loop3A_553 = arith.select %parallel_loop3A_546, %parallel_loop3A_538, %parallel_loop3A_552 : vector<16xi1>, vector<16xf32>
        %parallel_loop3A_554 = arith.addf %parallel_loop3A_498, %parallel_loop3A_553 : vector<16xf32>
        %parallel_loop3A_555 = tpu.all_reduce %parallel_loop3A_543 {dim = 0 : i64, kind = #tpu.reduction_kind<sum>} : vector<16xi1> -> vector<16xi32>
        %parallel_loop3A_556 = arith.addi %parallel_loop3A_500, %parallel_loop3A_555 : vector<16xi32>
        %parallel_loop3A_557 = tpu.all_reduce %parallel_loop3A_546 {dim = 0 : i64, kind = #tpu.reduction_kind<sum>} : vector<16xi1> -> vector<16xi32>
        %parallel_loop3A_558 = arith.addi %parallel_loop3A_502, %parallel_loop3A_557 : vector<16xi32>
        %parallel_loop3A_559 = arith.constant 3 : i32
        %parallel_loop3A_560 = arith.addi %mul3A_4, %parallel_loop3A_559 : i32
        %parallel_loop3A_561 = arith.constant 1 : i32
        %parallel_loop3A_562 = arith.addi %parallel_loop3A_560, %parallel_loop3A_561 : i32
        %parallel_loop3A_563 = arith.constant 0 : i32
        %parallel_loop3A_564 = arith.constant 255 : i32
        %parallel_loop3A_565 = arith.maxsi %parallel_loop3A_563, %parallel_loop3A_562 : i32
        %parallel_loop3A_566 = arith.minsi %parallel_loop3A_564, %parallel_loop3A_565 : i32
        %parallel_loop3A_567 = arith.subi %parallel_loop3A_566, %multiple_of3A_7 : i32
        %parallel_loop3A_568 = vector.broadcast %parallel_loop3A_567 : i32 to vector<16xi32>
        %parallel_loop3A_569 = tpu.vector_load_idx %arg11[%parallel_loop3A_568, %parallel_loop3A_360] : memref<24x256xf32, #tpu.memory_space<vmem>>[vector<16xi32>, vector<16xi32>], vector<16xf32>,
        %parallel_loop3A_570 = arith.constant 1.875000e-01 : f32
        %parallel_loop3A_571 = vector.broadcast %parallel_loop3A_570 : f32 to vector<16xf32>
        %parallel_loop3A_572 = arith.mulf %parallel_loop3A_571, %parallel_loop3A_569 : vector<16xf32>
        %parallel_loop3A_573 = tpu.vector_load_idx %arg11[%parallel_loop3A_568, %parallel_loop3A_362] : memref<24x256xf32, #tpu.memory_space<vmem>>[vector<16xi32>, vector<16xi32>], vector<16xf32>,
        %parallel_loop3A_574 = arith.constant 6.250000e-02 : f32
        %parallel_loop3A_575 = vector.broadcast %parallel_loop3A_574 : f32 to vector<16xf32>
        %parallel_loop3A_576 = arith.mulf %parallel_loop3A_575, %parallel_loop3A_573 : vector<16xf32>
        %parallel_loop3A_577 = arith.addf %parallel_loop3A_572, %parallel_loop3A_576 : vector<16xf32>
        %parallel_loop3A_578 = arith.constant 3.000000e+00 : f32
        %parallel_loop3A_579 = vector.broadcast %parallel_loop3A_578 : f32 to vector<16xf32>
        %parallel_loop3A_580 = arith.mulf %parallel_loop3A_579, %parallel_loop3A_521 : vector<16xf32>
        %parallel_loop3A_581 = arith.addf %parallel_loop3A_580, %parallel_loop3A_465 : vector<16xf32>
        %parallel_loop3A_582 = arith.addf %parallel_loop3A_580, %parallel_loop3A_577 : vector<16xf32>
        %parallel_loop3A_583 = arith.constant 6 : i32
        %parallel_loop3A_584 = arith.index_cast %parallel_loop3A_583 : i32 to index
        %parallel_loop3A_585 = arith.index_cast %parallel_loop3A_358 : i32 to index
        %parallel_loop3A_586 = tpu.vector_load %arg7[%parallel_loop3A_584, %parallel_loop3A_585] {strides = array<i32>} : memref<16x512xf32, #tpu.memory_space<vmem>>, vector<16xf32>,
        %parallel_loop3A_587 = arith.subf %parallel_loop3A_586, %parallel_loop3A_581 : vector<16xf32>
        %parallel_loop3A_588 = arith.constant 7 : i32
        %parallel_loop3A_589 = arith.index_cast %parallel_loop3A_588 : i32 to index
        %parallel_loop3A_590 = arith.index_cast %parallel_loop3A_358 : i32 to index
        %parallel_loop3A_591 = tpu.vector_load %arg7[%parallel_loop3A_589, %parallel_loop3A_590] {strides = array<i32>} : memref<16x512xf32, #tpu.memory_space<vmem>>, vector<16xf32>,
        %parallel_loop3A_592 = arith.subf %parallel_loop3A_591, %parallel_loop3A_582 : vector<16xf32>
        %parallel_loop3A_593 = arith.mulf %parallel_loop3A_587, %parallel_loop3A_587 : vector<16xf32>
        %parallel_loop3A_594 = arith.mulf %parallel_loop3A_592, %parallel_loop3A_592 : vector<16xf32>
        %parallel_loop3A_595 = arith.addf %parallel_loop3A_593, %parallel_loop3A_594 : vector<16xf32>
        %parallel_loop3A_596 = arith.addf %parallel_loop3A_540, %parallel_loop3A_595 : vector<16xf32>
        %parallel_loop3A_597 = arith.constant 0.000000e+00 : f32
        %parallel_loop3A_598 = vector.broadcast %parallel_loop3A_597 : f32 to vector<16xf32>
        %parallel_loop3A_599 = arith.cmpf ogt, %parallel_loop3A_581, %parallel_loop3A_598 : vector<16xf32>
        %parallel_loop3A_600 = arith.constant 0.000000e+00 : f32
        %parallel_loop3A_601 = vector.broadcast %parallel_loop3A_600 : f32 to vector<16xf32>
        %parallel_loop3A_602 = arith.cmpf ogt, %parallel_loop3A_582, %parallel_loop3A_601 : vector<16xf32>
        %parallel_loop3A_603 = arith.constant 0.000000e+00 : f32
        %parallel_loop3A_604 = vector.broadcast %parallel_loop3A_603 : f32 to vector<16xf32>
        %parallel_loop3A_605 = arith.select %parallel_loop3A_599, %parallel_loop3A_593, %parallel_loop3A_604 : vector<16xi1>, vector<16xf32>
        %parallel_loop3A_606 = arith.addf %parallel_loop3A_550, %parallel_loop3A_605 : vector<16xf32>
        %parallel_loop3A_607 = arith.constant 0.000000e+00 : f32
        %parallel_loop3A_608 = vector.broadcast %parallel_loop3A_607 : f32 to vector<16xf32>
        %parallel_loop3A_609 = arith.select %parallel_loop3A_602, %parallel_loop3A_594, %parallel_loop3A_608 : vector<16xi1>, vector<16xf32>
        %parallel_loop3A_610 = arith.addf %parallel_loop3A_554, %parallel_loop3A_609 : vector<16xf32>
        %parallel_loop3A_611 = tpu.all_reduce %parallel_loop3A_599 {dim = 0 : i64, kind = #tpu.reduction_kind<sum>} : vector<16xi1> -> vector<16xi32>
        %parallel_loop3A_612 = arith.addi %parallel_loop3A_556, %parallel_loop3A_611 : vector<16xi32>
        %parallel_loop3A_613 = tpu.all_reduce %parallel_loop3A_602 {dim = 0 : i64, kind = #tpu.reduction_kind<sum>} : vector<16xi1> -> vector<16xi32>
        %parallel_loop3A_614 = arith.addi %parallel_loop3A_558, %parallel_loop3A_613 : vector<16xi32>
        %parallel_loop3A_615 = arith.constant 4 : i32
        %parallel_loop3A_616 = arith.addi %mul3A_4, %parallel_loop3A_615 : i32
        %parallel_loop3A_617 = arith.constant 1 : i32
        %parallel_loop3A_618 = arith.addi %parallel_loop3A_616, %parallel_loop3A_617 : i32
        %parallel_loop3A_619 = arith.constant 0 : i32
        %parallel_loop3A_620 = arith.constant 255 : i32
        %parallel_loop3A_621 = arith.maxsi %parallel_loop3A_619, %parallel_loop3A_618 : i32
        %parallel_loop3A_622 = arith.minsi %parallel_loop3A_620, %parallel_loop3A_621 : i32
        %parallel_loop3A_623 = arith.subi %parallel_loop3A_622, %multiple_of3A_7 : i32
        %parallel_loop3A_624 = vector.broadcast %parallel_loop3A_623 : i32 to vector<16xi32>
        %parallel_loop3A_625 = tpu.vector_load_idx %arg11[%parallel_loop3A_624, %parallel_loop3A_360] : memref<24x256xf32, #tpu.memory_space<vmem>>[vector<16xi32>, vector<16xi32>], vector<16xf32>,
        %parallel_loop3A_626 = arith.constant 1.875000e-01 : f32
        %parallel_loop3A_627 = vector.broadcast %parallel_loop3A_626 : f32 to vector<16xf32>
        %parallel_loop3A_628 = arith.mulf %parallel_loop3A_627, %parallel_loop3A_625 : vector<16xf32>
        %parallel_loop3A_629 = tpu.vector_load_idx %arg11[%parallel_loop3A_624, %parallel_loop3A_362] : memref<24x256xf32, #tpu.memory_space<vmem>>[vector<16xi32>, vector<16xi32>], vector<16xf32>,
        %parallel_loop3A_630 = arith.constant 6.250000e-02 : f32
        %parallel_loop3A_631 = vector.broadcast %parallel_loop3A_630 : f32 to vector<16xf32>
        %parallel_loop3A_632 = arith.mulf %parallel_loop3A_631, %parallel_loop3A_629 : vector<16xf32>
        %parallel_loop3A_633 = arith.addf %parallel_loop3A_628, %parallel_loop3A_632 : vector<16xf32>
        %parallel_loop3A_634 = arith.constant 3.000000e+00 : f32
        %parallel_loop3A_635 = vector.broadcast %parallel_loop3A_634 : f32 to vector<16xf32>
        %parallel_loop3A_636 = arith.mulf %parallel_loop3A_635, %parallel_loop3A_577 : vector<16xf32>
        %parallel_loop3A_637 = arith.addf %parallel_loop3A_636, %parallel_loop3A_521 : vector<16xf32>
        %parallel_loop3A_638 = arith.addf %parallel_loop3A_636, %parallel_loop3A_633 : vector<16xf32>
        %parallel_loop3A_639 = arith.constant 8 : i32
        %parallel_loop3A_640 = arith.index_cast %parallel_loop3A_639 : i32 to index
        %parallel_loop3A_641 = arith.index_cast %parallel_loop3A_358 : i32 to index
        %parallel_loop3A_642 = tpu.vector_load %arg7[%parallel_loop3A_640, %parallel_loop3A_641] {strides = array<i32>} : memref<16x512xf32, #tpu.memory_space<vmem>>, vector<16xf32>,
        %parallel_loop3A_643 = arith.subf %parallel_loop3A_642, %parallel_loop3A_637 : vector<16xf32>
        %parallel_loop3A_644 = arith.constant 9 : i32
        %parallel_loop3A_645 = arith.index_cast %parallel_loop3A_644 : i32 to index
        %parallel_loop3A_646 = arith.index_cast %parallel_loop3A_358 : i32 to index
        %parallel_loop3A_647 = tpu.vector_load %arg7[%parallel_loop3A_645, %parallel_loop3A_646] {strides = array<i32>} : memref<16x512xf32, #tpu.memory_space<vmem>>, vector<16xf32>,
        %parallel_loop3A_648 = arith.subf %parallel_loop3A_647, %parallel_loop3A_638 : vector<16xf32>
        %parallel_loop3A_649 = arith.mulf %parallel_loop3A_643, %parallel_loop3A_643 : vector<16xf32>
        %parallel_loop3A_650 = arith.mulf %parallel_loop3A_648, %parallel_loop3A_648 : vector<16xf32>
        %parallel_loop3A_651 = arith.addf %parallel_loop3A_649, %parallel_loop3A_650 : vector<16xf32>
        %parallel_loop3A_652 = arith.addf %parallel_loop3A_596, %parallel_loop3A_651 : vector<16xf32>
        %parallel_loop3A_653 = arith.constant 0.000000e+00 : f32
        %parallel_loop3A_654 = vector.broadcast %parallel_loop3A_653 : f32 to vector<16xf32>
        %parallel_loop3A_655 = arith.cmpf ogt, %parallel_loop3A_637, %parallel_loop3A_654 : vector<16xf32>
        %parallel_loop3A_656 = arith.constant 0.000000e+00 : f32
        %parallel_loop3A_657 = vector.broadcast %parallel_loop3A_656 : f32 to vector<16xf32>
        %parallel_loop3A_658 = arith.cmpf ogt, %parallel_loop3A_638, %parallel_loop3A_657 : vector<16xf32>
        %parallel_loop3A_659 = arith.constant 0.000000e+00 : f32
        %parallel_loop3A_660 = vector.broadcast %parallel_loop3A_659 : f32 to vector<16xf32>
        %parallel_loop3A_661 = arith.select %parallel_loop3A_655, %parallel_loop3A_649, %parallel_loop3A_660 : vector<16xi1>, vector<16xf32>
        %parallel_loop3A_662 = arith.addf %parallel_loop3A_606, %parallel_loop3A_661 : vector<16xf32>
        %parallel_loop3A_663 = arith.constant 0.000000e+00 : f32
        %parallel_loop3A_664 = vector.broadcast %parallel_loop3A_663 : f32 to vector<16xf32>
        %parallel_loop3A_665 = arith.select %parallel_loop3A_658, %parallel_loop3A_650, %parallel_loop3A_664 : vector<16xi1>, vector<16xf32>
        %parallel_loop3A_666 = arith.addf %parallel_loop3A_610, %parallel_loop3A_665 : vector<16xf32>
        %parallel_loop3A_667 = tpu.all_reduce %parallel_loop3A_655 {dim = 0 : i64, kind = #tpu.reduction_kind<sum>} : vector<16xi1> -> vector<16xi32>
        %parallel_loop3A_668 = arith.addi %parallel_loop3A_612, %parallel_loop3A_667 : vector<16xi32>
        %parallel_loop3A_669 = tpu.all_reduce %parallel_loop3A_658 {dim = 0 : i64, kind = #tpu.reduction_kind<sum>} : vector<16xi1> -> vector<16xi32>
        %parallel_loop3A_670 = arith.addi %parallel_loop3A_614, %parallel_loop3A_669 : vector<16xi32>
        %parallel_loop3A_671 = arith.constant 5 : i32
        %parallel_loop3A_672 = arith.addi %mul3A_4, %parallel_loop3A_671 : i32
        %parallel_loop3A_673 = arith.constant 1 : i32
        %parallel_loop3A_674 = arith.addi %parallel_loop3A_672, %parallel_loop3A_673 : i32
        %parallel_loop3A_675 = arith.constant 0 : i32
        %parallel_loop3A_676 = arith.constant 255 : i32
        %parallel_loop3A_677 = arith.maxsi %parallel_loop3A_675, %parallel_loop3A_674 : i32
        %parallel_loop3A_678 = arith.minsi %parallel_loop3A_676, %parallel_loop3A_677 : i32
        %parallel_loop3A_679 = arith.subi %parallel_loop3A_678, %multiple_of3A_7 : i32
        %parallel_loop3A_680 = vector.broadcast %parallel_loop3A_679 : i32 to vector<16xi32>
        %parallel_loop3A_681 = tpu.vector_load_idx %arg11[%parallel_loop3A_680, %parallel_loop3A_360] : memref<24x256xf32, #tpu.memory_space<vmem>>[vector<16xi32>, vector<16xi32>], vector<16xf32>,
        %parallel_loop3A_682 = arith.constant 1.875000e-01 : f32
        %parallel_loop3A_683 = vector.broadcast %parallel_loop3A_682 : f32 to vector<16xf32>
        %parallel_loop3A_684 = arith.mulf %parallel_loop3A_683, %parallel_loop3A_681 : vector<16xf32>
        %parallel_loop3A_685 = tpu.vector_load_idx %arg11[%parallel_loop3A_680, %parallel_loop3A_362] : memref<24x256xf32, #tpu.memory_space<vmem>>[vector<16xi32>, vector<16xi32>], vector<16xf32>,
        %parallel_loop3A_686 = arith.constant 6.250000e-02 : f32
        %parallel_loop3A_687 = vector.broadcast %parallel_loop3A_686 : f32 to vector<16xf32>
        %parallel_loop3A_688 = arith.mulf %parallel_loop3A_687, %parallel_loop3A_685 : vector<16xf32>
        %parallel_loop3A_689 = arith.addf %parallel_loop3A_684, %parallel_loop3A_688 : vector<16xf32>
        %parallel_loop3A_690 = arith.constant 3.000000e+00 : f32
        %parallel_loop3A_691 = vector.broadcast %parallel_loop3A_690 : f32 to vector<16xf32>
        %parallel_loop3A_692 = arith.mulf %parallel_loop3A_691, %parallel_loop3A_633 : vector<16xf32>
        %parallel_loop3A_693 = arith.addf %parallel_loop3A_692, %parallel_loop3A_577 : vector<16xf32>
        %parallel_loop3A_694 = arith.addf %parallel_loop3A_692, %parallel_loop3A_689 : vector<16xf32>
        %parallel_loop3A_695 = arith.constant 10 : i32
        %parallel_loop3A_696 = arith.index_cast %parallel_loop3A_695 : i32 to index
        %parallel_loop3A_697 = arith.index_cast %parallel_loop3A_358 : i32 to index
        %parallel_loop3A_698 = tpu.vector_load %arg7[%parallel_loop3A_696, %parallel_loop3A_697] {strides = array<i32>} : memref<16x512xf32, #tpu.memory_space<vmem>>, vector<16xf32>,
        %parallel_loop3A_699 = arith.subf %parallel_loop3A_698, %parallel_loop3A_693 : vector<16xf32>
        %parallel_loop3A_700 = arith.constant 11 : i32
        %parallel_loop3A_701 = arith.index_cast %parallel_loop3A_700 : i32 to index
        %parallel_loop3A_702 = arith.index_cast %parallel_loop3A_358 : i32 to index
        %parallel_loop3A_703 = tpu.vector_load %arg7[%parallel_loop3A_701, %parallel_loop3A_702] {strides = array<i32>} : memref<16x512xf32, #tpu.memory_space<vmem>>, vector<16xf32>,
        %parallel_loop3A_704 = arith.subf %parallel_loop3A_703, %parallel_loop3A_694 : vector<16xf32>
        %parallel_loop3A_705 = arith.mulf %parallel_loop3A_699, %parallel_loop3A_699 : vector<16xf32>
        %parallel_loop3A_706 = arith.mulf %parallel_loop3A_704, %parallel_loop3A_704 : vector<16xf32>
        %parallel_loop3A_707 = arith.addf %parallel_loop3A_705, %parallel_loop3A_706 : vector<16xf32>
        %parallel_loop3A_708 = arith.addf %parallel_loop3A_652, %parallel_loop3A_707 : vector<16xf32>
        %parallel_loop3A_709 = arith.constant 0.000000e+00 : f32
        %parallel_loop3A_710 = vector.broadcast %parallel_loop3A_709 : f32 to vector<16xf32>
        %parallel_loop3A_711 = arith.cmpf ogt, %parallel_loop3A_693, %parallel_loop3A_710 : vector<16xf32>
        %parallel_loop3A_712 = arith.constant 0.000000e+00 : f32
        %parallel_loop3A_713 = vector.broadcast %parallel_loop3A_712 : f32 to vector<16xf32>
        %parallel_loop3A_714 = arith.cmpf ogt, %parallel_loop3A_694, %parallel_loop3A_713 : vector<16xf32>
        %parallel_loop3A_715 = arith.constant 0.000000e+00 : f32
        %parallel_loop3A_716 = vector.broadcast %parallel_loop3A_715 : f32 to vector<16xf32>
        %parallel_loop3A_717 = arith.select %parallel_loop3A_711, %parallel_loop3A_705, %parallel_loop3A_716 : vector<16xi1>, vector<16xf32>
        %parallel_loop3A_718 = arith.addf %parallel_loop3A_662, %parallel_loop3A_717 : vector<16xf32>
        %parallel_loop3A_719 = arith.constant 0.000000e+00 : f32
        %parallel_loop3A_720 = vector.broadcast %parallel_loop3A_719 : f32 to vector<16xf32>
        %parallel_loop3A_721 = arith.select %parallel_loop3A_714, %parallel_loop3A_706, %parallel_loop3A_720 : vector<16xi1>, vector<16xf32>
        %parallel_loop3A_722 = arith.addf %parallel_loop3A_666, %parallel_loop3A_721 : vector<16xf32>
        %parallel_loop3A_723 = tpu.all_reduce %parallel_loop3A_711 {dim = 0 : i64, kind = #tpu.reduction_kind<sum>} : vector<16xi1> -> vector<16xi32>
        %parallel_loop3A_724 = arith.addi %parallel_loop3A_668, %parallel_loop3A_723 : vector<16xi32>
        %parallel_loop3A_725 = tpu.all_reduce %parallel_loop3A_714 {dim = 0 : i64, kind = #tpu.reduction_kind<sum>} : vector<16xi1> -> vector<16xi32>
        %parallel_loop3A_726 = arith.addi %parallel_loop3A_670, %parallel_loop3A_725 : vector<16xi32>
        %parallel_loop3A_727 = arith.constant 6 : i32
        %parallel_loop3A_728 = arith.addi %mul3A_4, %parallel_loop3A_727 : i32
        %parallel_loop3A_729 = arith.constant 1 : i32
        %parallel_loop3A_730 = arith.addi %parallel_loop3A_728, %parallel_loop3A_729 : i32
        %parallel_loop3A_731 = arith.constant 0 : i32
        %parallel_loop3A_732 = arith.constant 255 : i32
        %parallel_loop3A_733 = arith.maxsi %parallel_loop3A_731, %parallel_loop3A_730 : i32
        %parallel_loop3A_734 = arith.minsi %parallel_loop3A_732, %parallel_loop3A_733 : i32
        %parallel_loop3A_735 = arith.subi %parallel_loop3A_734, %multiple_of3A_7 : i32
        %parallel_loop3A_736 = vector.broadcast %parallel_loop3A_735 : i32 to vector<16xi32>
        %parallel_loop3A_737 = tpu.vector_load_idx %arg11[%parallel_loop3A_736, %parallel_loop3A_360] : memref<24x256xf32, #tpu.memory_space<vmem>>[vector<16xi32>, vector<16xi32>], vector<16xf32>,
        %parallel_loop3A_738 = arith.constant 1.875000e-01 : f32
        %parallel_loop3A_739 = vector.broadcast %parallel_loop3A_738 : f32 to vector<16xf32>
        %parallel_loop3A_740 = arith.mulf %parallel_loop3A_739, %parallel_loop3A_737 : vector<16xf32>
        %parallel_loop3A_741 = tpu.vector_load_idx %arg11[%parallel_loop3A_736, %parallel_loop3A_362] : memref<24x256xf32, #tpu.memory_space<vmem>>[vector<16xi32>, vector<16xi32>], vector<16xf32>,
        %parallel_loop3A_742 = arith.constant 6.250000e-02 : f32
        %parallel_loop3A_743 = vector.broadcast %parallel_loop3A_742 : f32 to vector<16xf32>
        %parallel_loop3A_744 = arith.mulf %parallel_loop3A_743, %parallel_loop3A_741 : vector<16xf32>
        %parallel_loop3A_745 = arith.addf %parallel_loop3A_740, %parallel_loop3A_744 : vector<16xf32>
        %parallel_loop3A_746 = arith.constant 3.000000e+00 : f32
        %parallel_loop3A_747 = vector.broadcast %parallel_loop3A_746 : f32 to vector<16xf32>
        %parallel_loop3A_748 = arith.mulf %parallel_loop3A_747, %parallel_loop3A_689 : vector<16xf32>
        %parallel_loop3A_749 = arith.addf %parallel_loop3A_748, %parallel_loop3A_633 : vector<16xf32>
        %parallel_loop3A_750 = arith.addf %parallel_loop3A_748, %parallel_loop3A_745 : vector<16xf32>
        %parallel_loop3A_751 = arith.constant 12 : i32
        %parallel_loop3A_752 = arith.index_cast %parallel_loop3A_751 : i32 to index
        %parallel_loop3A_753 = arith.index_cast %parallel_loop3A_358 : i32 to index
        %parallel_loop3A_754 = tpu.vector_load %arg7[%parallel_loop3A_752, %parallel_loop3A_753] {strides = array<i32>} : memref<16x512xf32, #tpu.memory_space<vmem>>, vector<16xf32>,
        %parallel_loop3A_755 = arith.subf %parallel_loop3A_754, %parallel_loop3A_749 : vector<16xf32>
        %parallel_loop3A_756 = arith.constant 13 : i32
        %parallel_loop3A_757 = arith.index_cast %parallel_loop3A_756 : i32 to index
        %parallel_loop3A_758 = arith.index_cast %parallel_loop3A_358 : i32 to index
        %parallel_loop3A_759 = tpu.vector_load %arg7[%parallel_loop3A_757, %parallel_loop3A_758] {strides = array<i32>} : memref<16x512xf32, #tpu.memory_space<vmem>>, vector<16xf32>,
        %parallel_loop3A_760 = arith.subf %parallel_loop3A_759, %parallel_loop3A_750 : vector<16xf32>
        %parallel_loop3A_761 = arith.mulf %parallel_loop3A_755, %parallel_loop3A_755 : vector<16xf32>
        %parallel_loop3A_762 = arith.mulf %parallel_loop3A_760, %parallel_loop3A_760 : vector<16xf32>
        %parallel_loop3A_763 = arith.addf %parallel_loop3A_761, %parallel_loop3A_762 : vector<16xf32>
        %parallel_loop3A_764 = arith.addf %parallel_loop3A_708, %parallel_loop3A_763 : vector<16xf32>
        %parallel_loop3A_765 = arith.constant 0.000000e+00 : f32
        %parallel_loop3A_766 = vector.broadcast %parallel_loop3A_765 : f32 to vector<16xf32>
        %parallel_loop3A_767 = arith.cmpf ogt, %parallel_loop3A_749, %parallel_loop3A_766 : vector<16xf32>
        %parallel_loop3A_768 = arith.constant 0.000000e+00 : f32
        %parallel_loop3A_769 = vector.broadcast %parallel_loop3A_768 : f32 to vector<16xf32>
        %parallel_loop3A_770 = arith.cmpf ogt, %parallel_loop3A_750, %parallel_loop3A_769 : vector<16xf32>
        %parallel_loop3A_771 = arith.constant 0.000000e+00 : f32
        %parallel_loop3A_772 = vector.broadcast %parallel_loop3A_771 : f32 to vector<16xf32>
        %parallel_loop3A_773 = arith.select %parallel_loop3A_767, %parallel_loop3A_761, %parallel_loop3A_772 : vector<16xi1>, vector<16xf32>
        %parallel_loop3A_774 = arith.addf %parallel_loop3A_718, %parallel_loop3A_773 : vector<16xf32>
        %parallel_loop3A_775 = arith.constant 0.000000e+00 : f32
        %parallel_loop3A_776 = vector.broadcast %parallel_loop3A_775 : f32 to vector<16xf32>
        %parallel_loop3A_777 = arith.select %parallel_loop3A_770, %parallel_loop3A_762, %parallel_loop3A_776 : vector<16xi1>, vector<16xf32>
        %parallel_loop3A_778 = arith.addf %parallel_loop3A_722, %parallel_loop3A_777 : vector<16xf32>
        %parallel_loop3A_779 = tpu.all_reduce %parallel_loop3A_767 {dim = 0 : i64, kind = #tpu.reduction_kind<sum>} : vector<16xi1> -> vector<16xi32>
        %parallel_loop3A_780 = arith.addi %parallel_loop3A_724, %parallel_loop3A_779 : vector<16xi32>
        %parallel_loop3A_781 = tpu.all_reduce %parallel_loop3A_770 {dim = 0 : i64, kind = #tpu.reduction_kind<sum>} : vector<16xi1> -> vector<16xi32>
        %parallel_loop3A_782 = arith.addi %parallel_loop3A_726, %parallel_loop3A_781 : vector<16xi32>
        %parallel_loop3A_783 = arith.constant 7 : i32
        %parallel_loop3A_784 = arith.addi %mul3A_4, %parallel_loop3A_783 : i32
        %parallel_loop3A_785 = arith.constant 1 : i32
        %parallel_loop3A_786 = arith.addi %parallel_loop3A_784, %parallel_loop3A_785 : i32
        %parallel_loop3A_787 = arith.constant 0 : i32
        %parallel_loop3A_788 = arith.constant 255 : i32
        %parallel_loop3A_789 = arith.maxsi %parallel_loop3A_787, %parallel_loop3A_786 : i32
        %parallel_loop3A_790 = arith.minsi %parallel_loop3A_788, %parallel_loop3A_789 : i32
        %parallel_loop3A_791 = arith.subi %parallel_loop3A_790, %multiple_of3A_7 : i32
        %parallel_loop3A_792 = vector.broadcast %parallel_loop3A_791 : i32 to vector<16xi32>
        %parallel_loop3A_793 = tpu.vector_load_idx %arg11[%parallel_loop3A_792, %parallel_loop3A_360] : memref<24x256xf32, #tpu.memory_space<vmem>>[vector<16xi32>, vector<16xi32>], vector<16xf32>,
        %parallel_loop3A_794 = arith.constant 1.875000e-01 : f32
        %parallel_loop3A_795 = vector.broadcast %parallel_loop3A_794 : f32 to vector<16xf32>
        %parallel_loop3A_796 = arith.mulf %parallel_loop3A_795, %parallel_loop3A_793 : vector<16xf32>
        %parallel_loop3A_797 = tpu.vector_load_idx %arg11[%parallel_loop3A_792, %parallel_loop3A_362] : memref<24x256xf32, #tpu.memory_space<vmem>>[vector<16xi32>, vector<16xi32>], vector<16xf32>,
        %parallel_loop3A_798 = arith.constant 6.250000e-02 : f32
        %parallel_loop3A_799 = vector.broadcast %parallel_loop3A_798 : f32 to vector<16xf32>
        %parallel_loop3A_800 = arith.mulf %parallel_loop3A_799, %parallel_loop3A_797 : vector<16xf32>
        %parallel_loop3A_801 = arith.addf %parallel_loop3A_796, %parallel_loop3A_800 : vector<16xf32>
        %parallel_loop3A_802 = arith.constant 3.000000e+00 : f32
        %parallel_loop3A_803 = vector.broadcast %parallel_loop3A_802 : f32 to vector<16xf32>
        %parallel_loop3A_804 = arith.mulf %parallel_loop3A_803, %parallel_loop3A_745 : vector<16xf32>
        %parallel_loop3A_805 = arith.addf %parallel_loop3A_804, %parallel_loop3A_689 : vector<16xf32>
        %parallel_loop3A_806 = arith.addf %parallel_loop3A_804, %parallel_loop3A_801 : vector<16xf32>
        %parallel_loop3A_807 = arith.constant 14 : i32
        %parallel_loop3A_808 = arith.index_cast %parallel_loop3A_807 : i32 to index
        %parallel_loop3A_809 = arith.index_cast %parallel_loop3A_358 : i32 to index
        %parallel_loop3A_810 = tpu.vector_load %arg7[%parallel_loop3A_808, %parallel_loop3A_809] {strides = array<i32>} : memref<16x512xf32, #tpu.memory_space<vmem>>, vector<16xf32>,
        %parallel_loop3A_811 = arith.subf %parallel_loop3A_810, %parallel_loop3A_805 : vector<16xf32>
        %parallel_loop3A_812 = arith.constant 15 : i32
        %parallel_loop3A_813 = arith.index_cast %parallel_loop3A_812 : i32 to index
        %parallel_loop3A_814 = arith.index_cast %parallel_loop3A_358 : i32 to index
        %parallel_loop3A_815 = tpu.vector_load %arg7[%parallel_loop3A_813, %parallel_loop3A_814] {strides = array<i32>} : memref<16x512xf32, #tpu.memory_space<vmem>>, vector<16xf32>,
        %parallel_loop3A_816 = arith.subf %parallel_loop3A_815, %parallel_loop3A_806 : vector<16xf32>
        %parallel_loop3A_817 = arith.mulf %parallel_loop3A_811, %parallel_loop3A_811 : vector<16xf32>
        %parallel_loop3A_818 = arith.mulf %parallel_loop3A_816, %parallel_loop3A_816 : vector<16xf32>
        %parallel_loop3A_819 = arith.addf %parallel_loop3A_817, %parallel_loop3A_818 : vector<16xf32>
        %parallel_loop3A_820 = arith.addf %parallel_loop3A_764, %parallel_loop3A_819 : vector<16xf32>
        %parallel_loop3A_821 = arith.constant 0.000000e+00 : f32
        %parallel_loop3A_822 = vector.broadcast %parallel_loop3A_821 : f32 to vector<16xf32>
        %parallel_loop3A_823 = arith.cmpf ogt, %parallel_loop3A_805, %parallel_loop3A_822 : vector<16xf32>
        %parallel_loop3A_824 = arith.constant 0.000000e+00 : f32
        %parallel_loop3A_825 = vector.broadcast %parallel_loop3A_824 : f32 to vector<16xf32>
        %parallel_loop3A_826 = arith.cmpf ogt, %parallel_loop3A_806, %parallel_loop3A_825 : vector<16xf32>
        %parallel_loop3A_827 = arith.constant 0.000000e+00 : f32
        %parallel_loop3A_828 = vector.broadcast %parallel_loop3A_827 : f32 to vector<16xf32>
        %parallel_loop3A_829 = arith.select %parallel_loop3A_823, %parallel_loop3A_817, %parallel_loop3A_828 : vector<16xi1>, vector<16xf32>
        %parallel_loop3A_830 = arith.addf %parallel_loop3A_774, %parallel_loop3A_829 : vector<16xf32>
        %parallel_loop3A_831 = arith.constant 0.000000e+00 : f32
        %parallel_loop3A_832 = vector.broadcast %parallel_loop3A_831 : f32 to vector<16xf32>
        %parallel_loop3A_833 = arith.select %parallel_loop3A_826, %parallel_loop3A_818, %parallel_loop3A_832 : vector<16xi1>, vector<16xf32>
        %parallel_loop3A_834 = arith.addf %parallel_loop3A_778, %parallel_loop3A_833 : vector<16xf32>
        %parallel_loop3A_835 = tpu.all_reduce %parallel_loop3A_823 {dim = 0 : i64, kind = #tpu.reduction_kind<sum>} : vector<16xi1> -> vector<16xi32>
        %parallel_loop3A_836 = arith.addi %parallel_loop3A_780, %parallel_loop3A_835 : vector<16xi32>
        %parallel_loop3A_837 = tpu.all_reduce %parallel_loop3A_826 {dim = 0 : i64, kind = #tpu.reduction_kind<sum>} : vector<16xi1> -> vector<16xi32>
        %parallel_loop3A_838 = arith.addi %parallel_loop3A_782, %parallel_loop3A_837 : vector<16xi32>
        scf.yield %parallel_loop3A_836, %parallel_loop3A_838, %parallel_loop3A_830, %parallel_loop3A_834, %parallel_loop3A_820 : vector<16xi32>, vector<16xi32>, vector<16xf32>, vector<16xf32>, vector<16xf32>
      } {sc.loop_unroll_factor = 1 : i64, sc.parallel_access}
      %reduce_sum3A_172 = arith.constant true
      %reduce_sum3A_173 = vector.broadcast %reduce_sum3A_172 : i1 to vector<16xi1>
      %reduce_sum3A_174 = tpu.scan <sum>, %parallel_loop3A_171#0 masked %reduce_sum3A_173 : vector<16xi32>, vector<16xi1> -> vector<16xi32>
      %reduce_sum3A_175 = vector.extract %reduce_sum3A_174[15] : i32 from vector<16xi32>
      %reduce_sum3A_176 = arith.constant true
      %reduce_sum3A_177 = vector.broadcast %reduce_sum3A_176 : i1 to vector<16xi1>
      %reduce_sum3A_178 = tpu.scan <sum>, %parallel_loop3A_171#1 masked %reduce_sum3A_177 : vector<16xi32>, vector<16xi1> -> vector<16xi32>
      %reduce_sum3A_179 = vector.extract %reduce_sum3A_178[15] : i32 from vector<16xi32>
      %add3A_180 = arith.addi %reduce_sum3A_175, %reduce_sum3A_179 : i32
      %convert_element_type3A_181 = arith.sitofp %add3A_180 : i32 to f32
      %mul3A_182 = arith.constant 6.250000e-02 : f32
      %mul3A_183 = arith.mulf %convert_element_type3A_181, %mul3A_182 : f32
      %add3A_184 = arith.addf %parallel_loop3A_171#2, %parallel_loop3A_171#3 : vector<16xf32>
      %reduce_sum3A_185 = arith.constant true
      %reduce_sum3A_186 = vector.broadcast %reduce_sum3A_185 : i1 to vector<16xi1>
      %reduce_sum3A_187 = tpu.scan <sum>, %add3A_184 masked %reduce_sum3A_186 : vector<16xf32>, vector<16xi1> -> vector<16xf32>
      %reduce_sum3A_188 = vector.extract %reduce_sum3A_187[15] : f32 from vector<16xf32>
      %reduce_sum3A_189 = arith.constant true
      %reduce_sum3A_190 = vector.broadcast %reduce_sum3A_189 : i1 to vector<16xi1>
      %reduce_sum3A_191 = tpu.scan <sum>, %parallel_loop3A_171#4 masked %reduce_sum3A_190 : vector<16xf32>, vector<16xi1> -> vector<16xf32>
      %reduce_sum3A_192 = vector.extract %reduce_sum3A_191[15] : f32 from vector<16xf32>
      %mul3A_193 = arith.constant 2 : i32
      %mul3A_194 = arith.muli %mul3A_61, %mul3A_193 : i32
      %add3A_195 = arith.constant 1 : i32
      %add3A_196 = arith.addi %mul3A_194, %add3A_195 : i32
      %eq3A_197 = vector.broadcast %add3A_196 : i32 to vector<16xi32>
      %eq3A_198 = arith.cmpi eq, %iota3A, %eq3A_197 : vector<16xi32>
      %jit3A_199 = arith.constant 0.000000e+00 : f32
      %broadcast_in_dim3A_200 = vector.broadcast %mul3A_183 : f32 to vector<16xf32>
      %broadcast_in_dim3A_201 = vector.broadcast %jit3A_199 : f32 to vector<16xf32>
      %select_n3A_202 = arith.select %eq3A_198, %broadcast_in_dim3A_200, %broadcast_in_dim3A_201 : vector<16xi1>, vector<16xf32>
      %add3A_203 = arith.addf %add3A_153, %select_n3A_202 : vector<16xf32>
      %jit3A_204 = arith.constant 0.000000e+00 : f32
      %broadcast_in_dim3A_205 = vector.broadcast %reduce_sum3A_188 : f32 to vector<16xf32>
      %broadcast_in_dim3A_206 = vector.broadcast %jit3A_204 : f32 to vector<16xf32>
      %select_n3A_207 = arith.select %eq3A_198, %broadcast_in_dim3A_205, %broadcast_in_dim3A_206 : vector<16xi1>, vector<16xf32>
      %add3A_208 = arith.addf %add3A_158, %select_n3A_207 : vector<16xf32>
      %jit3A_209 = arith.constant 0.000000e+00 : f32
      %broadcast_in_dim3A_210 = vector.broadcast %reduce_sum3A_192 : f32 to vector<16xf32>
      %broadcast_in_dim3A_211 = vector.broadcast %jit3A_209 : f32 to vector<16xf32>
      %select_n3A_212 = arith.select %eq3A_198, %broadcast_in_dim3A_210, %broadcast_in_dim3A_211 : vector<16xi1>, vector<16xf32>
      %add3A_213 = arith.addf %add3A_163, %select_n3A_212 : vector<16xf32>
      %add3A_214 = arith.constant 1 : i32
      %add3A_215 = arith.addi %mul3A_61, %add3A_214 : i32
      %dma_wait3A_216 = arith.constant 0 : i32
      %dma_wait3A_217 = arith.constant 0 : i32
      %dma_wait3A_218 = tpu.memref_slice %arg2[%add3A_215, %dma_wait3A_216, %multiple_of3A, %dma_wait3A_217] : memref<8x2x512x512xf32, #tpu.memory_space<hbm>> -> memref<1x1x16x512xf32, #tpu.memory_space<hbm>>
      %dma_wait3A_219 = tpu.memref_squeeze %dma_wait3A_218 : memref<1x1x16x512xf32, #tpu.memory_space<hbm>> -> memref<16x512xf32, #tpu.memory_space<hbm>>
      %dma_wait3A_220 = arith.constant 0 : i32
      %dma_wait3A_221 = tpu.memref_slice %arg2[%add3A_215, %dma_wait3A_216, %multiple_of3A, %dma_wait3A_220] : memref<8x2x512x512xf32, #tpu.memory_space<hbm>> -> memref<1x1x16x512xf32, #tpu.memory_space<hbm>>
      %dma_wait3A_222 = tpu.memref_squeeze %dma_wait3A_221 : memref<1x1x16x512xf32, #tpu.memory_space<hbm>> -> memref<16x512xf32, #tpu.memory_space<hbm>>
      tpu.wait_dma2 semaphore(%arg18 : memref<!tpu.dma_semaphore, #tpu.memory_space<semaphore_mem>>) src(%dma_wait3A_222 : memref<16x512xf32, #tpu.memory_space<hbm>>) dst(%arg8 : memref<16x512xf32, #tpu.memory_space<vmem>>)
      %dma_wait3A_223 = arith.constant 1 : i32
      %dma_wait3A_224 = arith.constant 0 : i32
      %dma_wait3A_225 = tpu.memref_slice %arg2[%add3A_215, %dma_wait3A_223, %multiple_of3A, %dma_wait3A_224] : memref<8x2x512x512xf32, #tpu.memory_space<hbm>> -> memref<1x1x16x512xf32, #tpu.memory_space<hbm>>
      %dma_wait3A_226 = tpu.memref_squeeze %dma_wait3A_225 : memref<1x1x16x512xf32, #tpu.memory_space<hbm>> -> memref<16x512xf32, #tpu.memory_space<hbm>>
      %dma_wait3A_227 = arith.constant 0 : i32
      %dma_wait3A_228 = tpu.memref_slice %arg2[%add3A_215, %dma_wait3A_223, %multiple_of3A, %dma_wait3A_227] : memref<8x2x512x512xf32, #tpu.memory_space<hbm>> -> memref<1x1x16x512xf32, #tpu.memory_space<hbm>>
      %dma_wait3A_229 = tpu.memref_squeeze %dma_wait3A_228 : memref<1x1x16x512xf32, #tpu.memory_space<hbm>> -> memref<16x512xf32, #tpu.memory_space<hbm>>
      tpu.wait_dma2 semaphore(%arg18 : memref<!tpu.dma_semaphore, #tpu.memory_space<semaphore_mem>>) src(%dma_wait3A_229 : memref<16x512xf32, #tpu.memory_space<hbm>>) dst(%arg9 : memref<16x512xf32, #tpu.memory_space<vmem>>)
      %dma_wait3A_230 = arith.constant 0 : i32
      %dma_wait3A_231 = arith.constant 0 : i32
      %dma_wait3A_232 = tpu.memref_slice %arg3[%add3A_215, %dma_wait3A_230, %multiple_of3A_7, %dma_wait3A_231] : memref<8x1x256x256xf32, #tpu.memory_space<hbm>> -> memref<1x1x24x256xf32, #tpu.memory_space<hbm>>
      %dma_wait3A_233 = tpu.memref_squeeze %dma_wait3A_232 : memref<1x1x24x256xf32, #tpu.memory_space<hbm>> -> memref<24x256xf32, #tpu.memory_space<hbm>>
      %dma_wait3A_234 = arith.constant 0 : i32
      %dma_wait3A_235 = tpu.memref_slice %arg3[%add3A_215, %dma_wait3A_230, %multiple_of3A_7, %dma_wait3A_234] : memref<8x1x256x256xf32, #tpu.memory_space<hbm>> -> memref<1x1x24x256xf32, #tpu.memory_space<hbm>>
      %dma_wait3A_236 = tpu.memref_squeeze %dma_wait3A_235 : memref<1x1x24x256xf32, #tpu.memory_space<hbm>> -> memref<24x256xf32, #tpu.memory_space<hbm>>
      tpu.wait_dma2 semaphore(%arg18 : memref<!tpu.dma_semaphore, #tpu.memory_space<semaphore_mem>>) src(%dma_wait3A_236 : memref<24x256xf32, #tpu.memory_space<hbm>>) dst(%arg12 : memref<24x256xf32, #tpu.memory_space<vmem>>)
      %dma_wait3A_237 = arith.constant 0 : i32
      %dma_wait3A_238 = arith.constant 0 : i32
      %dma_wait3A_239 = tpu.memref_slice %arg4[%add3A_215, %dma_wait3A_237, %multiple_of3A_7, %dma_wait3A_238] : memref<8x1x256x256xf32, #tpu.memory_space<hbm>> -> memref<1x1x24x256xf32, #tpu.memory_space<hbm>>
      %dma_wait3A_240 = tpu.memref_squeeze %dma_wait3A_239 : memref<1x1x24x256xf32, #tpu.memory_space<hbm>> -> memref<24x256xf32, #tpu.memory_space<hbm>>
      %dma_wait3A_241 = arith.constant 0 : i32
      %dma_wait3A_242 = tpu.memref_slice %arg4[%add3A_215, %dma_wait3A_237, %multiple_of3A_7, %dma_wait3A_241] : memref<8x1x256x256xf32, #tpu.memory_space<hbm>> -> memref<1x1x24x256xf32, #tpu.memory_space<hbm>>
      %dma_wait3A_243 = tpu.memref_squeeze %dma_wait3A_242 : memref<1x1x24x256xf32, #tpu.memory_space<hbm>> -> memref<24x256xf32, #tpu.memory_space<hbm>>
      tpu.wait_dma2 semaphore(%arg18 : memref<!tpu.dma_semaphore, #tpu.memory_space<semaphore_mem>>) src(%dma_wait3A_243 : memref<24x256xf32, #tpu.memory_space<hbm>>) dst(%arg13 : memref<24x256xf32, #tpu.memory_space<vmem>>)
      %lt3A = arith.constant 3 : i32
      %lt3A_244 = arith.cmpi slt, %scan3A_56, %lt3A : i32
      %convert_element_type3A_245 = arith.extui %lt3A_244 : i1 to i32
      %cond3A = arith.constant 0 : i32
      %cond3A_246 = arith.cmpi ne, %convert_element_type3A_245, %cond3A : i32
      scf.if %cond3A_246 {
        %add3A_351 = arith.constant 2 : i32
        %add3A_352 = arith.addi %mul3A_61, %add3A_351 : i32
        %dma_start3A_353 = arith.constant 0 : i32
        %dma_start3A_354 = arith.constant 0 : i32
        %dma_start3A_355 = tpu.memref_slice %arg2[%add3A_352, %dma_start3A_353, %multiple_of3A, %dma_start3A_354] : memref<8x2x512x512xf32, #tpu.memory_space<hbm>> -> memref<1x1x16x512xf32, #tpu.memory_space<hbm>>
        %dma_start3A_356 = tpu.memref_squeeze %dma_start3A_355 : memref<1x1x16x512xf32, #tpu.memory_space<hbm>> -> memref<16x512xf32, #tpu.memory_space<hbm>>
        %dma_start3A_357 = arith.constant 0 : i32
        %dma_start3A_358 = tpu.memref_slice %arg2[%add3A_352, %dma_start3A_353, %multiple_of3A, %dma_start3A_357] : memref<8x2x512x512xf32, #tpu.memory_space<hbm>> -> memref<1x1x16x512xf32, #tpu.memory_space<hbm>>
        %dma_start3A_359 = tpu.memref_squeeze %dma_start3A_358 : memref<1x1x16x512xf32, #tpu.memory_space<hbm>> -> memref<16x512xf32, #tpu.memory_space<hbm>>
        tpu.enqueue_dma source(%dma_start3A_359 : memref<16x512xf32, #tpu.memory_space<hbm>>) target(%arg6 : memref<16x512xf32, #tpu.memory_space<vmem>>) target_semaphore(%arg17 : memref<!tpu.dma_semaphore, #tpu.memory_space<semaphore_mem>>)
        %dma_start3A_360 = arith.constant 1 : i32
        %dma_start3A_361 = arith.constant 0 : i32
        %dma_start3A_362 = tpu.memref_slice %arg2[%add3A_352, %dma_start3A_360, %multiple_of3A, %dma_start3A_361] : memref<8x2x512x512xf32, #tpu.memory_space<hbm>> -> memref<1x1x16x512xf32, #tpu.memory_space<hbm>>
        %dma_start3A_363 = tpu.memref_squeeze %dma_start3A_362 : memref<1x1x16x512xf32, #tpu.memory_space<hbm>> -> memref<16x512xf32, #tpu.memory_space<hbm>>
        %dma_start3A_364 = arith.constant 0 : i32
        %dma_start3A_365 = tpu.memref_slice %arg2[%add3A_352, %dma_start3A_360, %multiple_of3A, %dma_start3A_364] : memref<8x2x512x512xf32, #tpu.memory_space<hbm>> -> memref<1x1x16x512xf32, #tpu.memory_space<hbm>>
        %dma_start3A_366 = tpu.memref_squeeze %dma_start3A_365 : memref<1x1x16x512xf32, #tpu.memory_space<hbm>> -> memref<16x512xf32, #tpu.memory_space<hbm>>
        tpu.enqueue_dma source(%dma_start3A_366 : memref<16x512xf32, #tpu.memory_space<hbm>>) target(%arg7 : memref<16x512xf32, #tpu.memory_space<vmem>>) target_semaphore(%arg17 : memref<!tpu.dma_semaphore, #tpu.memory_space<semaphore_mem>>)
        %dma_start3A_367 = arith.constant 0 : i32
        %dma_start3A_368 = arith.constant 0 : i32
        %dma_start3A_369 = tpu.memref_slice %arg3[%add3A_352, %dma_start3A_367, %multiple_of3A_7, %dma_start3A_368] : memref<8x1x256x256xf32, #tpu.memory_space<hbm>> -> memref<1x1x24x256xf32, #tpu.memory_space<hbm>>
        %dma_start3A_370 = tpu.memref_squeeze %dma_start3A_369 : memref<1x1x24x256xf32, #tpu.memory_space<hbm>> -> memref<24x256xf32, #tpu.memory_space<hbm>>
        %dma_start3A_371 = arith.constant 0 : i32
        %dma_start3A_372 = tpu.memref_slice %arg3[%add3A_352, %dma_start3A_367, %multiple_of3A_7, %dma_start3A_371] : memref<8x1x256x256xf32, #tpu.memory_space<hbm>> -> memref<1x1x24x256xf32, #tpu.memory_space<hbm>>
        %dma_start3A_373 = tpu.memref_squeeze %dma_start3A_372 : memref<1x1x24x256xf32, #tpu.memory_space<hbm>> -> memref<24x256xf32, #tpu.memory_space<hbm>>
        tpu.enqueue_dma source(%dma_start3A_373 : memref<24x256xf32, #tpu.memory_space<hbm>>) target(%arg10 : memref<24x256xf32, #tpu.memory_space<vmem>>) target_semaphore(%arg17 : memref<!tpu.dma_semaphore, #tpu.memory_space<semaphore_mem>>)
        %dma_start3A_374 = arith.constant 0 : i32
        %dma_start3A_375 = arith.constant 0 : i32
        %dma_start3A_376 = tpu.memref_slice %arg4[%add3A_352, %dma_start3A_374, %multiple_of3A_7, %dma_start3A_375] : memref<8x1x256x256xf32, #tpu.memory_space<hbm>> -> memref<1x1x24x256xf32, #tpu.memory_space<hbm>>
        %dma_start3A_377 = tpu.memref_squeeze %dma_start3A_376 : memref<1x1x24x256xf32, #tpu.memory_space<hbm>> -> memref<24x256xf32, #tpu.memory_space<hbm>>
        %dma_start3A_378 = arith.constant 0 : i32
        %dma_start3A_379 = tpu.memref_slice %arg4[%add3A_352, %dma_start3A_374, %multiple_of3A_7, %dma_start3A_378] : memref<8x1x256x256xf32, #tpu.memory_space<hbm>> -> memref<1x1x24x256xf32, #tpu.memory_space<hbm>>
        %dma_start3A_380 = tpu.memref_squeeze %dma_start3A_379 : memref<1x1x24x256xf32, #tpu.memory_space<hbm>> -> memref<24x256xf32, #tpu.memory_space<hbm>>
        tpu.enqueue_dma source(%dma_start3A_380 : memref<24x256xf32, #tpu.memory_space<hbm>>) target(%arg11 : memref<24x256xf32, #tpu.memory_space<vmem>>) target_semaphore(%arg17 : memref<!tpu.dma_semaphore, #tpu.memory_space<semaphore_mem>>)
      } else {
      }
      %add3A_247 = arith.constant 1 : i32
      %add3A_248 = arith.addi %mul3A_61, %add3A_247 : i32
      %broadcast_in_dim3A_249 = arith.constant 0.000000e+00 : f32
      %broadcast_in_dim3A_250 = vector.broadcast %broadcast_in_dim3A_249 : f32 to vector<16xf32>
      %broadcast_in_dim3A_251 = arith.constant 0 : i32
      %broadcast_in_dim3A_252 = vector.broadcast %broadcast_in_dim3A_251 : i32 to vector<16xi32>
      %parallel_loop3A_253 = arith.constant 0 : i32
      %parallel_loop3A_254 = arith.constant 32 : i32
      %parallel_loop3A_255 = arith.constant 1 : i32
      %parallel_loop3A_256:5 = scf.for %parallel_loop3A_351 = %parallel_loop3A_253 to %parallel_loop3A_254 step %parallel_loop3A_255 iter_args(%parallel_loop3A_352 = %broadcast_in_dim3A_252, %parallel_loop3A_353 = %broadcast_in_dim3A_252, %parallel_loop3A_354 = %broadcast_in_dim3A_250, %parallel_loop3A_355 = %broadcast_in_dim3A_250, %parallel_loop3A_356 = %broadcast_in_dim3A_250) -> (vector<16xi32>, vector<16xi32>, vector<16xf32>, vector<16xf32>, vector<16xf32>)  : i32 {
        %parallel_loop3A_357 = arith.constant 16 : i32
        %parallel_loop3A_358 = arith.muli %parallel_loop3A_351, %parallel_loop3A_357 : i32
        %parallel_loop3A_359 = arith.index_cast %parallel_loop3A_358 : i32 to index
        %parallel_loop3A_360 = tpu.vector_load %arg14[%parallel_loop3A_359] {strides = array<i32>} : memref<512xi32, #tpu.memory_space<vmem>>, vector<16xi32>,
        %parallel_loop3A_361 = arith.index_cast %parallel_loop3A_358 : i32 to index
        %parallel_loop3A_362 = tpu.vector_load %arg15[%parallel_loop3A_361] {strides = array<i32>} : memref<512xi32, #tpu.memory_space<vmem>>, vector<16xi32>,
        %parallel_loop3A_363 = arith.constant 1 : i32
        %parallel_loop3A_364 = arith.subi %mul3A_4, %parallel_loop3A_363 : i32
        %parallel_loop3A_365 = arith.constant 0 : i32
        %parallel_loop3A_366 = arith.constant 255 : i32
        %parallel_loop3A_367 = arith.maxsi %parallel_loop3A_365, %parallel_loop3A_364 : i32
        %parallel_loop3A_368 = arith.minsi %parallel_loop3A_366, %parallel_loop3A_367 : i32
        %parallel_loop3A_369 = arith.subi %parallel_loop3A_368, %multiple_of3A_7 : i32
        %parallel_loop3A_370 = vector.broadcast %parallel_loop3A_369 : i32 to vector<16xi32>
        %parallel_loop3A_371 = tpu.vector_load_idx %arg12[%parallel_loop3A_370, %parallel_loop3A_360] : memref<24x256xf32, #tpu.memory_space<vmem>>[vector<16xi32>, vector<16xi32>], vector<16xf32>,
        %parallel_loop3A_372 = arith.constant 1.875000e-01 : f32
        %parallel_loop3A_373 = vector.broadcast %parallel_loop3A_372 : f32 to vector<16xf32>
        %parallel_loop3A_374 = arith.mulf %parallel_loop3A_373, %parallel_loop3A_371 : vector<16xf32>
        %parallel_loop3A_375 = tpu.vector_load_idx %arg12[%parallel_loop3A_370, %parallel_loop3A_362] : memref<24x256xf32, #tpu.memory_space<vmem>>[vector<16xi32>, vector<16xi32>], vector<16xf32>,
        %parallel_loop3A_376 = arith.constant 6.250000e-02 : f32
        %parallel_loop3A_377 = vector.broadcast %parallel_loop3A_376 : f32 to vector<16xf32>
        %parallel_loop3A_378 = arith.mulf %parallel_loop3A_377, %parallel_loop3A_375 : vector<16xf32>
        %parallel_loop3A_379 = arith.addf %parallel_loop3A_374, %parallel_loop3A_378 : vector<16xf32>
        %parallel_loop3A_380 = arith.subi %mul3A_4, %multiple_of3A_7 : i32
        %parallel_loop3A_381 = vector.broadcast %parallel_loop3A_380 : i32 to vector<16xi32>
        %parallel_loop3A_382 = tpu.vector_load_idx %arg12[%parallel_loop3A_381, %parallel_loop3A_360] : memref<24x256xf32, #tpu.memory_space<vmem>>[vector<16xi32>, vector<16xi32>], vector<16xf32>,
        %parallel_loop3A_383 = arith.constant 1.875000e-01 : f32
        %parallel_loop3A_384 = vector.broadcast %parallel_loop3A_383 : f32 to vector<16xf32>
        %parallel_loop3A_385 = arith.mulf %parallel_loop3A_384, %parallel_loop3A_382 : vector<16xf32>
        %parallel_loop3A_386 = tpu.vector_load_idx %arg12[%parallel_loop3A_381, %parallel_loop3A_362] : memref<24x256xf32, #tpu.memory_space<vmem>>[vector<16xi32>, vector<16xi32>], vector<16xf32>,
        %parallel_loop3A_387 = arith.constant 6.250000e-02 : f32
        %parallel_loop3A_388 = vector.broadcast %parallel_loop3A_387 : f32 to vector<16xf32>
        %parallel_loop3A_389 = arith.mulf %parallel_loop3A_388, %parallel_loop3A_386 : vector<16xf32>
        %parallel_loop3A_390 = arith.addf %parallel_loop3A_385, %parallel_loop3A_389 : vector<16xf32>
        %parallel_loop3A_391 = arith.constant 0 : i32
        %parallel_loop3A_392 = arith.addi %mul3A_4, %parallel_loop3A_391 : i32
        %parallel_loop3A_393 = arith.constant 1 : i32
        %parallel_loop3A_394 = arith.addi %parallel_loop3A_392, %parallel_loop3A_393 : i32
        %parallel_loop3A_395 = arith.constant 0 : i32
        %parallel_loop3A_396 = arith.constant 255 : i32
        %parallel_loop3A_397 = arith.maxsi %parallel_loop3A_395, %parallel_loop3A_394 : i32
        %parallel_loop3A_398 = arith.minsi %parallel_loop3A_396, %parallel_loop3A_397 : i32
        %parallel_loop3A_399 = arith.subi %parallel_loop3A_398, %multiple_of3A_7 : i32
        %parallel_loop3A_400 = vector.broadcast %parallel_loop3A_399 : i32 to vector<16xi32>
        %parallel_loop3A_401 = tpu.vector_load_idx %arg12[%parallel_loop3A_400, %parallel_loop3A_360] : memref<24x256xf32, #tpu.memory_space<vmem>>[vector<16xi32>, vector<16xi32>], vector<16xf32>,
        %parallel_loop3A_402 = arith.constant 1.875000e-01 : f32
        %parallel_loop3A_403 = vector.broadcast %parallel_loop3A_402 : f32 to vector<16xf32>
        %parallel_loop3A_404 = arith.mulf %parallel_loop3A_403, %parallel_loop3A_401 : vector<16xf32>
        %parallel_loop3A_405 = tpu.vector_load_idx %arg12[%parallel_loop3A_400, %parallel_loop3A_362] : memref<24x256xf32, #tpu.memory_space<vmem>>[vector<16xi32>, vector<16xi32>], vector<16xf32>,
        %parallel_loop3A_406 = arith.constant 6.250000e-02 : f32
        %parallel_loop3A_407 = vector.broadcast %parallel_loop3A_406 : f32 to vector<16xf32>
        %parallel_loop3A_408 = arith.mulf %parallel_loop3A_407, %parallel_loop3A_405 : vector<16xf32>
        %parallel_loop3A_409 = arith.addf %parallel_loop3A_404, %parallel_loop3A_408 : vector<16xf32>
        %parallel_loop3A_410 = arith.constant 3.000000e+00 : f32
        %parallel_loop3A_411 = vector.broadcast %parallel_loop3A_410 : f32 to vector<16xf32>
        %parallel_loop3A_412 = arith.mulf %parallel_loop3A_411, %parallel_loop3A_390 : vector<16xf32>
        %parallel_loop3A_413 = arith.addf %parallel_loop3A_412, %parallel_loop3A_379 : vector<16xf32>
        %parallel_loop3A_414 = arith.addf %parallel_loop3A_412, %parallel_loop3A_409 : vector<16xf32>
        %parallel_loop3A_415 = arith.constant 0 : i32
        %parallel_loop3A_416 = arith.index_cast %parallel_loop3A_415 : i32 to index
        %parallel_loop3A_417 = arith.index_cast %parallel_loop3A_358 : i32 to index
        %parallel_loop3A_418 = tpu.vector_load %arg8[%parallel_loop3A_416, %parallel_loop3A_417] {strides = array<i32>} : memref<16x512xf32, #tpu.memory_space<vmem>>, vector<16xf32>,
        %parallel_loop3A_419 = arith.subf %parallel_loop3A_418, %parallel_loop3A_413 : vector<16xf32>
        %parallel_loop3A_420 = arith.constant 1 : i32
        %parallel_loop3A_421 = arith.index_cast %parallel_loop3A_420 : i32 to index
        %parallel_loop3A_422 = arith.index_cast %parallel_loop3A_358 : i32 to index
        %parallel_loop3A_423 = tpu.vector_load %arg8[%parallel_loop3A_421, %parallel_loop3A_422] {strides = array<i32>} : memref<16x512xf32, #tpu.memory_space<vmem>>, vector<16xf32>,
        %parallel_loop3A_424 = arith.subf %parallel_loop3A_423, %parallel_loop3A_414 : vector<16xf32>
        %parallel_loop3A_425 = arith.mulf %parallel_loop3A_419, %parallel_loop3A_419 : vector<16xf32>
        %parallel_loop3A_426 = arith.mulf %parallel_loop3A_424, %parallel_loop3A_424 : vector<16xf32>
        %parallel_loop3A_427 = arith.addf %parallel_loop3A_425, %parallel_loop3A_426 : vector<16xf32>
        %parallel_loop3A_428 = arith.addf %parallel_loop3A_356, %parallel_loop3A_427 : vector<16xf32>
        %parallel_loop3A_429 = arith.constant 0.000000e+00 : f32
        %parallel_loop3A_430 = vector.broadcast %parallel_loop3A_429 : f32 to vector<16xf32>
        %parallel_loop3A_431 = arith.cmpf ogt, %parallel_loop3A_413, %parallel_loop3A_430 : vector<16xf32>
        %parallel_loop3A_432 = arith.constant 0.000000e+00 : f32
        %parallel_loop3A_433 = vector.broadcast %parallel_loop3A_432 : f32 to vector<16xf32>
        %parallel_loop3A_434 = arith.cmpf ogt, %parallel_loop3A_414, %parallel_loop3A_433 : vector<16xf32>
        %parallel_loop3A_435 = arith.constant 0.000000e+00 : f32
        %parallel_loop3A_436 = vector.broadcast %parallel_loop3A_435 : f32 to vector<16xf32>
        %parallel_loop3A_437 = arith.select %parallel_loop3A_431, %parallel_loop3A_425, %parallel_loop3A_436 : vector<16xi1>, vector<16xf32>
        %parallel_loop3A_438 = arith.addf %parallel_loop3A_354, %parallel_loop3A_437 : vector<16xf32>
        %parallel_loop3A_439 = arith.constant 0.000000e+00 : f32
        %parallel_loop3A_440 = vector.broadcast %parallel_loop3A_439 : f32 to vector<16xf32>
        %parallel_loop3A_441 = arith.select %parallel_loop3A_434, %parallel_loop3A_426, %parallel_loop3A_440 : vector<16xi1>, vector<16xf32>
        %parallel_loop3A_442 = arith.addf %parallel_loop3A_355, %parallel_loop3A_441 : vector<16xf32>
        %parallel_loop3A_443 = tpu.all_reduce %parallel_loop3A_431 {dim = 0 : i64, kind = #tpu.reduction_kind<sum>} : vector<16xi1> -> vector<16xi32>
        %parallel_loop3A_444 = arith.addi %parallel_loop3A_352, %parallel_loop3A_443 : vector<16xi32>
        %parallel_loop3A_445 = tpu.all_reduce %parallel_loop3A_434 {dim = 0 : i64, kind = #tpu.reduction_kind<sum>} : vector<16xi1> -> vector<16xi32>
        %parallel_loop3A_446 = arith.addi %parallel_loop3A_353, %parallel_loop3A_445 : vector<16xi32>
        %parallel_loop3A_447 = arith.constant 1 : i32
        %parallel_loop3A_448 = arith.addi %mul3A_4, %parallel_loop3A_447 : i32
        %parallel_loop3A_449 = arith.constant 1 : i32
        %parallel_loop3A_450 = arith.addi %parallel_loop3A_448, %parallel_loop3A_449 : i32
        %parallel_loop3A_451 = arith.constant 0 : i32
        %parallel_loop3A_452 = arith.constant 255 : i32
        %parallel_loop3A_453 = arith.maxsi %parallel_loop3A_451, %parallel_loop3A_450 : i32
        %parallel_loop3A_454 = arith.minsi %parallel_loop3A_452, %parallel_loop3A_453 : i32
        %parallel_loop3A_455 = arith.subi %parallel_loop3A_454, %multiple_of3A_7 : i32
        %parallel_loop3A_456 = vector.broadcast %parallel_loop3A_455 : i32 to vector<16xi32>
        %parallel_loop3A_457 = tpu.vector_load_idx %arg12[%parallel_loop3A_456, %parallel_loop3A_360] : memref<24x256xf32, #tpu.memory_space<vmem>>[vector<16xi32>, vector<16xi32>], vector<16xf32>,
        %parallel_loop3A_458 = arith.constant 1.875000e-01 : f32
        %parallel_loop3A_459 = vector.broadcast %parallel_loop3A_458 : f32 to vector<16xf32>
        %parallel_loop3A_460 = arith.mulf %parallel_loop3A_459, %parallel_loop3A_457 : vector<16xf32>
        %parallel_loop3A_461 = tpu.vector_load_idx %arg12[%parallel_loop3A_456, %parallel_loop3A_362] : memref<24x256xf32, #tpu.memory_space<vmem>>[vector<16xi32>, vector<16xi32>], vector<16xf32>,
        %parallel_loop3A_462 = arith.constant 6.250000e-02 : f32
        %parallel_loop3A_463 = vector.broadcast %parallel_loop3A_462 : f32 to vector<16xf32>
        %parallel_loop3A_464 = arith.mulf %parallel_loop3A_463, %parallel_loop3A_461 : vector<16xf32>
        %parallel_loop3A_465 = arith.addf %parallel_loop3A_460, %parallel_loop3A_464 : vector<16xf32>
        %parallel_loop3A_466 = arith.constant 3.000000e+00 : f32
        %parallel_loop3A_467 = vector.broadcast %parallel_loop3A_466 : f32 to vector<16xf32>
        %parallel_loop3A_468 = arith.mulf %parallel_loop3A_467, %parallel_loop3A_409 : vector<16xf32>
        %parallel_loop3A_469 = arith.addf %parallel_loop3A_468, %parallel_loop3A_390 : vector<16xf32>
        %parallel_loop3A_470 = arith.addf %parallel_loop3A_468, %parallel_loop3A_465 : vector<16xf32>
        %parallel_loop3A_471 = arith.constant 2 : i32
        %parallel_loop3A_472 = arith.index_cast %parallel_loop3A_471 : i32 to index
        %parallel_loop3A_473 = arith.index_cast %parallel_loop3A_358 : i32 to index
        %parallel_loop3A_474 = tpu.vector_load %arg8[%parallel_loop3A_472, %parallel_loop3A_473] {strides = array<i32>} : memref<16x512xf32, #tpu.memory_space<vmem>>, vector<16xf32>,
        %parallel_loop3A_475 = arith.subf %parallel_loop3A_474, %parallel_loop3A_469 : vector<16xf32>
        %parallel_loop3A_476 = arith.constant 3 : i32
        %parallel_loop3A_477 = arith.index_cast %parallel_loop3A_476 : i32 to index
        %parallel_loop3A_478 = arith.index_cast %parallel_loop3A_358 : i32 to index
        %parallel_loop3A_479 = tpu.vector_load %arg8[%parallel_loop3A_477, %parallel_loop3A_478] {strides = array<i32>} : memref<16x512xf32, #tpu.memory_space<vmem>>, vector<16xf32>,
        %parallel_loop3A_480 = arith.subf %parallel_loop3A_479, %parallel_loop3A_470 : vector<16xf32>
        %parallel_loop3A_481 = arith.mulf %parallel_loop3A_475, %parallel_loop3A_475 : vector<16xf32>
        %parallel_loop3A_482 = arith.mulf %parallel_loop3A_480, %parallel_loop3A_480 : vector<16xf32>
        %parallel_loop3A_483 = arith.addf %parallel_loop3A_481, %parallel_loop3A_482 : vector<16xf32>
        %parallel_loop3A_484 = arith.addf %parallel_loop3A_428, %parallel_loop3A_483 : vector<16xf32>
        %parallel_loop3A_485 = arith.constant 0.000000e+00 : f32
        %parallel_loop3A_486 = vector.broadcast %parallel_loop3A_485 : f32 to vector<16xf32>
        %parallel_loop3A_487 = arith.cmpf ogt, %parallel_loop3A_469, %parallel_loop3A_486 : vector<16xf32>
        %parallel_loop3A_488 = arith.constant 0.000000e+00 : f32
        %parallel_loop3A_489 = vector.broadcast %parallel_loop3A_488 : f32 to vector<16xf32>
        %parallel_loop3A_490 = arith.cmpf ogt, %parallel_loop3A_470, %parallel_loop3A_489 : vector<16xf32>
        %parallel_loop3A_491 = arith.constant 0.000000e+00 : f32
        %parallel_loop3A_492 = vector.broadcast %parallel_loop3A_491 : f32 to vector<16xf32>
        %parallel_loop3A_493 = arith.select %parallel_loop3A_487, %parallel_loop3A_481, %parallel_loop3A_492 : vector<16xi1>, vector<16xf32>
        %parallel_loop3A_494 = arith.addf %parallel_loop3A_438, %parallel_loop3A_493 : vector<16xf32>
        %parallel_loop3A_495 = arith.constant 0.000000e+00 : f32
        %parallel_loop3A_496 = vector.broadcast %parallel_loop3A_495 : f32 to vector<16xf32>
        %parallel_loop3A_497 = arith.select %parallel_loop3A_490, %parallel_loop3A_482, %parallel_loop3A_496 : vector<16xi1>, vector<16xf32>
        %parallel_loop3A_498 = arith.addf %parallel_loop3A_442, %parallel_loop3A_497 : vector<16xf32>
        %parallel_loop3A_499 = tpu.all_reduce %parallel_loop3A_487 {dim = 0 : i64, kind = #tpu.reduction_kind<sum>} : vector<16xi1> -> vector<16xi32>
        %parallel_loop3A_500 = arith.addi %parallel_loop3A_444, %parallel_loop3A_499 : vector<16xi32>
        %parallel_loop3A_501 = tpu.all_reduce %parallel_loop3A_490 {dim = 0 : i64, kind = #tpu.reduction_kind<sum>} : vector<16xi1> -> vector<16xi32>
        %parallel_loop3A_502 = arith.addi %parallel_loop3A_446, %parallel_loop3A_501 : vector<16xi32>
        %parallel_loop3A_503 = arith.constant 2 : i32
        %parallel_loop3A_504 = arith.addi %mul3A_4, %parallel_loop3A_503 : i32
        %parallel_loop3A_505 = arith.constant 1 : i32
        %parallel_loop3A_506 = arith.addi %parallel_loop3A_504, %parallel_loop3A_505 : i32
        %parallel_loop3A_507 = arith.constant 0 : i32
        %parallel_loop3A_508 = arith.constant 255 : i32
        %parallel_loop3A_509 = arith.maxsi %parallel_loop3A_507, %parallel_loop3A_506 : i32
        %parallel_loop3A_510 = arith.minsi %parallel_loop3A_508, %parallel_loop3A_509 : i32
        %parallel_loop3A_511 = arith.subi %parallel_loop3A_510, %multiple_of3A_7 : i32
        %parallel_loop3A_512 = vector.broadcast %parallel_loop3A_511 : i32 to vector<16xi32>
        %parallel_loop3A_513 = tpu.vector_load_idx %arg12[%parallel_loop3A_512, %parallel_loop3A_360] : memref<24x256xf32, #tpu.memory_space<vmem>>[vector<16xi32>, vector<16xi32>], vector<16xf32>,
        %parallel_loop3A_514 = arith.constant 1.875000e-01 : f32
        %parallel_loop3A_515 = vector.broadcast %parallel_loop3A_514 : f32 to vector<16xf32>
        %parallel_loop3A_516 = arith.mulf %parallel_loop3A_515, %parallel_loop3A_513 : vector<16xf32>
        %parallel_loop3A_517 = tpu.vector_load_idx %arg12[%parallel_loop3A_512, %parallel_loop3A_362] : memref<24x256xf32, #tpu.memory_space<vmem>>[vector<16xi32>, vector<16xi32>], vector<16xf32>,
        %parallel_loop3A_518 = arith.constant 6.250000e-02 : f32
        %parallel_loop3A_519 = vector.broadcast %parallel_loop3A_518 : f32 to vector<16xf32>
        %parallel_loop3A_520 = arith.mulf %parallel_loop3A_519, %parallel_loop3A_517 : vector<16xf32>
        %parallel_loop3A_521 = arith.addf %parallel_loop3A_516, %parallel_loop3A_520 : vector<16xf32>
        %parallel_loop3A_522 = arith.constant 3.000000e+00 : f32
        %parallel_loop3A_523 = vector.broadcast %parallel_loop3A_522 : f32 to vector<16xf32>
        %parallel_loop3A_524 = arith.mulf %parallel_loop3A_523, %parallel_loop3A_465 : vector<16xf32>
        %parallel_loop3A_525 = arith.addf %parallel_loop3A_524, %parallel_loop3A_409 : vector<16xf32>
        %parallel_loop3A_526 = arith.addf %parallel_loop3A_524, %parallel_loop3A_521 : vector<16xf32>
        %parallel_loop3A_527 = arith.constant 4 : i32
        %parallel_loop3A_528 = arith.index_cast %parallel_loop3A_527 : i32 to index
        %parallel_loop3A_529 = arith.index_cast %parallel_loop3A_358 : i32 to index
        %parallel_loop3A_530 = tpu.vector_load %arg8[%parallel_loop3A_528, %parallel_loop3A_529] {strides = array<i32>} : memref<16x512xf32, #tpu.memory_space<vmem>>, vector<16xf32>,
        %parallel_loop3A_531 = arith.subf %parallel_loop3A_530, %parallel_loop3A_525 : vector<16xf32>
        %parallel_loop3A_532 = arith.constant 5 : i32
        %parallel_loop3A_533 = arith.index_cast %parallel_loop3A_532 : i32 to index
        %parallel_loop3A_534 = arith.index_cast %parallel_loop3A_358 : i32 to index
        %parallel_loop3A_535 = tpu.vector_load %arg8[%parallel_loop3A_533, %parallel_loop3A_534] {strides = array<i32>} : memref<16x512xf32, #tpu.memory_space<vmem>>, vector<16xf32>,
        %parallel_loop3A_536 = arith.subf %parallel_loop3A_535, %parallel_loop3A_526 : vector<16xf32>
        %parallel_loop3A_537 = arith.mulf %parallel_loop3A_531, %parallel_loop3A_531 : vector<16xf32>
        %parallel_loop3A_538 = arith.mulf %parallel_loop3A_536, %parallel_loop3A_536 : vector<16xf32>
        %parallel_loop3A_539 = arith.addf %parallel_loop3A_537, %parallel_loop3A_538 : vector<16xf32>
        %parallel_loop3A_540 = arith.addf %parallel_loop3A_484, %parallel_loop3A_539 : vector<16xf32>
        %parallel_loop3A_541 = arith.constant 0.000000e+00 : f32
        %parallel_loop3A_542 = vector.broadcast %parallel_loop3A_541 : f32 to vector<16xf32>
        %parallel_loop3A_543 = arith.cmpf ogt, %parallel_loop3A_525, %parallel_loop3A_542 : vector<16xf32>
        %parallel_loop3A_544 = arith.constant 0.000000e+00 : f32
        %parallel_loop3A_545 = vector.broadcast %parallel_loop3A_544 : f32 to vector<16xf32>
        %parallel_loop3A_546 = arith.cmpf ogt, %parallel_loop3A_526, %parallel_loop3A_545 : vector<16xf32>
        %parallel_loop3A_547 = arith.constant 0.000000e+00 : f32
        %parallel_loop3A_548 = vector.broadcast %parallel_loop3A_547 : f32 to vector<16xf32>
        %parallel_loop3A_549 = arith.select %parallel_loop3A_543, %parallel_loop3A_537, %parallel_loop3A_548 : vector<16xi1>, vector<16xf32>
        %parallel_loop3A_550 = arith.addf %parallel_loop3A_494, %parallel_loop3A_549 : vector<16xf32>
        %parallel_loop3A_551 = arith.constant 0.000000e+00 : f32
        %parallel_loop3A_552 = vector.broadcast %parallel_loop3A_551 : f32 to vector<16xf32>
        %parallel_loop3A_553 = arith.select %parallel_loop3A_546, %parallel_loop3A_538, %parallel_loop3A_552 : vector<16xi1>, vector<16xf32>
        %parallel_loop3A_554 = arith.addf %parallel_loop3A_498, %parallel_loop3A_553 : vector<16xf32>
        %parallel_loop3A_555 = tpu.all_reduce %parallel_loop3A_543 {dim = 0 : i64, kind = #tpu.reduction_kind<sum>} : vector<16xi1> -> vector<16xi32>
        %parallel_loop3A_556 = arith.addi %parallel_loop3A_500, %parallel_loop3A_555 : vector<16xi32>
        %parallel_loop3A_557 = tpu.all_reduce %parallel_loop3A_546 {dim = 0 : i64, kind = #tpu.reduction_kind<sum>} : vector<16xi1> -> vector<16xi32>
        %parallel_loop3A_558 = arith.addi %parallel_loop3A_502, %parallel_loop3A_557 : vector<16xi32>
        %parallel_loop3A_559 = arith.constant 3 : i32
        %parallel_loop3A_560 = arith.addi %mul3A_4, %parallel_loop3A_559 : i32
        %parallel_loop3A_561 = arith.constant 1 : i32
        %parallel_loop3A_562 = arith.addi %parallel_loop3A_560, %parallel_loop3A_561 : i32
        %parallel_loop3A_563 = arith.constant 0 : i32
        %parallel_loop3A_564 = arith.constant 255 : i32
        %parallel_loop3A_565 = arith.maxsi %parallel_loop3A_563, %parallel_loop3A_562 : i32
        %parallel_loop3A_566 = arith.minsi %parallel_loop3A_564, %parallel_loop3A_565 : i32
        %parallel_loop3A_567 = arith.subi %parallel_loop3A_566, %multiple_of3A_7 : i32
        %parallel_loop3A_568 = vector.broadcast %parallel_loop3A_567 : i32 to vector<16xi32>
        %parallel_loop3A_569 = tpu.vector_load_idx %arg12[%parallel_loop3A_568, %parallel_loop3A_360] : memref<24x256xf32, #tpu.memory_space<vmem>>[vector<16xi32>, vector<16xi32>], vector<16xf32>,
        %parallel_loop3A_570 = arith.constant 1.875000e-01 : f32
        %parallel_loop3A_571 = vector.broadcast %parallel_loop3A_570 : f32 to vector<16xf32>
        %parallel_loop3A_572 = arith.mulf %parallel_loop3A_571, %parallel_loop3A_569 : vector<16xf32>
        %parallel_loop3A_573 = tpu.vector_load_idx %arg12[%parallel_loop3A_568, %parallel_loop3A_362] : memref<24x256xf32, #tpu.memory_space<vmem>>[vector<16xi32>, vector<16xi32>], vector<16xf32>,
        %parallel_loop3A_574 = arith.constant 6.250000e-02 : f32
        %parallel_loop3A_575 = vector.broadcast %parallel_loop3A_574 : f32 to vector<16xf32>
        %parallel_loop3A_576 = arith.mulf %parallel_loop3A_575, %parallel_loop3A_573 : vector<16xf32>
        %parallel_loop3A_577 = arith.addf %parallel_loop3A_572, %parallel_loop3A_576 : vector<16xf32>
        %parallel_loop3A_578 = arith.constant 3.000000e+00 : f32
        %parallel_loop3A_579 = vector.broadcast %parallel_loop3A_578 : f32 to vector<16xf32>
        %parallel_loop3A_580 = arith.mulf %parallel_loop3A_579, %parallel_loop3A_521 : vector<16xf32>
        %parallel_loop3A_581 = arith.addf %parallel_loop3A_580, %parallel_loop3A_465 : vector<16xf32>
        %parallel_loop3A_582 = arith.addf %parallel_loop3A_580, %parallel_loop3A_577 : vector<16xf32>
        %parallel_loop3A_583 = arith.constant 6 : i32
        %parallel_loop3A_584 = arith.index_cast %parallel_loop3A_583 : i32 to index
        %parallel_loop3A_585 = arith.index_cast %parallel_loop3A_358 : i32 to index
        %parallel_loop3A_586 = tpu.vector_load %arg8[%parallel_loop3A_584, %parallel_loop3A_585] {strides = array<i32>} : memref<16x512xf32, #tpu.memory_space<vmem>>, vector<16xf32>,
        %parallel_loop3A_587 = arith.subf %parallel_loop3A_586, %parallel_loop3A_581 : vector<16xf32>
        %parallel_loop3A_588 = arith.constant 7 : i32
        %parallel_loop3A_589 = arith.index_cast %parallel_loop3A_588 : i32 to index
        %parallel_loop3A_590 = arith.index_cast %parallel_loop3A_358 : i32 to index
        %parallel_loop3A_591 = tpu.vector_load %arg8[%parallel_loop3A_589, %parallel_loop3A_590] {strides = array<i32>} : memref<16x512xf32, #tpu.memory_space<vmem>>, vector<16xf32>,
        %parallel_loop3A_592 = arith.subf %parallel_loop3A_591, %parallel_loop3A_582 : vector<16xf32>
        %parallel_loop3A_593 = arith.mulf %parallel_loop3A_587, %parallel_loop3A_587 : vector<16xf32>
        %parallel_loop3A_594 = arith.mulf %parallel_loop3A_592, %parallel_loop3A_592 : vector<16xf32>
        %parallel_loop3A_595 = arith.addf %parallel_loop3A_593, %parallel_loop3A_594 : vector<16xf32>
        %parallel_loop3A_596 = arith.addf %parallel_loop3A_540, %parallel_loop3A_595 : vector<16xf32>
        %parallel_loop3A_597 = arith.constant 0.000000e+00 : f32
        %parallel_loop3A_598 = vector.broadcast %parallel_loop3A_597 : f32 to vector<16xf32>
        %parallel_loop3A_599 = arith.cmpf ogt, %parallel_loop3A_581, %parallel_loop3A_598 : vector<16xf32>
        %parallel_loop3A_600 = arith.constant 0.000000e+00 : f32
        %parallel_loop3A_601 = vector.broadcast %parallel_loop3A_600 : f32 to vector<16xf32>
        %parallel_loop3A_602 = arith.cmpf ogt, %parallel_loop3A_582, %parallel_loop3A_601 : vector<16xf32>
        %parallel_loop3A_603 = arith.constant 0.000000e+00 : f32
        %parallel_loop3A_604 = vector.broadcast %parallel_loop3A_603 : f32 to vector<16xf32>
        %parallel_loop3A_605 = arith.select %parallel_loop3A_599, %parallel_loop3A_593, %parallel_loop3A_604 : vector<16xi1>, vector<16xf32>
        %parallel_loop3A_606 = arith.addf %parallel_loop3A_550, %parallel_loop3A_605 : vector<16xf32>
        %parallel_loop3A_607 = arith.constant 0.000000e+00 : f32
        %parallel_loop3A_608 = vector.broadcast %parallel_loop3A_607 : f32 to vector<16xf32>
        %parallel_loop3A_609 = arith.select %parallel_loop3A_602, %parallel_loop3A_594, %parallel_loop3A_608 : vector<16xi1>, vector<16xf32>
        %parallel_loop3A_610 = arith.addf %parallel_loop3A_554, %parallel_loop3A_609 : vector<16xf32>
        %parallel_loop3A_611 = tpu.all_reduce %parallel_loop3A_599 {dim = 0 : i64, kind = #tpu.reduction_kind<sum>} : vector<16xi1> -> vector<16xi32>
        %parallel_loop3A_612 = arith.addi %parallel_loop3A_556, %parallel_loop3A_611 : vector<16xi32>
        %parallel_loop3A_613 = tpu.all_reduce %parallel_loop3A_602 {dim = 0 : i64, kind = #tpu.reduction_kind<sum>} : vector<16xi1> -> vector<16xi32>
        %parallel_loop3A_614 = arith.addi %parallel_loop3A_558, %parallel_loop3A_613 : vector<16xi32>
        %parallel_loop3A_615 = arith.constant 4 : i32
        %parallel_loop3A_616 = arith.addi %mul3A_4, %parallel_loop3A_615 : i32
        %parallel_loop3A_617 = arith.constant 1 : i32
        %parallel_loop3A_618 = arith.addi %parallel_loop3A_616, %parallel_loop3A_617 : i32
        %parallel_loop3A_619 = arith.constant 0 : i32
        %parallel_loop3A_620 = arith.constant 255 : i32
        %parallel_loop3A_621 = arith.maxsi %parallel_loop3A_619, %parallel_loop3A_618 : i32
        %parallel_loop3A_622 = arith.minsi %parallel_loop3A_620, %parallel_loop3A_621 : i32
        %parallel_loop3A_623 = arith.subi %parallel_loop3A_622, %multiple_of3A_7 : i32
        %parallel_loop3A_624 = vector.broadcast %parallel_loop3A_623 : i32 to vector<16xi32>
        %parallel_loop3A_625 = tpu.vector_load_idx %arg12[%parallel_loop3A_624, %parallel_loop3A_360] : memref<24x256xf32, #tpu.memory_space<vmem>>[vector<16xi32>, vector<16xi32>], vector<16xf32>,
        %parallel_loop3A_626 = arith.constant 1.875000e-01 : f32
        %parallel_loop3A_627 = vector.broadcast %parallel_loop3A_626 : f32 to vector<16xf32>
        %parallel_loop3A_628 = arith.mulf %parallel_loop3A_627, %parallel_loop3A_625 : vector<16xf32>
        %parallel_loop3A_629 = tpu.vector_load_idx %arg12[%parallel_loop3A_624, %parallel_loop3A_362] : memref<24x256xf32, #tpu.memory_space<vmem>>[vector<16xi32>, vector<16xi32>], vector<16xf32>,
        %parallel_loop3A_630 = arith.constant 6.250000e-02 : f32
        %parallel_loop3A_631 = vector.broadcast %parallel_loop3A_630 : f32 to vector<16xf32>
        %parallel_loop3A_632 = arith.mulf %parallel_loop3A_631, %parallel_loop3A_629 : vector<16xf32>
        %parallel_loop3A_633 = arith.addf %parallel_loop3A_628, %parallel_loop3A_632 : vector<16xf32>
        %parallel_loop3A_634 = arith.constant 3.000000e+00 : f32
        %parallel_loop3A_635 = vector.broadcast %parallel_loop3A_634 : f32 to vector<16xf32>
        %parallel_loop3A_636 = arith.mulf %parallel_loop3A_635, %parallel_loop3A_577 : vector<16xf32>
        %parallel_loop3A_637 = arith.addf %parallel_loop3A_636, %parallel_loop3A_521 : vector<16xf32>
        %parallel_loop3A_638 = arith.addf %parallel_loop3A_636, %parallel_loop3A_633 : vector<16xf32>
        %parallel_loop3A_639 = arith.constant 8 : i32
        %parallel_loop3A_640 = arith.index_cast %parallel_loop3A_639 : i32 to index
        %parallel_loop3A_641 = arith.index_cast %parallel_loop3A_358 : i32 to index
        %parallel_loop3A_642 = tpu.vector_load %arg8[%parallel_loop3A_640, %parallel_loop3A_641] {strides = array<i32>} : memref<16x512xf32, #tpu.memory_space<vmem>>, vector<16xf32>,
        %parallel_loop3A_643 = arith.subf %parallel_loop3A_642, %parallel_loop3A_637 : vector<16xf32>
        %parallel_loop3A_644 = arith.constant 9 : i32
        %parallel_loop3A_645 = arith.index_cast %parallel_loop3A_644 : i32 to index
        %parallel_loop3A_646 = arith.index_cast %parallel_loop3A_358 : i32 to index
        %parallel_loop3A_647 = tpu.vector_load %arg8[%parallel_loop3A_645, %parallel_loop3A_646] {strides = array<i32>} : memref<16x512xf32, #tpu.memory_space<vmem>>, vector<16xf32>,
        %parallel_loop3A_648 = arith.subf %parallel_loop3A_647, %parallel_loop3A_638 : vector<16xf32>
        %parallel_loop3A_649 = arith.mulf %parallel_loop3A_643, %parallel_loop3A_643 : vector<16xf32>
        %parallel_loop3A_650 = arith.mulf %parallel_loop3A_648, %parallel_loop3A_648 : vector<16xf32>
        %parallel_loop3A_651 = arith.addf %parallel_loop3A_649, %parallel_loop3A_650 : vector<16xf32>
        %parallel_loop3A_652 = arith.addf %parallel_loop3A_596, %parallel_loop3A_651 : vector<16xf32>
        %parallel_loop3A_653 = arith.constant 0.000000e+00 : f32
        %parallel_loop3A_654 = vector.broadcast %parallel_loop3A_653 : f32 to vector<16xf32>
        %parallel_loop3A_655 = arith.cmpf ogt, %parallel_loop3A_637, %parallel_loop3A_654 : vector<16xf32>
        %parallel_loop3A_656 = arith.constant 0.000000e+00 : f32
        %parallel_loop3A_657 = vector.broadcast %parallel_loop3A_656 : f32 to vector<16xf32>
        %parallel_loop3A_658 = arith.cmpf ogt, %parallel_loop3A_638, %parallel_loop3A_657 : vector<16xf32>
        %parallel_loop3A_659 = arith.constant 0.000000e+00 : f32
        %parallel_loop3A_660 = vector.broadcast %parallel_loop3A_659 : f32 to vector<16xf32>
        %parallel_loop3A_661 = arith.select %parallel_loop3A_655, %parallel_loop3A_649, %parallel_loop3A_660 : vector<16xi1>, vector<16xf32>
        %parallel_loop3A_662 = arith.addf %parallel_loop3A_606, %parallel_loop3A_661 : vector<16xf32>
        %parallel_loop3A_663 = arith.constant 0.000000e+00 : f32
        %parallel_loop3A_664 = vector.broadcast %parallel_loop3A_663 : f32 to vector<16xf32>
        %parallel_loop3A_665 = arith.select %parallel_loop3A_658, %parallel_loop3A_650, %parallel_loop3A_664 : vector<16xi1>, vector<16xf32>
        %parallel_loop3A_666 = arith.addf %parallel_loop3A_610, %parallel_loop3A_665 : vector<16xf32>
        %parallel_loop3A_667 = tpu.all_reduce %parallel_loop3A_655 {dim = 0 : i64, kind = #tpu.reduction_kind<sum>} : vector<16xi1> -> vector<16xi32>
        %parallel_loop3A_668 = arith.addi %parallel_loop3A_612, %parallel_loop3A_667 : vector<16xi32>
        %parallel_loop3A_669 = tpu.all_reduce %parallel_loop3A_658 {dim = 0 : i64, kind = #tpu.reduction_kind<sum>} : vector<16xi1> -> vector<16xi32>
        %parallel_loop3A_670 = arith.addi %parallel_loop3A_614, %parallel_loop3A_669 : vector<16xi32>
        %parallel_loop3A_671 = arith.constant 5 : i32
        %parallel_loop3A_672 = arith.addi %mul3A_4, %parallel_loop3A_671 : i32
        %parallel_loop3A_673 = arith.constant 1 : i32
        %parallel_loop3A_674 = arith.addi %parallel_loop3A_672, %parallel_loop3A_673 : i32
        %parallel_loop3A_675 = arith.constant 0 : i32
        %parallel_loop3A_676 = arith.constant 255 : i32
        %parallel_loop3A_677 = arith.maxsi %parallel_loop3A_675, %parallel_loop3A_674 : i32
        %parallel_loop3A_678 = arith.minsi %parallel_loop3A_676, %parallel_loop3A_677 : i32
        %parallel_loop3A_679 = arith.subi %parallel_loop3A_678, %multiple_of3A_7 : i32
        %parallel_loop3A_680 = vector.broadcast %parallel_loop3A_679 : i32 to vector<16xi32>
        %parallel_loop3A_681 = tpu.vector_load_idx %arg12[%parallel_loop3A_680, %parallel_loop3A_360] : memref<24x256xf32, #tpu.memory_space<vmem>>[vector<16xi32>, vector<16xi32>], vector<16xf32>,
        %parallel_loop3A_682 = arith.constant 1.875000e-01 : f32
        %parallel_loop3A_683 = vector.broadcast %parallel_loop3A_682 : f32 to vector<16xf32>
        %parallel_loop3A_684 = arith.mulf %parallel_loop3A_683, %parallel_loop3A_681 : vector<16xf32>
        %parallel_loop3A_685 = tpu.vector_load_idx %arg12[%parallel_loop3A_680, %parallel_loop3A_362] : memref<24x256xf32, #tpu.memory_space<vmem>>[vector<16xi32>, vector<16xi32>], vector<16xf32>,
        %parallel_loop3A_686 = arith.constant 6.250000e-02 : f32
        %parallel_loop3A_687 = vector.broadcast %parallel_loop3A_686 : f32 to vector<16xf32>
        %parallel_loop3A_688 = arith.mulf %parallel_loop3A_687, %parallel_loop3A_685 : vector<16xf32>
        %parallel_loop3A_689 = arith.addf %parallel_loop3A_684, %parallel_loop3A_688 : vector<16xf32>
        %parallel_loop3A_690 = arith.constant 3.000000e+00 : f32
        %parallel_loop3A_691 = vector.broadcast %parallel_loop3A_690 : f32 to vector<16xf32>
        %parallel_loop3A_692 = arith.mulf %parallel_loop3A_691, %parallel_loop3A_633 : vector<16xf32>
        %parallel_loop3A_693 = arith.addf %parallel_loop3A_692, %parallel_loop3A_577 : vector<16xf32>
        %parallel_loop3A_694 = arith.addf %parallel_loop3A_692, %parallel_loop3A_689 : vector<16xf32>
        %parallel_loop3A_695 = arith.constant 10 : i32
        %parallel_loop3A_696 = arith.index_cast %parallel_loop3A_695 : i32 to index
        %parallel_loop3A_697 = arith.index_cast %parallel_loop3A_358 : i32 to index
        %parallel_loop3A_698 = tpu.vector_load %arg8[%parallel_loop3A_696, %parallel_loop3A_697] {strides = array<i32>} : memref<16x512xf32, #tpu.memory_space<vmem>>, vector<16xf32>,
        %parallel_loop3A_699 = arith.subf %parallel_loop3A_698, %parallel_loop3A_693 : vector<16xf32>
        %parallel_loop3A_700 = arith.constant 11 : i32
        %parallel_loop3A_701 = arith.index_cast %parallel_loop3A_700 : i32 to index
        %parallel_loop3A_702 = arith.index_cast %parallel_loop3A_358 : i32 to index
        %parallel_loop3A_703 = tpu.vector_load %arg8[%parallel_loop3A_701, %parallel_loop3A_702] {strides = array<i32>} : memref<16x512xf32, #tpu.memory_space<vmem>>, vector<16xf32>,
        %parallel_loop3A_704 = arith.subf %parallel_loop3A_703, %parallel_loop3A_694 : vector<16xf32>
        %parallel_loop3A_705 = arith.mulf %parallel_loop3A_699, %parallel_loop3A_699 : vector<16xf32>
        %parallel_loop3A_706 = arith.mulf %parallel_loop3A_704, %parallel_loop3A_704 : vector<16xf32>
        %parallel_loop3A_707 = arith.addf %parallel_loop3A_705, %parallel_loop3A_706 : vector<16xf32>
        %parallel_loop3A_708 = arith.addf %parallel_loop3A_652, %parallel_loop3A_707 : vector<16xf32>
        %parallel_loop3A_709 = arith.constant 0.000000e+00 : f32
        %parallel_loop3A_710 = vector.broadcast %parallel_loop3A_709 : f32 to vector<16xf32>
        %parallel_loop3A_711 = arith.cmpf ogt, %parallel_loop3A_693, %parallel_loop3A_710 : vector<16xf32>
        %parallel_loop3A_712 = arith.constant 0.000000e+00 : f32
        %parallel_loop3A_713 = vector.broadcast %parallel_loop3A_712 : f32 to vector<16xf32>
        %parallel_loop3A_714 = arith.cmpf ogt, %parallel_loop3A_694, %parallel_loop3A_713 : vector<16xf32>
        %parallel_loop3A_715 = arith.constant 0.000000e+00 : f32
        %parallel_loop3A_716 = vector.broadcast %parallel_loop3A_715 : f32 to vector<16xf32>
        %parallel_loop3A_717 = arith.select %parallel_loop3A_711, %parallel_loop3A_705, %parallel_loop3A_716 : vector<16xi1>, vector<16xf32>
        %parallel_loop3A_718 = arith.addf %parallel_loop3A_662, %parallel_loop3A_717 : vector<16xf32>
        %parallel_loop3A_719 = arith.constant 0.000000e+00 : f32
        %parallel_loop3A_720 = vector.broadcast %parallel_loop3A_719 : f32 to vector<16xf32>
        %parallel_loop3A_721 = arith.select %parallel_loop3A_714, %parallel_loop3A_706, %parallel_loop3A_720 : vector<16xi1>, vector<16xf32>
        %parallel_loop3A_722 = arith.addf %parallel_loop3A_666, %parallel_loop3A_721 : vector<16xf32>
        %parallel_loop3A_723 = tpu.all_reduce %parallel_loop3A_711 {dim = 0 : i64, kind = #tpu.reduction_kind<sum>} : vector<16xi1> -> vector<16xi32>
        %parallel_loop3A_724 = arith.addi %parallel_loop3A_668, %parallel_loop3A_723 : vector<16xi32>
        %parallel_loop3A_725 = tpu.all_reduce %parallel_loop3A_714 {dim = 0 : i64, kind = #tpu.reduction_kind<sum>} : vector<16xi1> -> vector<16xi32>
        %parallel_loop3A_726 = arith.addi %parallel_loop3A_670, %parallel_loop3A_725 : vector<16xi32>
        %parallel_loop3A_727 = arith.constant 6 : i32
        %parallel_loop3A_728 = arith.addi %mul3A_4, %parallel_loop3A_727 : i32
        %parallel_loop3A_729 = arith.constant 1 : i32
        %parallel_loop3A_730 = arith.addi %parallel_loop3A_728, %parallel_loop3A_729 : i32
        %parallel_loop3A_731 = arith.constant 0 : i32
        %parallel_loop3A_732 = arith.constant 255 : i32
        %parallel_loop3A_733 = arith.maxsi %parallel_loop3A_731, %parallel_loop3A_730 : i32
        %parallel_loop3A_734 = arith.minsi %parallel_loop3A_732, %parallel_loop3A_733 : i32
        %parallel_loop3A_735 = arith.subi %parallel_loop3A_734, %multiple_of3A_7 : i32
        %parallel_loop3A_736 = vector.broadcast %parallel_loop3A_735 : i32 to vector<16xi32>
        %parallel_loop3A_737 = tpu.vector_load_idx %arg12[%parallel_loop3A_736, %parallel_loop3A_360] : memref<24x256xf32, #tpu.memory_space<vmem>>[vector<16xi32>, vector<16xi32>], vector<16xf32>,
        %parallel_loop3A_738 = arith.constant 1.875000e-01 : f32
        %parallel_loop3A_739 = vector.broadcast %parallel_loop3A_738 : f32 to vector<16xf32>
        %parallel_loop3A_740 = arith.mulf %parallel_loop3A_739, %parallel_loop3A_737 : vector<16xf32>
        %parallel_loop3A_741 = tpu.vector_load_idx %arg12[%parallel_loop3A_736, %parallel_loop3A_362] : memref<24x256xf32, #tpu.memory_space<vmem>>[vector<16xi32>, vector<16xi32>], vector<16xf32>,
        %parallel_loop3A_742 = arith.constant 6.250000e-02 : f32
        %parallel_loop3A_743 = vector.broadcast %parallel_loop3A_742 : f32 to vector<16xf32>
        %parallel_loop3A_744 = arith.mulf %parallel_loop3A_743, %parallel_loop3A_741 : vector<16xf32>
        %parallel_loop3A_745 = arith.addf %parallel_loop3A_740, %parallel_loop3A_744 : vector<16xf32>
        %parallel_loop3A_746 = arith.constant 3.000000e+00 : f32
        %parallel_loop3A_747 = vector.broadcast %parallel_loop3A_746 : f32 to vector<16xf32>
        %parallel_loop3A_748 = arith.mulf %parallel_loop3A_747, %parallel_loop3A_689 : vector<16xf32>
        %parallel_loop3A_749 = arith.addf %parallel_loop3A_748, %parallel_loop3A_633 : vector<16xf32>
        %parallel_loop3A_750 = arith.addf %parallel_loop3A_748, %parallel_loop3A_745 : vector<16xf32>
        %parallel_loop3A_751 = arith.constant 12 : i32
        %parallel_loop3A_752 = arith.index_cast %parallel_loop3A_751 : i32 to index
        %parallel_loop3A_753 = arith.index_cast %parallel_loop3A_358 : i32 to index
        %parallel_loop3A_754 = tpu.vector_load %arg8[%parallel_loop3A_752, %parallel_loop3A_753] {strides = array<i32>} : memref<16x512xf32, #tpu.memory_space<vmem>>, vector<16xf32>,
        %parallel_loop3A_755 = arith.subf %parallel_loop3A_754, %parallel_loop3A_749 : vector<16xf32>
        %parallel_loop3A_756 = arith.constant 13 : i32
        %parallel_loop3A_757 = arith.index_cast %parallel_loop3A_756 : i32 to index
        %parallel_loop3A_758 = arith.index_cast %parallel_loop3A_358 : i32 to index
        %parallel_loop3A_759 = tpu.vector_load %arg8[%parallel_loop3A_757, %parallel_loop3A_758] {strides = array<i32>} : memref<16x512xf32, #tpu.memory_space<vmem>>, vector<16xf32>,
        %parallel_loop3A_760 = arith.subf %parallel_loop3A_759, %parallel_loop3A_750 : vector<16xf32>
        %parallel_loop3A_761 = arith.mulf %parallel_loop3A_755, %parallel_loop3A_755 : vector<16xf32>
        %parallel_loop3A_762 = arith.mulf %parallel_loop3A_760, %parallel_loop3A_760 : vector<16xf32>
        %parallel_loop3A_763 = arith.addf %parallel_loop3A_761, %parallel_loop3A_762 : vector<16xf32>
        %parallel_loop3A_764 = arith.addf %parallel_loop3A_708, %parallel_loop3A_763 : vector<16xf32>
        %parallel_loop3A_765 = arith.constant 0.000000e+00 : f32
        %parallel_loop3A_766 = vector.broadcast %parallel_loop3A_765 : f32 to vector<16xf32>
        %parallel_loop3A_767 = arith.cmpf ogt, %parallel_loop3A_749, %parallel_loop3A_766 : vector<16xf32>
        %parallel_loop3A_768 = arith.constant 0.000000e+00 : f32
        %parallel_loop3A_769 = vector.broadcast %parallel_loop3A_768 : f32 to vector<16xf32>
        %parallel_loop3A_770 = arith.cmpf ogt, %parallel_loop3A_750, %parallel_loop3A_769 : vector<16xf32>
        %parallel_loop3A_771 = arith.constant 0.000000e+00 : f32
        %parallel_loop3A_772 = vector.broadcast %parallel_loop3A_771 : f32 to vector<16xf32>
        %parallel_loop3A_773 = arith.select %parallel_loop3A_767, %parallel_loop3A_761, %parallel_loop3A_772 : vector<16xi1>, vector<16xf32>
        %parallel_loop3A_774 = arith.addf %parallel_loop3A_718, %parallel_loop3A_773 : vector<16xf32>
        %parallel_loop3A_775 = arith.constant 0.000000e+00 : f32
        %parallel_loop3A_776 = vector.broadcast %parallel_loop3A_775 : f32 to vector<16xf32>
        %parallel_loop3A_777 = arith.select %parallel_loop3A_770, %parallel_loop3A_762, %parallel_loop3A_776 : vector<16xi1>, vector<16xf32>
        %parallel_loop3A_778 = arith.addf %parallel_loop3A_722, %parallel_loop3A_777 : vector<16xf32>
        %parallel_loop3A_779 = tpu.all_reduce %parallel_loop3A_767 {dim = 0 : i64, kind = #tpu.reduction_kind<sum>} : vector<16xi1> -> vector<16xi32>
        %parallel_loop3A_780 = arith.addi %parallel_loop3A_724, %parallel_loop3A_779 : vector<16xi32>
        %parallel_loop3A_781 = tpu.all_reduce %parallel_loop3A_770 {dim = 0 : i64, kind = #tpu.reduction_kind<sum>} : vector<16xi1> -> vector<16xi32>
        %parallel_loop3A_782 = arith.addi %parallel_loop3A_726, %parallel_loop3A_781 : vector<16xi32>
        %parallel_loop3A_783 = arith.constant 7 : i32
        %parallel_loop3A_784 = arith.addi %mul3A_4, %parallel_loop3A_783 : i32
        %parallel_loop3A_785 = arith.constant 1 : i32
        %parallel_loop3A_786 = arith.addi %parallel_loop3A_784, %parallel_loop3A_785 : i32
        %parallel_loop3A_787 = arith.constant 0 : i32
        %parallel_loop3A_788 = arith.constant 255 : i32
        %parallel_loop3A_789 = arith.maxsi %parallel_loop3A_787, %parallel_loop3A_786 : i32
        %parallel_loop3A_790 = arith.minsi %parallel_loop3A_788, %parallel_loop3A_789 : i32
        %parallel_loop3A_791 = arith.subi %parallel_loop3A_790, %multiple_of3A_7 : i32
        %parallel_loop3A_792 = vector.broadcast %parallel_loop3A_791 : i32 to vector<16xi32>
        %parallel_loop3A_793 = tpu.vector_load_idx %arg12[%parallel_loop3A_792, %parallel_loop3A_360] : memref<24x256xf32, #tpu.memory_space<vmem>>[vector<16xi32>, vector<16xi32>], vector<16xf32>,
        %parallel_loop3A_794 = arith.constant 1.875000e-01 : f32
        %parallel_loop3A_795 = vector.broadcast %parallel_loop3A_794 : f32 to vector<16xf32>
        %parallel_loop3A_796 = arith.mulf %parallel_loop3A_795, %parallel_loop3A_793 : vector<16xf32>
        %parallel_loop3A_797 = tpu.vector_load_idx %arg12[%parallel_loop3A_792, %parallel_loop3A_362] : memref<24x256xf32, #tpu.memory_space<vmem>>[vector<16xi32>, vector<16xi32>], vector<16xf32>,
        %parallel_loop3A_798 = arith.constant 6.250000e-02 : f32
        %parallel_loop3A_799 = vector.broadcast %parallel_loop3A_798 : f32 to vector<16xf32>
        %parallel_loop3A_800 = arith.mulf %parallel_loop3A_799, %parallel_loop3A_797 : vector<16xf32>
        %parallel_loop3A_801 = arith.addf %parallel_loop3A_796, %parallel_loop3A_800 : vector<16xf32>
        %parallel_loop3A_802 = arith.constant 3.000000e+00 : f32
        %parallel_loop3A_803 = vector.broadcast %parallel_loop3A_802 : f32 to vector<16xf32>
        %parallel_loop3A_804 = arith.mulf %parallel_loop3A_803, %parallel_loop3A_745 : vector<16xf32>
        %parallel_loop3A_805 = arith.addf %parallel_loop3A_804, %parallel_loop3A_689 : vector<16xf32>
        %parallel_loop3A_806 = arith.addf %parallel_loop3A_804, %parallel_loop3A_801 : vector<16xf32>
        %parallel_loop3A_807 = arith.constant 14 : i32
        %parallel_loop3A_808 = arith.index_cast %parallel_loop3A_807 : i32 to index
        %parallel_loop3A_809 = arith.index_cast %parallel_loop3A_358 : i32 to index
        %parallel_loop3A_810 = tpu.vector_load %arg8[%parallel_loop3A_808, %parallel_loop3A_809] {strides = array<i32>} : memref<16x512xf32, #tpu.memory_space<vmem>>, vector<16xf32>,
        %parallel_loop3A_811 = arith.subf %parallel_loop3A_810, %parallel_loop3A_805 : vector<16xf32>
        %parallel_loop3A_812 = arith.constant 15 : i32
        %parallel_loop3A_813 = arith.index_cast %parallel_loop3A_812 : i32 to index
        %parallel_loop3A_814 = arith.index_cast %parallel_loop3A_358 : i32 to index
        %parallel_loop3A_815 = tpu.vector_load %arg8[%parallel_loop3A_813, %parallel_loop3A_814] {strides = array<i32>} : memref<16x512xf32, #tpu.memory_space<vmem>>, vector<16xf32>,
        %parallel_loop3A_816 = arith.subf %parallel_loop3A_815, %parallel_loop3A_806 : vector<16xf32>
        %parallel_loop3A_817 = arith.mulf %parallel_loop3A_811, %parallel_loop3A_811 : vector<16xf32>
        %parallel_loop3A_818 = arith.mulf %parallel_loop3A_816, %parallel_loop3A_816 : vector<16xf32>
        %parallel_loop3A_819 = arith.addf %parallel_loop3A_817, %parallel_loop3A_818 : vector<16xf32>
        %parallel_loop3A_820 = arith.addf %parallel_loop3A_764, %parallel_loop3A_819 : vector<16xf32>
        %parallel_loop3A_821 = arith.constant 0.000000e+00 : f32
        %parallel_loop3A_822 = vector.broadcast %parallel_loop3A_821 : f32 to vector<16xf32>
        %parallel_loop3A_823 = arith.cmpf ogt, %parallel_loop3A_805, %parallel_loop3A_822 : vector<16xf32>
        %parallel_loop3A_824 = arith.constant 0.000000e+00 : f32
        %parallel_loop3A_825 = vector.broadcast %parallel_loop3A_824 : f32 to vector<16xf32>
        %parallel_loop3A_826 = arith.cmpf ogt, %parallel_loop3A_806, %parallel_loop3A_825 : vector<16xf32>
        %parallel_loop3A_827 = arith.constant 0.000000e+00 : f32
        %parallel_loop3A_828 = vector.broadcast %parallel_loop3A_827 : f32 to vector<16xf32>
        %parallel_loop3A_829 = arith.select %parallel_loop3A_823, %parallel_loop3A_817, %parallel_loop3A_828 : vector<16xi1>, vector<16xf32>
        %parallel_loop3A_830 = arith.addf %parallel_loop3A_774, %parallel_loop3A_829 : vector<16xf32>
        %parallel_loop3A_831 = arith.constant 0.000000e+00 : f32
        %parallel_loop3A_832 = vector.broadcast %parallel_loop3A_831 : f32 to vector<16xf32>
        %parallel_loop3A_833 = arith.select %parallel_loop3A_826, %parallel_loop3A_818, %parallel_loop3A_832 : vector<16xi1>, vector<16xf32>
        %parallel_loop3A_834 = arith.addf %parallel_loop3A_778, %parallel_loop3A_833 : vector<16xf32>
        %parallel_loop3A_835 = tpu.all_reduce %parallel_loop3A_823 {dim = 0 : i64, kind = #tpu.reduction_kind<sum>} : vector<16xi1> -> vector<16xi32>
        %parallel_loop3A_836 = arith.addi %parallel_loop3A_780, %parallel_loop3A_835 : vector<16xi32>
        %parallel_loop3A_837 = tpu.all_reduce %parallel_loop3A_826 {dim = 0 : i64, kind = #tpu.reduction_kind<sum>} : vector<16xi1> -> vector<16xi32>
        %parallel_loop3A_838 = arith.addi %parallel_loop3A_782, %parallel_loop3A_837 : vector<16xi32>
        scf.yield %parallel_loop3A_836, %parallel_loop3A_838, %parallel_loop3A_830, %parallel_loop3A_834, %parallel_loop3A_820 : vector<16xi32>, vector<16xi32>, vector<16xf32>, vector<16xf32>, vector<16xf32>
      } {sc.loop_unroll_factor = 1 : i64, sc.parallel_access}
      %reduce_sum3A_257 = arith.constant true
      %reduce_sum3A_258 = vector.broadcast %reduce_sum3A_257 : i1 to vector<16xi1>
      %reduce_sum3A_259 = tpu.scan <sum>, %parallel_loop3A_256#0 masked %reduce_sum3A_258 : vector<16xi32>, vector<16xi1> -> vector<16xi32>
      %reduce_sum3A_260 = vector.extract %reduce_sum3A_259[15] : i32 from vector<16xi32>
      %reduce_sum3A_261 = arith.constant true
      %reduce_sum3A_262 = vector.broadcast %reduce_sum3A_261 : i1 to vector<16xi1>
      %reduce_sum3A_263 = tpu.scan <sum>, %parallel_loop3A_256#1 masked %reduce_sum3A_262 : vector<16xi32>, vector<16xi1> -> vector<16xi32>
      %reduce_sum3A_264 = vector.extract %reduce_sum3A_263[15] : i32 from vector<16xi32>
      %add3A_265 = arith.addi %reduce_sum3A_260, %reduce_sum3A_264 : i32
      %convert_element_type3A_266 = arith.sitofp %add3A_265 : i32 to f32
      %mul3A_267 = arith.constant 6.250000e-02 : f32
      %mul3A_268 = arith.mulf %convert_element_type3A_266, %mul3A_267 : f32
      %add3A_269 = arith.addf %parallel_loop3A_256#2, %parallel_loop3A_256#3 : vector<16xf32>
      %reduce_sum3A_270 = arith.constant true
      %reduce_sum3A_271 = vector.broadcast %reduce_sum3A_270 : i1 to vector<16xi1>
      %reduce_sum3A_272 = tpu.scan <sum>, %add3A_269 masked %reduce_sum3A_271 : vector<16xf32>, vector<16xi1> -> vector<16xf32>
      %reduce_sum3A_273 = vector.extract %reduce_sum3A_272[15] : f32 from vector<16xf32>
      %reduce_sum3A_274 = arith.constant true
      %reduce_sum3A_275 = vector.broadcast %reduce_sum3A_274 : i1 to vector<16xi1>
      %reduce_sum3A_276 = tpu.scan <sum>, %parallel_loop3A_256#4 masked %reduce_sum3A_275 : vector<16xf32>, vector<16xi1> -> vector<16xf32>
      %reduce_sum3A_277 = vector.extract %reduce_sum3A_276[15] : f32 from vector<16xf32>
      %mul3A_278 = arith.constant 2 : i32
      %mul3A_279 = arith.muli %add3A_248, %mul3A_278 : i32
      %add3A_280 = arith.constant 0 : i32
      %add3A_281 = arith.addi %mul3A_279, %add3A_280 : i32
      %eq3A_282 = vector.broadcast %add3A_281 : i32 to vector<16xi32>
      %eq3A_283 = arith.cmpi eq, %iota3A, %eq3A_282 : vector<16xi32>
      %jit3A_284 = arith.constant 0.000000e+00 : f32
      %broadcast_in_dim3A_285 = vector.broadcast %mul3A_268 : f32 to vector<16xf32>
      %broadcast_in_dim3A_286 = vector.broadcast %jit3A_284 : f32 to vector<16xf32>
      %select_n3A_287 = arith.select %eq3A_283, %broadcast_in_dim3A_285, %broadcast_in_dim3A_286 : vector<16xi1>, vector<16xf32>
      %add3A_288 = arith.addf %add3A_203, %select_n3A_287 : vector<16xf32>
      %jit3A_289 = arith.constant 0.000000e+00 : f32
      %broadcast_in_dim3A_290 = vector.broadcast %reduce_sum3A_273 : f32 to vector<16xf32>
      %broadcast_in_dim3A_291 = vector.broadcast %jit3A_289 : f32 to vector<16xf32>
      %select_n3A_292 = arith.select %eq3A_283, %broadcast_in_dim3A_290, %broadcast_in_dim3A_291 : vector<16xi1>, vector<16xf32>
      %add3A_293 = arith.addf %add3A_208, %select_n3A_292 : vector<16xf32>
      %jit3A_294 = arith.constant 0.000000e+00 : f32
      %broadcast_in_dim3A_295 = vector.broadcast %reduce_sum3A_277 : f32 to vector<16xf32>
      %broadcast_in_dim3A_296 = vector.broadcast %jit3A_294 : f32 to vector<16xf32>
      %select_n3A_297 = arith.select %eq3A_283, %broadcast_in_dim3A_295, %broadcast_in_dim3A_296 : vector<16xi1>, vector<16xf32>
      %add3A_298 = arith.addf %add3A_213, %select_n3A_297 : vector<16xf32>
      %add3A_299 = arith.constant 1 : i32
      %add3A_300 = arith.addi %mul3A_61, %add3A_299 : i32
      %broadcast_in_dim3A_301 = arith.constant 0.000000e+00 : f32
      %broadcast_in_dim3A_302 = vector.broadcast %broadcast_in_dim3A_301 : f32 to vector<16xf32>
      %broadcast_in_dim3A_303 = arith.constant 0 : i32
      %broadcast_in_dim3A_304 = vector.broadcast %broadcast_in_dim3A_303 : i32 to vector<16xi32>
      %parallel_loop3A_305 = arith.constant 0 : i32
      %parallel_loop3A_306 = arith.constant 32 : i32
      %parallel_loop3A_307 = arith.constant 1 : i32
      %parallel_loop3A_308:5 = scf.for %parallel_loop3A_351 = %parallel_loop3A_305 to %parallel_loop3A_306 step %parallel_loop3A_307 iter_args(%parallel_loop3A_352 = %broadcast_in_dim3A_304, %parallel_loop3A_353 = %broadcast_in_dim3A_304, %parallel_loop3A_354 = %broadcast_in_dim3A_302, %parallel_loop3A_355 = %broadcast_in_dim3A_302, %parallel_loop3A_356 = %broadcast_in_dim3A_302) -> (vector<16xi32>, vector<16xi32>, vector<16xf32>, vector<16xf32>, vector<16xf32>)  : i32 {
        %parallel_loop3A_357 = arith.constant 16 : i32
        %parallel_loop3A_358 = arith.muli %parallel_loop3A_351, %parallel_loop3A_357 : i32
        %parallel_loop3A_359 = arith.index_cast %parallel_loop3A_358 : i32 to index
        %parallel_loop3A_360 = tpu.vector_load %arg14[%parallel_loop3A_359] {strides = array<i32>} : memref<512xi32, #tpu.memory_space<vmem>>, vector<16xi32>,
        %parallel_loop3A_361 = arith.index_cast %parallel_loop3A_358 : i32 to index
        %parallel_loop3A_362 = tpu.vector_load %arg15[%parallel_loop3A_361] {strides = array<i32>} : memref<512xi32, #tpu.memory_space<vmem>>, vector<16xi32>,
        %parallel_loop3A_363 = arith.constant 1 : i32
        %parallel_loop3A_364 = arith.subi %mul3A_4, %parallel_loop3A_363 : i32
        %parallel_loop3A_365 = arith.constant 0 : i32
        %parallel_loop3A_366 = arith.constant 255 : i32
        %parallel_loop3A_367 = arith.maxsi %parallel_loop3A_365, %parallel_loop3A_364 : i32
        %parallel_loop3A_368 = arith.minsi %parallel_loop3A_366, %parallel_loop3A_367 : i32
        %parallel_loop3A_369 = arith.subi %parallel_loop3A_368, %multiple_of3A_7 : i32
        %parallel_loop3A_370 = vector.broadcast %parallel_loop3A_369 : i32 to vector<16xi32>
        %parallel_loop3A_371 = tpu.vector_load_idx %arg13[%parallel_loop3A_370, %parallel_loop3A_360] : memref<24x256xf32, #tpu.memory_space<vmem>>[vector<16xi32>, vector<16xi32>], vector<16xf32>,
        %parallel_loop3A_372 = arith.constant 1.875000e-01 : f32
        %parallel_loop3A_373 = vector.broadcast %parallel_loop3A_372 : f32 to vector<16xf32>
        %parallel_loop3A_374 = arith.mulf %parallel_loop3A_373, %parallel_loop3A_371 : vector<16xf32>
        %parallel_loop3A_375 = tpu.vector_load_idx %arg13[%parallel_loop3A_370, %parallel_loop3A_362] : memref<24x256xf32, #tpu.memory_space<vmem>>[vector<16xi32>, vector<16xi32>], vector<16xf32>,
        %parallel_loop3A_376 = arith.constant 6.250000e-02 : f32
        %parallel_loop3A_377 = vector.broadcast %parallel_loop3A_376 : f32 to vector<16xf32>
        %parallel_loop3A_378 = arith.mulf %parallel_loop3A_377, %parallel_loop3A_375 : vector<16xf32>
        %parallel_loop3A_379 = arith.addf %parallel_loop3A_374, %parallel_loop3A_378 : vector<16xf32>
        %parallel_loop3A_380 = arith.subi %mul3A_4, %multiple_of3A_7 : i32
        %parallel_loop3A_381 = vector.broadcast %parallel_loop3A_380 : i32 to vector<16xi32>
        %parallel_loop3A_382 = tpu.vector_load_idx %arg13[%parallel_loop3A_381, %parallel_loop3A_360] : memref<24x256xf32, #tpu.memory_space<vmem>>[vector<16xi32>, vector<16xi32>], vector<16xf32>,
        %parallel_loop3A_383 = arith.constant 1.875000e-01 : f32
        %parallel_loop3A_384 = vector.broadcast %parallel_loop3A_383 : f32 to vector<16xf32>
        %parallel_loop3A_385 = arith.mulf %parallel_loop3A_384, %parallel_loop3A_382 : vector<16xf32>
        %parallel_loop3A_386 = tpu.vector_load_idx %arg13[%parallel_loop3A_381, %parallel_loop3A_362] : memref<24x256xf32, #tpu.memory_space<vmem>>[vector<16xi32>, vector<16xi32>], vector<16xf32>,
        %parallel_loop3A_387 = arith.constant 6.250000e-02 : f32
        %parallel_loop3A_388 = vector.broadcast %parallel_loop3A_387 : f32 to vector<16xf32>
        %parallel_loop3A_389 = arith.mulf %parallel_loop3A_388, %parallel_loop3A_386 : vector<16xf32>
        %parallel_loop3A_390 = arith.addf %parallel_loop3A_385, %parallel_loop3A_389 : vector<16xf32>
        %parallel_loop3A_391 = arith.constant 0 : i32
        %parallel_loop3A_392 = arith.addi %mul3A_4, %parallel_loop3A_391 : i32
        %parallel_loop3A_393 = arith.constant 1 : i32
        %parallel_loop3A_394 = arith.addi %parallel_loop3A_392, %parallel_loop3A_393 : i32
        %parallel_loop3A_395 = arith.constant 0 : i32
        %parallel_loop3A_396 = arith.constant 255 : i32
        %parallel_loop3A_397 = arith.maxsi %parallel_loop3A_395, %parallel_loop3A_394 : i32
        %parallel_loop3A_398 = arith.minsi %parallel_loop3A_396, %parallel_loop3A_397 : i32
        %parallel_loop3A_399 = arith.subi %parallel_loop3A_398, %multiple_of3A_7 : i32
        %parallel_loop3A_400 = vector.broadcast %parallel_loop3A_399 : i32 to vector<16xi32>
        %parallel_loop3A_401 = tpu.vector_load_idx %arg13[%parallel_loop3A_400, %parallel_loop3A_360] : memref<24x256xf32, #tpu.memory_space<vmem>>[vector<16xi32>, vector<16xi32>], vector<16xf32>,
        %parallel_loop3A_402 = arith.constant 1.875000e-01 : f32
        %parallel_loop3A_403 = vector.broadcast %parallel_loop3A_402 : f32 to vector<16xf32>
        %parallel_loop3A_404 = arith.mulf %parallel_loop3A_403, %parallel_loop3A_401 : vector<16xf32>
        %parallel_loop3A_405 = tpu.vector_load_idx %arg13[%parallel_loop3A_400, %parallel_loop3A_362] : memref<24x256xf32, #tpu.memory_space<vmem>>[vector<16xi32>, vector<16xi32>], vector<16xf32>,
        %parallel_loop3A_406 = arith.constant 6.250000e-02 : f32
        %parallel_loop3A_407 = vector.broadcast %parallel_loop3A_406 : f32 to vector<16xf32>
        %parallel_loop3A_408 = arith.mulf %parallel_loop3A_407, %parallel_loop3A_405 : vector<16xf32>
        %parallel_loop3A_409 = arith.addf %parallel_loop3A_404, %parallel_loop3A_408 : vector<16xf32>
        %parallel_loop3A_410 = arith.constant 3.000000e+00 : f32
        %parallel_loop3A_411 = vector.broadcast %parallel_loop3A_410 : f32 to vector<16xf32>
        %parallel_loop3A_412 = arith.mulf %parallel_loop3A_411, %parallel_loop3A_390 : vector<16xf32>
        %parallel_loop3A_413 = arith.addf %parallel_loop3A_412, %parallel_loop3A_379 : vector<16xf32>
        %parallel_loop3A_414 = arith.addf %parallel_loop3A_412, %parallel_loop3A_409 : vector<16xf32>
        %parallel_loop3A_415 = arith.constant 0 : i32
        %parallel_loop3A_416 = arith.index_cast %parallel_loop3A_415 : i32 to index
        %parallel_loop3A_417 = arith.index_cast %parallel_loop3A_358 : i32 to index
        %parallel_loop3A_418 = tpu.vector_load %arg9[%parallel_loop3A_416, %parallel_loop3A_417] {strides = array<i32>} : memref<16x512xf32, #tpu.memory_space<vmem>>, vector<16xf32>,
        %parallel_loop3A_419 = arith.subf %parallel_loop3A_418, %parallel_loop3A_413 : vector<16xf32>
        %parallel_loop3A_420 = arith.constant 1 : i32
        %parallel_loop3A_421 = arith.index_cast %parallel_loop3A_420 : i32 to index
        %parallel_loop3A_422 = arith.index_cast %parallel_loop3A_358 : i32 to index
        %parallel_loop3A_423 = tpu.vector_load %arg9[%parallel_loop3A_421, %parallel_loop3A_422] {strides = array<i32>} : memref<16x512xf32, #tpu.memory_space<vmem>>, vector<16xf32>,
        %parallel_loop3A_424 = arith.subf %parallel_loop3A_423, %parallel_loop3A_414 : vector<16xf32>
        %parallel_loop3A_425 = arith.mulf %parallel_loop3A_419, %parallel_loop3A_419 : vector<16xf32>
        %parallel_loop3A_426 = arith.mulf %parallel_loop3A_424, %parallel_loop3A_424 : vector<16xf32>
        %parallel_loop3A_427 = arith.addf %parallel_loop3A_425, %parallel_loop3A_426 : vector<16xf32>
        %parallel_loop3A_428 = arith.addf %parallel_loop3A_356, %parallel_loop3A_427 : vector<16xf32>
        %parallel_loop3A_429 = arith.constant 0.000000e+00 : f32
        %parallel_loop3A_430 = vector.broadcast %parallel_loop3A_429 : f32 to vector<16xf32>
        %parallel_loop3A_431 = arith.cmpf ogt, %parallel_loop3A_413, %parallel_loop3A_430 : vector<16xf32>
        %parallel_loop3A_432 = arith.constant 0.000000e+00 : f32
        %parallel_loop3A_433 = vector.broadcast %parallel_loop3A_432 : f32 to vector<16xf32>
        %parallel_loop3A_434 = arith.cmpf ogt, %parallel_loop3A_414, %parallel_loop3A_433 : vector<16xf32>
        %parallel_loop3A_435 = arith.constant 0.000000e+00 : f32
        %parallel_loop3A_436 = vector.broadcast %parallel_loop3A_435 : f32 to vector<16xf32>
        %parallel_loop3A_437 = arith.select %parallel_loop3A_431, %parallel_loop3A_425, %parallel_loop3A_436 : vector<16xi1>, vector<16xf32>
        %parallel_loop3A_438 = arith.addf %parallel_loop3A_354, %parallel_loop3A_437 : vector<16xf32>
        %parallel_loop3A_439 = arith.constant 0.000000e+00 : f32
        %parallel_loop3A_440 = vector.broadcast %parallel_loop3A_439 : f32 to vector<16xf32>
        %parallel_loop3A_441 = arith.select %parallel_loop3A_434, %parallel_loop3A_426, %parallel_loop3A_440 : vector<16xi1>, vector<16xf32>
        %parallel_loop3A_442 = arith.addf %parallel_loop3A_355, %parallel_loop3A_441 : vector<16xf32>
        %parallel_loop3A_443 = tpu.all_reduce %parallel_loop3A_431 {dim = 0 : i64, kind = #tpu.reduction_kind<sum>} : vector<16xi1> -> vector<16xi32>
        %parallel_loop3A_444 = arith.addi %parallel_loop3A_352, %parallel_loop3A_443 : vector<16xi32>
        %parallel_loop3A_445 = tpu.all_reduce %parallel_loop3A_434 {dim = 0 : i64, kind = #tpu.reduction_kind<sum>} : vector<16xi1> -> vector<16xi32>
        %parallel_loop3A_446 = arith.addi %parallel_loop3A_353, %parallel_loop3A_445 : vector<16xi32>
        %parallel_loop3A_447 = arith.constant 1 : i32
        %parallel_loop3A_448 = arith.addi %mul3A_4, %parallel_loop3A_447 : i32
        %parallel_loop3A_449 = arith.constant 1 : i32
        %parallel_loop3A_450 = arith.addi %parallel_loop3A_448, %parallel_loop3A_449 : i32
        %parallel_loop3A_451 = arith.constant 0 : i32
        %parallel_loop3A_452 = arith.constant 255 : i32
        %parallel_loop3A_453 = arith.maxsi %parallel_loop3A_451, %parallel_loop3A_450 : i32
        %parallel_loop3A_454 = arith.minsi %parallel_loop3A_452, %parallel_loop3A_453 : i32
        %parallel_loop3A_455 = arith.subi %parallel_loop3A_454, %multiple_of3A_7 : i32
        %parallel_loop3A_456 = vector.broadcast %parallel_loop3A_455 : i32 to vector<16xi32>
        %parallel_loop3A_457 = tpu.vector_load_idx %arg13[%parallel_loop3A_456, %parallel_loop3A_360] : memref<24x256xf32, #tpu.memory_space<vmem>>[vector<16xi32>, vector<16xi32>], vector<16xf32>,
        %parallel_loop3A_458 = arith.constant 1.875000e-01 : f32
        %parallel_loop3A_459 = vector.broadcast %parallel_loop3A_458 : f32 to vector<16xf32>
        %parallel_loop3A_460 = arith.mulf %parallel_loop3A_459, %parallel_loop3A_457 : vector<16xf32>
        %parallel_loop3A_461 = tpu.vector_load_idx %arg13[%parallel_loop3A_456, %parallel_loop3A_362] : memref<24x256xf32, #tpu.memory_space<vmem>>[vector<16xi32>, vector<16xi32>], vector<16xf32>,
        %parallel_loop3A_462 = arith.constant 6.250000e-02 : f32
        %parallel_loop3A_463 = vector.broadcast %parallel_loop3A_462 : f32 to vector<16xf32>
        %parallel_loop3A_464 = arith.mulf %parallel_loop3A_463, %parallel_loop3A_461 : vector<16xf32>
        %parallel_loop3A_465 = arith.addf %parallel_loop3A_460, %parallel_loop3A_464 : vector<16xf32>
        %parallel_loop3A_466 = arith.constant 3.000000e+00 : f32
        %parallel_loop3A_467 = vector.broadcast %parallel_loop3A_466 : f32 to vector<16xf32>
        %parallel_loop3A_468 = arith.mulf %parallel_loop3A_467, %parallel_loop3A_409 : vector<16xf32>
        %parallel_loop3A_469 = arith.addf %parallel_loop3A_468, %parallel_loop3A_390 : vector<16xf32>
        %parallel_loop3A_470 = arith.addf %parallel_loop3A_468, %parallel_loop3A_465 : vector<16xf32>
        %parallel_loop3A_471 = arith.constant 2 : i32
        %parallel_loop3A_472 = arith.index_cast %parallel_loop3A_471 : i32 to index
        %parallel_loop3A_473 = arith.index_cast %parallel_loop3A_358 : i32 to index
        %parallel_loop3A_474 = tpu.vector_load %arg9[%parallel_loop3A_472, %parallel_loop3A_473] {strides = array<i32>} : memref<16x512xf32, #tpu.memory_space<vmem>>, vector<16xf32>,
        %parallel_loop3A_475 = arith.subf %parallel_loop3A_474, %parallel_loop3A_469 : vector<16xf32>
        %parallel_loop3A_476 = arith.constant 3 : i32
        %parallel_loop3A_477 = arith.index_cast %parallel_loop3A_476 : i32 to index
        %parallel_loop3A_478 = arith.index_cast %parallel_loop3A_358 : i32 to index
        %parallel_loop3A_479 = tpu.vector_load %arg9[%parallel_loop3A_477, %parallel_loop3A_478] {strides = array<i32>} : memref<16x512xf32, #tpu.memory_space<vmem>>, vector<16xf32>,
        %parallel_loop3A_480 = arith.subf %parallel_loop3A_479, %parallel_loop3A_470 : vector<16xf32>
        %parallel_loop3A_481 = arith.mulf %parallel_loop3A_475, %parallel_loop3A_475 : vector<16xf32>
        %parallel_loop3A_482 = arith.mulf %parallel_loop3A_480, %parallel_loop3A_480 : vector<16xf32>
        %parallel_loop3A_483 = arith.addf %parallel_loop3A_481, %parallel_loop3A_482 : vector<16xf32>
        %parallel_loop3A_484 = arith.addf %parallel_loop3A_428, %parallel_loop3A_483 : vector<16xf32>
        %parallel_loop3A_485 = arith.constant 0.000000e+00 : f32
        %parallel_loop3A_486 = vector.broadcast %parallel_loop3A_485 : f32 to vector<16xf32>
        %parallel_loop3A_487 = arith.cmpf ogt, %parallel_loop3A_469, %parallel_loop3A_486 : vector<16xf32>
        %parallel_loop3A_488 = arith.constant 0.000000e+00 : f32
        %parallel_loop3A_489 = vector.broadcast %parallel_loop3A_488 : f32 to vector<16xf32>
        %parallel_loop3A_490 = arith.cmpf ogt, %parallel_loop3A_470, %parallel_loop3A_489 : vector<16xf32>
        %parallel_loop3A_491 = arith.constant 0.000000e+00 : f32
        %parallel_loop3A_492 = vector.broadcast %parallel_loop3A_491 : f32 to vector<16xf32>
        %parallel_loop3A_493 = arith.select %parallel_loop3A_487, %parallel_loop3A_481, %parallel_loop3A_492 : vector<16xi1>, vector<16xf32>
        %parallel_loop3A_494 = arith.addf %parallel_loop3A_438, %parallel_loop3A_493 : vector<16xf32>
        %parallel_loop3A_495 = arith.constant 0.000000e+00 : f32
        %parallel_loop3A_496 = vector.broadcast %parallel_loop3A_495 : f32 to vector<16xf32>
        %parallel_loop3A_497 = arith.select %parallel_loop3A_490, %parallel_loop3A_482, %parallel_loop3A_496 : vector<16xi1>, vector<16xf32>
        %parallel_loop3A_498 = arith.addf %parallel_loop3A_442, %parallel_loop3A_497 : vector<16xf32>
        %parallel_loop3A_499 = tpu.all_reduce %parallel_loop3A_487 {dim = 0 : i64, kind = #tpu.reduction_kind<sum>} : vector<16xi1> -> vector<16xi32>
        %parallel_loop3A_500 = arith.addi %parallel_loop3A_444, %parallel_loop3A_499 : vector<16xi32>
        %parallel_loop3A_501 = tpu.all_reduce %parallel_loop3A_490 {dim = 0 : i64, kind = #tpu.reduction_kind<sum>} : vector<16xi1> -> vector<16xi32>
        %parallel_loop3A_502 = arith.addi %parallel_loop3A_446, %parallel_loop3A_501 : vector<16xi32>
        %parallel_loop3A_503 = arith.constant 2 : i32
        %parallel_loop3A_504 = arith.addi %mul3A_4, %parallel_loop3A_503 : i32
        %parallel_loop3A_505 = arith.constant 1 : i32
        %parallel_loop3A_506 = arith.addi %parallel_loop3A_504, %parallel_loop3A_505 : i32
        %parallel_loop3A_507 = arith.constant 0 : i32
        %parallel_loop3A_508 = arith.constant 255 : i32
        %parallel_loop3A_509 = arith.maxsi %parallel_loop3A_507, %parallel_loop3A_506 : i32
        %parallel_loop3A_510 = arith.minsi %parallel_loop3A_508, %parallel_loop3A_509 : i32
        %parallel_loop3A_511 = arith.subi %parallel_loop3A_510, %multiple_of3A_7 : i32
        %parallel_loop3A_512 = vector.broadcast %parallel_loop3A_511 : i32 to vector<16xi32>
        %parallel_loop3A_513 = tpu.vector_load_idx %arg13[%parallel_loop3A_512, %parallel_loop3A_360] : memref<24x256xf32, #tpu.memory_space<vmem>>[vector<16xi32>, vector<16xi32>], vector<16xf32>,
        %parallel_loop3A_514 = arith.constant 1.875000e-01 : f32
        %parallel_loop3A_515 = vector.broadcast %parallel_loop3A_514 : f32 to vector<16xf32>
        %parallel_loop3A_516 = arith.mulf %parallel_loop3A_515, %parallel_loop3A_513 : vector<16xf32>
        %parallel_loop3A_517 = tpu.vector_load_idx %arg13[%parallel_loop3A_512, %parallel_loop3A_362] : memref<24x256xf32, #tpu.memory_space<vmem>>[vector<16xi32>, vector<16xi32>], vector<16xf32>,
        %parallel_loop3A_518 = arith.constant 6.250000e-02 : f32
        %parallel_loop3A_519 = vector.broadcast %parallel_loop3A_518 : f32 to vector<16xf32>
        %parallel_loop3A_520 = arith.mulf %parallel_loop3A_519, %parallel_loop3A_517 : vector<16xf32>
        %parallel_loop3A_521 = arith.addf %parallel_loop3A_516, %parallel_loop3A_520 : vector<16xf32>
        %parallel_loop3A_522 = arith.constant 3.000000e+00 : f32
        %parallel_loop3A_523 = vector.broadcast %parallel_loop3A_522 : f32 to vector<16xf32>
        %parallel_loop3A_524 = arith.mulf %parallel_loop3A_523, %parallel_loop3A_465 : vector<16xf32>
        %parallel_loop3A_525 = arith.addf %parallel_loop3A_524, %parallel_loop3A_409 : vector<16xf32>
        %parallel_loop3A_526 = arith.addf %parallel_loop3A_524, %parallel_loop3A_521 : vector<16xf32>
        %parallel_loop3A_527 = arith.constant 4 : i32
        %parallel_loop3A_528 = arith.index_cast %parallel_loop3A_527 : i32 to index
        %parallel_loop3A_529 = arith.index_cast %parallel_loop3A_358 : i32 to index
        %parallel_loop3A_530 = tpu.vector_load %arg9[%parallel_loop3A_528, %parallel_loop3A_529] {strides = array<i32>} : memref<16x512xf32, #tpu.memory_space<vmem>>, vector<16xf32>,
        %parallel_loop3A_531 = arith.subf %parallel_loop3A_530, %parallel_loop3A_525 : vector<16xf32>
        %parallel_loop3A_532 = arith.constant 5 : i32
        %parallel_loop3A_533 = arith.index_cast %parallel_loop3A_532 : i32 to index
        %parallel_loop3A_534 = arith.index_cast %parallel_loop3A_358 : i32 to index
        %parallel_loop3A_535 = tpu.vector_load %arg9[%parallel_loop3A_533, %parallel_loop3A_534] {strides = array<i32>} : memref<16x512xf32, #tpu.memory_space<vmem>>, vector<16xf32>,
        %parallel_loop3A_536 = arith.subf %parallel_loop3A_535, %parallel_loop3A_526 : vector<16xf32>
        %parallel_loop3A_537 = arith.mulf %parallel_loop3A_531, %parallel_loop3A_531 : vector<16xf32>
        %parallel_loop3A_538 = arith.mulf %parallel_loop3A_536, %parallel_loop3A_536 : vector<16xf32>
        %parallel_loop3A_539 = arith.addf %parallel_loop3A_537, %parallel_loop3A_538 : vector<16xf32>
        %parallel_loop3A_540 = arith.addf %parallel_loop3A_484, %parallel_loop3A_539 : vector<16xf32>
        %parallel_loop3A_541 = arith.constant 0.000000e+00 : f32
        %parallel_loop3A_542 = vector.broadcast %parallel_loop3A_541 : f32 to vector<16xf32>
        %parallel_loop3A_543 = arith.cmpf ogt, %parallel_loop3A_525, %parallel_loop3A_542 : vector<16xf32>
        %parallel_loop3A_544 = arith.constant 0.000000e+00 : f32
        %parallel_loop3A_545 = vector.broadcast %parallel_loop3A_544 : f32 to vector<16xf32>
        %parallel_loop3A_546 = arith.cmpf ogt, %parallel_loop3A_526, %parallel_loop3A_545 : vector<16xf32>
        %parallel_loop3A_547 = arith.constant 0.000000e+00 : f32
        %parallel_loop3A_548 = vector.broadcast %parallel_loop3A_547 : f32 to vector<16xf32>
        %parallel_loop3A_549 = arith.select %parallel_loop3A_543, %parallel_loop3A_537, %parallel_loop3A_548 : vector<16xi1>, vector<16xf32>
        %parallel_loop3A_550 = arith.addf %parallel_loop3A_494, %parallel_loop3A_549 : vector<16xf32>
        %parallel_loop3A_551 = arith.constant 0.000000e+00 : f32
        %parallel_loop3A_552 = vector.broadcast %parallel_loop3A_551 : f32 to vector<16xf32>
        %parallel_loop3A_553 = arith.select %parallel_loop3A_546, %parallel_loop3A_538, %parallel_loop3A_552 : vector<16xi1>, vector<16xf32>
        %parallel_loop3A_554 = arith.addf %parallel_loop3A_498, %parallel_loop3A_553 : vector<16xf32>
        %parallel_loop3A_555 = tpu.all_reduce %parallel_loop3A_543 {dim = 0 : i64, kind = #tpu.reduction_kind<sum>} : vector<16xi1> -> vector<16xi32>
        %parallel_loop3A_556 = arith.addi %parallel_loop3A_500, %parallel_loop3A_555 : vector<16xi32>
        %parallel_loop3A_557 = tpu.all_reduce %parallel_loop3A_546 {dim = 0 : i64, kind = #tpu.reduction_kind<sum>} : vector<16xi1> -> vector<16xi32>
        %parallel_loop3A_558 = arith.addi %parallel_loop3A_502, %parallel_loop3A_557 : vector<16xi32>
        %parallel_loop3A_559 = arith.constant 3 : i32
        %parallel_loop3A_560 = arith.addi %mul3A_4, %parallel_loop3A_559 : i32
        %parallel_loop3A_561 = arith.constant 1 : i32
        %parallel_loop3A_562 = arith.addi %parallel_loop3A_560, %parallel_loop3A_561 : i32
        %parallel_loop3A_563 = arith.constant 0 : i32
        %parallel_loop3A_564 = arith.constant 255 : i32
        %parallel_loop3A_565 = arith.maxsi %parallel_loop3A_563, %parallel_loop3A_562 : i32
        %parallel_loop3A_566 = arith.minsi %parallel_loop3A_564, %parallel_loop3A_565 : i32
        %parallel_loop3A_567 = arith.subi %parallel_loop3A_566, %multiple_of3A_7 : i32
        %parallel_loop3A_568 = vector.broadcast %parallel_loop3A_567 : i32 to vector<16xi32>
        %parallel_loop3A_569 = tpu.vector_load_idx %arg13[%parallel_loop3A_568, %parallel_loop3A_360] : memref<24x256xf32, #tpu.memory_space<vmem>>[vector<16xi32>, vector<16xi32>], vector<16xf32>,
        %parallel_loop3A_570 = arith.constant 1.875000e-01 : f32
        %parallel_loop3A_571 = vector.broadcast %parallel_loop3A_570 : f32 to vector<16xf32>
        %parallel_loop3A_572 = arith.mulf %parallel_loop3A_571, %parallel_loop3A_569 : vector<16xf32>
        %parallel_loop3A_573 = tpu.vector_load_idx %arg13[%parallel_loop3A_568, %parallel_loop3A_362] : memref<24x256xf32, #tpu.memory_space<vmem>>[vector<16xi32>, vector<16xi32>], vector<16xf32>,
        %parallel_loop3A_574 = arith.constant 6.250000e-02 : f32
        %parallel_loop3A_575 = vector.broadcast %parallel_loop3A_574 : f32 to vector<16xf32>
        %parallel_loop3A_576 = arith.mulf %parallel_loop3A_575, %parallel_loop3A_573 : vector<16xf32>
        %parallel_loop3A_577 = arith.addf %parallel_loop3A_572, %parallel_loop3A_576 : vector<16xf32>
        %parallel_loop3A_578 = arith.constant 3.000000e+00 : f32
        %parallel_loop3A_579 = vector.broadcast %parallel_loop3A_578 : f32 to vector<16xf32>
        %parallel_loop3A_580 = arith.mulf %parallel_loop3A_579, %parallel_loop3A_521 : vector<16xf32>
        %parallel_loop3A_581 = arith.addf %parallel_loop3A_580, %parallel_loop3A_465 : vector<16xf32>
        %parallel_loop3A_582 = arith.addf %parallel_loop3A_580, %parallel_loop3A_577 : vector<16xf32>
        %parallel_loop3A_583 = arith.constant 6 : i32
        %parallel_loop3A_584 = arith.index_cast %parallel_loop3A_583 : i32 to index
        %parallel_loop3A_585 = arith.index_cast %parallel_loop3A_358 : i32 to index
        %parallel_loop3A_586 = tpu.vector_load %arg9[%parallel_loop3A_584, %parallel_loop3A_585] {strides = array<i32>} : memref<16x512xf32, #tpu.memory_space<vmem>>, vector<16xf32>,
        %parallel_loop3A_587 = arith.subf %parallel_loop3A_586, %parallel_loop3A_581 : vector<16xf32>
        %parallel_loop3A_588 = arith.constant 7 : i32
        %parallel_loop3A_589 = arith.index_cast %parallel_loop3A_588 : i32 to index
        %parallel_loop3A_590 = arith.index_cast %parallel_loop3A_358 : i32 to index
        %parallel_loop3A_591 = tpu.vector_load %arg9[%parallel_loop3A_589, %parallel_loop3A_590] {strides = array<i32>} : memref<16x512xf32, #tpu.memory_space<vmem>>, vector<16xf32>,
        %parallel_loop3A_592 = arith.subf %parallel_loop3A_591, %parallel_loop3A_582 : vector<16xf32>
        %parallel_loop3A_593 = arith.mulf %parallel_loop3A_587, %parallel_loop3A_587 : vector<16xf32>
        %parallel_loop3A_594 = arith.mulf %parallel_loop3A_592, %parallel_loop3A_592 : vector<16xf32>
        %parallel_loop3A_595 = arith.addf %parallel_loop3A_593, %parallel_loop3A_594 : vector<16xf32>
        %parallel_loop3A_596 = arith.addf %parallel_loop3A_540, %parallel_loop3A_595 : vector<16xf32>
        %parallel_loop3A_597 = arith.constant 0.000000e+00 : f32
        %parallel_loop3A_598 = vector.broadcast %parallel_loop3A_597 : f32 to vector<16xf32>
        %parallel_loop3A_599 = arith.cmpf ogt, %parallel_loop3A_581, %parallel_loop3A_598 : vector<16xf32>
        %parallel_loop3A_600 = arith.constant 0.000000e+00 : f32
        %parallel_loop3A_601 = vector.broadcast %parallel_loop3A_600 : f32 to vector<16xf32>
        %parallel_loop3A_602 = arith.cmpf ogt, %parallel_loop3A_582, %parallel_loop3A_601 : vector<16xf32>
        %parallel_loop3A_603 = arith.constant 0.000000e+00 : f32
        %parallel_loop3A_604 = vector.broadcast %parallel_loop3A_603 : f32 to vector<16xf32>
        %parallel_loop3A_605 = arith.select %parallel_loop3A_599, %parallel_loop3A_593, %parallel_loop3A_604 : vector<16xi1>, vector<16xf32>
        %parallel_loop3A_606 = arith.addf %parallel_loop3A_550, %parallel_loop3A_605 : vector<16xf32>
        %parallel_loop3A_607 = arith.constant 0.000000e+00 : f32
        %parallel_loop3A_608 = vector.broadcast %parallel_loop3A_607 : f32 to vector<16xf32>
        %parallel_loop3A_609 = arith.select %parallel_loop3A_602, %parallel_loop3A_594, %parallel_loop3A_608 : vector<16xi1>, vector<16xf32>
        %parallel_loop3A_610 = arith.addf %parallel_loop3A_554, %parallel_loop3A_609 : vector<16xf32>
        %parallel_loop3A_611 = tpu.all_reduce %parallel_loop3A_599 {dim = 0 : i64, kind = #tpu.reduction_kind<sum>} : vector<16xi1> -> vector<16xi32>
        %parallel_loop3A_612 = arith.addi %parallel_loop3A_556, %parallel_loop3A_611 : vector<16xi32>
        %parallel_loop3A_613 = tpu.all_reduce %parallel_loop3A_602 {dim = 0 : i64, kind = #tpu.reduction_kind<sum>} : vector<16xi1> -> vector<16xi32>
        %parallel_loop3A_614 = arith.addi %parallel_loop3A_558, %parallel_loop3A_613 : vector<16xi32>
        %parallel_loop3A_615 = arith.constant 4 : i32
        %parallel_loop3A_616 = arith.addi %mul3A_4, %parallel_loop3A_615 : i32
        %parallel_loop3A_617 = arith.constant 1 : i32
        %parallel_loop3A_618 = arith.addi %parallel_loop3A_616, %parallel_loop3A_617 : i32
        %parallel_loop3A_619 = arith.constant 0 : i32
        %parallel_loop3A_620 = arith.constant 255 : i32
        %parallel_loop3A_621 = arith.maxsi %parallel_loop3A_619, %parallel_loop3A_618 : i32
        %parallel_loop3A_622 = arith.minsi %parallel_loop3A_620, %parallel_loop3A_621 : i32
        %parallel_loop3A_623 = arith.subi %parallel_loop3A_622, %multiple_of3A_7 : i32
        %parallel_loop3A_624 = vector.broadcast %parallel_loop3A_623 : i32 to vector<16xi32>
        %parallel_loop3A_625 = tpu.vector_load_idx %arg13[%parallel_loop3A_624, %parallel_loop3A_360] : memref<24x256xf32, #tpu.memory_space<vmem>>[vector<16xi32>, vector<16xi32>], vector<16xf32>,
        %parallel_loop3A_626 = arith.constant 1.875000e-01 : f32
        %parallel_loop3A_627 = vector.broadcast %parallel_loop3A_626 : f32 to vector<16xf32>
        %parallel_loop3A_628 = arith.mulf %parallel_loop3A_627, %parallel_loop3A_625 : vector<16xf32>
        %parallel_loop3A_629 = tpu.vector_load_idx %arg13[%parallel_loop3A_624, %parallel_loop3A_362] : memref<24x256xf32, #tpu.memory_space<vmem>>[vector<16xi32>, vector<16xi32>], vector<16xf32>,
        %parallel_loop3A_630 = arith.constant 6.250000e-02 : f32
        %parallel_loop3A_631 = vector.broadcast %parallel_loop3A_630 : f32 to vector<16xf32>
        %parallel_loop3A_632 = arith.mulf %parallel_loop3A_631, %parallel_loop3A_629 : vector<16xf32>
        %parallel_loop3A_633 = arith.addf %parallel_loop3A_628, %parallel_loop3A_632 : vector<16xf32>
        %parallel_loop3A_634 = arith.constant 3.000000e+00 : f32
        %parallel_loop3A_635 = vector.broadcast %parallel_loop3A_634 : f32 to vector<16xf32>
        %parallel_loop3A_636 = arith.mulf %parallel_loop3A_635, %parallel_loop3A_577 : vector<16xf32>
        %parallel_loop3A_637 = arith.addf %parallel_loop3A_636, %parallel_loop3A_521 : vector<16xf32>
        %parallel_loop3A_638 = arith.addf %parallel_loop3A_636, %parallel_loop3A_633 : vector<16xf32>
        %parallel_loop3A_639 = arith.constant 8 : i32
        %parallel_loop3A_640 = arith.index_cast %parallel_loop3A_639 : i32 to index
        %parallel_loop3A_641 = arith.index_cast %parallel_loop3A_358 : i32 to index
        %parallel_loop3A_642 = tpu.vector_load %arg9[%parallel_loop3A_640, %parallel_loop3A_641] {strides = array<i32>} : memref<16x512xf32, #tpu.memory_space<vmem>>, vector<16xf32>,
        %parallel_loop3A_643 = arith.subf %parallel_loop3A_642, %parallel_loop3A_637 : vector<16xf32>
        %parallel_loop3A_644 = arith.constant 9 : i32
        %parallel_loop3A_645 = arith.index_cast %parallel_loop3A_644 : i32 to index
        %parallel_loop3A_646 = arith.index_cast %parallel_loop3A_358 : i32 to index
        %parallel_loop3A_647 = tpu.vector_load %arg9[%parallel_loop3A_645, %parallel_loop3A_646] {strides = array<i32>} : memref<16x512xf32, #tpu.memory_space<vmem>>, vector<16xf32>,
        %parallel_loop3A_648 = arith.subf %parallel_loop3A_647, %parallel_loop3A_638 : vector<16xf32>
        %parallel_loop3A_649 = arith.mulf %parallel_loop3A_643, %parallel_loop3A_643 : vector<16xf32>
        %parallel_loop3A_650 = arith.mulf %parallel_loop3A_648, %parallel_loop3A_648 : vector<16xf32>
        %parallel_loop3A_651 = arith.addf %parallel_loop3A_649, %parallel_loop3A_650 : vector<16xf32>
        %parallel_loop3A_652 = arith.addf %parallel_loop3A_596, %parallel_loop3A_651 : vector<16xf32>
        %parallel_loop3A_653 = arith.constant 0.000000e+00 : f32
        %parallel_loop3A_654 = vector.broadcast %parallel_loop3A_653 : f32 to vector<16xf32>
        %parallel_loop3A_655 = arith.cmpf ogt, %parallel_loop3A_637, %parallel_loop3A_654 : vector<16xf32>
        %parallel_loop3A_656 = arith.constant 0.000000e+00 : f32
        %parallel_loop3A_657 = vector.broadcast %parallel_loop3A_656 : f32 to vector<16xf32>
        %parallel_loop3A_658 = arith.cmpf ogt, %parallel_loop3A_638, %parallel_loop3A_657 : vector<16xf32>
        %parallel_loop3A_659 = arith.constant 0.000000e+00 : f32
        %parallel_loop3A_660 = vector.broadcast %parallel_loop3A_659 : f32 to vector<16xf32>
        %parallel_loop3A_661 = arith.select %parallel_loop3A_655, %parallel_loop3A_649, %parallel_loop3A_660 : vector<16xi1>, vector<16xf32>
        %parallel_loop3A_662 = arith.addf %parallel_loop3A_606, %parallel_loop3A_661 : vector<16xf32>
        %parallel_loop3A_663 = arith.constant 0.000000e+00 : f32
        %parallel_loop3A_664 = vector.broadcast %parallel_loop3A_663 : f32 to vector<16xf32>
        %parallel_loop3A_665 = arith.select %parallel_loop3A_658, %parallel_loop3A_650, %parallel_loop3A_664 : vector<16xi1>, vector<16xf32>
        %parallel_loop3A_666 = arith.addf %parallel_loop3A_610, %parallel_loop3A_665 : vector<16xf32>
        %parallel_loop3A_667 = tpu.all_reduce %parallel_loop3A_655 {dim = 0 : i64, kind = #tpu.reduction_kind<sum>} : vector<16xi1> -> vector<16xi32>
        %parallel_loop3A_668 = arith.addi %parallel_loop3A_612, %parallel_loop3A_667 : vector<16xi32>
        %parallel_loop3A_669 = tpu.all_reduce %parallel_loop3A_658 {dim = 0 : i64, kind = #tpu.reduction_kind<sum>} : vector<16xi1> -> vector<16xi32>
        %parallel_loop3A_670 = arith.addi %parallel_loop3A_614, %parallel_loop3A_669 : vector<16xi32>
        %parallel_loop3A_671 = arith.constant 5 : i32
        %parallel_loop3A_672 = arith.addi %mul3A_4, %parallel_loop3A_671 : i32
        %parallel_loop3A_673 = arith.constant 1 : i32
        %parallel_loop3A_674 = arith.addi %parallel_loop3A_672, %parallel_loop3A_673 : i32
        %parallel_loop3A_675 = arith.constant 0 : i32
        %parallel_loop3A_676 = arith.constant 255 : i32
        %parallel_loop3A_677 = arith.maxsi %parallel_loop3A_675, %parallel_loop3A_674 : i32
        %parallel_loop3A_678 = arith.minsi %parallel_loop3A_676, %parallel_loop3A_677 : i32
        %parallel_loop3A_679 = arith.subi %parallel_loop3A_678, %multiple_of3A_7 : i32
        %parallel_loop3A_680 = vector.broadcast %parallel_loop3A_679 : i32 to vector<16xi32>
        %parallel_loop3A_681 = tpu.vector_load_idx %arg13[%parallel_loop3A_680, %parallel_loop3A_360] : memref<24x256xf32, #tpu.memory_space<vmem>>[vector<16xi32>, vector<16xi32>], vector<16xf32>,
        %parallel_loop3A_682 = arith.constant 1.875000e-01 : f32
        %parallel_loop3A_683 = vector.broadcast %parallel_loop3A_682 : f32 to vector<16xf32>
        %parallel_loop3A_684 = arith.mulf %parallel_loop3A_683, %parallel_loop3A_681 : vector<16xf32>
        %parallel_loop3A_685 = tpu.vector_load_idx %arg13[%parallel_loop3A_680, %parallel_loop3A_362] : memref<24x256xf32, #tpu.memory_space<vmem>>[vector<16xi32>, vector<16xi32>], vector<16xf32>,
        %parallel_loop3A_686 = arith.constant 6.250000e-02 : f32
        %parallel_loop3A_687 = vector.broadcast %parallel_loop3A_686 : f32 to vector<16xf32>
        %parallel_loop3A_688 = arith.mulf %parallel_loop3A_687, %parallel_loop3A_685 : vector<16xf32>
        %parallel_loop3A_689 = arith.addf %parallel_loop3A_684, %parallel_loop3A_688 : vector<16xf32>
        %parallel_loop3A_690 = arith.constant 3.000000e+00 : f32
        %parallel_loop3A_691 = vector.broadcast %parallel_loop3A_690 : f32 to vector<16xf32>
        %parallel_loop3A_692 = arith.mulf %parallel_loop3A_691, %parallel_loop3A_633 : vector<16xf32>
        %parallel_loop3A_693 = arith.addf %parallel_loop3A_692, %parallel_loop3A_577 : vector<16xf32>
        %parallel_loop3A_694 = arith.addf %parallel_loop3A_692, %parallel_loop3A_689 : vector<16xf32>
        %parallel_loop3A_695 = arith.constant 10 : i32
        %parallel_loop3A_696 = arith.index_cast %parallel_loop3A_695 : i32 to index
        %parallel_loop3A_697 = arith.index_cast %parallel_loop3A_358 : i32 to index
        %parallel_loop3A_698 = tpu.vector_load %arg9[%parallel_loop3A_696, %parallel_loop3A_697] {strides = array<i32>} : memref<16x512xf32, #tpu.memory_space<vmem>>, vector<16xf32>,
        %parallel_loop3A_699 = arith.subf %parallel_loop3A_698, %parallel_loop3A_693 : vector<16xf32>
        %parallel_loop3A_700 = arith.constant 11 : i32
        %parallel_loop3A_701 = arith.index_cast %parallel_loop3A_700 : i32 to index
        %parallel_loop3A_702 = arith.index_cast %parallel_loop3A_358 : i32 to index
        %parallel_loop3A_703 = tpu.vector_load %arg9[%parallel_loop3A_701, %parallel_loop3A_702] {strides = array<i32>} : memref<16x512xf32, #tpu.memory_space<vmem>>, vector<16xf32>,
        %parallel_loop3A_704 = arith.subf %parallel_loop3A_703, %parallel_loop3A_694 : vector<16xf32>
        %parallel_loop3A_705 = arith.mulf %parallel_loop3A_699, %parallel_loop3A_699 : vector<16xf32>
        %parallel_loop3A_706 = arith.mulf %parallel_loop3A_704, %parallel_loop3A_704 : vector<16xf32>
        %parallel_loop3A_707 = arith.addf %parallel_loop3A_705, %parallel_loop3A_706 : vector<16xf32>
        %parallel_loop3A_708 = arith.addf %parallel_loop3A_652, %parallel_loop3A_707 : vector<16xf32>
        %parallel_loop3A_709 = arith.constant 0.000000e+00 : f32
        %parallel_loop3A_710 = vector.broadcast %parallel_loop3A_709 : f32 to vector<16xf32>
        %parallel_loop3A_711 = arith.cmpf ogt, %parallel_loop3A_693, %parallel_loop3A_710 : vector<16xf32>
        %parallel_loop3A_712 = arith.constant 0.000000e+00 : f32
        %parallel_loop3A_713 = vector.broadcast %parallel_loop3A_712 : f32 to vector<16xf32>
        %parallel_loop3A_714 = arith.cmpf ogt, %parallel_loop3A_694, %parallel_loop3A_713 : vector<16xf32>
        %parallel_loop3A_715 = arith.constant 0.000000e+00 : f32
        %parallel_loop3A_716 = vector.broadcast %parallel_loop3A_715 : f32 to vector<16xf32>
        %parallel_loop3A_717 = arith.select %parallel_loop3A_711, %parallel_loop3A_705, %parallel_loop3A_716 : vector<16xi1>, vector<16xf32>
        %parallel_loop3A_718 = arith.addf %parallel_loop3A_662, %parallel_loop3A_717 : vector<16xf32>
        %parallel_loop3A_719 = arith.constant 0.000000e+00 : f32
        %parallel_loop3A_720 = vector.broadcast %parallel_loop3A_719 : f32 to vector<16xf32>
        %parallel_loop3A_721 = arith.select %parallel_loop3A_714, %parallel_loop3A_706, %parallel_loop3A_720 : vector<16xi1>, vector<16xf32>
        %parallel_loop3A_722 = arith.addf %parallel_loop3A_666, %parallel_loop3A_721 : vector<16xf32>
        %parallel_loop3A_723 = tpu.all_reduce %parallel_loop3A_711 {dim = 0 : i64, kind = #tpu.reduction_kind<sum>} : vector<16xi1> -> vector<16xi32>
        %parallel_loop3A_724 = arith.addi %parallel_loop3A_668, %parallel_loop3A_723 : vector<16xi32>
        %parallel_loop3A_725 = tpu.all_reduce %parallel_loop3A_714 {dim = 0 : i64, kind = #tpu.reduction_kind<sum>} : vector<16xi1> -> vector<16xi32>
        %parallel_loop3A_726 = arith.addi %parallel_loop3A_670, %parallel_loop3A_725 : vector<16xi32>
        %parallel_loop3A_727 = arith.constant 6 : i32
        %parallel_loop3A_728 = arith.addi %mul3A_4, %parallel_loop3A_727 : i32
        %parallel_loop3A_729 = arith.constant 1 : i32
        %parallel_loop3A_730 = arith.addi %parallel_loop3A_728, %parallel_loop3A_729 : i32
        %parallel_loop3A_731 = arith.constant 0 : i32
        %parallel_loop3A_732 = arith.constant 255 : i32
        %parallel_loop3A_733 = arith.maxsi %parallel_loop3A_731, %parallel_loop3A_730 : i32
        %parallel_loop3A_734 = arith.minsi %parallel_loop3A_732, %parallel_loop3A_733 : i32
        %parallel_loop3A_735 = arith.subi %parallel_loop3A_734, %multiple_of3A_7 : i32
        %parallel_loop3A_736 = vector.broadcast %parallel_loop3A_735 : i32 to vector<16xi32>
        %parallel_loop3A_737 = tpu.vector_load_idx %arg13[%parallel_loop3A_736, %parallel_loop3A_360] : memref<24x256xf32, #tpu.memory_space<vmem>>[vector<16xi32>, vector<16xi32>], vector<16xf32>,
        %parallel_loop3A_738 = arith.constant 1.875000e-01 : f32
        %parallel_loop3A_739 = vector.broadcast %parallel_loop3A_738 : f32 to vector<16xf32>
        %parallel_loop3A_740 = arith.mulf %parallel_loop3A_739, %parallel_loop3A_737 : vector<16xf32>
        %parallel_loop3A_741 = tpu.vector_load_idx %arg13[%parallel_loop3A_736, %parallel_loop3A_362] : memref<24x256xf32, #tpu.memory_space<vmem>>[vector<16xi32>, vector<16xi32>], vector<16xf32>,
        %parallel_loop3A_742 = arith.constant 6.250000e-02 : f32
        %parallel_loop3A_743 = vector.broadcast %parallel_loop3A_742 : f32 to vector<16xf32>
        %parallel_loop3A_744 = arith.mulf %parallel_loop3A_743, %parallel_loop3A_741 : vector<16xf32>
        %parallel_loop3A_745 = arith.addf %parallel_loop3A_740, %parallel_loop3A_744 : vector<16xf32>
        %parallel_loop3A_746 = arith.constant 3.000000e+00 : f32
        %parallel_loop3A_747 = vector.broadcast %parallel_loop3A_746 : f32 to vector<16xf32>
        %parallel_loop3A_748 = arith.mulf %parallel_loop3A_747, %parallel_loop3A_689 : vector<16xf32>
        %parallel_loop3A_749 = arith.addf %parallel_loop3A_748, %parallel_loop3A_633 : vector<16xf32>
        %parallel_loop3A_750 = arith.addf %parallel_loop3A_748, %parallel_loop3A_745 : vector<16xf32>
        %parallel_loop3A_751 = arith.constant 12 : i32
        %parallel_loop3A_752 = arith.index_cast %parallel_loop3A_751 : i32 to index
        %parallel_loop3A_753 = arith.index_cast %parallel_loop3A_358 : i32 to index
        %parallel_loop3A_754 = tpu.vector_load %arg9[%parallel_loop3A_752, %parallel_loop3A_753] {strides = array<i32>} : memref<16x512xf32, #tpu.memory_space<vmem>>, vector<16xf32>,
        %parallel_loop3A_755 = arith.subf %parallel_loop3A_754, %parallel_loop3A_749 : vector<16xf32>
        %parallel_loop3A_756 = arith.constant 13 : i32
        %parallel_loop3A_757 = arith.index_cast %parallel_loop3A_756 : i32 to index
        %parallel_loop3A_758 = arith.index_cast %parallel_loop3A_358 : i32 to index
        %parallel_loop3A_759 = tpu.vector_load %arg9[%parallel_loop3A_757, %parallel_loop3A_758] {strides = array<i32>} : memref<16x512xf32, #tpu.memory_space<vmem>>, vector<16xf32>,
        %parallel_loop3A_760 = arith.subf %parallel_loop3A_759, %parallel_loop3A_750 : vector<16xf32>
        %parallel_loop3A_761 = arith.mulf %parallel_loop3A_755, %parallel_loop3A_755 : vector<16xf32>
        %parallel_loop3A_762 = arith.mulf %parallel_loop3A_760, %parallel_loop3A_760 : vector<16xf32>
        %parallel_loop3A_763 = arith.addf %parallel_loop3A_761, %parallel_loop3A_762 : vector<16xf32>
        %parallel_loop3A_764 = arith.addf %parallel_loop3A_708, %parallel_loop3A_763 : vector<16xf32>
        %parallel_loop3A_765 = arith.constant 0.000000e+00 : f32
        %parallel_loop3A_766 = vector.broadcast %parallel_loop3A_765 : f32 to vector<16xf32>
        %parallel_loop3A_767 = arith.cmpf ogt, %parallel_loop3A_749, %parallel_loop3A_766 : vector<16xf32>
        %parallel_loop3A_768 = arith.constant 0.000000e+00 : f32
        %parallel_loop3A_769 = vector.broadcast %parallel_loop3A_768 : f32 to vector<16xf32>
        %parallel_loop3A_770 = arith.cmpf ogt, %parallel_loop3A_750, %parallel_loop3A_769 : vector<16xf32>
        %parallel_loop3A_771 = arith.constant 0.000000e+00 : f32
        %parallel_loop3A_772 = vector.broadcast %parallel_loop3A_771 : f32 to vector<16xf32>
        %parallel_loop3A_773 = arith.select %parallel_loop3A_767, %parallel_loop3A_761, %parallel_loop3A_772 : vector<16xi1>, vector<16xf32>
        %parallel_loop3A_774 = arith.addf %parallel_loop3A_718, %parallel_loop3A_773 : vector<16xf32>
        %parallel_loop3A_775 = arith.constant 0.000000e+00 : f32
        %parallel_loop3A_776 = vector.broadcast %parallel_loop3A_775 : f32 to vector<16xf32>
        %parallel_loop3A_777 = arith.select %parallel_loop3A_770, %parallel_loop3A_762, %parallel_loop3A_776 : vector<16xi1>, vector<16xf32>
        %parallel_loop3A_778 = arith.addf %parallel_loop3A_722, %parallel_loop3A_777 : vector<16xf32>
        %parallel_loop3A_779 = tpu.all_reduce %parallel_loop3A_767 {dim = 0 : i64, kind = #tpu.reduction_kind<sum>} : vector<16xi1> -> vector<16xi32>
        %parallel_loop3A_780 = arith.addi %parallel_loop3A_724, %parallel_loop3A_779 : vector<16xi32>
        %parallel_loop3A_781 = tpu.all_reduce %parallel_loop3A_770 {dim = 0 : i64, kind = #tpu.reduction_kind<sum>} : vector<16xi1> -> vector<16xi32>
        %parallel_loop3A_782 = arith.addi %parallel_loop3A_726, %parallel_loop3A_781 : vector<16xi32>
        %parallel_loop3A_783 = arith.constant 7 : i32
        %parallel_loop3A_784 = arith.addi %mul3A_4, %parallel_loop3A_783 : i32
        %parallel_loop3A_785 = arith.constant 1 : i32
        %parallel_loop3A_786 = arith.addi %parallel_loop3A_784, %parallel_loop3A_785 : i32
        %parallel_loop3A_787 = arith.constant 0 : i32
        %parallel_loop3A_788 = arith.constant 255 : i32
        %parallel_loop3A_789 = arith.maxsi %parallel_loop3A_787, %parallel_loop3A_786 : i32
        %parallel_loop3A_790 = arith.minsi %parallel_loop3A_788, %parallel_loop3A_789 : i32
        %parallel_loop3A_791 = arith.subi %parallel_loop3A_790, %multiple_of3A_7 : i32
        %parallel_loop3A_792 = vector.broadcast %parallel_loop3A_791 : i32 to vector<16xi32>
        %parallel_loop3A_793 = tpu.vector_load_idx %arg13[%parallel_loop3A_792, %parallel_loop3A_360] : memref<24x256xf32, #tpu.memory_space<vmem>>[vector<16xi32>, vector<16xi32>], vector<16xf32>,
        %parallel_loop3A_794 = arith.constant 1.875000e-01 : f32
        %parallel_loop3A_795 = vector.broadcast %parallel_loop3A_794 : f32 to vector<16xf32>
        %parallel_loop3A_796 = arith.mulf %parallel_loop3A_795, %parallel_loop3A_793 : vector<16xf32>
        %parallel_loop3A_797 = tpu.vector_load_idx %arg13[%parallel_loop3A_792, %parallel_loop3A_362] : memref<24x256xf32, #tpu.memory_space<vmem>>[vector<16xi32>, vector<16xi32>], vector<16xf32>,
        %parallel_loop3A_798 = arith.constant 6.250000e-02 : f32
        %parallel_loop3A_799 = vector.broadcast %parallel_loop3A_798 : f32 to vector<16xf32>
        %parallel_loop3A_800 = arith.mulf %parallel_loop3A_799, %parallel_loop3A_797 : vector<16xf32>
        %parallel_loop3A_801 = arith.addf %parallel_loop3A_796, %parallel_loop3A_800 : vector<16xf32>
        %parallel_loop3A_802 = arith.constant 3.000000e+00 : f32
        %parallel_loop3A_803 = vector.broadcast %parallel_loop3A_802 : f32 to vector<16xf32>
        %parallel_loop3A_804 = arith.mulf %parallel_loop3A_803, %parallel_loop3A_745 : vector<16xf32>
        %parallel_loop3A_805 = arith.addf %parallel_loop3A_804, %parallel_loop3A_689 : vector<16xf32>
        %parallel_loop3A_806 = arith.addf %parallel_loop3A_804, %parallel_loop3A_801 : vector<16xf32>
        %parallel_loop3A_807 = arith.constant 14 : i32
        %parallel_loop3A_808 = arith.index_cast %parallel_loop3A_807 : i32 to index
        %parallel_loop3A_809 = arith.index_cast %parallel_loop3A_358 : i32 to index
        %parallel_loop3A_810 = tpu.vector_load %arg9[%parallel_loop3A_808, %parallel_loop3A_809] {strides = array<i32>} : memref<16x512xf32, #tpu.memory_space<vmem>>, vector<16xf32>,
        %parallel_loop3A_811 = arith.subf %parallel_loop3A_810, %parallel_loop3A_805 : vector<16xf32>
        %parallel_loop3A_812 = arith.constant 15 : i32
        %parallel_loop3A_813 = arith.index_cast %parallel_loop3A_812 : i32 to index
        %parallel_loop3A_814 = arith.index_cast %parallel_loop3A_358 : i32 to index
        %parallel_loop3A_815 = tpu.vector_load %arg9[%parallel_loop3A_813, %parallel_loop3A_814] {strides = array<i32>} : memref<16x512xf32, #tpu.memory_space<vmem>>, vector<16xf32>,
        %parallel_loop3A_816 = arith.subf %parallel_loop3A_815, %parallel_loop3A_806 : vector<16xf32>
        %parallel_loop3A_817 = arith.mulf %parallel_loop3A_811, %parallel_loop3A_811 : vector<16xf32>
        %parallel_loop3A_818 = arith.mulf %parallel_loop3A_816, %parallel_loop3A_816 : vector<16xf32>
        %parallel_loop3A_819 = arith.addf %parallel_loop3A_817, %parallel_loop3A_818 : vector<16xf32>
        %parallel_loop3A_820 = arith.addf %parallel_loop3A_764, %parallel_loop3A_819 : vector<16xf32>
        %parallel_loop3A_821 = arith.constant 0.000000e+00 : f32
        %parallel_loop3A_822 = vector.broadcast %parallel_loop3A_821 : f32 to vector<16xf32>
        %parallel_loop3A_823 = arith.cmpf ogt, %parallel_loop3A_805, %parallel_loop3A_822 : vector<16xf32>
        %parallel_loop3A_824 = arith.constant 0.000000e+00 : f32
        %parallel_loop3A_825 = vector.broadcast %parallel_loop3A_824 : f32 to vector<16xf32>
        %parallel_loop3A_826 = arith.cmpf ogt, %parallel_loop3A_806, %parallel_loop3A_825 : vector<16xf32>
        %parallel_loop3A_827 = arith.constant 0.000000e+00 : f32
        %parallel_loop3A_828 = vector.broadcast %parallel_loop3A_827 : f32 to vector<16xf32>
        %parallel_loop3A_829 = arith.select %parallel_loop3A_823, %parallel_loop3A_817, %parallel_loop3A_828 : vector<16xi1>, vector<16xf32>
        %parallel_loop3A_830 = arith.addf %parallel_loop3A_774, %parallel_loop3A_829 : vector<16xf32>
        %parallel_loop3A_831 = arith.constant 0.000000e+00 : f32
        %parallel_loop3A_832 = vector.broadcast %parallel_loop3A_831 : f32 to vector<16xf32>
        %parallel_loop3A_833 = arith.select %parallel_loop3A_826, %parallel_loop3A_818, %parallel_loop3A_832 : vector<16xi1>, vector<16xf32>
        %parallel_loop3A_834 = arith.addf %parallel_loop3A_778, %parallel_loop3A_833 : vector<16xf32>
        %parallel_loop3A_835 = tpu.all_reduce %parallel_loop3A_823 {dim = 0 : i64, kind = #tpu.reduction_kind<sum>} : vector<16xi1> -> vector<16xi32>
        %parallel_loop3A_836 = arith.addi %parallel_loop3A_780, %parallel_loop3A_835 : vector<16xi32>
        %parallel_loop3A_837 = tpu.all_reduce %parallel_loop3A_826 {dim = 0 : i64, kind = #tpu.reduction_kind<sum>} : vector<16xi1> -> vector<16xi32>
        %parallel_loop3A_838 = arith.addi %parallel_loop3A_782, %parallel_loop3A_837 : vector<16xi32>
        scf.yield %parallel_loop3A_836, %parallel_loop3A_838, %parallel_loop3A_830, %parallel_loop3A_834, %parallel_loop3A_820 : vector<16xi32>, vector<16xi32>, vector<16xf32>, vector<16xf32>, vector<16xf32>
      } {sc.loop_unroll_factor = 1 : i64, sc.parallel_access}
      %reduce_sum3A_309 = arith.constant true
      %reduce_sum3A_310 = vector.broadcast %reduce_sum3A_309 : i1 to vector<16xi1>
      %reduce_sum3A_311 = tpu.scan <sum>, %parallel_loop3A_308#0 masked %reduce_sum3A_310 : vector<16xi32>, vector<16xi1> -> vector<16xi32>
      %reduce_sum3A_312 = vector.extract %reduce_sum3A_311[15] : i32 from vector<16xi32>
      %reduce_sum3A_313 = arith.constant true
      %reduce_sum3A_314 = vector.broadcast %reduce_sum3A_313 : i1 to vector<16xi1>
      %reduce_sum3A_315 = tpu.scan <sum>, %parallel_loop3A_308#1 masked %reduce_sum3A_314 : vector<16xi32>, vector<16xi1> -> vector<16xi32>
      %reduce_sum3A_316 = vector.extract %reduce_sum3A_315[15] : i32 from vector<16xi32>
      %add3A_317 = arith.addi %reduce_sum3A_312, %reduce_sum3A_316 : i32
      %convert_element_type3A_318 = arith.sitofp %add3A_317 : i32 to f32
      %mul3A_319 = arith.constant 6.250000e-02 : f32
      %mul3A_320 = arith.mulf %convert_element_type3A_318, %mul3A_319 : f32
      %add3A_321 = arith.addf %parallel_loop3A_308#2, %parallel_loop3A_308#3 : vector<16xf32>
      %reduce_sum3A_322 = arith.constant true
      %reduce_sum3A_323 = vector.broadcast %reduce_sum3A_322 : i1 to vector<16xi1>
      %reduce_sum3A_324 = tpu.scan <sum>, %add3A_321 masked %reduce_sum3A_323 : vector<16xf32>, vector<16xi1> -> vector<16xf32>
      %reduce_sum3A_325 = vector.extract %reduce_sum3A_324[15] : f32 from vector<16xf32>
      %reduce_sum3A_326 = arith.constant true
      %reduce_sum3A_327 = vector.broadcast %reduce_sum3A_326 : i1 to vector<16xi1>
      %reduce_sum3A_328 = tpu.scan <sum>, %parallel_loop3A_308#4 masked %reduce_sum3A_327 : vector<16xf32>, vector<16xi1> -> vector<16xf32>
      %reduce_sum3A_329 = vector.extract %reduce_sum3A_328[15] : f32 from vector<16xf32>
      %mul3A_330 = arith.constant 2 : i32
      %mul3A_331 = arith.muli %add3A_300, %mul3A_330 : i32
      %add3A_332 = arith.constant 1 : i32
      %add3A_333 = arith.addi %mul3A_331, %add3A_332 : i32
      %eq3A_334 = vector.broadcast %add3A_333 : i32 to vector<16xi32>
      %eq3A_335 = arith.cmpi eq, %iota3A, %eq3A_334 : vector<16xi32>
      %jit3A_336 = arith.constant 0.000000e+00 : f32
      %broadcast_in_dim3A_337 = vector.broadcast %mul3A_320 : f32 to vector<16xf32>
      %broadcast_in_dim3A_338 = vector.broadcast %jit3A_336 : f32 to vector<16xf32>
      %select_n3A_339 = arith.select %eq3A_335, %broadcast_in_dim3A_337, %broadcast_in_dim3A_338 : vector<16xi1>, vector<16xf32>
      %add3A_340 = arith.addf %add3A_288, %select_n3A_339 : vector<16xf32>
      %jit3A_341 = arith.constant 0.000000e+00 : f32
      %broadcast_in_dim3A_342 = vector.broadcast %reduce_sum3A_325 : f32 to vector<16xf32>
      %broadcast_in_dim3A_343 = vector.broadcast %jit3A_341 : f32 to vector<16xf32>
      %select_n3A_344 = arith.select %eq3A_335, %broadcast_in_dim3A_342, %broadcast_in_dim3A_343 : vector<16xi1>, vector<16xf32>
      %add3A_345 = arith.addf %add3A_293, %select_n3A_344 : vector<16xf32>
      %jit3A_346 = arith.constant 0.000000e+00 : f32
      %broadcast_in_dim3A_347 = vector.broadcast %reduce_sum3A_329 : f32 to vector<16xf32>
      %broadcast_in_dim3A_348 = vector.broadcast %jit3A_346 : f32 to vector<16xf32>
      %select_n3A_349 = arith.select %eq3A_335, %broadcast_in_dim3A_347, %broadcast_in_dim3A_348 : vector<16xi1>, vector<16xf32>
      %add3A_350 = arith.addf %add3A_298, %select_n3A_349 : vector<16xf32>
      scf.yield %add3A_340, %add3A_345, %add3A_350 : vector<16xf32>, vector<16xf32>, vector<16xf32>
    }
    %scan3A_50 = arith.constant 4 : i32
    %swap3A = arith.constant 0 : index
    %swap3A_51 = tpu.vector_load %arg16[%swap3A] {strides = array<i32>} : memref<48xf32, #tpu.memory_space<vmem>>, vector<16xf32>,
    tpu.vector_store %arg16[%swap3A], %scan3A_49#0 {strides = array<i32>} : memref<48xf32, #tpu.memory_space<vmem>>, vector<16xf32>,
    %swap3A_52 = arith.constant 16 : index
    %swap3A_53 = tpu.vector_load %arg16[%swap3A_52] {strides = array<i32>} : memref<48xf32, #tpu.memory_space<vmem>>, vector<16xf32>,
    tpu.vector_store %arg16[%swap3A_52], %scan3A_49#1 {strides = array<i32>} : memref<48xf32, #tpu.memory_space<vmem>>, vector<16xf32>,
    %swap3A_54 = arith.constant 32 : index
    %swap3A_55 = tpu.vector_load %arg16[%swap3A_54] {strides = array<i32>} : memref<48xf32, #tpu.memory_space<vmem>>, vector<16xf32>,
    tpu.vector_store %arg16[%swap3A_54], %scan3A_49#2 {strides = array<i32>} : memref<48xf32, #tpu.memory_space<vmem>>, vector<16xf32>,
    "tpu.region"() ({
      %run_scoped3A = tpu.sem_alloc : memref<!tpu.dma_semaphore, #tpu.memory_space<semaphore_mem>>
      %dma_start3A_56 = arith.constant 0 : i32
      %dma_start3A_57 = tpu.memref_slice %arg5[%add3A, %dma_start3A_56] : memref<32x48xf32, #tpu.memory_space<hbm>> -> memref<1x48xf32, #tpu.memory_space<hbm>>
      %dma_start3A_58 = tpu.memref_squeeze %dma_start3A_57 : memref<1x48xf32, #tpu.memory_space<hbm>> -> memref<48xf32, #tpu.memory_space<hbm>>
      %dma_start3A_59 = arith.constant 0 : i32
      %dma_start3A_60 = tpu.memref_slice %arg5[%add3A, %dma_start3A_59] : memref<32x48xf32, #tpu.memory_space<hbm>> -> memref<1x48xf32, #tpu.memory_space<hbm>>
      %dma_start3A_61 = tpu.memref_squeeze %dma_start3A_60 : memref<1x48xf32, #tpu.memory_space<hbm>> -> memref<48xf32, #tpu.memory_space<hbm>>
      tpu.enqueue_dma source(%arg16 : memref<48xf32, #tpu.memory_space<vmem>>) target(%dma_start3A_61 : memref<48xf32, #tpu.memory_space<hbm>>) target_semaphore(%run_scoped3A : memref<!tpu.dma_semaphore, #tpu.memory_space<semaphore_mem>>)
      %dma_wait3A = arith.constant 0 : i32
      %dma_wait3A_62 = tpu.memref_slice %arg5[%add3A, %dma_wait3A] : memref<32x48xf32, #tpu.memory_space<hbm>> -> memref<1x48xf32, #tpu.memory_space<hbm>>
      %dma_wait3A_63 = tpu.memref_squeeze %dma_wait3A_62 : memref<1x48xf32, #tpu.memory_space<hbm>> -> memref<48xf32, #tpu.memory_space<hbm>>
      %dma_wait3A_64 = arith.constant 0 : i32
      %dma_wait3A_65 = tpu.memref_slice %arg5[%add3A, %dma_wait3A_64] : memref<32x48xf32, #tpu.memory_space<hbm>> -> memref<1x48xf32, #tpu.memory_space<hbm>>
      %dma_wait3A_66 = tpu.memref_squeeze %dma_wait3A_65 : memref<1x48xf32, #tpu.memory_space<hbm>> -> memref<48xf32, #tpu.memory_space<hbm>>
      tpu.wait_dma2 semaphore(%run_scoped3A : memref<!tpu.dma_semaphore, #tpu.memory_space<semaphore_mem>>) src(%arg16 : memref<48xf32, #tpu.memory_space<vmem>>) dst(%dma_wait3A_66 : memref<48xf32, #tpu.memory_space<hbm>>)
      tpu.yield
    }) : () -> ()
    return
  }
}

</mosaic_0001>

<sc_bundles>
// kernel: branch_1_fun.4.cloned.1.call-start
scs
__scs_entry_jumppad:
0x0: {  	(pc) =	sbr.rel $0x88, $3  }
0x1: {  	(tag) =	ssettag $0x0;
	lr =	simm.s32 $0x1  }
0x2: {  	[smem:$0x3F9E] =	sst lr;
	_ =	strace $0xD0000000  }
0x3: {  	_ = 	snop  }
0x4: {  	_ = 	snop  }
0x5: {  	_ = 	snop  }
0x6: {  	_ = 	snop  }
0x7: {  	_ = 	snop  }
__scs_overlays_trampoline_lowered:
0x8: {  	[smem:$0x3FAD] =	sst s0  }
0x9: {  	[smem:$0x3FAE] =	sst s1  }
0xa: {  	[smem:$0x3FAF] =	sst s2  }
0xb: {  	[smem:$0x3FB0] =	sst s3  }
0xc: {  	[smem:$0x3FB1] =	sst s4  }
0xd: {  	[smem:$0x3FB2] =	sst s5  }
0xe: {  	[smem:$0x3FB3] =	sst s6  }
0xf: {  	[smem:$0x3FB4] =	sst s7  }
0x10: {  	[smem:$0x3FB5] =	sst s8  }
0x11: {  	[smem:$0x3FB6] =	sst s9;
	s0 =	simm.s32 @!p0 $0x0  }
0x12: {  	s1 =	sld [smem:$0x3F9C];
	s0 =	simm.s32 @p0 $0x1  }
0x13: {  	[smem:$0x3FB7] =	sst s0;
	s0 =	simm.s32 @!p1 $0x0  }
0x14: {  	s2 =	sld [smem:$0x3F9B];
	s0 =	simm.s32 @p1 $0x1  }
0x15: {  	[smem:$0x3FB8] =	sst s0;
	s0 =	simm.s32 @!p2 $0x0  }
0x16: {  	s3 =	sld [smem:$0x3FDB];
	s0 =	simm.s32 @p2 $0x1  }
0x17: {  	s4 =	simm.s32 $0x1BF5;
	[smem:$0x3FBA] =	sst s0  }
0x18: {  	s0 =	sld [smem:$0x3F9D];
	_ =	swait.ge [sflag:s4], $0x0  }
0x19: {  	s7 =	sld [smem:$0x3F9E]  }
0x1a: {  	s8 =	sadd.s32 $0xFFFFE003, lr  }
0x1b: {  	s9 =	sadd.s32 $0xFFFFFEF7, lr;
	s5 =	simm.s32 $0xFFFFFFFF;
	p2 =	slt.u32 s8, $0xFFFFF086  }
0x1c: {  	p1 =	slt.u32 s9, $0xF7A;
	s5 =	simm.s32 @!p2 $0x0  }
0x1d: {  	s5 =	simm.s32 @p1 $0x1;
	p0 =	seq.s32 s7, s2  }
0x1e: {  	s7 =	smul.u32 @!p0 $0xF7A, s2;
	p2 =	seq.s32 @!p0 s5, $0x0  }
0x1f: {  	s9 =	smul.u32 $0xF7A, s1;
	s8 =	simm.s32 @!p0 $0x1BF5;
	p2 =	por !p2, p0  }
0x20: {  	[sflag:s8] =	ssyncset.s32 @!p0 $0xFFFFF086;
	s6 =	sadd.s32 @!p0 s3, s7;
	s7 =	simm.s32 @!p0 $0x108  }
0x21: {  	s3 =	sadd.s32 s3, s9;
	s6 =	sadd.s32 @!p0 $0x88, s6;
	s7 =	simm.s32 @p2 $0x1082  }
0x22: {  	[simem:s7], [sflag:s8] =	dma.local @!p0 [hbm:s6], $0xF7A  }
0x23: {  	s9 =	sor.u32 $0xD0000000, s2;
	s6 =	simm.s32 $0x108;
	_ =	swait.ge @!p0 [sflag:s8], $0x0  }
0x24: {  	s3 =	sadd.s32 $0x88, s3;
	s6 =	simm.s32 @!p1 $0x1082;
	[sflag:s4] =	ssyncset.s32 $0xFFFFF086  }
0x25: {  	[simem:s6], [sflag:s4] =	dma.local [hbm:s3], $0xF7A  }
0x26: {  	[smem:$0x3F9E] =	sst s1;
	(tag) =	ssettag s2;
	_ =	strace s9  }
0x27: {  	s1 =	sld [smem:$0x3FAE]  }
0x28: {  	s2 =	sld [smem:$0x3FAF]  }
0x29: {  	s4 =	sld [smem:$0x3FB1]  }
0x2a: {  	p0 =	seq.s32 s5, $0x0;
	s5 =	sld [smem:$0x3FB2]  }
0x2b: {  	s6 =	sld [smem:$0x3FB3]  }
0x2c: {  	s7 =	sld [smem:$0x3FB4]  }
0x2d: {  	s3 =	simm.s32 $0x108;
	s8 =	sld [smem:$0x3FB5]  }
0x2e: {  	s3 =	simm.s32 @!p0 $0x1082;
	s9 =	sld [smem:$0x3FB6]  }
0x2f: {  	lr =	sadd.s32 s0, s3;
	s0 =	sld [smem:$0x3FAD]  }
0x30: {  	s3 =	sld [smem:$0x3FB0]  }
0x31: {  	[smem:$0x3FB9] =	sst s10  }
0x32: {  	s10 =	sld [smem:$0x3FB7];
	_ =	sdelay $0x3  }
0x33: {  	p0 =	seq.s32 s10, $0x1;
	s10 =	sld [smem:$0x3FB9];
	_ =	sdelay $0x3  }
0x34: {  	[smem:$0x3FB9] =	sst s10  }
0x35: {  	s10 =	sld [smem:$0x3FB8];
	_ =	sdelay $0x3  }
0x36: {  	p1 =	seq.s32 s10, $0x1;
	s10 =	sld [smem:$0x3FB9];
	_ =	sdelay $0x3  }
0x37: {  	[smem:$0x3FB9] =	sst s10  }
0x38: {  	s10 =	sld [smem:$0x3FBA]  }
0x39: {  	_ = 	snop;
	(pc) =	sbr.ind lr, $3  }
0x3a: {  	_ = 	snop  }
0x3b: {  	_ = 	snop  }
0x3c: {  	p2 =	seq.s32 s10, $0x1;
	s10 =	sld [smem:$0x3FB9]  }
0x3d: {  	_ =	shalt  }
0x3e: {  	_ =	shalt  }
0x3f: {  	_ =	shalt  }
0x40: {  	_ =	shalt  }
0x41: {  	_ =	shalt  }
0x42: {  	_ =	shalt  }
0x43: {  	_ =	shalt  }
0x44: {  	_ =	shalt  }
0x45: {  	_ =	shalt  }
0x46: {  	_ =	shalt  }
0x47: {  	_ =	shalt  }
0x48: {  	_ =	shalt  }
0x49: {  	_ =	shalt  }
0x4a: {  	_ =	shalt  }
0x4b: {  	_ =	shalt  }
0x4c: {  	_ =	shalt  }
0x4d: {  	_ =	shalt  }
0x4e: {  	_ =	shalt  }
0x4f: {  	_ =	shalt  }
0x50: {  	_ =	shalt  }
0x51: {  	_ =	shalt  }
0x52: {  	_ =	shalt  }
0x53: {  	_ =	shalt  }
0x54: {  	_ =	shalt  }
0x55: {  	_ =	shalt  }
0x56: {  	_ =	shalt  }
0x57: {  	_ =	shalt  }
0x58: {  	_ =	shalt  }
0x59: {  	_ =	shalt  }
0x5a: {  	_ =	shalt  }
0x5b: {  	_ =	shalt  }
0x5c: {  	_ =	shalt  }
0x5d: {  	_ =	shalt  }
0x5e: {  	_ =	shalt  }
0x5f: {  	_ =	shalt  }
0x60: {  	_ =	shalt  }
0x61: {  	_ =	shalt  }
0x62: {  	_ =	shalt  }
0x63: {  	_ =	shalt  }
0x64: {  	_ =	shalt  }
0x65: {  	_ =	shalt  }
0x66: {  	_ =	shalt  }
0x67: {  	_ =	shalt  }
0x68: {  	_ =	shalt  }
0x69: {  	_ =	shalt  }
0x6a: {  	_ =	shalt  }
0x6b: {  	_ =	shalt  }
0x6c: {  	_ =	shalt  }
0x6d: {  	_ =	shalt  }
0x6e: {  	_ =	shalt  }
0x6f: {  	_ =	shalt  }
0x70: {  	_ =	shalt  }
0x71: {  	_ =	shalt  }
0x72: {  	_ =	shalt  }
0x73: {  	_ =	shalt  }
0x74: {  	_ =	shalt  }
0x75: {  	_ =	shalt  }
0x76: {  	_ =	shalt  }
0x77: {  	_ =	shalt  }
0x78: {  	_ =	shalt  }
0x79: {  	_ =	shalt  }
0x7a: {  	_ =	shalt  }
0x7b: {  	_ =	shalt  }
0x7c: {  	_ =	shalt  }
0x7d: {  	_ =	shalt  }
0x7e: {  	_ =	shalt  }
0x7f: {  	_ =	shalt  }
0x80: {  	_ =	shalt  }
0x81: {  	_ =	shalt  }
0x82: {  	_ =	shalt  }
0x83: {  	_ =	shalt  }
0x84: {  	_ =	shalt  }
0x85: {  	_ =	shalt  }
0x86: {  	_ =	shalt  }
0x87: {  	_ =	shalt  }
.Lfunc_end0:
.L_simem_size_0:
called_computation_lowered:
.L_overlay_start_0:
0x88: {  	s2 =	sld [smem:$0x3FD9]  }
0x89: {  	s3 =	sld [smem:$0x3FFE];
	_ =	sdelay $0x1  }
0x8a: {  	s1 =	srdreg.scid  }
0x8b: {  	s0 =	sand.u32 $0x1, s1  }
0x8c: {  	s17 =	sshll.u32 s0, $0xA;
	s2 =	sadd.s32 s3, s2  }
0x8d: {  	s2 =	sadd.s32 s2, s17  }
0x8e: {  	[smem:$0x3FC5] =	sst s2  }
0x8f: {  	_ = 	snop  }
0x90: {  	s2 =	sld [smem:$0x3FC9]  }
0x91: {  	s18 =	sld [smem:$0x3FC8]  }
0x92: {  	s4 =	sld [smem:$0x3FC7];
	(tm) =	ssettm $0x1  }
0x93: {  	s5 =	sld [smem:$0x3FFB];
	_ =	sdelay $0x3  }
0x94: {  	_ =	strace s5  }
0x95: {  	s5 =	sld [smem:$0x3FFC];
	_ =	sdelay $0x3  }
0x96: {  	_ =	strace s5  }
0x97: {  	s5 =	sld [smem:$0x3FFD];
	_ =	sdelay $0x3  }
0x98: {  	_ =	strace s5  }
0x99: {  	_ =	strace $0x8FFFFFFF  }
0x9a: {  	s19 =	sld [smem:$0x3FDB];
	_ =	sdelay $0x1  }
0x9b: {  	s6 =	simm.s32 $_scs_section_size  }
0x9c: {  	s7 =	simm.s32 $_size__tile_overlayer_lowered;
	s8 =	simm.s32 $_tile_overlayer_lowered  }
0x9d: {  	s22 =	simm.s32 $0x1BFF;
	s21 =	sshll.u32 s8, $0x1;
	s5 =	sadd.s32 s6, s19  }
0x9e: {  	s9 =	simm.s32 $0x0;
	s20 =	sshll.u32 s7, $0x1;
	s7 =	sadd.s32 s21, s5  }
0x9f: {  	[timem:s9], [sflag:s22] =	dma.local [hbm:s7], s20  }
0xa0: {  	_ =	swait.ge [sflag:s22], s20  }
0xa1: {  	s6 =	ssub.s32 $0x0, s20;
	[sflag:s22] =	ssyncset.done $0x0  }
0xa2: {  	[sflag:s22] =	ssyncadd.s32 s6;
	_ =	sdelay $0x1  }
0xa3: {  	s23 =	simm.s32 $0x1B8B  }
0xa4: {  	_ =	swait.ge [sflag:s23], $0x1  }
0xa5: {  	[sflag:s23] =	ssyncset.done $0x0  }
0xa6: {  	s25 =	simm.s32 $0x1B8E;
	s24 =	sld [smem:$0x3FFE];
	[sflag:s23] =	ssyncadd.s32 $0xFFFFFFFF  }
0xa7: {  	s26 =	simm.s32 $execute0_lowered;
	[smem:$0x3FD2] =	sst s25  }
0xa8: {  	s7 =	sshll.u32 s26, $0x1;
	_ =	strace $0x80000046;
	[dreg:$0x1] =	wrdreg $0xFFFFFFFF  }
0xa9: {  	s28 =	simm.s32 $_size_execute0_lowered;
	s5 =	sadd.s32 s5, s7;
	[dreg:$0x0] =	wrdreg $0x0  }
0xaa: {  	s7 =	sshll.u32 s28, $0x1;
	[dreg:$0x2] =	wrdreg s5  }
0xab: {  	[dreg:$0x3] =	wrdreg s7  }
0xac: {  	[dreg:$0x4] =	wrdreg $0xC0  }
0xad: {  	_ =	task [dreg:s9], $0x5FFFF  }
0xae: {  	[dreg:$0x1] =	wrdreg $0xFFFFFFFF  }
0xaf: {  	[dreg:$0x0] =	wrdreg $0x60  }
0xb0: {  	[dreg:$0x2] =	wrdreg s2  }
0xb1: {  	[dreg:$0x3] =	wrdreg s18  }
0xb2: {  	[dreg:$0x4] =	wrdreg s4  }
0xb3: {  	[dreg:$0x5] =	wrdreg s24  }
0xb4: {  	[dreg:$0x6] =	wrdreg $0x9  }
0xb5: {  	_ =	task.clear_ibuf [dreg:s9], $0x7FFFF;
	_ =	strace $0x90000046  }
0xb6: {  	s29 =	simm.s32 $0x9;
	_ =	strace $0x80000048  }
0xb7: {  	_ =	swait.ge [sflag:s29], $0x1  }
0xb8: {  	[sflag:s29] =	ssyncadd.s32 $0xFFFFFFFF  }
0xb9: {  	_ =	strace $0x90000048  }
0xba: {  	_ =	sfence  }
0xbb: {  	s30 =	sld [smem:$0x0];
	_ =	sdelay $0x2  }
0xbc: {  	s31 =	sshll.u32 s1, $0xD;
	s1 =	sshrl.u32 s1, $0x2  }
0xbd: {  	s3 =	sand.u32 $0x4000, s31;
	s1 =	sadd.s32 s1, s30  }
0xbe: {  	s0 =	sor.u32 s3, s0;
	s1 =	sshll.u32 s1, $0x11  }
0xbf: {  	s0 =	sor.u32 s1, s0  }
0xc0: {  	s0 =	sadd.s32 $0x8F2B, s0  }
0xc1: {  	[sflag:s0] =	ssyncadd.remote.s32 $0x1  }
0xc2: {  	_ =	sfence.sel $0xFFFF  }
0xc3: {  	[dreg:$0x0] =	wrdreg $0xFFFFFFFF;
	(pc) =	sbr.abs _section_cstart, $3  }
0xc4: {  	[dreg:$0x1] =	wrdreg $0xFFFFFFFF  }
0xc5: {  	_ =	task.clear_ibuf [dreg:s9], $0x2FFFF;
	_ =	strace $0x9FFFFFFF  }
0xc6: {  	(tm) =	ssettm $0x7FFFFFFF  }
0xc7: {  	_ =	shalt  }
tec
execute0_lowered:
.L_overlay_start_1:
0x0: {  	(tag) =	ssettag $0x1  }
0x1: {  	s1 =	srdreg.scid;
	s0 =	stileid.u32  }
0x2: {  	s6 =	sand.u32 $0x1, s1;
	s18 =	sshll.u32 s0, $0x1  }
0x3: {  	s7 =	sor.u32 s6, s18  }
0x4: {  	s4 =	sshll.u32 s7, $0x3  }
0x5: {  	s19 =	smax.u32 s4, $0x8  }
0x6: {  	s20 =	smax.u32 s4, $0x1;
	s9 =	smin.u32 s19, $0xF0  }
0x7: {  	s1 =	ssub.s32 s20, s9  }
0x8: {  	s1 =	sadd.s32 $0x7, s1  }
0x9: {  	s8 =	sadd.s32 $0xFFFFFFF8, s9;
	v0 =	vmov s1  }
0xa: {  	s5 =	ssub.s32 s4, s9;
	s21 =	ssub.s32 s4, s8;
	v1 =	vshll.u32 v0, $0x8;
	v0 =	vshll.u32 v0, $0x7  }
0xb: {  	s22 =	sadd.s32 $0x9, s5;
	v2 =	vmov s21;
	v1 =	vand.u32 $0xFFFFF800, v1;
	v0 =	vand.u32 $0x380, v0  }
0xc: {  	v3 =	vmov s22;
	v0 =	vor.u32 v0, v1;
	v1 =	vshll.u32 v2, $0x7  }
0xd: {  	s23 =	sadd.s32 $0xA, s5;
	v4 =	vshll.u32 v3, $0x8;
	v2 =	vshll.u32 v2, $0x8;
	v1 =	vand.u32 $0x380, v1  }
0xe: {  	v1 =	vadd.s32 v2, v1;
	v2 =	vand.u32 $0xFFFFF800, v4;
	v4 =	vmov s23  }
0xf: {  	v3 =	vshll.u32 v3, $0x7;
	v5 =	vshll.u32 v4, $0x8;
	v4 =	vshll.u32 v4, $0x7  }
0x10: {  	s24 =	sadd.s32 $0xB, s5;
	v3 =	vand.u32 $0x380, v3;
	v5 =	vand.u32 $0xFFFFF800, v5;
	v4 =	vand.u32 $0x380, v4  }
0x11: {  	s25 =	sadd.s32 $0xC, s5;
	v2 =	vor.u32 v3, v2;
	v3 =	vor.u32 v4, v5;
	v4 =	vmov s24  }
0x12: {  	v6 =	vmov s25;
	v5 =	vshll.u32 v4, $0x8;
	v4 =	vshll.u32 v4, $0x7  }
0x13: {  	s26 =	sadd.s32 $0xD, s5;
	v7 =	vshll.u32 v6, $0x8;
	v5 =	vand.u32 $0xFFFFF800, v5;
	v4 =	vand.u32 $0x380, v4  }
0x14: {  	v4 =	vor.u32 v4, v5;
	v5 =	vand.u32 $0xFFFFF800, v7;
	v7 =	vmov s26  }
0x15: {  	v6 =	vshll.u32 v6, $0x7;
	v8 =	vshll.u32 v7, $0x8;
	v7 =	vshll.u32 v7, $0x7  }
0x16: {  	s11 =	smin.u32 s4, $0xF7;
	s10 =	sadd.s32 $0xE, s5;
	v6 =	vand.u32 $0x380, v6;
	v8 =	vand.u32 $0xFFFFF800, v8;
	v7 =	vand.u32 $0x380, v7  }
0x17: {  	s2 =	rddreg [dreg:$0x1];
	s9 =	ssub.s32 s11, s9;
	s5 =	sadd.s32 $0xF, s5;
	v5 =	vor.u32 v6, v5;
	v6 =	vor.u32 v7, v8;
	v7 =	vmov s10  }
0x18: {  	s3 =	rddreg [dreg:$0x2];
	s30 =	sadd.s32 $0x10, s9;
	v9 =	vmov s5;
	v8 =	vshll.u32 v7, $0x8;
	v7 =	vshll.u32 v7, $0x7  }
0x19: {  	s28 =	rddreg [dreg:$0x3];
	s12 =	simm.s32 $0x3800;
	v11 =	vmov s30;
	v8 =	vand.u32 $0xFFFFF800, v8;
	v7 =	vand.u32 $0x380, v7  }
0x1a: {  	s13 =	simm.s32 $0x0;
	s29 =	ssub.s32 $0x2, s6;
	s6 =	sadd.s32 $0x400, s28;
	v10 =	vshll.u32 v9, $0x8;
	v7 =	vor.u32 v7, v8;
	v8 =	vlaneseq.u32  }
0x1b: {  	s31 =	sshrl.u32 s29, $0x1;
	s7 =	sshll.u32 s7, $0xA;
	s4 =	rddreg [dreg:$0x4];
	v9 =	vshll.u32 v9, $0x7;
	v13 =	vshll.u32 v11, $0x8;
	v12 =	vand.u32 $0x1, v8  }
0x1c: {  	s11 =	simm.s32 $0x2000;
	s1 =	rddreg [dreg:$0x0];
	s5 =	simm.s32 $0x0;
	v11 =	vshll.u32 v11, $0x7;
	v10 =	vand.u32 $0xFFFFF800, v10;
	v12 =	vmul.u32 $0x2, v12  }
0x1d: {  	s9 =	ssub.s32 s29, s31;
	s8 =	sshll.u32 s8, $0x8;
	[smem:$0x7FF] =	sst s5;
	v9 =	vand.u32 $0x380, v9;
	v13 =	vand.u32 $0xFFFFF800, v13;
	v11 =	vand.u32 $0x380, v11  }
0x1e: {  	s9 =	smax.u32 s9, $0x1;
	_ =	strace $0x80000047;
	v9 =	vor.u32 v9, v10;
	v10 =	vor.u32 v11, v13;
	s10 =	simm.s32 $0x1;
	v11 =	vadd.s32 $0xFFFFFFFF, v12  }
.LBB2_1:
0x1f: {  	v12 =	vor.u32 s5, v8  }
0x20: {  	v13 =	vshrl.u32 v12, $0x1  }
0x21: {  	v12 =	vadd.s32 v11, v13  }
0x22: {  	vm0 =	vgt.s32 v12, $0x0  }
0x23: {  	s14 =	simm.s32 $0x5800;
	v12 =	vnsel vm0, $0x0, v12  }
0x24: {  	s15 =	simm.s32 $0x5A00;
	s16 =	simm.s32 $0x10;
	[tilespmem:s14+$0x0] =	vst v13;
	v12 =	vmin.u32 v12, $0xFF  }
.LBB2_2:
0x25: {  	v13 =	vor.u32 s16, v8;
	p0 =	sne.s32 s16, $0x1F0;
	s16 =	sadd.s32 $0x10, s16;
	[tilespmem:s15+$0x0] =	vst v12  }
.Ltmp0:
0x26: {  	v13 =	vshrl.u32 v13, $0x1;
	(pc) =	sbr.rel @p0 .LBB2_2-.Ltmp0, $4  }
0x27: {  	v12 =	vadd.s32 v11, v13  }
0x28: {  	vm0 =	vgt.s32 v12, $0x0  }
0x29: {  	s14 =	sadd.s32 $0x10, s14;
	v12 =	vnsel vm0, $0x0, v12  }
0x2a: {  	s15 =	sadd.s32 $0x10, s15;
	v12 =	vmin.u32 v12, $0xFF;
	[tilespmem:s14+$0x0] =	vst v13  }
0x2b: {  	[tilespmem:s15+$0x0] =	vst v12;
	s14 =	simm.s32 $0x0;
	s15 =	simm.s32 $0x0  }
.LBB2_4:
0x2c: {  	s16 =	sshll.u32 s15, $0x10  }
0x2d: {  	s17 =	sor.u32 s7, s16  }
0x2e: {  	s18 =	sadd.s32 s1, s17  }
0x2f: {  	[tilespmem:s14], [sflag:$0x1] =	stream.linear.gather [hbm4b:s18+s14], $0x2000, $0x38;
	[tilespmem:$0x5C00] =	vst v63  }
0x30: {  	s16 =	sadd.s32 s8, s16;
	_ =	swait.ge [sflag:s10], $0x2000  }
0x31: {  	s16 =	sshrl.u32 s16, $0x3;
	[sflag:s10] =	ssyncset.done $0x0  }
0x32: {  	s31 =	sadd.s32 s2, s16;
	[sflag:s10] =	ssyncadd.s32 $0xFFFFE000  }
0x33: {  	[tilespmem:s11], [sflag:$0x1] =	stream.linear.gather [hbm4b:s31+s14], $0x1800, $0x38;
	[tilespmem:$0x5C00] =	vst v63  }
0x34: {  	s19 =	simm.s32 $0x5A00;
	_ =	swait.ge [sflag:s10], $0x1800  }
0x35: {  	s20 =	simm.s32 $0x3800;
	s21 =	simm.s32 $0x0;
	[sflag:s10] =	ssyncset.done $0x0  }
0x36: {  	s22 =	simm.s32 $0x0;
	s18 =	simm.s32 $0x5800;
	[sflag:s10] =	ssyncadd.s32 $0xFFFFE800  }
.LBB2_5:
0x37: {  	v12 =	vld [tilespmem:s18+$0x0]  }
0x38: {  	v14 =	vld [tilespmem:s19+$0x0];
	_ =	sdelay $0x4  }
0x39: {  	v13 =	vshll.u32 v12, $0x3;
	v15 =	vshll.u32 v14, $0x3;
	v12 =	vand.u32 $0x7F, v12  }
0x3a: {  	v14 =	vand.u32 $0x7F, v14;
	v13 =	vand.u32 $0xFFFFFC00, v13;
	v18 =	vor.u32 v12, v1  }
0x3b: {  	v15 =	vand.u32 $0xFFFFFC00, v15;
	v19 =	vor.u32 v14, v1;
	v18 =	vadd.s32 v13, v18  }
0x3c: {  	v16 =	vadd.s32 v0, v13;
	v19 =	vadd.s32 v15, v19  }
0x3d: {  	v17 =	vadd.s32 v0, v15;
	v16 =	vor.u32 v12, v16  }
0x3e: {  	v20 =	vadd.s32 v2, v13;
	v17 =	vor.u32 v14, v17  }
0x3f: {  	v21 =	vadd.s32 v2, v15;
	v20 =	vor.u32 v12, v20  }
0x40: {  	v21 =	vor.u32 v14, v21;
	v18 =	vld.idx.msk [tilespmem:v18+s11+$0x0], $0xffff  }
0x41: {  	v19 =	vld.idx.msk [tilespmem:v19+s11+$0x0], $0xffff  }
0x42: {  	v16 =	vld.idx.msk [tilespmem:v16+s11+$0x0], $0xffff  }
0x43: {  	v17 =	vld.idx.msk [tilespmem:v17+s11+$0x0], $0xffff  }
0x44: {  	v20 =	vld.idx.msk [tilespmem:v20+s11+$0x0], $0xffff  }
0x45: {  	v21 =	vld.idx.msk [tilespmem:v21+s11+$0x0], $0xffff;
	_ =	sdelay $0x2  }
0x46: {  	v18 =	vmul.f32 $7.500000000e-01, v18;
	v19 =	vmul.f32 $2.500000000e-01, v19  }
0x47: {  	v16 =	vmul.f32 $7.500000000e-01, v16;
	v17 =	vmul.f32 $2.500000000e-01, v17  }
0x48: {  	s23 =	sand.u32 $0x70, s22;
	s24 =	sand.u32 $0xC00, s21;
	v20 =	vmul.f32 $7.500000000e-01, v20;
	v21 =	vmul.f32 $2.500000000e-01, v21  }
0x49: {  	s23 =	sor.u32 s23, s24;
	v54 =	vadd.f32 v19, v18;
	v16 =	vadd.f32 v17, v16  }
0x4a: {  	v56 =	vld [tilespmem:s23+$0x0];
	v55 =	vadd.f32 v21, v20  }
0x4b: {  	v58 =	vld [tilespmem:s23+$0x80];
	v57 =	vmul.f32 $7.500000000e-01, v54;
	v16 =	vmul.f32 $2.500000000e-01, v16  }
0x4c: {  	v22 =	vmul.f32 $2.500000000e-01, v55  }
0x4d: {  	v16 =	vadd.f32 v57, v16  }
0x4e: {  	v20 =	vadd.f32 v22, v57  }
0x4f: {  	v19 =	vsub.f32 v56, v16  }
0x50: {  	v23 =	vadd.s32 v3, v13;
	v21 =	vsub.f32 v58, v20  }
0x51: {  	v24 =	vadd.s32 v3, v15;
	v23 =	vor.u32 v12, v23;
	v19 =	vmul.f32 v19, v19  }
0x52: {  	v59 =	vor.u32 v14, v24;
	vm0 =	vgt.f32 v16, $0.0e+00;
	v21 =	vmul.f32 v21, v21  }
0x53: {  	vm13 =	vgt.f32 v20, $0.0e+00;
	v19 =	vsel vm0, $0xBF800000, v19  }
0x54: {  	s31 =	sand.u32 $0x1F0, s22;
	v60 =	vsel vm13, $0xBF800000, v21;
	[tilespmem:s20+$0x0] =	vst v19  }
0x55: {  	[tilespmem:s31+$0x3A00] =	vst v60  }
0x56: {  	v19 =	vld.idx.msk [tilespmem:v23+s11+$0x0], $0xffff  }
0x57: {  	v16 =	vld.idx.msk [tilespmem:v59+s11+$0x0], $0xffff;
	_ =	sdelay $0x4  }
0x58: {  	v19 =	vmul.f32 $7.500000000e-01, v19;
	v16 =	vmul.f32 $2.500000000e-01, v16;
	_ =	sdelay $0x1  }
0x59: {  	v61 =	vld [tilespmem:s23+$0x100];
	v16 =	vadd.f32 v16, v19  }
0x5a: {  	v17 =	vmul.f32 $2.500000000e-01, v54;
	v18 =	vmul.f32 $7.500000000e-01, v55;
	v62 =	vld [tilespmem:s23+$0x180]  }
0x5b: {  	v63 =	vmul.f32 $2.500000000e-01, v16  }
0x5c: {  	v17 =	vadd.f32 v18, v17  }
0x5d: {  	v18 =	vadd.f32 v63, v18  }
0x5e: {  	v19 =	vsub.f32 v61, v17  }
0x5f: {  	v27 =	vadd.s32 v4, v13;
	v20 =	vsub.f32 v62, v18  }
0x60: {  	v28 =	vadd.s32 v4, v15;
	v23 =	vor.u32 v12, v27;
	v19 =	vmul.f32 v19, v19  }
0x61: {  	v29 =	vor.u32 v14, v28;
	vm14 =	vgt.f32 v17, $0.0e+00;
	v20 =	vmul.f32 v20, v20  }
0x62: {  	v19 =	vsel vm14, $0xBF800000, v19;
	vm15 =	vgt.f32 v18, $0.0e+00  }
0x63: {  	[tilespmem:s31+$0x3C00] =	vst v19;
	v18 =	vsel vm15, $0xBF800000, v20  }
0x64: {  	[tilespmem:s31+$0x3E00] =	vst v18  }
0x65: {  	v18 =	vld.idx.msk [tilespmem:v23+s11+$0x0], $0xffff  }
0x66: {  	v17 =	vld.idx.msk [tilespmem:v29+s11+$0x0], $0xffff;
	_ =	sdelay $0x4  }
0x67: {  	v18 =	vmul.f32 $7.500000000e-01, v18;
	v17 =	vmul.f32 $2.500000000e-01, v17;
	_ =	sdelay $0x1  }
0x68: {  	v30 =	vld [tilespmem:s23+$0x200];
	v17 =	vadd.f32 v17, v18  }
0x69: {  	v16 =	vmul.f32 $7.500000000e-01, v16;
	v19 =	vld [tilespmem:s23+$0x280]  }
0x6a: {  	v31 =	vmul.f32 $2.500000000e-01, v17  }
0x6b: {  	v22 =	vadd.f32 v16, v22  }
0x6c: {  	v16 =	vadd.f32 v31, v16  }
0x6d: {  	v18 =	vsub.f32 v30, v22  }
0x6e: {  	v32 =	vadd.s32 v5, v13;
	v19 =	vsub.f32 v19, v16  }
0x6f: {  	v33 =	vadd.s32 v5, v15;
	v23 =	vor.u32 v12, v32;
	v18 =	vmul.f32 v18, v18  }
0x70: {  	v34 =	vor.u32 v14, v33;
	vm4 =	vgt.f32 v22, $0.0e+00;
	v19 =	vmul.f32 v19, v19  }
0x71: {  	v18 =	vsel vm4, $0xBF800000, v18;
	vm5 =	vgt.f32 v16, $0.0e+00  }
0x72: {  	[tilespmem:s31+$0x4000] =	vst v18;
	v16 =	vsel vm5, $0xBF800000, v19  }
0x73: {  	[tilespmem:s31+$0x4200] =	vst v16  }
0x74: {  	v16 =	vld.idx.msk [tilespmem:v23+s11+$0x0], $0xffff  }
0x75: {  	v18 =	vld.idx.msk [tilespmem:v34+s11+$0x0], $0xffff;
	_ =	sdelay $0x4  }
0x76: {  	v16 =	vmul.f32 $7.500000000e-01, v16;
	v18 =	vmul.f32 $2.500000000e-01, v18  }
0x77: {  	s25 =	sor.u32 s21, s22  }
0x78: {  	s25 =	sor.u32 $0x380, s25;
	v35 =	vld [tilespmem:s23+$0x300];
	v16 =	vadd.f32 v18, v16  }
0x79: {  	v17 =	vmul.f32 $7.500000000e-01, v17;
	v36 =	vld [tilespmem:s25+$0x0]  }
0x7a: {  	v37 =	vmul.f32 $2.500000000e-01, v16  }
0x7b: {  	v21 =	vadd.f32 v17, v63  }
0x7c: {  	v17 =	vadd.f32 v37, v17  }
0x7d: {  	v18 =	vsub.f32 v35, v21  }
0x7e: {  	v38 =	vadd.s32 v6, v13;
	v19 =	vsub.f32 v36, v17  }
0x7f: {  	v39 =	vadd.s32 v6, v15;
	v23 =	vor.u32 v12, v38;
	v18 =	vmul.f32 v18, v18  }
0x80: {  	v40 =	vor.u32 v14, v39;
	vm6 =	vgt.f32 v21, $0.0e+00;
	v19 =	vmul.f32 v19, v19  }
0x81: {  	v18 =	vsel vm6, $0xBF800000, v18;
	vm7 =	vgt.f32 v17, $0.0e+00  }
0x82: {  	[tilespmem:s31+$0x4400] =	vst v18;
	v17 =	vsel vm7, $0xBF800000, v19  }
0x83: {  	[tilespmem:s31+$0x4600] =	vst v17  }
0x84: {  	v17 =	vld.idx.msk [tilespmem:v23+s11+$0x0], $0xffff  }
0x85: {  	v18 =	vld.idx.msk [tilespmem:v40+s11+$0x0], $0xffff;
	_ =	sdelay $0x4  }
0x86: {  	v17 =	vmul.f32 $7.500000000e-01, v17;
	v18 =	vmul.f32 $2.500000000e-01, v18;
	_ =	sdelay $0x1  }
0x87: {  	v41 =	vld [tilespmem:s23+$0x1000];
	v17 =	vadd.f32 v18, v17  }
0x88: {  	v16 =	vmul.f32 $7.500000000e-01, v16;
	v42 =	vld [tilespmem:s23+$0x1080]  }
0x89: {  	v43 =	vmul.f32 $2.500000000e-01, v17  }
0x8a: {  	v20 =	vadd.f32 v16, v31  }
0x8b: {  	v16 =	vadd.f32 v43, v16  }
0x8c: {  	v18 =	vsub.f32 v41, v20  }
0x8d: {  	v44 =	vadd.s32 v7, v13;
	v19 =	vsub.f32 v42, v16  }
0x8e: {  	v45 =	vadd.s32 v7, v15;
	v23 =	vor.u32 v12, v44;
	v18 =	vmul.f32 v18, v18  }
0x8f: {  	v46 =	vor.u32 v14, v45;
	vm8 =	vgt.f32 v20, $0.0e+00;
	v19 =	vmul.f32 v19, v19  }
0x90: {  	v18 =	vsel vm8, $0xBF800000, v18;
	vm9 =	vgt.f32 v16, $0.0e+00  }
0x91: {  	[tilespmem:s31+$0x4800] =	vst v18;
	v16 =	vsel vm9, $0xBF800000, v19  }
0x92: {  	[tilespmem:s31+$0x4A00] =	vst v16  }
0x93: {  	v16 =	vld.idx.msk [tilespmem:v23+s11+$0x0], $0xffff  }
0x94: {  	v18 =	vld.idx.msk [tilespmem:v46+s11+$0x0], $0xffff;
	_ =	sdelay $0x4  }
0x95: {  	v16 =	vmul.f32 $7.500000000e-01, v16;
	v18 =	vmul.f32 $2.500000000e-01, v18;
	_ =	sdelay $0x1  }
0x96: {  	v47 =	vld [tilespmem:s23+$0x1100];
	v16 =	vadd.f32 v18, v16  }
0x97: {  	v17 =	vmul.f32 $7.500000000e-01, v17;
	v48 =	vld [tilespmem:s23+$0x1180]  }
0x98: {  	v49 =	vmul.f32 $2.500000000e-01, v16  }
0x99: {  	v22 =	vadd.f32 v17, v37  }
0x9a: {  	v17 =	vadd.f32 v49, v17  }
0x9b: {  	v18 =	vsub.f32 v47, v22  }
0x9c: {  	v50 =	vadd.s32 v9, v13;
	v19 =	vsub.f32 v48, v17  }
0x9d: {  	v51 =	vadd.s32 v9, v15;
	v23 =	vor.u32 v12, v50;
	v18 =	vmul.f32 v18, v18  }
0x9e: {  	v52 =	vor.u32 v14, v51;
	vm10 =	vgt.f32 v22, $0.0e+00;
	v19 =	vmul.f32 v19, v19  }
0x9f: {  	v18 =	vsel vm10, $0xBF800000, v18;
	vm11 =	vgt.f32 v17, $0.0e+00  }
0xa0: {  	[tilespmem:s31+$0x4C00] =	vst v18;
	v17 =	vsel vm11, $0xBF800000, v19  }
0xa1: {  	[tilespmem:s31+$0x4E00] =	vst v17  }
0xa2: {  	v17 =	vld.idx.msk [tilespmem:v23+s11+$0x0], $0xffff  }
0xa3: {  	v18 =	vld.idx.msk [tilespmem:v52+s11+$0x0], $0xffff;
	_ =	sdelay $0x4  }
0xa4: {  	v17 =	vmul.f32 $7.500000000e-01, v17;
	v18 =	vmul.f32 $2.500000000e-01, v18;
	_ =	sdelay $0x1  }
0xa5: {  	v53 =	vld [tilespmem:s23+$0x1200];
	v17 =	vadd.f32 v18, v17  }
0xa6: {  	v16 =	vmul.f32 $7.500000000e-01, v16;
	v54 =	vld [tilespmem:s23+$0x1280]  }
0xa7: {  	v55 =	vmul.f32 $2.500000000e-01, v17  }
0xa8: {  	v21 =	vadd.f32 v16, v43  }
0xa9: {  	v16 =	vadd.f32 v55, v16  }
0xaa: {  	v18 =	vsub.f32 v53, v21  }
0xab: {  	v13 =	vadd.s32 v10, v13;
	v19 =	vsub.f32 v54, v16  }
0xac: {  	v56 =	vadd.s32 v10, v15;
	v12 =	vor.u32 v12, v13;
	v18 =	vmul.f32 v18, v18  }
0xad: {  	v13 =	vor.u32 v14, v56;
	vm12 =	vgt.f32 v21, $0.0e+00;
	v57 =	vmul.f32 v19, v19  }
0xae: {  	v58 =	vsel vm12, $0xBF800000, v18;
	vm13 =	vgt.f32 v16, $0.0e+00  }
0xaf: {  	[tilespmem:s31+$0x5000] =	vst v58;
	v59 =	vsel vm13, $0xBF800000, v57  }
0xb0: {  	[tilespmem:s31+$0x5200] =	vst v59  }
0xb1: {  	v12 =	vld.idx.msk [tilespmem:v12+s11+$0x0], $0xffff  }
0xb2: {  	v13 =	vld.idx.msk [tilespmem:v13+s11+$0x0], $0xffff;
	_ =	sdelay $0x4  }
0xb3: {  	v12 =	vmul.f32 $7.500000000e-01, v12;
	v13 =	vmul.f32 $2.500000000e-01, v13;
	_ =	sdelay $0x1  }
0xb4: {  	v60 =	vld [tilespmem:s23+$0x1300];
	v12 =	vadd.f32 v13, v12  }
0xb5: {  	v61 =	vmul.f32 $7.500000000e-01, v17;
	v62 =	vld [tilespmem:s23+$0x1380]  }
0xb6: {  	v12 =	vmul.f32 $2.500000000e-01, v12  }
0xb7: {  	v63 =	vadd.f32 v61, v49  }
0xb8: {  	v12 =	vadd.f32 v12, v61  }
0xb9: {  	v13 =	vsub.f32 v60, v63  }
0xba: {  	p0 =	sne.s32 s22, $0x1F0;
	v14 =	vsub.f32 v62, v12  }
.Ltmp1:
0xbb: {  	v13 =	vmul.f32 v13, v13;
	(pc) =	sbr.rel @p0 .LBB2_5-.Ltmp1, $4  }
0xbc: {  	vm14 =	vgt.f32 v63, $0.0e+00;
	v14 =	vmul.f32 v14, v14  }
0xbd: {  	v13 =	vsel vm14, $0xBF800000, v13;
	vm15 =	vgt.f32 v12, $0.0e+00  }
0xbe: {  	s21 =	sadd.s32 $0x80, s21;
	s18 =	sadd.s32 $0x10, s18;
	[tilespmem:s31+$0x5400] =	vst v13;
	v12 =	vsel vm15, $0xBF800000, v14  }
0xbf: {  	s19 =	sadd.s32 $0x10, s19;
	s22 =	sadd.s32 $0x10, s22;
	s20 =	sadd.s32 $0x10, s20;
	[tilespmem:s31+$0x5600] =	vst v12  }
0xc0: {  	s20 =	sadd.s32 s6, s17;
	s18 =	simm.s32 $0x0;
	s19 =	simm.s32 $0x3800  }
0xc1: {  	[hbm4b:s20+s18] =	stream.linear.scatter [tilespmem:s19], [sflag:$0x1], $0x2000, $0x38;
	[tilespmem:$0x5C00] =	vst v63  }
0xc2: {  	_ =	swait.ge [sflag:s10], $0x2000  }
0xc3: {  	s17 =	sor.u32 $0x8000, s17;
	[sflag:s10] =	ssyncset.done $0x0  }
0xc4: {  	s31 =	sadd.s32 s1, s17;
	[sflag:s10] =	ssyncadd.s32 $0xFFFFE000  }
0xc5: {  	[tilespmem:s18], [sflag:$0x1] =	stream.linear.gather [hbm4b:s31+s18], $0x2000, $0x38;
	[tilespmem:$0x5C00] =	vst v63  }
0xc6: {  	_ =	swait.ge [sflag:s10], $0x2000  }
0xc7: {  	[sflag:s10] =	ssyncset.done $0x0  }
0xc8: {  	s16 =	sadd.s32 s3, s16;
	[sflag:s10] =	ssyncadd.s32 $0xFFFFE000  }
0xc9: {  	[tilespmem:s11], [sflag:$0x1] =	stream.linear.gather [hbm4b:s16+s18], $0x1800, $0x38;
	[tilespmem:$0x5C00] =	vst v63  }
0xca: {  	_ =	swait.ge [sflag:s10], $0x1800  }
0xcb: {  	s21 =	simm.s32 $0x0;
	[sflag:s10] =	ssyncset.done $0x0  }
0xcc: {  	s20 =	simm.s32 $0x5A00;
	s16 =	simm.s32 $0x5800;
	[sflag:s10] =	ssyncadd.s32 $0xFFFFE800  }
.LBB2_7:
0xcd: {  	v12 =	vld [tilespmem:s16+$0x0]  }
0xce: {  	v14 =	vld [tilespmem:s20+$0x0];
	_ =	sdelay $0x4  }
0xcf: {  	v13 =	vshll.u32 v12, $0x3;
	v15 =	vshll.u32 v14, $0x3;
	v12 =	vand.u32 $0x7F, v12  }
0xd0: {  	v14 =	vand.u32 $0x7F, v14;
	v13 =	vand.u32 $0xFFFFFC00, v13;
	v18 =	vor.u32 v12, v1  }
0xd1: {  	v15 =	vand.u32 $0xFFFFFC00, v15;
	v19 =	vor.u32 v14, v1;
	v18 =	vadd.s32 v13, v18  }
0xd2: {  	v16 =	vadd.s32 v0, v13;
	v19 =	vadd.s32 v15, v19  }
0xd3: {  	v17 =	vadd.s32 v0, v15;
	v16 =	vor.u32 v12, v16  }
0xd4: {  	v20 =	vadd.s32 v2, v13;
	v17 =	vor.u32 v14, v17  }
0xd5: {  	v21 =	vadd.s32 v2, v15;
	v20 =	vor.u32 v12, v20  }
0xd6: {  	v21 =	vor.u32 v14, v21;
	v18 =	vld.idx.msk [tilespmem:v18+s11+$0x0], $0xffff  }
0xd7: {  	v19 =	vld.idx.msk [tilespmem:v19+s11+$0x0], $0xffff  }
0xd8: {  	v16 =	vld.idx.msk [tilespmem:v16+s11+$0x0], $0xffff  }
0xd9: {  	v17 =	vld.idx.msk [tilespmem:v17+s11+$0x0], $0xffff  }
0xda: {  	v20 =	vld.idx.msk [tilespmem:v20+s11+$0x0], $0xffff  }
0xdb: {  	v21 =	vld.idx.msk [tilespmem:v21+s11+$0x0], $0xffff;
	_ =	sdelay $0x2  }
0xdc: {  	v18 =	vmul.f32 $7.500000000e-01, v18;
	v19 =	vmul.f32 $2.500000000e-01, v19  }
0xdd: {  	v16 =	vmul.f32 $7.500000000e-01, v16;
	v17 =	vmul.f32 $2.500000000e-01, v17  }
0xde: {  	s22 =	sand.u32 $0x70, s21;
	s23 =	sand.u32 $0xC00, s18;
	v20 =	vmul.f32 $7.500000000e-01, v20;
	v21 =	vmul.f32 $2.500000000e-01, v21  }
0xdf: {  	s22 =	sor.u32 s22, s23;
	v54 =	vadd.f32 v19, v18;
	v16 =	vadd.f32 v17, v16  }
0xe0: {  	v56 =	vld [tilespmem:s22+$0x0];
	v55 =	vadd.f32 v21, v20  }
0xe1: {  	v58 =	vld [tilespmem:s22+$0x80];
	v57 =	vmul.f32 $7.500000000e-01, v54;
	v16 =	vmul.f32 $2.500000000e-01, v16  }
0xe2: {  	v22 =	vmul.f32 $2.500000000e-01, v55  }
0xe3: {  	v16 =	vadd.f32 v57, v16  }
0xe4: {  	v20 =	vadd.f32 v22, v57  }
0xe5: {  	v19 =	vsub.f32 v56, v16  }
0xe6: {  	v23 =	vadd.s32 v3, v13;
	v21 =	vsub.f32 v58, v20  }
0xe7: {  	v24 =	vadd.s32 v3, v15;
	v23 =	vor.u32 v12, v23;
	v19 =	vmul.f32 v19, v19  }
0xe8: {  	v59 =	vor.u32 v14, v24;
	vm0 =	vgt.f32 v16, $0.0e+00;
	v21 =	vmul.f32 v21, v21  }
0xe9: {  	vm13 =	vgt.f32 v20, $0.0e+00;
	v19 =	vsel vm0, $0xBF800000, v19  }
0xea: {  	s31 =	sand.u32 $0x1F0, s21;
	v60 =	vsel vm13, $0xBF800000, v21;
	[tilespmem:s19+$0x0] =	vst v19  }
0xeb: {  	[tilespmem:s31+$0x3A00] =	vst v60  }
0xec: {  	v19 =	vld.idx.msk [tilespmem:v23+s11+$0x0], $0xffff  }
0xed: {  	v16 =	vld.idx.msk [tilespmem:v59+s11+$0x0], $0xffff;
	_ =	sdelay $0x4  }
0xee: {  	v19 =	vmul.f32 $7.500000000e-01, v19;
	v16 =	vmul.f32 $2.500000000e-01, v16;
	_ =	sdelay $0x1  }
0xef: {  	v61 =	vld [tilespmem:s22+$0x100];
	v16 =	vadd.f32 v16, v19  }
0xf0: {  	v17 =	vmul.f32 $2.500000000e-01, v54;
	v18 =	vmul.f32 $7.500000000e-01, v55;
	v62 =	vld [tilespmem:s22+$0x180]  }
0xf1: {  	v63 =	vmul.f32 $2.500000000e-01, v16  }
0xf2: {  	v17 =	vadd.f32 v18, v17  }
0xf3: {  	v18 =	vadd.f32 v63, v18  }
0xf4: {  	v19 =	vsub.f32 v61, v17  }
0xf5: {  	v27 =	vadd.s32 v4, v13;
	v20 =	vsub.f32 v62, v18  }
0xf6: {  	v28 =	vadd.s32 v4, v15;
	v23 =	vor.u32 v12, v27;
	v19 =	vmul.f32 v19, v19  }
0xf7: {  	v29 =	vor.u32 v14, v28;
	vm14 =	vgt.f32 v17, $0.0e+00;
	v20 =	vmul.f32 v20, v20  }
0xf8: {  	v19 =	vsel vm14, $0xBF800000, v19;
	vm15 =	vgt.f32 v18, $0.0e+00  }
0xf9: {  	[tilespmem:s31+$0x3C00] =	vst v19;
	v18 =	vsel vm15, $0xBF800000, v20  }
0xfa: {  	[tilespmem:s31+$0x3E00] =	vst v18  }
0xfb: {  	v18 =	vld.idx.msk [tilespmem:v23+s11+$0x0], $0xffff  }
0xfc: {  	v17 =	vld.idx.msk [tilespmem:v29+s11+$0x0], $0xffff;
	_ =	sdelay $0x4  }
0xfd: {  	v18 =	vmul.f32 $7.500000000e-01, v18;
	v17 =	vmul.f32 $2.500000000e-01, v17;
	_ =	sdelay $0x1  }
0xfe: {  	v30 =	vld [tilespmem:s22+$0x200];
	v17 =	vadd.f32 v17, v18  }
0xff: {  	v16 =	vmul.f32 $7.500000000e-01, v16;
	v19 =	vld [tilespmem:s22+$0x280]  }
0x100: {  	v31 =	vmul.f32 $2.500000000e-01, v17  }
0x101: {  	v22 =	vadd.f32 v16, v22  }
0x102: {  	v16 =	vadd.f32 v31, v16  }
0x103: {  	v18 =	vsub.f32 v30, v22  }
0x104: {  	v32 =	vadd.s32 v5, v13;
	v19 =	vsub.f32 v19, v16  }
0x105: {  	v33 =	vadd.s32 v5, v15;
	v23 =	vor.u32 v12, v32;
	v18 =	vmul.f32 v18, v18  }
0x106: {  	v34 =	vor.u32 v14, v33;
	vm4 =	vgt.f32 v22, $0.0e+00;
	v19 =	vmul.f32 v19, v19  }
0x107: {  	v18 =	vsel vm4, $0xBF800000, v18;
	vm5 =	vgt.f32 v16, $0.0e+00  }
0x108: {  	[tilespmem:s31+$0x4000] =	vst v18;
	v16 =	vsel vm5, $0xBF800000, v19  }
0x109: {  	[tilespmem:s31+$0x4200] =	vst v16  }
0x10a: {  	v16 =	vld.idx.msk [tilespmem:v23+s11+$0x0], $0xffff  }
0x10b: {  	v18 =	vld.idx.msk [tilespmem:v34+s11+$0x0], $0xffff;
	_ =	sdelay $0x4  }
0x10c: {  	v16 =	vmul.f32 $7.500000000e-01, v16;
	v18 =	vmul.f32 $2.500000000e-01, v18  }
0x10d: {  	s24 =	sor.u32 s18, s21  }
0x10e: {  	s24 =	sor.u32 $0x380, s24;
	v35 =	vld [tilespmem:s22+$0x300];
	v16 =	vadd.f32 v18, v16  }
0x10f: {  	v17 =	vmul.f32 $7.500000000e-01, v17;
	v36 =	vld [tilespmem:s24+$0x0]  }
0x110: {  	v37 =	vmul.f32 $2.500000000e-01, v16  }
0x111: {  	v21 =	vadd.f32 v17, v63  }
0x112: {  	v17 =	vadd.f32 v37, v17  }
0x113: {  	v18 =	vsub.f32 v35, v21  }
0x114: {  	v38 =	vadd.s32 v6, v13;
	v19 =	vsub.f32 v36, v17  }
0x115: {  	v39 =	vadd.s32 v6, v15;
	v23 =	vor.u32 v12, v38;
	v18 =	vmul.f32 v18, v18  }
0x116: {  	v40 =	vor.u32 v14, v39;
	vm6 =	vgt.f32 v21, $0.0e+00;
	v19 =	vmul.f32 v19, v19  }
0x117: {  	v18 =	vsel vm6, $0xBF800000, v18;
	vm7 =	vgt.f32 v17, $0.0e+00  }
0x118: {  	[tilespmem:s31+$0x4400] =	vst v18;
	v17 =	vsel vm7, $0xBF800000, v19  }
0x119: {  	[tilespmem:s31+$0x4600] =	vst v17  }
0x11a: {  	v17 =	vld.idx.msk [tilespmem:v23+s11+$0x0], $0xffff  }
0x11b: {  	v18 =	vld.idx.msk [tilespmem:v40+s11+$0x0], $0xffff;
	_ =	sdelay $0x4  }
0x11c: {  	v17 =	vmul.f32 $7.500000000e-01, v17;
	v18 =	vmul.f32 $2.500000000e-01, v18;
	_ =	sdelay $0x1  }
0x11d: {  	v41 =	vld [tilespmem:s22+$0x1000];
	v17 =	vadd.f32 v18, v17  }
0x11e: {  	v16 =	vmul.f32 $7.500000000e-01, v16;
	v42 =	vld [tilespmem:s22+$0x1080]  }
0x11f: {  	v43 =	vmul.f32 $2.500000000e-01, v17  }
0x120: {  	v20 =	vadd.f32 v16, v31  }
0x121: {  	v16 =	vadd.f32 v43, v16  }
0x122: {  	v18 =	vsub.f32 v41, v20  }
0x123: {  	v44 =	vadd.s32 v7, v13;
	v19 =	vsub.f32 v42, v16  }
0x124: {  	v45 =	vadd.s32 v7, v15;
	v23 =	vor.u32 v12, v44;
	v18 =	vmul.f32 v18, v18  }
0x125: {  	v46 =	vor.u32 v14, v45;
	vm8 =	vgt.f32 v20, $0.0e+00;
	v19 =	vmul.f32 v19, v19  }
0x126: {  	v18 =	vsel vm8, $0xBF800000, v18;
	vm9 =	vgt.f32 v16, $0.0e+00  }
0x127: {  	[tilespmem:s31+$0x4800] =	vst v18;
	v16 =	vsel vm9, $0xBF800000, v19  }
0x128: {  	[tilespmem:s31+$0x4A00] =	vst v16  }
0x129: {  	v16 =	vld.idx.msk [tilespmem:v23+s11+$0x0], $0xffff  }
0x12a: {  	v18 =	vld.idx.msk [tilespmem:v46+s11+$0x0], $0xffff;
	_ =	sdelay $0x4  }
0x12b: {  	v16 =	vmul.f32 $7.500000000e-01, v16;
	v18 =	vmul.f32 $2.500000000e-01, v18;
	_ =	sdelay $0x1  }
0x12c: {  	v47 =	vld [tilespmem:s22+$0x1100];
	v16 =	vadd.f32 v18, v16  }
0x12d: {  	v17 =	vmul.f32 $7.500000000e-01, v17;
	v48 =	vld [tilespmem:s22+$0x1180]  }
0x12e: {  	v49 =	vmul.f32 $2.500000000e-01, v16  }
0x12f: {  	v22 =	vadd.f32 v17, v37  }
0x130: {  	v17 =	vadd.f32 v49, v17  }
0x131: {  	v18 =	vsub.f32 v47, v22  }
0x132: {  	v50 =	vadd.s32 v9, v13;
	v19 =	vsub.f32 v48, v17  }
0x133: {  	v51 =	vadd.s32 v9, v15;
	v23 =	vor.u32 v12, v50;
	v18 =	vmul.f32 v18, v18  }
0x134: {  	v52 =	vor.u32 v14, v51;
	vm10 =	vgt.f32 v22, $0.0e+00;
	v19 =	vmul.f32 v19, v19  }
0x135: {  	v18 =	vsel vm10, $0xBF800000, v18;
	vm11 =	vgt.f32 v17, $0.0e+00  }
0x136: {  	[tilespmem:s31+$0x4C00] =	vst v18;
	v17 =	vsel vm11, $0xBF800000, v19  }
0x137: {  	[tilespmem:s31+$0x4E00] =	vst v17  }
0x138: {  	v17 =	vld.idx.msk [tilespmem:v23+s11+$0x0], $0xffff  }
0x139: {  	v18 =	vld.idx.msk [tilespmem:v52+s11+$0x0], $0xffff;
	_ =	sdelay $0x4  }
0x13a: {  	v17 =	vmul.f32 $7.500000000e-01, v17;
	v18 =	vmul.f32 $2.500000000e-01, v18;
	_ =	sdelay $0x1  }
0x13b: {  	v53 =	vld [tilespmem:s22+$0x1200];
	v17 =	vadd.f32 v18, v17  }
0x13c: {  	v16 =	vmul.f32 $7.500000000e-01, v16;
	v54 =	vld [tilespmem:s22+$0x1280]  }
0x13d: {  	v55 =	vmul.f32 $2.500000000e-01, v17  }
0x13e: {  	v21 =	vadd.f32 v16, v43  }
0x13f: {  	v16 =	vadd.f32 v55, v16  }
0x140: {  	v18 =	vsub.f32 v53, v21  }
0x141: {  	v13 =	vadd.s32 v10, v13;
	v19 =	vsub.f32 v54, v16  }
0x142: {  	v56 =	vadd.s32 v10, v15;
	v12 =	vor.u32 v12, v13;
	v18 =	vmul.f32 v18, v18  }
0x143: {  	v13 =	vor.u32 v14, v56;
	vm12 =	vgt.f32 v21, $0.0e+00;
	v57 =	vmul.f32 v19, v19  }
0x144: {  	v58 =	vsel vm12, $0xBF800000, v18;
	vm13 =	vgt.f32 v16, $0.0e+00  }
0x145: {  	[tilespmem:s31+$0x5000] =	vst v58;
	v59 =	vsel vm13, $0xBF800000, v57  }
0x146: {  	[tilespmem:s31+$0x5200] =	vst v59  }
0x147: {  	v12 =	vld.idx.msk [tilespmem:v12+s11+$0x0], $0xffff  }
0x148: {  	v13 =	vld.idx.msk [tilespmem:v13+s11+$0x0], $0xffff;
	_ =	sdelay $0x4  }
0x149: {  	v12 =	vmul.f32 $7.500000000e-01, v12;
	v13 =	vmul.f32 $2.500000000e-01, v13;
	_ =	sdelay $0x1  }
0x14a: {  	v60 =	vld [tilespmem:s22+$0x1300];
	v12 =	vadd.f32 v13, v12  }
0x14b: {  	v61 =	vmul.f32 $7.500000000e-01, v17;
	v62 =	vld [tilespmem:s22+$0x1380]  }
0x14c: {  	v12 =	vmul.f32 $2.500000000e-01, v12  }
0x14d: {  	v63 =	vadd.f32 v61, v49  }
0x14e: {  	v12 =	vadd.f32 v12, v61  }
0x14f: {  	v13 =	vsub.f32 v60, v63  }
0x150: {  	p0 =	sne.s32 s21, $0x1F0;
	v14 =	vsub.f32 v62, v12  }
.Ltmp2:
0x151: {  	v13 =	vmul.f32 v13, v13;
	(pc) =	sbr.rel @p0 .LBB2_7-.Ltmp2, $4  }
0x152: {  	vm14 =	vgt.f32 v63, $0.0e+00;
	v14 =	vmul.f32 v14, v14  }
0x153: {  	v13 =	vsel vm14, $0xBF800000, v13;
	vm15 =	vgt.f32 v12, $0.0e+00  }
0x154: {  	s18 =	sadd.s32 $0x80, s18;
	s16 =	sadd.s32 $0x10, s16;
	[tilespmem:s31+$0x5400] =	vst v13;
	v12 =	vsel vm15, $0xBF800000, v14  }
0x155: {  	s20 =	sadd.s32 $0x10, s20;
	s21 =	sadd.s32 $0x10, s21;
	s19 =	sadd.s32 $0x10, s19;
	[tilespmem:s31+$0x5600] =	vst v12  }
0x156: {  	s15 =	sadd.s32 $0x1, s15  }
0x157: {  	p0 =	sne.s32 s15, $0x8  }
.Ltmp3:
0x158: {  	s16 =	sadd.s32 s6, s17;
	(pc) =	sbr.rel @p0 .LBB2_4-.Ltmp3, $4  }
0x159: {  	[hbm4b:s16+s5] =	stream.linear.scatter [tilespmem:s12], [sflag:$0x1], $0x2000, $0x38;
	[tilespmem:$0x5C00] =	vst v63  }
0x15a: {  	_ =	swait.ge [sflag:s10], $0x2000  }
0x15b: {  	[sflag:s10] =	ssyncset.done $0x0  }
0x15c: {  	[sflag:s10] =	ssyncadd.s32 $0xFFFFE000  }
0x15d: {  	s13 =	sadd.s32 $0x1, s13  }
0x15e: {  	p0 =	sne.s32 s13, s9  }
.Ltmp4:
0x15f: {  	_ = 	snop;
	(pc) =	sbr.rel @p0 .LBB2_1-.Ltmp4, $1  }
0x160: {  	_ =	sdelay $0x3  }
0x161: {  	_ =	sfence.sel $0x180000  }
0x162: {  	[bflag:$0x0] =	sbarrier.arrive $0xFFFF  }
0x163: {  	p0 =	sne.s32 s0, $0x0;
	_ =	strace $0x90000047  }
0x164: {  	s0 =	sadd.s32 @!p0 $0x100000, s4;
	[bflag:$0x2] =	sbarrier.arrive $0xFFFF  }
0x165: {  	[sflag:s0] =	ssyncadd.tile.s32 @!p0 $0x1;
	_ =	shalt  }
.Lfunc_end2:
_tile_overlayer_lowered:
.L_overlay_start_2:
0x166: {  	(tag) =	ssettag $0x2  }
0x167: {  	s0 =	rddreg [dreg:$0x0];
	s2 =	stileid.u32  }
0x168: {  	s1 =	rddreg [dreg:$0x1];
	p0 =	sne.s32 s2, $0x0  }
0x169: {  	s3 =	rddreg [dreg:$0x2];
	[bflag:$0x3] =	sbarrier.arrive $0xFFFF;
	s2 =	simm.s32 @!p0 $0x1C01  }
0x16a: {  	[timem:s3], [sflag:s2] =	dma.local @!p0 [hbm:s0], s1  }
0x16b: {  	s0 =	simm.s32 @!p0 $0x1  }
0x16c: {  	_ =	swait.ge @!p0 [sflag:s0], s1  }
0x16d: {  	s1 =	ssub.s32 @!p0 $0x0, s1;
	[sflag:s0] =	ssyncset.done @!p0 $0x0  }
0x16e: {  	[sflag:s0] =	ssyncadd.s32 @!p0 s1  }
0x16f: {  	[bflag:$0x3] =	sbarrier.arrive $0xFFFF  }
0x170: {  	_ =	shalt  }

// kernel: branch_1_fun.7.cloned.1.call-start
scs
__scs_entry_jumppad:
0x0: {  	(pc) =	sbr.rel $0x88, $3  }
0x1: {  	(tag) =	ssettag $0x0;
	lr =	simm.s32 $0x1  }
0x2: {  	[smem:$0x3F9E] =	sst lr;
	_ =	strace $0xD0000000  }
0x3: {  	_ = 	snop  }
0x4: {  	_ = 	snop  }
0x5: {  	_ = 	snop  }
0x6: {  	_ = 	snop  }
0x7: {  	_ = 	snop  }
__scs_overlays_trampoline_lowered:
0x8: {  	[smem:$0x3FAD] =	sst s0  }
0x9: {  	[smem:$0x3FAE] =	sst s1  }
0xa: {  	[smem:$0x3FAF] =	sst s2  }
0xb: {  	[smem:$0x3FB0] =	sst s3  }
0xc: {  	[smem:$0x3FB1] =	sst s4  }
0xd: {  	[smem:$0x3FB2] =	sst s5  }
0xe: {  	[smem:$0x3FB3] =	sst s6  }
0xf: {  	[smem:$0x3FB4] =	sst s7  }
0x10: {  	[smem:$0x3FB5] =	sst s8  }
0x11: {  	[smem:$0x3FB6] =	sst s9;
	s0 =	simm.s32 @!p0 $0x0  }
0x12: {  	s1 =	sld [smem:$0x3F9C];
	s0 =	simm.s32 @p0 $0x1  }
0x13: {  	[smem:$0x3FB7] =	sst s0;
	s0 =	simm.s32 @!p1 $0x0  }
0x14: {  	s2 =	sld [smem:$0x3F9B];
	s0 =	simm.s32 @p1 $0x1  }
0x15: {  	[smem:$0x3FB8] =	sst s0;
	s0 =	simm.s32 @!p2 $0x0  }
0x16: {  	s3 =	sld [smem:$0x3FDB];
	s0 =	simm.s32 @p2 $0x1  }
0x17: {  	s4 =	simm.s32 $0x1BF5;
	[smem:$0x3FBA] =	sst s0  }
0x18: {  	s0 =	sld [smem:$0x3F9D];
	_ =	swait.ge [sflag:s4], $0x0  }
0x19: {  	s7 =	sld [smem:$0x3F9E]  }
0x1a: {  	s8 =	sadd.s32 $0xFFFFE003, lr  }
0x1b: {  	s9 =	sadd.s32 $0xFFFFFEF7, lr;
	s5 =	simm.s32 $0xFFFFFFFF;
	p2 =	slt.u32 s8, $0xFFFFF086  }
0x1c: {  	p1 =	slt.u32 s9, $0xF7A;
	s5 =	simm.s32 @!p2 $0x0  }
0x1d: {  	s5 =	simm.s32 @p1 $0x1;
	p0 =	seq.s32 s7, s2  }
0x1e: {  	s7 =	smul.u32 @!p0 $0xF7A, s2;
	p2 =	seq.s32 @!p0 s5, $0x0  }
0x1f: {  	s9 =	smul.u32 $0xF7A, s1;
	s8 =	simm.s32 @!p0 $0x1BF5;
	p2 =	por !p2, p0  }
0x20: {  	[sflag:s8] =	ssyncset.s32 @!p0 $0xFFFFF086;
	s6 =	sadd.s32 @!p0 s3, s7;
	s7 =	simm.s32 @!p0 $0x108  }
0x21: {  	s3 =	sadd.s32 s3, s9;
	s6 =	sadd.s32 @!p0 $0x88, s6;
	s7 =	simm.s32 @p2 $0x1082  }
0x22: {  	[simem:s7], [sflag:s8] =	dma.local @!p0 [hbm:s6], $0xF7A  }
0x23: {  	s9 =	sor.u32 $0xD0000000, s2;
	s6 =	simm.s32 $0x108;
	_ =	swait.ge @!p0 [sflag:s8], $0x0  }
0x24: {  	s3 =	sadd.s32 $0x88, s3;
	s6 =	simm.s32 @!p1 $0x1082;
	[sflag:s4] =	ssyncset.s32 $0xFFFFF086  }
0x25: {  	[simem:s6], [sflag:s4] =	dma.local [hbm:s3], $0xF7A  }
0x26: {  	[smem:$0x3F9E] =	sst s1;
	(tag) =	ssettag s2;
	_ =	strace s9  }
0x27: {  	s1 =	sld [smem:$0x3FAE]  }
0x28: {  	s2 =	sld [smem:$0x3FAF]  }
0x29: {  	s4 =	sld [smem:$0x3FB1]  }
0x2a: {  	p0 =	seq.s32 s5, $0x0;
	s5 =	sld [smem:$0x3FB2]  }
0x2b: {  	s6 =	sld [smem:$0x3FB3]  }
0x2c: {  	s7 =	sld [smem:$0x3FB4]  }
0x2d: {  	s3 =	simm.s32 $0x108;
	s8 =	sld [smem:$0x3FB5]  }
0x2e: {  	s3 =	simm.s32 @!p0 $0x1082;
	s9 =	sld [smem:$0x3FB6]  }
0x2f: {  	lr =	sadd.s32 s0, s3;
	s0 =	sld [smem:$0x3FAD]  }
0x30: {  	s3 =	sld [smem:$0x3FB0]  }
0x31: {  	[smem:$0x3FB9] =	sst s10  }
0x32: {  	s10 =	sld [smem:$0x3FB7];
	_ =	sdelay $0x3  }
0x33: {  	p0 =	seq.s32 s10, $0x1;
	s10 =	sld [smem:$0x3FB9];
	_ =	sdelay $0x3  }
0x34: {  	[smem:$0x3FB9] =	sst s10  }
0x35: {  	s10 =	sld [smem:$0x3FB8];
	_ =	sdelay $0x3  }
0x36: {  	p1 =	seq.s32 s10, $0x1;
	s10 =	sld [smem:$0x3FB9];
	_ =	sdelay $0x3  }
0x37: {  	[smem:$0x3FB9] =	sst s10  }
0x38: {  	s10 =	sld [smem:$0x3FBA]  }
0x39: {  	_ = 	snop;
	(pc) =	sbr.ind lr, $3  }
0x3a: {  	_ = 	snop  }
0x3b: {  	_ = 	snop  }
0x3c: {  	p2 =	seq.s32 s10, $0x1;
	s10 =	sld [smem:$0x3FB9]  }
0x3d: {  	_ =	shalt  }
0x3e: {  	_ =	shalt  }
0x3f: {  	_ =	shalt  }
0x40: {  	_ =	shalt  }
0x41: {  	_ =	shalt  }
0x42: {  	_ =	shalt  }
0x43: {  	_ =	shalt  }
0x44: {  	_ =	shalt  }
0x45: {  	_ =	shalt  }
0x46: {  	_ =	shalt  }
0x47: {  	_ =	shalt  }
0x48: {  	_ =	shalt  }
0x49: {  	_ =	shalt  }
0x4a: {  	_ =	shalt  }
0x4b: {  	_ =	shalt  }
0x4c: {  	_ =	shalt  }
0x4d: {  	_ =	shalt  }
0x4e: {  	_ =	shalt  }
0x4f: {  	_ =	shalt  }
0x50: {  	_ =	shalt  }
0x51: {  	_ =	shalt  }
0x52: {  	_ =	shalt  }
0x53: {  	_ =	shalt  }
0x54: {  	_ =	shalt  }
0x55: {  	_ =	shalt  }
0x56: {  	_ =	shalt  }
0x57: {  	_ =	shalt  }
0x58: {  	_ =	shalt  }
0x59: {  	_ =	shalt  }
0x5a: {  	_ =	shalt  }
0x5b: {  	_ =	shalt  }
0x5c: {  	_ =	shalt  }
0x5d: {  	_ =	shalt  }
0x5e: {  	_ =	shalt  }
0x5f: {  	_ =	shalt  }
0x60: {  	_ =	shalt  }
0x61: {  	_ =	shalt  }
0x62: {  	_ =	shalt  }
0x63: {  	_ =	shalt  }
0x64: {  	_ =	shalt  }
0x65: {  	_ =	shalt  }
0x66: {  	_ =	shalt  }
0x67: {  	_ =	shalt  }
0x68: {  	_ =	shalt  }
0x69: {  	_ =	shalt  }
0x6a: {  	_ =	shalt  }
0x6b: {  	_ =	shalt  }
0x6c: {  	_ =	shalt  }
0x6d: {  	_ =	shalt  }
0x6e: {  	_ =	shalt  }
0x6f: {  	_ =	shalt  }
0x70: {  	_ =	shalt  }
0x71: {  	_ =	shalt  }
0x72: {  	_ =	shalt  }
0x73: {  	_ =	shalt  }
0x74: {  	_ =	shalt  }
0x75: {  	_ =	shalt  }
0x76: {  	_ =	shalt  }
0x77: {  	_ =	shalt  }
0x78: {  	_ =	shalt  }
0x79: {  	_ =	shalt  }
0x7a: {  	_ =	shalt  }
0x7b: {  	_ =	shalt  }
0x7c: {  	_ =	shalt  }
0x7d: {  	_ =	shalt  }
0x7e: {  	_ =	shalt  }
0x7f: {  	_ =	shalt  }
0x80: {  	_ =	shalt  }
0x81: {  	_ =	shalt  }
0x82: {  	_ =	shalt  }
0x83: {  	_ =	shalt  }
0x84: {  	_ =	shalt  }
0x85: {  	_ =	shalt  }
0x86: {  	_ =	shalt  }
0x87: {  	_ =	shalt  }
.Lfunc_end0:
.L_simem_size_0:
called_computation.1_lowered:
.L_overlay_start_0:
0x88: {  	s2 =	sld [smem:$0x3FD9]  }
0x89: {  	s3 =	sld [smem:$0x3FFE];
	_ =	sdelay $0x1  }
0x8a: {  	s1 =	srdreg.scid  }
0x8b: {  	s0 =	sand.u32 $0x1, s1  }
0x8c: {  	s16 =	sshll.u32 s0, $0xA;
	s2 =	sadd.s32 s3, s2  }
0x8d: {  	s2 =	sadd.s32 s2, s16  }
0x8e: {  	[smem:$0x3FC5] =	sst s2  }
0x8f: {  	_ = 	snop  }
0x90: {  	(tm) =	ssettm $0x1  }
0x91: {  	s17 =	sld [smem:$0x3FFB];
	_ =	sdelay $0x3  }
0x92: {  	_ =	strace s17  }
0x93: {  	s2 =	sld [smem:$0x3FFC];
	_ =	sdelay $0x3  }
0x94: {  	_ =	strace s2  }
0x95: {  	s2 =	sld [smem:$0x3FFD];
	_ =	sdelay $0x3  }
0x96: {  	_ =	strace s2  }
0x97: {  	_ =	strace $0x8FFFFFFF  }
0x98: {  	s18 =	sld [smem:$0x3FDB];
	_ =	sdelay $0x1  }
0x99: {  	s19 =	simm.s32 $_scs_section_size  }
0x9a: {  	s4 =	simm.s32 $_size__tile_overlayer_lowered;
	s5 =	simm.s32 $_tile_overlayer_lowered  }
0x9b: {  	s22 =	simm.s32 $0x1BFF;
	s21 =	sshll.u32 s5, $0x1;
	s2 =	sadd.s32 s19, s18  }
0x9c: {  	s6 =	simm.s32 $0x0;
	s20 =	sshll.u32 s4, $0x1;
	s4 =	sadd.s32 s21, s2  }
0x9d: {  	[timem:s6], [sflag:s22] =	dma.local [hbm:s4], s20  }
0x9e: {  	_ =	swait.ge [sflag:s22], s20  }
0x9f: {  	s3 =	ssub.s32 $0x0, s20;
	[sflag:s22] =	ssyncset.done $0x0  }
0xa0: {  	[sflag:s22] =	ssyncadd.s32 s3;
	_ =	sdelay $0x1  }
0xa1: {  	s23 =	simm.s32 $0x1B8B  }
0xa2: {  	_ =	swait.ge [sflag:s23], $0x1  }
0xa3: {  	[sflag:s23] =	ssyncset.done $0x0  }
0xa4: {  	s25 =	simm.s32 $0x1B8E;
	s24 =	sld [smem:$0x3FFE];
	[sflag:s23] =	ssyncadd.s32 $0xFFFFFFFF  }
0xa5: {  	s26 =	simm.s32 $execute0_lowered;
	[smem:$0x3FD2] =	sst s25  }
0xa6: {  	s4 =	sshll.u32 s26, $0x1;
	_ =	strace $0x80000049;
	[dreg:$0x1] =	wrdreg $0xFFFFFFFF  }
0xa7: {  	s28 =	simm.s32 $_size_execute0_lowered;
	s2 =	sadd.s32 s2, s4;
	[dreg:$0x0] =	wrdreg $0x0  }
0xa8: {  	s4 =	sshll.u32 s28, $0x1;
	[dreg:$0x2] =	wrdreg s2  }
0xa9: {  	[dreg:$0x3] =	wrdreg s4  }
0xaa: {  	[dreg:$0x4] =	wrdreg $0xC0  }
0xab: {  	_ =	task [dreg:s6], $0x5FFFF  }
0xac: {  	[dreg:$0x1] =	wrdreg $0xFFFFFFFF  }
0xad: {  	[dreg:$0x0] =	wrdreg $0x60  }
0xae: {  	[dreg:$0x2] =	wrdreg s24  }
0xaf: {  	[dreg:$0x3] =	wrdreg $0x9  }
0xb0: {  	_ =	task.clear_ibuf [dreg:s6], $0x4FFFF;
	_ =	strace $0x90000049  }
0xb1: {  	s29 =	simm.s32 $0x9;
	_ =	strace $0x8000004B  }
0xb2: {  	_ =	swait.ge [sflag:s29], $0x1  }
0xb3: {  	[sflag:s29] =	ssyncadd.s32 $0xFFFFFFFF  }
0xb4: {  	_ =	strace $0x9000004B  }
0xb5: {  	_ =	sfence  }
0xb6: {  	s30 =	sld [smem:$0x0];
	_ =	sdelay $0x2  }
0xb7: {  	s31 =	sshll.u32 s1, $0xD;
	s1 =	sshrl.u32 s1, $0x2  }
0xb8: {  	s3 =	sand.u32 $0x4000, s31;
	s1 =	sadd.s32 s1, s30  }
0xb9: {  	s0 =	sor.u32 s3, s0;
	s1 =	sshll.u32 s1, $0x11  }
0xba: {  	s0 =	sor.u32 s1, s0  }
0xbb: {  	s0 =	sadd.s32 $0x8F2B, s0  }
0xbc: {  	[sflag:s0] =	ssyncadd.remote.s32 $0x1  }
0xbd: {  	_ =	sfence.sel $0xFFFF  }
0xbe: {  	[dreg:$0x0] =	wrdreg $0xFFFFFFFF;
	(pc) =	sbr.abs _section_cstart, $3  }
0xbf: {  	[dreg:$0x1] =	wrdreg $0xFFFFFFFF  }
0xc0: {  	_ =	task.clear_ibuf [dreg:s6], $0x2FFFF;
	_ =	strace $0x9FFFFFFF  }
0xc1: {  	(tm) =	ssettm $0x7FFFFFFF  }
tec
execute0_lowered:
.L_overlay_start_1:
0x0: {  	(tag) =	ssettag $0x1  }
0x1: {  	s1 =	stileid.u32  }
0x2: {  	p0 =	sgt.u32 s1, $0x7  }
.Ltmp0:
0x3: {  	_ = 	snop;
	(pc) =	sbr.rel @p0 .LBB2_13-.Ltmp0, $4  }
0x4: {  	_ = 	snop  }
0x5: {  	s2 =	rddreg [dreg:$0x0];
	s3 =	simm.s32 $0x0  }
0x6: {  	[smem:$0x7FF] =	sst s3  }
0x7: {  	s0 =	rddreg [dreg:$0x1];
	_ =	strace $0x8000004A  }
0x8: {  	s4 =	srdreg.scid  }
0x9: {  	s5 =	sshll.u32 s1, $0x1;
	s4 =	sand.u32 $0x1, s4  }
0xa: {  	s9 =	simm.s32 $0x4080;
	s10 =	simm.s32 $0x0;
	s5 =	sor.u32 s4, s5  }
0xb: {  	s7 =	ssub.s32 $0x2, s4;
	s6 =	sshll.u32 s5, $0xF;
	s31 =	sshll.u32 s5, $0x1  }
0xc: {  	v1 =	vlaneseq.u32;
	vm1 =	vcmask $0x3F0C;
	s8 =	sshrl.u32 s7, $0x1;
	s30 =	sadd.s32 s6, s2;
	s6 =	sadd.s32 s31, s2  }
0xd: {  	vm2 =	vcmask $0x3F08;
	vm3 =	vcmask $0x3F04;
	v0 =	vmov s5;
	s7 =	ssub.s32 s7, s8;
	s8 =	simm.s32 $0x1;
	s4 =	sadd.s32 $0x400, s30  }
0xe: {  	vm0 =	veq.s32 v0, v1;
	v0 =	vimm.s32 $0x0;
	v1 =	vimm.f32 $0.0e+00;
	s5 =	sadd.s32 $0x80400, s6;
	s6 =	smax.u32 s7, $0x1;
	s7 =	simm.s32 $0x4000  }
.LBB2_2:
0xf: {  	s11 =	simm.s32 $0x0  }
0x10: {  	[tilespmem:s7], [sflag:$0x1] =	stream.linear.gather [hbm4b:s2+s11], $0x80, $0x38;
	[tilespmem:$0x4100] =	vst v63  }
0x11: {  	_ =	swait.ge [sflag:s8], $0x80  }
0x12: {  	[sflag:s8] =	ssyncset.done $0x0  }
0x13: {  	[sflag:s8] =	ssyncadd.s32 $0xFFFFFF80  }
0x14: {  	v2 =	vld [tilespmem:$0x4000];
	_ =	sdelay $0x4  }
0x15: {  	v2 =	vnsel vm0, $0x0, v2  }
0x16: {  	(xrf0) =	vadd.scan.msk.s32 $0xffff, v2;
	_ =	sdelay $0x5  }
0x17: {  	v2, _, _ =	vpop (xrf0)  }
0x18: {  	(v2sf) =	vpush v2, $0xF;
	_ =	sdelay $0xe  }
0x19: {  	s13 =	simm.s32 $0x7F800000;
	s14 =	simm.s32 $0x0;
	s12 =	spop (v2sf)  }
.LBB2_3:
0x1a: {  	s15 =	ssub.s32 s13, s11;
	p0 =	sne.s32 s13, s11;
	s16 =	simm.s32 $0x1  }
0x1b: {  	s17 =	sshra.s32 s15, $0x1F;
	s16 =	simm.s32 @!p0 $0x0  }
0x1c: {  	s31 =	sand.u32 $0x1, s15;
	s16 =	sor.u32 s16, s17  }
0x1d: {  	s18 =	sshrl.u32 s15, $0x1F;
	p1 =	seq.s32 s31, $0x1;
	p6 =	sne.s32 s16, $0x1  }
0x1e: {  	s15 =	sadd.s32 s18, s15;
	p0 =	por !p6, !p1  }
0x1f: {  	s15 =	sshra.s32 s15, $0x1;
	s16 =	simm.s32 $0x1;
	p0 =	por !p0, !p0  }
0x20: {  	s15 =	sadd.s32 s11, s15;
	s16 =	simm.s32 @!p0 $0x0  }
0x21: {  	s15 =	ssub.s32 s15, s16  }
0x22: {  	v2 =	vmov s15  }
0x23: {  	s17 =	simm.s32 $0x0;
	s16 =	simm.s32 $0x0;
	v2 =	vbroadcast v2, $0x0  }
.LBB2_4:
0x24: {  	s18 =	sshll.u32 s17, $0xB  }
0x25: {  	s19 =	simm.s32 $0x0;
	s18 =	sadd.s32 s18, s4  }
0x26: {  	[tilespmem:s19], [sflag:$0x1] =	stream.linear.gather [hbm4b:s18+s19], $0x4000, $0x38;
	[tilespmem:$0x4100] =	vst v63  }
0x27: {  	_ =	swait.ge [sflag:s8], $0x4000  }
0x28: {  	[sflag:s8] =	ssyncset.done $0x0  }
0x29: {  	s31 =	simm.s32 $0x0;
	[sflag:s8] =	ssyncadd.s32 $0xFFFFC000  }
0x2a: {  	v4 =	vld [tilespmem:s31+$0x0]  }
0x2b: {  	v3 =	vimm.s32 $0x0;
	s18 =	simm.s32 $0x40  }
.LBB2_5:
0x2c: {  	p0 =	sne.s32 s18, $0xFFC0  }
.Ltmp1:
0x2d: {  	_ = 	snop;
	(pc) =	sbr.rel @p0 .LBB2_5-.Ltmp1, $4  }
0x2e: {  	_ = 	snop  }
0x2f: {  	s19 =	sshra.s32 s18, $0x2;
	s18 =	sadd.s32 $0x40, s18;
	vm4 =	vge.f32 v4, v2  }
0x30: {  	v4 =	vld [tilespmem:s19+$0x0];
	v5 =	vsel vm4, $0x1, v0  }
0x31: {  	v3 =	vadd.s32 v5, v3  }
0x32: {  	_ =	sdelay $0x2  }
0x33: {  	vm4 =	vge.f32 v4, v2  }
0x34: {  	v4 =	vsel vm4, $0x1, v0  }
0x35: {  	v3 =	vadd.s32 v4, v3  }
0x36: {  	(xrf0) =	vadd.scan.msk.s32 $0xffff, v3;
	_ =	sdelay $0x5  }
0x37: {  	v3, _, _ =	vpop (xrf0)  }
0x38: {  	(v2sf) =	vpush v3, $0xF;
	_ =	sdelay $0x9  }
0x39: {  	s17 =	sadd.s32 $0x1, s17  }
0x3a: {  	p0 =	sne.s32 s17, $0x10  }
.Ltmp2:
0x3b: {  	_ = 	snop;
	(pc) =	sbr.rel @p0 .LBB2_4-.Ltmp2, $3  }
0x3c: {  	_ =	sdelay $0x1  }
0x3d: {  	s18 =	spop (v2sf)  }
0x3e: {  	s16 =	sadd.s32 s16, s18  }
0x3f: {  	s14 =	sadd.s32 $0x1, s14  }
0x40: {  	p1 =	sne.s32 s14, $0x1F  }
.Ltmp3:
0x41: {  	_ = 	snop;
	(pc) =	sbr.rel @p1 .LBB2_3-.Ltmp3, $4  }
0x42: {  	_ = 	snop  }
0x43: {  	p0 =	slt.s32 s16, s12;
	s16 =	smov.u32 s15  }
0x44: {  	s16 =	smov.u32 @p0 s11  }
0x45: {  	s13 =	smov.u32 @p0 s15;
	s11 =	smov.u32 s16  }
0x46: {  	v2 =	vmov s16  }
0x47: {  	s11 =	simm.s32 $0x0;
	v3 =	vimm.f32 $0.0e+00;
	v4 =	vimm.f32 $0.0e+00;
	s12 =	simm.s32 $0x0;
	v2 =	vbroadcast v2, $0x0  }
.LBB2_9:
0x48: {  	s13 =	sshll.u32 s12, $0xB  }
0x49: {  	s13 =	sadd.s32 s13, s4  }
0x4a: {  	[tilespmem:s11], [sflag:$0x1] =	stream.linear.gather [hbm4b:s13+s11], $0x4000, $0x38;
	[tilespmem:$0x4100] =	vst v63  }
0x4b: {  	_ =	swait.ge [sflag:s8], $0x4000  }
0x4c: {  	[sflag:s8] =	ssyncset.done $0x0  }
0x4d: {  	s14 =	simm.s32 $0x0;
	[sflag:s8] =	ssyncadd.s32 $0xFFFFC000  }
0x4e: {  	v5 =	vld [tilespmem:s14+$0x0]  }
0x4f: {  	s13 =	simm.s32 $0x40  }
.LBB2_10:
0x50: {  	p0 =	sne.s32 s13, $0xFFC0  }
.Ltmp4:
0x51: {  	_ = 	snop;
	(pc) =	sbr.rel @p0 .LBB2_10-.Ltmp4, $4  }
0x52: {  	_ = 	snop  }
0x53: {  	s14 =	sshra.s32 s13, $0x2;
	s13 =	sadd.s32 $0x40, s13;
	vm4 =	vgt.f32 v5, v2  }
0x54: {  	v6 =	vsel vm4, $0x3F800000, v1;
	v7 =	vnsel vm4, $0x0, v5;
	v5 =	vld [tilespmem:s14+$0x0]  }
0x55: {  	v4 =	vadd.f32 v6, v4;
	v3 =	vadd.f32 v7, v3  }
0x56: {  	s12 =	sadd.s32 $0x1, s12  }
0x57: {  	p0 =	sne.s32 s12, $0x10  }
.Ltmp5:
0x58: {  	_ = 	snop;
	(pc) =	sbr.rel @p0 .LBB2_9-.Ltmp5, $4  }
0x59: {  	_ = 	snop  }
0x5a: {  	vm4 =	vgt.f32 v5, v2  }
0x5b: {  	v6 =	vsel vm4, $0x3F800000, v1;
	v5 =	vnsel vm4, $0x0, v5  }
0x5c: {  	v4 =	vadd.f32 v6, v4;
	v3 =	vadd.f32 v5, v3  }
0x5d: {  	_ = 	snop  }
0x5e: {  	(xrf2) =	vadd.scan.msk.f32 $0xffff, v4  }
0x5f: {  	(xrf2) =	vadd.scan.msk.f32 $0xffff, v3;
	_ =	sdelay $0x8  }
0x60: {  	v3, _, _ =	vpop (xrf2)  }
0x61: {  	v63, _, _ =	vpop (xrf2);
	v3 =	vbroadcast v3, $0xF  }
0x62: {  	v2 =	vsel vm1, $0x0, v2;
	v4 =	vbroadcast v63, $0xF  }
0x63: {  	s10 =	sadd.s32 $0x1, s10;
	v2 =	vsel vm2, v2, v3  }
0x64: {  	p0 =	sne.s32 s10, s6;
	v2 =	vsel vm3, v2, v4  }
.Ltmp6:
0x65: {  	[tilespmem:$0x4080] =	vst v2;
	(pc) =	sbr.rel @p0 .LBB2_2-.Ltmp6, $4  }
0x66: {  	[hbm4b:s5+s3] =	stream.linear.scatter [tilespmem:s9], [sflag:$0x1], $0x10, $0x38;
	[tilespmem:$0x4100] =	vst v63  }
0x67: {  	_ =	swait.ge [sflag:s8], $0x10  }
0x68: {  	[sflag:s8] =	ssyncset.done $0x0  }
0x69: {  	[sflag:s8] =	ssyncadd.s32 $0xFFFFFFF0  }
.LBB2_13:
0x6a: {  	_ =	sfence.sel $0x180000  }
0x6b: {  	[bflag:$0x0] =	sbarrier.arrive $0xFFFF  }
0x6c: {  	p0 =	sne.s32 s1, $0x0;
	_ =	strace $0x9000004A  }
0x6d: {  	s0 =	sadd.s32 @!p0 $0x100000, s0;
	[bflag:$0x2] =	sbarrier.arrive $0xFFFF  }
0x6e: {  	[sflag:s0] =	ssyncadd.tile.s32 @!p0 $0x1;
	_ =	shalt  }
.Lfunc_end2:
_tile_overlayer_lowered:
.L_overlay_start_2:
0x6f: {  	(tag) =	ssettag $0x2  }
0x70: {  	s0 =	rddreg [dreg:$0x0];
	s2 =	stileid.u32  }
0x71: {  	s1 =	rddreg [dreg:$0x1];
	p0 =	sne.s32 s2, $0x0  }
0x72: {  	s3 =	rddreg [dreg:$0x2];
	[bflag:$0x3] =	sbarrier.arrive $0xFFFF;
	s2 =	simm.s32 @!p0 $0x1C01  }
0x73: {  	[timem:s3], [sflag:s2] =	dma.local @!p0 [hbm:s0], s1  }
0x74: {  	s0 =	simm.s32 @!p0 $0x1  }
0x75: {  	_ =	swait.ge @!p0 [sflag:s0], s1  }
0x76: {  	s1 =	ssub.s32 @!p0 $0x0, s1;
	[sflag:s0] =	ssyncset.done @!p0 $0x0  }
0x77: {  	[sflag:s0] =	ssyncadd.s32 @!p0 s1  }
0x78: {  	[bflag:$0x3] =	sbarrier.arrive $0xFFFF  }
0x79: {  	_ =	shalt  }

// kernel: kernel.3.cloned.1.call-start
scs
__scs_entry_jumppad:
0x0: {  	(pc) =	sbr.rel $0x88, $3  }
0x1: {  	(tag) =	ssettag $0x0;
	lr =	simm.s32 $0x1  }
0x2: {  	[smem:$0x3F9E] =	sst lr;
	_ =	strace $0xD0000000  }
0x3: {  	_ = 	snop  }
0x4: {  	_ = 	snop  }
0x5: {  	_ = 	snop  }
0x6: {  	_ = 	snop  }
0x7: {  	_ = 	snop  }
__scs_overlays_trampoline_lowered:
0x8: {  	[smem:$0x3FAD] =	sst s0  }
0x9: {  	[smem:$0x3FAE] =	sst s1  }
0xa: {  	[smem:$0x3FAF] =	sst s2  }
0xb: {  	[smem:$0x3FB0] =	sst s3  }
0xc: {  	[smem:$0x3FB1] =	sst s4  }
0xd: {  	[smem:$0x3FB2] =	sst s5  }
0xe: {  	[smem:$0x3FB3] =	sst s6  }
0xf: {  	[smem:$0x3FB4] =	sst s7  }
0x10: {  	[smem:$0x3FB5] =	sst s8  }
0x11: {  	[smem:$0x3FB6] =	sst s9;
	s0 =	simm.s32 @!p0 $0x0  }
0x12: {  	s1 =	sld [smem:$0x3F9C];
	s0 =	simm.s32 @p0 $0x1  }
0x13: {  	[smem:$0x3FB7] =	sst s0;
	s0 =	simm.s32 @!p1 $0x0  }
0x14: {  	s2 =	sld [smem:$0x3F9B];
	s0 =	simm.s32 @p1 $0x1  }
0x15: {  	[smem:$0x3FB8] =	sst s0;
	s0 =	simm.s32 @!p2 $0x0  }
0x16: {  	s3 =	sld [smem:$0x3FDB];
	s0 =	simm.s32 @p2 $0x1  }
0x17: {  	s4 =	simm.s32 $0x1BF5;
	[smem:$0x3FBA] =	sst s0  }
0x18: {  	s0 =	sld [smem:$0x3F9D];
	_ =	swait.ge [sflag:s4], $0x0  }
0x19: {  	s7 =	sld [smem:$0x3F9E]  }
0x1a: {  	s8 =	sadd.s32 $0xFFFFE003, lr  }
0x1b: {  	s9 =	sadd.s32 $0xFFFFFEF7, lr;
	s5 =	simm.s32 $0xFFFFFFFF;
	p2 =	slt.u32 s8, $0xFFFFF086  }
0x1c: {  	p1 =	slt.u32 s9, $0xF7A;
	s5 =	simm.s32 @!p2 $0x0  }
0x1d: {  	s5 =	simm.s32 @p1 $0x1;
	p0 =	seq.s32 s7, s2  }
0x1e: {  	s7 =	smul.u32 @!p0 $0xF7A, s2;
	p2 =	seq.s32 @!p0 s5, $0x0  }
0x1f: {  	s9 =	smul.u32 $0xF7A, s1;
	s8 =	simm.s32 @!p0 $0x1BF5;
	p2 =	por !p2, p0  }
0x20: {  	[sflag:s8] =	ssyncset.s32 @!p0 $0xFFFFF086;
	s6 =	sadd.s32 @!p0 s3, s7;
	s7 =	simm.s32 @!p0 $0x108  }
0x21: {  	s3 =	sadd.s32 s3, s9;
	s6 =	sadd.s32 @!p0 $0x88, s6;
	s7 =	simm.s32 @p2 $0x1082  }
0x22: {  	[simem:s7], [sflag:s8] =	dma.local @!p0 [hbm:s6], $0xF7A  }
0x23: {  	s9 =	sor.u32 $0xD0000000, s2;
	s6 =	simm.s32 $0x108;
	_ =	swait.ge @!p0 [sflag:s8], $0x0  }
0x24: {  	s3 =	sadd.s32 $0x88, s3;
	s6 =	simm.s32 @!p1 $0x1082;
	[sflag:s4] =	ssyncset.s32 $0xFFFFF086  }
0x25: {  	[simem:s6], [sflag:s4] =	dma.local [hbm:s3], $0xF7A  }
0x26: {  	[smem:$0x3F9E] =	sst s1;
	(tag) =	ssettag s2;
	_ =	strace s9  }
0x27: {  	s1 =	sld [smem:$0x3FAE]  }
0x28: {  	s2 =	sld [smem:$0x3FAF]  }
0x29: {  	s4 =	sld [smem:$0x3FB1]  }
0x2a: {  	p0 =	seq.s32 s5, $0x0;
	s5 =	sld [smem:$0x3FB2]  }
0x2b: {  	s6 =	sld [smem:$0x3FB3]  }
0x2c: {  	s7 =	sld [smem:$0x3FB4]  }
0x2d: {  	s3 =	simm.s32 $0x108;
	s8 =	sld [smem:$0x3FB5]  }
0x2e: {  	s3 =	simm.s32 @!p0 $0x1082;
	s9 =	sld [smem:$0x3FB6]  }
0x2f: {  	lr =	sadd.s32 s0, s3;
	s0 =	sld [smem:$0x3FAD]  }
0x30: {  	s3 =	sld [smem:$0x3FB0]  }
0x31: {  	[smem:$0x3FB9] =	sst s10  }
0x32: {  	s10 =	sld [smem:$0x3FB7];
	_ =	sdelay $0x3  }
0x33: {  	p0 =	seq.s32 s10, $0x1;
	s10 =	sld [smem:$0x3FB9];
	_ =	sdelay $0x3  }
0x34: {  	[smem:$0x3FB9] =	sst s10  }
0x35: {  	s10 =	sld [smem:$0x3FB8];
	_ =	sdelay $0x3  }
0x36: {  	p1 =	seq.s32 s10, $0x1;
	s10 =	sld [smem:$0x3FB9];
	_ =	sdelay $0x3  }
0x37: {  	[smem:$0x3FB9] =	sst s10  }
0x38: {  	s10 =	sld [smem:$0x3FBA]  }
0x39: {  	_ = 	snop;
	(pc) =	sbr.ind lr, $3  }
0x3a: {  	_ = 	snop  }
0x3b: {  	_ = 	snop  }
0x3c: {  	p2 =	seq.s32 s10, $0x1;
	s10 =	sld [smem:$0x3FB9]  }
0x3d: {  	_ =	shalt  }
0x3e: {  	_ =	shalt  }
0x3f: {  	_ =	shalt  }
0x40: {  	_ =	shalt  }
0x41: {  	_ =	shalt  }
0x42: {  	_ =	shalt  }
0x43: {  	_ =	shalt  }
0x44: {  	_ =	shalt  }
0x45: {  	_ =	shalt  }
0x46: {  	_ =	shalt  }
0x47: {  	_ =	shalt  }
0x48: {  	_ =	shalt  }
0x49: {  	_ =	shalt  }
0x4a: {  	_ =	shalt  }
0x4b: {  	_ =	shalt  }
0x4c: {  	_ =	shalt  }
0x4d: {  	_ =	shalt  }
0x4e: {  	_ =	shalt  }
0x4f: {  	_ =	shalt  }
0x50: {  	_ =	shalt  }
0x51: {  	_ =	shalt  }
0x52: {  	_ =	shalt  }
0x53: {  	_ =	shalt  }
0x54: {  	_ =	shalt  }
0x55: {  	_ =	shalt  }
0x56: {  	_ =	shalt  }
0x57: {  	_ =	shalt  }
0x58: {  	_ =	shalt  }
0x59: {  	_ =	shalt  }
0x5a: {  	_ =	shalt  }
0x5b: {  	_ =	shalt  }
0x5c: {  	_ =	shalt  }
0x5d: {  	_ =	shalt  }
0x5e: {  	_ =	shalt  }
0x5f: {  	_ =	shalt  }
0x60: {  	_ =	shalt  }
0x61: {  	_ =	shalt  }
0x62: {  	_ =	shalt  }
0x63: {  	_ =	shalt  }
0x64: {  	_ =	shalt  }
0x65: {  	_ =	shalt  }
0x66: {  	_ =	shalt  }
0x67: {  	_ =	shalt  }
0x68: {  	_ =	shalt  }
0x69: {  	_ =	shalt  }
0x6a: {  	_ =	shalt  }
0x6b: {  	_ =	shalt  }
0x6c: {  	_ =	shalt  }
0x6d: {  	_ =	shalt  }
0x6e: {  	_ =	shalt  }
0x6f: {  	_ =	shalt  }
0x70: {  	_ =	shalt  }
0x71: {  	_ =	shalt  }
0x72: {  	_ =	shalt  }
0x73: {  	_ =	shalt  }
0x74: {  	_ =	shalt  }
0x75: {  	_ =	shalt  }
0x76: {  	_ =	shalt  }
0x77: {  	_ =	shalt  }
0x78: {  	_ =	shalt  }
0x79: {  	_ =	shalt  }
0x7a: {  	_ =	shalt  }
0x7b: {  	_ =	shalt  }
0x7c: {  	_ =	shalt  }
0x7d: {  	_ =	shalt  }
0x7e: {  	_ =	shalt  }
0x7f: {  	_ =	shalt  }
0x80: {  	_ =	shalt  }
0x81: {  	_ =	shalt  }
0x82: {  	_ =	shalt  }
0x83: {  	_ =	shalt  }
0x84: {  	_ =	shalt  }
0x85: {  	_ =	shalt  }
0x86: {  	_ =	shalt  }
0x87: {  	_ =	shalt  }
.Lfunc_end0:
.L_simem_size_0:
called_computation.2_lowered:
.L_overlay_start_0:
0x88: {  	s2 =	sld [smem:$0x3FD9]  }
0x89: {  	s3 =	sld [smem:$0x3FFE];
	_ =	sdelay $0x1  }
0x8a: {  	s1 =	srdreg.scid  }
0x8b: {  	s0 =	sand.u32 $0x1, s1  }
0x8c: {  	s17 =	sshll.u32 s0, $0xA;
	s2 =	sadd.s32 s3, s2  }
0x8d: {  	s2 =	sadd.s32 s2, s17  }
0x8e: {  	[smem:$0x3FC5] =	sst s2  }
0x8f: {  	_ = 	snop  }
0x90: {  	s2 =	sld [smem:$0x3FC9]  }
0x91: {  	s18 =	sld [smem:$0x3FC8]  }
0x92: {  	s4 =	sld [smem:$0x3FC7];
	(tm) =	ssettm $0x1  }
0x93: {  	s5 =	sld [smem:$0x3FFB];
	_ =	sdelay $0x3  }
0x94: {  	_ =	strace s5  }
0x95: {  	s5 =	sld [smem:$0x3FFC];
	_ =	sdelay $0x3  }
0x96: {  	_ =	strace s5  }
0x97: {  	s5 =	sld [smem:$0x3FFD];
	_ =	sdelay $0x3  }
0x98: {  	_ =	strace s5  }
0x99: {  	_ =	strace $0x8FFFFFFF  }
0x9a: {  	s19 =	sld [smem:$0x3FDB];
	_ =	sdelay $0x1  }
0x9b: {  	s6 =	simm.s32 $_scs_section_size  }
0x9c: {  	s7 =	simm.s32 $_size__tile_overlayer_lowered;
	s8 =	simm.s32 $_tile_overlayer_lowered  }
0x9d: {  	s22 =	simm.s32 $0x1BFF;
	s21 =	sshll.u32 s8, $0x1;
	s5 =	sadd.s32 s6, s19  }
0x9e: {  	s9 =	simm.s32 $0x0;
	s20 =	sshll.u32 s7, $0x1;
	s7 =	sadd.s32 s21, s5  }
0x9f: {  	[timem:s9], [sflag:s22] =	dma.local [hbm:s7], s20  }
0xa0: {  	_ =	swait.ge [sflag:s22], s20  }
0xa1: {  	s6 =	ssub.s32 $0x0, s20;
	[sflag:s22] =	ssyncset.done $0x0  }
0xa2: {  	[sflag:s22] =	ssyncadd.s32 s6;
	_ =	sdelay $0x1  }
0xa3: {  	s23 =	simm.s32 $0x1B8B  }
0xa4: {  	_ =	swait.ge [sflag:s23], $0x1  }
0xa5: {  	[sflag:s23] =	ssyncset.done $0x0  }
0xa6: {  	s25 =	simm.s32 $0x1B8E;
	s24 =	sld [smem:$0x3FFE];
	[sflag:s23] =	ssyncadd.s32 $0xFFFFFFFF  }
0xa7: {  	s26 =	simm.s32 $execute0_lowered;
	[smem:$0x3FD2] =	sst s25  }
0xa8: {  	s7 =	sshll.u32 s26, $0x1;
	_ =	strace $0x8000004C;
	[dreg:$0x1] =	wrdreg $0xFFFFFFFF  }
0xa9: {  	s28 =	simm.s32 $_size_execute0_lowered;
	s5 =	sadd.s32 s5, s7;
	[dreg:$0x0] =	wrdreg $0x0  }
0xaa: {  	s7 =	sshll.u32 s28, $0x1;
	[dreg:$0x2] =	wrdreg s5  }
0xab: {  	[dreg:$0x3] =	wrdreg s7  }
0xac: {  	[dreg:$0x4] =	wrdreg $0xC0  }
0xad: {  	_ =	task [dreg:s9], $0x5FFFF  }
0xae: {  	[dreg:$0x1] =	wrdreg $0xFFFFFFFF  }
0xaf: {  	[dreg:$0x0] =	wrdreg $0x60  }
0xb0: {  	[dreg:$0x2] =	wrdreg s2  }
0xb1: {  	[dreg:$0x3] =	wrdreg s18  }
0xb2: {  	[dreg:$0x4] =	wrdreg s4  }
0xb3: {  	[dreg:$0x5] =	wrdreg s24  }
0xb4: {  	[dreg:$0x6] =	wrdreg $0x9  }
0xb5: {  	_ =	task.clear_ibuf [dreg:s9], $0x7FFFF;
	_ =	strace $0x9000004C  }
0xb6: {  	s29 =	simm.s32 $0x9;
	_ =	strace $0x8000004E  }
0xb7: {  	_ =	swait.ge [sflag:s29], $0x1  }
0xb8: {  	[sflag:s29] =	ssyncadd.s32 $0xFFFFFFFF  }
0xb9: {  	_ =	strace $0x9000004E  }
0xba: {  	_ =	sfence  }
0xbb: {  	s30 =	sld [smem:$0x0];
	_ =	sdelay $0x2  }
0xbc: {  	s31 =	sshll.u32 s1, $0xD;
	s1 =	sshrl.u32 s1, $0x2  }
0xbd: {  	s3 =	sand.u32 $0x4000, s31;
	s1 =	sadd.s32 s1, s30  }
0xbe: {  	s0 =	sor.u32 s3, s0;
	s1 =	sshll.u32 s1, $0x11  }
0xbf: {  	s0 =	sor.u32 s1, s0  }
0xc0: {  	s0 =	sadd.s32 $0x8F2B, s0  }
0xc1: {  	[sflag:s0] =	ssyncadd.remote.s32 $0x1  }
0xc2: {  	_ =	sfence.sel $0xFFFF  }
0xc3: {  	[dreg:$0x0] =	wrdreg $0xFFFFFFFF;
	(pc) =	sbr.abs _section_cstart, $3  }
0xc4: {  	[dreg:$0x1] =	wrdreg $0xFFFFFFFF  }
0xc5: {  	_ =	task.clear_ibuf [dreg:s9], $0x2FFFF;
	_ =	strace $0x9FFFFFFF  }
0xc6: {  	(tm) =	ssettm $0x7FFFFFFF  }
0xc7: {  	_ =	shalt  }
tec
execute0_lowered:
.L_overlay_start_1:
0x0: {  	(tag) =	ssettag $0x1  }
0x1: {  	s0 =	srdreg.scid;
	s1 =	stileid.u32  }
0x2: {  	s6 =	sand.u32 $0x1, s0;
	s18 =	sshll.u32 s1, $0x1  }
0x3: {  	s0 =	sor.u32 s6, s18  }
0x4: {  	s5 =	sshll.u32 s0, $0x3  }
0x5: {  	s19 =	smax.u32 s5, $0x8  }
0x6: {  	s20 =	smax.u32 s5, $0x1;
	s4 =	smin.u32 s19, $0xF0  }
0x7: {  	s1 =	ssub.s32 s20, s4  }
0x8: {  	s1 =	sadd.s32 $0x7, s1  }
0x9: {  	s7 =	sadd.s32 $0xFFFFFFF8, s4;
	v0 =	vmov s1  }
0xa: {  	s9 =	ssub.s32 s5, s4;
	s21 =	ssub.s32 s5, s7;
	v1 =	vshll.u32 v0, $0x8;
	v0 =	vshll.u32 v0, $0x7  }
0xb: {  	s22 =	sadd.s32 $0x9, s9;
	v2 =	vmov s21;
	v1 =	vand.u32 $0xFFFFF800, v1;
	v0 =	vand.u32 $0x380, v0  }
0xc: {  	v3 =	vmov s22;
	v0 =	vor.u32 v0, v1;
	v1 =	vshll.u32 v2, $0x7  }
0xd: {  	s2 =	sadd.s32 $0xA, s9;
	v4 =	vshll.u32 v3, $0x8;
	v2 =	vshll.u32 v2, $0x8;
	v1 =	vand.u32 $0x380, v1  }
0xe: {  	s3 =	rddreg [dreg:$0x2];
	v1 =	vadd.s32 v2, v1;
	v2 =	vand.u32 $0xFFFFF800, v4;
	v4 =	vmov s2  }
0xf: {  	s11 =	rddreg [dreg:$0x3];
	v3 =	vshll.u32 v3, $0x7;
	v5 =	vshll.u32 v4, $0x8;
	v4 =	vshll.u32 v4, $0x7  }
0x10: {  	s15 =	simm.s32 $0x0;
	s16 =	simm.s32 $0x8000;
	s8 =	sadd.s32 $0xB, s9;
	v3 =	vand.u32 $0x380, v3;
	v5 =	vand.u32 $0xFFFFF800, v5;
	v4 =	vand.u32 $0x380, v4  }
0x11: {  	s17 =	simm.s32 $0x9800;
	s28 =	simm.s32 $0x0;
	s23 =	sadd.s32 $0xC, s9;
	v2 =	vor.u32 v3, v2;
	v3 =	vor.u32 v4, v5;
	v4 =	vmov s8  }
0x12: {  	[smem:$0x7FF] =	sst s15;
	s6 =	ssub.s32 $0x2, s6;
	s18 =	simm.s32 $0x1;
	v6 =	vmov s23;
	v5 =	vshll.u32 v4, $0x8;
	v4 =	vshll.u32 v4, $0x7  }
0x13: {  	s10 =	sshrl.u32 s6, $0x1;
	s25 =	sshll.u32 s0, $0xA;
	s24 =	sadd.s32 $0xD, s9;
	v7 =	vshll.u32 v6, $0x8;
	v5 =	vand.u32 $0xFFFFF800, v5;
	v4 =	vand.u32 $0x380, v4  }
0x14: {  	s12 =	ssub.s32 s6, s10;
	s6 =	sshll.u32 s0, $0xD;
	s0 =	sshll.u32 s0, $0x4;
	v4 =	vor.u32 v4, v5;
	v5 =	vand.u32 $0xFFFFF800, v7;
	v7 =	vmov s24  }
0x15: {  	s0 =	sadd.s32 s11, s0;
	s31 =	smax.u32 s12, $0x1;
	s19 =	simm.s32 $0x4000;
	v6 =	vshll.u32 v6, $0x7;
	v8 =	vshll.u32 v7, $0x8;
	v7 =	vshll.u32 v7, $0x7  }
0x16: {  	s20 =	simm.s32 $0x6000;
	s13 =	sadd.s32 $0xE, s9;
	s14 =	sshll.u32 s7, $0x5;
	v6 =	vand.u32 $0x380, v6;
	v8 =	vand.u32 $0xFFFFF800, v8;
	v7 =	vand.u32 $0x380, v7  }
0x17: {  	s9 =	sadd.s32 $0xF, s9;
	s5 =	smin.u32 s5, $0xF7;
	s1 =	rddreg [dreg:$0x0];
	v5 =	vor.u32 v6, v5;
	v6 =	vor.u32 v7, v8;
	v7 =	vmov s13  }
0x18: {  	v9 =	vmov s9;
	s30 =	sadd.s32 s3, s14;
	s26 =	sadd.s32 s1, s25;
	s2 =	rddreg [dreg:$0x1];
	v8 =	vshll.u32 v7, $0x8;
	v7 =	vshll.u32 v7, $0x7  }
0x19: {  	s4 =	ssub.s32 s5, s4;
	v10 =	vshll.u32 v9, $0x8;
	_ =	strace $0x8000004D;
	[dreg:$0x5] =	wrdreg s26;
	v8 =	vand.u32 $0xFFFFF800, v8;
	v7 =	vand.u32 $0x380, v7  }
0x1a: {  	s21 =	simm.s32 $0xB000;
	s4 =	sadd.s32 $0x10, s4;
	v9 =	vshll.u32 v9, $0x7;
	[dreg:$0x8] =	wrdreg s30;
	v7 =	vor.u32 v7, v8;
	v8 =	vlaneseq.u32  }
0x1b: {  	s22 =	simm.s32 $0xC800;
	s23 =	simm.s32 $0x2;
	v10 =	vand.u32 $0xFFFFF800, v10;
	v11 =	vmov s4;
	[dreg:$0x9] =	wrdreg s0;
	v12 =	vand.u32 $0x1, v8  }
0x1c: {  	v13 =	vshll.u32 v11, $0x8;
	v11 =	vshll.u32 v11, $0x7;
	[dreg:$0xa] =	wrdreg s31;
	s29 =	sadd.s32 s2, s14;
	s8 =	sadd.s32 $0x8000, s1;
	v12 =	vmul.u32 $0x2, v12  }
0x1d: {  	v9 =	vand.u32 $0x380, v9;
	v13 =	vand.u32 $0xFFFFF800, v13;
	v11 =	vand.u32 $0x380, v11;
	s26 =	simm.s32 $0x0;
	[dreg:$0x7] =	wrdreg s29;
	s10 =	sadd.s32 s25, s8  }
0x1e: {  	v9 =	vor.u32 v9, v10;
	v10 =	vor.u32 v11, v13;
	s25 =	simm.s32 $0x3;
	[dreg:$0x6] =	wrdreg s10;
	s10 =	sshll.u32 s7, $0x8;
	v11 =	vadd.s32 $0xFFFFFFFF, v12  }
.LBB2_1:
0x1f: {  	v12 =	vor.u32 s15, v8  }
0x20: {  	v13 =	vshrl.u32 v12, $0x1  }
0x21: {  	v12 =	vadd.s32 v11, v13  }
0x22: {  	vm0 =	vgt.s32 v12, $0x0  }
0x23: {  	s0 =	simm.s32 $0xE000;
	v12 =	vnsel vm0, $0x0, v12  }
0x24: {  	s4 =	simm.s32 $0xE200;
	s5 =	simm.s32 $0x10;
	[tilespmem:s0+$0x0] =	vst v13;
	v12 =	vmin.u32 v12, $0xFF  }
.LBB2_2:
0x25: {  	v13 =	vor.u32 s5, v8;
	p0 =	sne.s32 s5, $0x1F0;
	s5 =	sadd.s32 $0x10, s5;
	[tilespmem:s4+$0x0] =	vst v12  }
.Ltmp0:
0x26: {  	v13 =	vshrl.u32 v13, $0x1;
	(pc) =	sbr.rel @p0 .LBB2_2-.Ltmp0, $4  }
0x27: {  	v12 =	vadd.s32 v11, v13  }
0x28: {  	vm0 =	vgt.s32 v12, $0x0  }
0x29: {  	s0 =	sadd.s32 $0x10, s0;
	v12 =	vnsel vm0, $0x0, v12  }
0x2a: {  	s4 =	sadd.s32 $0x10, s4;
	v12 =	vmin.u32 v12, $0xFF;
	[tilespmem:s0+$0x0] =	vst v13  }
0x2b: {  	[tilespmem:s4+$0x0] =	vst v12;
	s0 =	rddreg [dreg:$0x5]  }
0x2c: {  	[tilespmem:s28], [sflag:$0x1] =	stream.linear.gather [hbm4b:s0+s28], $0x2000, $0x38;
	[tilespmem:$0xE480] =	vst v63  }
0x2d: {  	s15 =	rddreg [dreg:$0x6];
	s24 =	simm.s32 $0x2000  }
0x2e: {  	[tilespmem:s24], [sflag:$0x1] =	stream.linear.gather [hbm4b:s15+s28], $0x2000, $0x38;
	[tilespmem:$0xE480] =	vst v63  }
0x2f: {  	s30 =	rddreg [dreg:$0x7]  }
0x30: {  	[tilespmem:s16], [sflag:$0x1] =	stream.linear.gather [hbm4b:s30+s28], $0x1800, $0x38;
	[tilespmem:$0xE480] =	vst v63  }
0x31: {  	s31 =	rddreg [dreg:$0x8];
	s29 =	simm.s32 $0x0  }
0x32: {  	v12 =	vimm.f32 $0.0e+00;
	v13 =	vimm.f32 $0.0e+00;
	v14 =	vimm.f32 $0.0e+00;
	[tilespmem:s17], [sflag:$0x1] =	stream.linear.gather [hbm4b:s31+s28], $0x1800, $0x38;
	[tilespmem:$0xE480] =	vst v63  }
.LBB2_4:
0x33: {  	_ =	swait.ge [sflag:s18], $0x2000  }
0x34: {  	[sflag:s18] =	ssyncset.done $0x0  }
0x35: {  	[sflag:s18] =	ssyncadd.s32 $0xFFFFE000  }
0x36: {  	_ =	swait.ge [sflag:s18], $0x2000  }
0x37: {  	[sflag:s18] =	ssyncset.done $0x0  }
0x38: {  	[sflag:s18] =	ssyncadd.s32 $0xFFFFE000  }
0x39: {  	_ =	swait.ge [sflag:s18], $0x1800  }
0x3a: {  	s30 =	sshllo.u32 s29, $0x1;
	[sflag:s18] =	ssyncset.done $0x0  }
0x3b: {  	s0 =	sshll.u32 s30, $0x13;
	[sflag:s18] =	ssyncadd.s32 $0xFFFFE800  }
0x3c: {  	s0 =	sor.u32 s6, s0;
	_ =	swait.ge [sflag:s18], $0x1800  }
0x3d: {  	s0 =	sshrl.u32 s0, $0x3;
	[sflag:s18] =	ssyncset.done $0x0  }
0x3e: {  	s4 =	sadd.s32 s1, s0;
	[sflag:s18] =	ssyncadd.s32 $0xFFFFE800  }
0x3f: {  	[tilespmem:s19], [sflag:$0x2] =	stream.linear.gather [hbm4b:s4+s28], $0x2000, $0x38;
	[tilespmem:$0xE480] =	vst v63  }
0x40: {  	s15 =	sshll.u32 s30, $0x10;
	s0 =	sadd.s32 s0, s8  }
0x41: {  	[tilespmem:s20], [sflag:$0x2] =	stream.linear.gather [hbm4b:s0+s28], $0x2000, $0x38;
	[tilespmem:$0xE480] =	vst v63  }
0x42: {  	s0 =	sadd.s32 s10, s15  }
0x43: {  	s0 =	sshrl.u32 s0, $0x3  }
0x44: {  	s24 =	sadd.s32 s2, s0  }
0x45: {  	[tilespmem:s21], [sflag:$0x2] =	stream.linear.gather [hbm4b:s24+s28], $0x1800, $0x38;
	[tilespmem:$0xE480] =	vst v63  }
0x46: {  	s4 =	simm.s32 $0xE000;
	s0 =	sadd.s32 s3, s0  }
0x47: {  	[tilespmem:s22], [sflag:$0x2] =	stream.linear.gather [hbm4b:s0+s28], $0x1800, $0x38;
	[tilespmem:$0xE480] =	vst v63  }
0x48: {  	s0 =	simm.s32 $0xE200;
	v15 =	vld [tilespmem:s4+$0x0]  }
0x49: {  	v16 =	vld [tilespmem:s0+$0x0];
	_ =	sdelay $0x4  }
0x4a: {  	v17 =	vand.u32 $0x7F, v15;
	v15 =	vshll.u32 v15, $0x3;
	v18 =	vand.u32 $0x7F, v16  }
0x4b: {  	v16 =	vshll.u32 v16, $0x3;
	v15 =	vand.u32 $0xFFFFFC00, v15;
	v19 =	vor.u32 v17, v1  }
0x4c: {  	v16 =	vand.u32 $0xFFFFFC00, v16;
	v20 =	vor.u32 v18, v1;
	v19 =	vadd.s32 v15, v19  }
0x4d: {  	v20 =	vadd.s32 v16, v20;
	v21 =	vadd.s32 v10, v15  }
0x4e: {  	v22 =	vadd.s32 v10, v16;
	v21 =	vor.u32 v17, v21  }
0x4f: {  	v23 =	vadd.s32 v9, v15;
	v22 =	vor.u32 v18, v22  }
0x50: {  	v24 =	vadd.s32 v9, v16;
	v23 =	vor.u32 v17, v23  }
0x51: {  	v25 =	vadd.s32 v7, v15;
	v24 =	vor.u32 v18, v24;
	v19 =	vld.idx.msk [tilespmem:v19+s16+$0x0], $0xffff  }
0x52: {  	v26 =	vadd.s32 v7, v16;
	v25 =	vor.u32 v17, v25;
	v20 =	vld.idx.msk [tilespmem:v20+s16+$0x0], $0xffff  }
0x53: {  	v27 =	vadd.s32 v6, v15;
	v26 =	vor.u32 v18, v26;
	v21 =	vld.idx.msk [tilespmem:v21+s16+$0x0], $0xffff  }
0x54: {  	v28 =	vadd.s32 v6, v16;
	v27 =	vor.u32 v17, v27;
	v22 =	vld.idx.msk [tilespmem:v22+s16+$0x0], $0xffff  }
0x55: {  	v29 =	vadd.s32 v5, v15;
	v28 =	vor.u32 v18, v28;
	v23 =	vld.idx.msk [tilespmem:v23+s16+$0x0], $0xffff  }
0x56: {  	v30 =	vadd.s32 v5, v16;
	v29 =	vor.u32 v17, v29;
	v24 =	vld.idx.msk [tilespmem:v24+s16+$0x0], $0xffff  }
0x57: {  	v31 =	vadd.s32 v4, v15;
	v30 =	vor.u32 v18, v30;
	v25 =	vld.idx.msk [tilespmem:v25+s16+$0x0], $0xffff  }
0x58: {  	v32 =	vadd.s32 v4, v16;
	v33 =	vadd.s32 v3, v15;
	v31 =	vor.u32 v17, v31;
	v26 =	vld.idx.msk [tilespmem:v26+s16+$0x0], $0xffff  }
0x59: {  	v34 =	vadd.s32 v0, v15;
	v35 =	vadd.s32 v0, v16;
	v32 =	vor.u32 v18, v32;
	v27 =	vld.idx.msk [tilespmem:v27+s16+$0x0], $0xffff  }
0x5a: {  	v15 =	vadd.s32 v2, v15;
	v33 =	vor.u32 v17, v33;
	v34 =	vor.u32 v17, v34;
	v28 =	vld.idx.msk [tilespmem:v28+s16+$0x0], $0xffff  }
0x5b: {  	v15 =	vor.u32 v17, v15;
	v17 =	vadd.s32 v2, v16;
	v16 =	vadd.s32 v3, v16;
	v29 =	vld.idx.msk [tilespmem:v29+s16+$0x0], $0xffff  }
0x5c: {  	v16 =	vor.u32 v18, v16;
	v30 =	vld.idx.msk [tilespmem:v30+s16+$0x0], $0xffff  }
0x5d: {  	v31 =	vld.idx.msk [tilespmem:v31+s16+$0x0], $0xffff  }
0x5e: {  	v17 =	vor.u32 v18, v17;
	v32 =	vld.idx.msk [tilespmem:v32+s16+$0x0], $0xffff;
	v19 =	vmul.f32 $1.875000000e-01, v19  }
0x5f: {  	v35 =	vor.u32 v18, v35;
	v33 =	vld.idx.msk [tilespmem:v33+s16+$0x0], $0xffff;
	v20 =	vmul.f32 $6.250000000e-02, v20;
	v21 =	vmul.f32 $1.875000000e-01, v21  }
0x60: {  	v18 =	vld.idx.msk [tilespmem:v34+s16+$0x0], $0xffff;
	v61 =	vmul.f32 $6.250000000e-02, v22;
	v23 =	vmul.f32 $1.875000000e-01, v23  }
0x61: {  	v16 =	vld.idx.msk [tilespmem:v16+s16+$0x0], $0xffff;
	v24 =	vmul.f32 $6.250000000e-02, v24;
	v25 =	vmul.f32 $1.875000000e-01, v25  }
0x62: {  	v62 =	vld.idx.msk [tilespmem:v15+s16+$0x0], $0xffff;
	v26 =	vmul.f32 $6.250000000e-02, v26;
	v27 =	vmul.f32 $1.875000000e-01, v27  }
0x63: {  	v17 =	vld.idx.msk [tilespmem:v17+s16+$0x0], $0xffff;
	v28 =	vmul.f32 $6.250000000e-02, v28;
	v29 =	vmul.f32 $1.875000000e-01, v29  }
0x64: {  	v22 =	vld.idx.msk [tilespmem:v35+s16+$0x0], $0xffff;
	v30 =	vmul.f32 $6.250000000e-02, v30;
	v31 =	vmul.f32 $1.875000000e-01, v31  }
0x65: {  	v15 =	vimm.s32 $0x0;
	v36 =	vmul.f32 $6.250000000e-02, v32;
	v37 =	vmul.f32 $1.875000000e-01, v33  }
0x66: {  	v16 =	vmul.f32 $6.250000000e-02, v16;
	v21 =	vadd.f32 v61, v21;
	v32 =	vadd.f32 v28, v27  }
0x67: {  	v18 =	vmul.f32 $1.875000000e-01, v18;
	v25 =	vadd.f32 v26, v25;
	v34 =	vadd.f32 v30, v29  }
0x68: {  	v17 =	vmul.f32 $6.250000000e-02, v17;
	v33 =	vadd.f32 v36, v31;
	v31 =	vadd.f32 v16, v37  }
0x69: {  	v63 =	vmul.f32 $6.250000000e-02, v22;
	v22 =	vadd.f32 v20, v19;
	v19 =	vmul.f32 $1.875000000e-01, v62  }
0x6a: {  	v16 =	vmul.f32 $3.000000000e+00, v32;
	v38 =	vmul.f32 $3.000000000e+00, v34;
	v20 =	vadd.f32 v24, v23  }
0x6b: {  	v18 =	vadd.f32 v63, v18;
	v23 =	vmul.f32 $3.000000000e+00, v22;
	v35 =	vadd.f32 v17, v19  }
0x6c: {  	v39 =	vmul.f32 $3.000000000e+00, v33;
	v27 =	vadd.f32 v38, v33;
	v17 =	vmul.f32 $3.000000000e+00, v20  }
0x6d: {  	v40 =	vmul.f32 $3.000000000e+00, v31;
	v29 =	vadd.f32 v23, v18;
	v30 =	vadd.f32 v35, v23  }
0x6e: {  	s5 =	sand.u32 $0x70, s28;
	s7 =	sand.u32 $0xC00, s28;
	v18 =	vmul.f32 $3.000000000e+00, v25;
	v24 =	vadd.f32 v17, v25;
	v26 =	vadd.f32 v21, v17  }
0x6f: {  	s12 =	sor.u32 s5, s7;
	v19 =	vimm.f32 $0.0e+00;
	v21 =	vadd.f32 v16, v34;
	v25 =	vadd.f32 v25, v16  }
0x70: {  	s31 =	sshll.u32 s29, $0x1;
	s9 =	simm.s32 $0xE000;
	s11 =	simm.s32 $0xE200;
	v36 =	vld [tilespmem:s12+$0x0];
	v16 =	vimm.f32 $0.0e+00;
	v17 =	vimm.s32 $0x0;
	v23 =	vadd.f32 v18, v32  }
0x71: {  	s7 =	simm.s32 $0x10;
	s5 =	simm.s32 $0x0;
	s15 =	simm.s32 $0x0;
	v37 =	vld [tilespmem:s12+$0x80];
	v28 =	vadd.f32 v20, v18;
	v20 =	vimm.f32 $0.0e+00;
	v18 =	vimm.s32 $0x0  }
.LBB2_5:
0x72: {  	p0 =	sne.s32 s7, $0x1F0;
	v41 =	vmul.f32 $3.000000000e+00, v35;
	v42 =	vadd.f32 v39, v31;
	v32 =	vadd.f32 v32, v38;
	v38 =	vld [tilespmem:s12+$0x1300]  }
0x73: {  	v34 =	vadd.f32 v34, v39;
	v35 =	vadd.f32 v40, v35;
	v39 =	vld [tilespmem:s12+$0x1380]  }
0x74: {  	v33 =	vadd.f32 v33, v40;
	v43 =	vadd.f32 v41, v22;
	v22 =	vld [tilespmem:s12+$0x1200]  }
0x75: {  	vm8 =	vgt.f32 v29, $0.0e+00;
	vm9 =	vgt.f32 v30, $0.0e+00;
	v31 =	vadd.f32 v31, v41;
	v40 =	vld [tilespmem:s12+$0x1280]  }
0x76: {  	vm10 =	vgt.f32 v24, $0.0e+00;
	v29 =	vsub.f32 v36, v29;
	v30 =	vsub.f32 v37, v30;
	v36 =	vld [tilespmem:s12+$0x1100]  }
0x77: {  	vm7 =	vgt.f32 v23, $0.0e+00;
	vm6 =	vgt.f32 v28, $0.0e+00;
	vm11 =	vgt.f32 v26, $0.0e+00;
	v37 =	vld [tilespmem:s12+$0x1180]  }
0x78: {  	vm4 =	vgt.f32 v21, $0.0e+00;
	vm2 =	vgt.f32 v25, $0.0e+00;
	v38 =	vsub.f32 v38, v24  }
0x79: {  	vm1 =	vgt.f32 v27, $0.0e+00;
	vm0 =	vgt.f32 v32, $0.0e+00;
	v39 =	vsub.f32 v39, v26  }
0x7a: {  	v26 =	vmpcnt.ones.xlane vm8;
	v44 =	vsub.f32 v22, v23;
	v41 =	vld [tilespmem:s12+$0x1000];
	v28 =	vsub.f32 v40, v28  }
0x7b: {  	vm5 =	vgt.f32 v42, $0.0e+00;
	vm3 =	vgt.f32 v34, $0.0e+00;
	v40 =	vmpcnt.ones.xlane vm9  }
0x7c: {  	v36 =	vsub.f32 v36, v21;
	v21 =	vmpcnt.ones.xlane vm10;
	v37 =	vsub.f32 v37, v25  }
0x7d: {  	vm12 =	vgt.f32 v35, $0.0e+00;
	v23 =	vmpcnt.ones.xlane vm7;
	v22 =	vmpcnt.ones.xlane vm11;
	v45 =	vld [tilespmem:s12+$0x300]  }
0x7e: {  	vm13 =	vgt.f32 v33, $0.0e+00;
	v24 =	vmpcnt.ones.xlane vm6;
	v25 =	vmpcnt.ones.xlane vm4;
	v46 =	vld [tilespmem:s12+$0x200]  }
0x7f: {  	v48 =	vmpcnt.ones.xlane vm1;
	v47 =	vld [tilespmem:s12+$0x100];
	v41 =	vsub.f32 v41, v27;
	v27 =	vmpcnt.ones.xlane vm2  }
0x80: {  	v50 =	vmpcnt.ones.xlane vm5;
	v51 =	vmpcnt.ones.xlane vm0;
	vm14 =	vgt.f32 v43, $0.0e+00;
	v49 =	vld [tilespmem:s12+$0x180]  }
0x81: {  	s13 =	sor.u32 s5, s15;
	s15 =	smov.u32 s7;
	v54 =	vmpcnt.ones.xlane vm3;
	vm15 =	vgt.f32 v31, $0.0e+00;
	v53 =	vmpcnt.ones.xlane vm12;
	v52 =	vld [tilespmem:s12+$0x280]  }
0x82: {  	s13 =	sor.u32 $0x380, s13;
	v56 =	vmpcnt.ones.xlane vm13;
	v55 =	vmpcnt.ones.xlane vm14;
	v42 =	vsub.f32 v45, v42  }
0x83: {  	v29 =	vmul.f32 v29, v29;
	v45 =	vmpcnt.ones.xlane vm15;
	v35 =	vsub.f32 v46, v35;
	v46 =	vld [tilespmem:s13+$0x0]  }
0x84: {  	v30 =	vmul.f32 v30, v30;
	v38 =	vmul.f32 v38, v38;
	v43 =	vsub.f32 v47, v43  }
0x85: {  	v39 =	vmul.f32 v39, v39;
	v44 =	vmul.f32 v44, v44;
	v31 =	vsub.f32 v49, v31;
	v47 =	vld [tilespmem:s12+$0x1080]  }
0x86: {  	v28 =	vmul.f32 v28, v28;
	v36 =	vmul.f32 v36, v36;
	v33 =	vsub.f32 v52, v33  }
0x87: {  	v49 =	vadd.f32 v30, v29;
	v43 =	vmul.f32 v43, v43;
	v31 =	vmul.f32 v31, v31  }
0x88: {  	v37 =	vmul.f32 v37, v37;
	v35 =	vmul.f32 v35, v35;
	v34 =	vsub.f32 v46, v34  }
0x89: {  	v20 =	vadd.f32 v49, v20;
	v33 =	vmul.f32 v33, v33;
	v46 =	vadd.f32 v31, v43  }
0x8a: {  	v41 =	vmul.f32 v41, v41;
	v42 =	vmul.f32 v42, v42;
	v32 =	vsub.f32 v47, v32  }
0x8b: {  	v34 =	vmul.f32 v34, v34;
	v20 =	vadd.f32 v46, v20;
	v46 =	vadd.f32 v33, v35  }
0x8c: {  	v29 =	vnsel vm8, $0x0, v29;
	v30 =	vnsel vm9, $0x0, v30;
	v32 =	vmul.f32 v32, v32  }
0x8d: {  	v47 =	vnsel vm10, $0x0, v38;
	v20 =	vadd.f32 v46, v20;
	v46 =	vadd.f32 v34, v42  }
0x8e: {  	v49 =	vadd.f32 v28, v44;
	v38 =	vadd.f32 v39, v38;
	v39 =	vnsel vm11, $0x0, v39  }
0x8f: {  	v44 =	vnsel vm7, $0x0, v44;
	v20 =	vadd.f32 v46, v20;
	v46 =	vadd.f32 v32, v41  }
0x90: {  	v19 =	vadd.f32 v29, v19;
	v29 =	vadd.f32 v37, v36;
	v28 =	vnsel vm6, $0x0, v28  }
0x91: {  	v16 =	vadd.f32 v30, v16;
	v30 =	vnsel vm14, $0x0, v43;
	v20 =	vadd.f32 v46, v20  }
0x92: {  	v19 =	vadd.f32 v30, v19;
	v30 =	vnsel vm15, $0x0, v31;
	v31 =	vnsel vm4, $0x0, v36  }
0x93: {  	v16 =	vadd.f32 v30, v16;
	v30 =	vnsel vm12, $0x0, v35;
	v20 =	vadd.f32 v29, v20  }
0x94: {  	v19 =	vadd.f32 v30, v19;
	v30 =	vnsel vm2, $0x0, v37;
	v29 =	vnsel vm13, $0x0, v33  }
0x95: {  	v16 =	vadd.f32 v29, v16;
	v29 =	vnsel vm5, $0x0, v42;
	v20 =	vadd.f32 v49, v20  }
0x96: {  	v33 =	vnsel vm1, $0x0, v41;
	v19 =	vadd.f32 v29, v19;
	v29 =	vnsel vm3, $0x0, v34  }
0x97: {  	v16 =	vadd.f32 v29, v16;
	v29 =	vnsel vm0, $0x0, v32;
	v20 =	vadd.f32 v38, v20  }
0x98: {  	v18 =	vadd.s32 v18, v26;
	v17 =	vadd.s32 v17, v40;
	v19 =	vadd.f32 v33, v19  }
0x99: {  	s9 =	sadd.s32 $0x10, s9;
	v18 =	vadd.s32 v55, v18;
	v17 =	vadd.s32 v45, v17;
	v16 =	vadd.f32 v29, v16  }
0x9a: {  	s11 =	sadd.s32 $0x10, s11;
	v18 =	vadd.s32 v53, v18;
	v17 =	vadd.s32 v56, v17;
	v19 =	vadd.f32 v31, v19;
	v26 =	vld [tilespmem:s9+$0x0]  }
0x9b: {  	v18 =	vadd.s32 v50, v18;
	v17 =	vadd.s32 v54, v17;
	v16 =	vadd.f32 v30, v16;
	v29 =	vld [tilespmem:s11+$0x0]  }
0x9c: {  	v18 =	vadd.s32 v48, v18;
	v17 =	vadd.s32 v51, v17;
	v19 =	vadd.f32 v44, v19  }
0x9d: {  	v18 =	vadd.s32 v25, v18;
	v17 =	vadd.s32 v27, v17;
	v16 =	vadd.f32 v28, v16  }
0x9e: {  	v18 =	vadd.s32 v23, v18;
	v17 =	vadd.s32 v24, v17;
	v19 =	vadd.f32 v47, v19  }
0x9f: {  	v18 =	vadd.s32 v21, v18;
	v17 =	vadd.s32 v22, v17;
	v16 =	vadd.f32 v39, v16  }
0xa0: {  	v21 =	vand.u32 $0x7F, v26;
	v22 =	vshll.u32 v26, $0x3;
	v23 =	vand.u32 $0x7F, v29  }
0xa1: {  	v22 =	vand.u32 $0xFFFFFC00, v22;
	v24 =	vshll.u32 v29, $0x3;
	v25 =	vor.u32 v21, v1  }
0xa2: {  	v24 =	vand.u32 $0xFFFFFC00, v24;
	v25 =	vadd.s32 v22, v25;
	v26 =	vor.u32 v23, v1  }
0xa3: {  	v27 =	vadd.s32 v10, v22;
	v26 =	vadd.s32 v24, v26  }
0xa4: {  	v27 =	vor.u32 v21, v27;
	v28 =	vadd.s32 v10, v24  }
0xa5: {  	v29 =	vadd.s32 v9, v22;
	v28 =	vor.u32 v23, v28  }
0xa6: {  	v29 =	vor.u32 v21, v29;
	v30 =	vadd.s32 v9, v24  }
0xa7: {  	v31 =	vadd.s32 v7, v22;
	v30 =	vor.u32 v23, v30;
	v25 =	vld.idx.msk [tilespmem:v25+s16+$0x0], $0xffff  }
0xa8: {  	v31 =	vor.u32 v21, v31;
	v32 =	vadd.s32 v7, v24;
	v26 =	vld.idx.msk [tilespmem:v26+s16+$0x0], $0xffff  }
0xa9: {  	v33 =	vadd.s32 v6, v22;
	v32 =	vor.u32 v23, v32;
	v27 =	vld.idx.msk [tilespmem:v27+s16+$0x0], $0xffff  }
0xaa: {  	v33 =	vor.u32 v21, v33;
	v34 =	vadd.s32 v6, v24;
	v28 =	vld.idx.msk [tilespmem:v28+s16+$0x0], $0xffff  }
0xab: {  	v35 =	vadd.s32 v5, v22;
	v34 =	vor.u32 v23, v34;
	v29 =	vld.idx.msk [tilespmem:v29+s16+$0x0], $0xffff  }
0xac: {  	v35 =	vor.u32 v21, v35;
	v36 =	vadd.s32 v5, v24;
	v30 =	vld.idx.msk [tilespmem:v30+s16+$0x0], $0xffff  }
0xad: {  	v37 =	vadd.s32 v4, v22;
	v36 =	vor.u32 v23, v36;
	v31 =	vld.idx.msk [tilespmem:v31+s16+$0x0], $0xffff  }
0xae: {  	v37 =	vor.u32 v21, v37;
	v38 =	vadd.s32 v4, v24;
	v32 =	vld.idx.msk [tilespmem:v32+s16+$0x0], $0xffff  }
0xaf: {  	v39 =	vadd.s32 v3, v22;
	v38 =	vor.u32 v23, v38;
	v33 =	vld.idx.msk [tilespmem:v33+s16+$0x0], $0xffff  }
0xb0: {  	v39 =	vor.u32 v21, v39;
	v40 =	vadd.s32 v3, v24;
	v34 =	vld.idx.msk [tilespmem:v34+s16+$0x0], $0xffff  }
0xb1: {  	v41 =	vadd.s32 v0, v22;
	v40 =	vor.u32 v23, v40;
	v35 =	vld.idx.msk [tilespmem:v35+s16+$0x0], $0xffff  }
0xb2: {  	v41 =	vor.u32 v21, v41;
	v42 =	vadd.s32 v0, v24;
	v36 =	vld.idx.msk [tilespmem:v36+s16+$0x0], $0xffff  }
0xb3: {  	v22 =	vadd.s32 v2, v22;
	v42 =	vor.u32 v23, v42;
	v37 =	vld.idx.msk [tilespmem:v37+s16+$0x0], $0xffff  }
0xb4: {  	v21 =	vor.u32 v21, v22;
	v22 =	vadd.s32 v2, v24;
	v24 =	vld.idx.msk [tilespmem:v38+s16+$0x0], $0xffff  }
0xb5: {  	v22 =	vor.u32 v23, v22;
	v23 =	vld.idx.msk [tilespmem:v39+s16+$0x0], $0xffff  }
0xb6: {  	v25 =	vmul.f32 $1.875000000e-01, v25;
	v26 =	vmul.f32 $6.250000000e-02, v26;
	v38 =	vld.idx.msk [tilespmem:v40+s16+$0x0], $0xffff  }
0xb7: {  	v27 =	vmul.f32 $1.875000000e-01, v27;
	v28 =	vmul.f32 $6.250000000e-02, v28;
	v39 =	vld.idx.msk [tilespmem:v41+s16+$0x0], $0xffff  }
0xb8: {  	v29 =	vmul.f32 $1.875000000e-01, v29;
	v30 =	vmul.f32 $6.250000000e-02, v30;
	v40 =	vld.idx.msk [tilespmem:v42+s16+$0x0], $0xffff  }
0xb9: {  	v31 =	vmul.f32 $1.875000000e-01, v31;
	v41 =	vmul.f32 $6.250000000e-02, v32;
	v21 =	vld.idx.msk [tilespmem:v21+s16+$0x0], $0xffff  }
0xba: {  	v33 =	vmul.f32 $1.875000000e-01, v33;
	v34 =	vmul.f32 $6.250000000e-02, v34;
	v32 =	vld.idx.msk [tilespmem:v22+s16+$0x0], $0xffff  }
0xbb: {  	v35 =	vmul.f32 $1.875000000e-01, v35;
	v36 =	vmul.f32 $6.250000000e-02, v36  }
0xbc: {  	v37 =	vmul.f32 $1.875000000e-01, v37;
	v24 =	vmul.f32 $6.250000000e-02, v24  }
0xbd: {  	v23 =	vmul.f32 $1.875000000e-01, v23;
	v38 =	vmul.f32 $6.250000000e-02, v38  }
0xbe: {  	v22 =	vadd.f32 v26, v25;
	v39 =	vmul.f32 $1.875000000e-01, v39;
	v40 =	vmul.f32 $6.250000000e-02, v40  }
0xbf: {  	v25 =	vadd.f32 v30, v29;
	v26 =	vadd.f32 v28, v27;
	v21 =	vmul.f32 $1.875000000e-01, v21  }
0xc0: {  	v41 =	vadd.f32 v41, v31;
	v27 =	vmul.f32 $6.250000000e-02, v32;
	v32 =	vadd.f32 v34, v33  }
0xc1: {  	v30 =	vmul.f32 $3.000000000e+00, v22;
	v28 =	vadd.f32 v40, v39;
	v34 =	vadd.f32 v36, v35  }
0xc2: {  	v33 =	vadd.f32 v24, v37;
	v35 =	vadd.f32 v27, v21;
	v21 =	vmul.f32 $3.000000000e+00, v25  }
.Ltmp1:
0xc3: {  	s5 =	sadd.s32 $0x80, s5;
	v31 =	vadd.f32 v38, v23;
	v29 =	vadd.f32 v30, v28;
	v27 =	vmul.f32 $3.000000000e+00, v41;
	(pc) =	sbr.rel @p0 .LBB2_5-.Ltmp1, $4  }
0xc4: {  	s13 =	sand.u32 $0xC00, s5;
	s12 =	sand.u32 $0x70, s7;
	v42 =	vmul.f32 $3.000000000e+00, v32;
	v30 =	vadd.f32 v35, v30;
	v24 =	vadd.f32 v21, v41  }
0xc5: {  	s12 =	sor.u32 s12, s13;
	v38 =	vmul.f32 $3.000000000e+00, v34;
	v23 =	vadd.f32 v27, v32;
	v26 =	vadd.f32 v26, v21  }
0xc6: {  	v39 =	vmul.f32 $3.000000000e+00, v33;
	v21 =	vadd.f32 v42, v34;
	v28 =	vadd.f32 v25, v27;
	v36 =	vld [tilespmem:s12+$0x0]  }
0xc7: {  	s7 =	sadd.s32 $0x10, s7;
	v40 =	vmul.f32 $3.000000000e+00, v31;
	v27 =	vadd.f32 v38, v33;
	v25 =	vadd.f32 v41, v42;
	v37 =	vld [tilespmem:s12+$0x80]  }
0xc8: {  	v41 =	vmul.f32 $3.000000000e+00, v35;
	v42 =	vadd.f32 v39, v31  }
0xc9: {  	v32 =	vadd.f32 v32, v38;
	v34 =	vadd.f32 v34, v39;
	vm8 =	vgt.f32 v29, $0.0e+00  }
0xca: {  	vm9 =	vgt.f32 v30, $0.0e+00;
	vm10 =	vgt.f32 v24, $0.0e+00;
	vm7 =	vgt.f32 v23, $0.0e+00  }
0xcb: {  	vm6 =	vgt.f32 v28, $0.0e+00;
	vm11 =	vgt.f32 v26, $0.0e+00;
	vm4 =	vgt.f32 v21, $0.0e+00  }
0xcc: {  	v62 =	vld [tilespmem:s12+$0x1300];
	v63 =	vadd.f32 v40, v35;
	v33 =	vadd.f32 v33, v40;
	vm2 =	vgt.f32 v25, $0.0e+00  }
0xcd: {  	v58 =	vld [tilespmem:s12+$0x1380];
	vm1 =	vgt.f32 v27, $0.0e+00;
	v45 =	vmpcnt.ones.xlane vm9;
	v43 =	vadd.f32 v41, v22  }
0xce: {  	v60 =	vld [tilespmem:s12+$0x1100];
	v31 =	vadd.f32 v31, v41;
	vm0 =	vgt.f32 v32, $0.0e+00;
	v41 =	vmpcnt.ones.xlane vm8  }
0xcf: {  	v61 =	vld [tilespmem:s12+$0x1180];
	vm5 =	vgt.f32 v42, $0.0e+00;
	vm3 =	vgt.f32 v34, $0.0e+00;
	v29 =	vsub.f32 v36, v29  }
0xd0: {  	v59 =	vld [tilespmem:s12+$0x1280];
	vm12 =	vgt.f32 v63, $0.0e+00;
	vm13 =	vgt.f32 v33, $0.0e+00;
	v51 =	vmpcnt.ones.xlane vm5  }
0xd1: {  	v46 =	vld [tilespmem:s12+$0x300];
	v54 =	vmpcnt.ones.xlane vm3;
	v30 =	vsub.f32 v37, v30;
	vm14 =	vgt.f32 v43, $0.0e+00  }
0xd2: {  	v48 =	vld [tilespmem:s12+$0x100];
	vm15 =	vgt.f32 v31, $0.0e+00;
	v53 =	vmpcnt.ones.xlane vm12;
	v38 =	vsub.f32 v62, v24  }
0xd3: {  	v22 =	vld [tilespmem:s12+$0x1200];
	v56 =	vmpcnt.ones.xlane vm13;
	v39 =	vsub.f32 v58, v26;
	v36 =	vsub.f32 v60, v21  }
0xd4: {  	v50 =	vld [tilespmem:s12+$0x180];
	v37 =	vsub.f32 v61, v25;
	v21 =	vmpcnt.ones.xlane vm10;
	v25 =	vmpcnt.ones.xlane vm4  }
0xd5: {  	v47 =	vld [tilespmem:s12+$0x200];
	v40 =	vsub.f32 v59, v28;
	v24 =	vmpcnt.ones.xlane vm6;
	v28 =	vmpcnt.ones.xlane vm0  }
0xd6: {  	v52 =	vld [tilespmem:s12+$0x280];
	v55 =	vmpcnt.ones.xlane vm14;
	v42 =	vsub.f32 v46, v42;
	v29 =	vmul.f32 v29, v29  }
0xd7: {  	v46 =	vmpcnt.ones.xlane vm15;
	v43 =	vsub.f32 v48, v43;
	v30 =	vmul.f32 v30, v30  }
0xd8: {  	v44 =	vsub.f32 v22, v23;
	v23 =	vmpcnt.ones.xlane vm7;
	v22 =	vmpcnt.ones.xlane vm11  }
0xd9: {  	v31 =	vsub.f32 v50, v31;
	v38 =	vmul.f32 v38, v38;
	v39 =	vmul.f32 v39, v39  }
0xda: {  	v35 =	vsub.f32 v47, v63;
	v36 =	vmul.f32 v36, v36;
	v40 =	vmul.f32 v40, v40  }
0xdb: {  	s5 =	sor.u32 s5, s15;
	v33 =	vsub.f32 v52, v33;
	v43 =	vmul.f32 v43, v43;
	v31 =	vmul.f32 v31, v31  }
0xdc: {  	s5 =	sor.u32 $0x380, s5;
	v17 =	vadd.s32 v17, v45;
	v35 =	vmul.f32 v35, v35;
	v37 =	vmul.f32 v37, v37  }
0xdd: {  	v18 =	vadd.s32 v18, v41;
	v62 =	vld [tilespmem:s5+$0x0];
	v33 =	vmul.f32 v33, v33;
	v42 =	vmul.f32 v42, v42  }
0xde: {  	v26 =	vld [tilespmem:s12+$0x1000];
	v18 =	vadd.s32 v55, v18;
	v17 =	vadd.s32 v46, v17;
	v57 =	vadd.f32 v30, v29  }
0xdf: {  	v63 =	vld [tilespmem:s12+$0x1080];
	v29 =	vnsel vm8, $0x0, v29;
	v30 =	vnsel vm9, $0x0, v30;
	v58 =	vadd.f32 v31, v43  }
0xe0: {  	v18 =	vadd.s32 v53, v18;
	v60 =	vadd.f32 v33, v35;
	v19 =	vadd.f32 v29, v19  }
0xe1: {  	v17 =	vadd.s32 v56, v17;
	v29 =	vadd.f32 v37, v36;
	v16 =	vadd.f32 v30, v16  }
0xe2: {  	v44 =	vmul.f32 v44, v44;
	v34 =	vsub.f32 v62, v34;
	v20 =	vadd.f32 v57, v20  }
0xe3: {  	v47 =	vld [tilespmem:s4+$0x0];
	v30 =	vnsel vm14, $0x0, v43;
	v18 =	vadd.s32 v51, v18;
	v49 =	vsub.f32 v26, v27  }
0xe4: {  	v32 =	vsub.f32 v63, v32;
	v20 =	vadd.f32 v58, v20;
	v34 =	vmul.f32 v34, v34  }
0xe5: {  	v17 =	vadd.s32 v54, v17;
	v27 =	vmpcnt.ones.xlane vm1;
	v59 =	vmul.f32 v49, v49  }
0xe6: {  	v32 =	vmul.f32 v32, v32;
	v20 =	vadd.f32 v60, v20;
	v61 =	vadd.f32 v34, v42  }
0xe7: {  	v26 =	vmpcnt.ones.xlane vm2;
	v62 =	vadd.f32 v40, v44;
	v19 =	vadd.f32 v30, v19  }
0xe8: {  	v50 =	vshll.u32 v47, $0x3;
	v63 =	vadd.f32 v32, v59;
	v20 =	vadd.f32 v61, v20  }
0xe9: {  	v30 =	vnsel vm15, $0x0, v31;
	v49 =	vnsel vm10, $0x0, v38;
	v38 =	vadd.f32 v39, v38  }
0xea: {  	v31 =	vnsel vm4, $0x0, v36;
	v16 =	vadd.f32 v30, v16;
	v20 =	vadd.f32 v63, v20  }
0xeb: {  	v30 =	vnsel vm12, $0x0, v35;
	v35 =	vand.u32 $0xFFFFFC00, v50;
	v18 =	vadd.s32 v27, v18  }
0xec: {  	v19 =	vadd.f32 v30, v19;
	v30 =	vnsel vm13, $0x0, v33;
	v20 =	vadd.f32 v29, v20  }
0xed: {  	v33 =	vnsel vm2, $0x0, v37;
	v58 =	vadd.s32 v10, v35;
	v55 =	vadd.s32 v6, v35  }
0xee: {  	v16 =	vadd.f32 v30, v16;
	v30 =	vnsel vm5, $0x0, v42;
	v20 =	vadd.f32 v62, v20  }
0xef: {  	v48 =	vnsel vm1, $0x0, v59;
	v19 =	vadd.f32 v30, v19;
	v30 =	vnsel vm3, $0x0, v34;
	v29 =	vld [tilespmem:s0+$0x0]  }
0xf0: {  	v30 =	vadd.f32 v30, v16;
	v16 =	vadd.f32 v38, v20;
	v20 =	vand.u32 $0x7F, v47  }
0xf1: {  	v60 =	vadd.s32 v9, v35;
	v19 =	vadd.f32 v48, v19;
	v41 =	vor.u32 v20, v58  }
0xf2: {  	v27 =	vadd.s32 v3, v35;
	v18 =	vadd.s32 v25, v18;
	v34 =	vor.u32 v20, v60  }
0xf3: {  	v19 =	vadd.f32 v31, v19;
	v31 =	vadd.s32 v5, v35;
	v46 =	vor.u32 v20, v55  }
0xf4: {  	v62 =	vadd.s32 v7, v35;
	v36 =	vand.u32 $0x7F, v29;
	v31 =	vor.u32 v20, v31  }
0xf5: {  	v29 =	vshll.u32 v29, $0x3;
	v52 =	vor.u32 v20, v1;
	v27 =	vor.u32 v20, v27  }
0xf6: {  	v63 =	vor.u32 v20, v62;
	v62 =	vadd.s32 v0, v35;
	v37 =	vadd.s32 v35, v52;
	v41 =	vld.idx.msk [tilespmem:v41+s17+$0x0], $0xffff  }
0xf7: {  	v29 =	vand.u32 $0xFFFFFC00, v29;
	v57 =	vor.u32 v36, v1;
	v25 =	vor.u32 v20, v62;
	v34 =	vld.idx.msk [tilespmem:v34+s17+$0x0], $0xffff  }
0xf8: {  	v17 =	vadd.s32 v28, v17;
	v44 =	vnsel vm7, $0x0, v44;
	v38 =	vadd.s32 v29, v57;
	v46 =	vld.idx.msk [tilespmem:v46+s17+$0x0], $0xffff  }
0xf9: {  	v40 =	vnsel vm6, $0x0, v40;
	v17 =	vadd.s32 v26, v17;
	v59 =	vadd.s32 v10, v29;
	v31 =	vld.idx.msk [tilespmem:v31+s17+$0x0], $0xffff  }
0xfa: {  	v24 =	vadd.s32 v24, v17;
	v61 =	vadd.s32 v9, v29;
	v42 =	vor.u32 v36, v59;
	v27 =	vld.idx.msk [tilespmem:v27+s17+$0x0], $0xffff  }
0xfb: {  	v32 =	vnsel vm0, $0x0, v32;
	v52 =	vadd.s32 v7, v29;
	v43 =	vor.u32 v36, v61;
	v37 =	vld.idx.msk [tilespmem:v37+s17+$0x0], $0xffff  }
0xfc: {  	v30 =	vadd.f32 v32, v30;
	v57 =	vadd.s32 v6, v29;
	v45 =	vor.u32 v36, v52;
	v25 =	vld.idx.msk [tilespmem:v25+s17+$0x0], $0xffff  }
0xfd: {  	v23 =	vadd.s32 v23, v18;
	v58 =	vadd.s32 v5, v29;
	v47 =	vor.u32 v36, v57;
	v32 =	vld.idx.msk [tilespmem:v38+s17+$0x0], $0xffff  }
0xfe: {  	v30 =	vadd.f32 v33, v30;
	v28 =	vadd.s32 v3, v29;
	v48 =	vor.u32 v36, v58;
	v38 =	vld.idx.msk [tilespmem:v63+s17+$0x0], $0xffff  }
0xff: {  	v19 =	vadd.f32 v44, v19;
	v59 =	vadd.s32 v4, v35;
	v28 =	vor.u32 v36, v28;
	v42 =	vld.idx.msk [tilespmem:v42+s17+$0x0], $0xffff  }
0x100: {  	v30 =	vadd.f32 v40, v30;
	v61 =	vadd.s32 v4, v29;
	v60 =	vor.u32 v20, v59;
	v43 =	vld.idx.msk [tilespmem:v43+s17+$0x0], $0xffff  }
0x101: {  	v17 =	vadd.f32 v49, v19;
	v35 =	vadd.s32 v2, v35;
	v50 =	vor.u32 v36, v61;
	v45 =	vld.idx.msk [tilespmem:v45+s17+$0x0], $0xffff  }
0x102: {  	v19 =	vadd.s32 v21, v23;
	v20 =	vor.u32 v20, v35;
	v63 =	vadd.s32 v0, v29;
	v47 =	vld.idx.msk [tilespmem:v47+s17+$0x0], $0xffff  }
0x103: {  	v29 =	vadd.s32 v2, v29;
	v48 =	vld.idx.msk [tilespmem:v48+s17+$0x0], $0xffff;
	v54 =	vmul.f32 $1.875000000e-01, v41;
	v34 =	vmul.f32 $1.875000000e-01, v34  }
0x104: {  	v29 =	vor.u32 v36, v29;
	v28 =	vld.idx.msk [tilespmem:v28+s17+$0x0], $0xffff;
	v58 =	vmul.f32 $1.875000000e-01, v46;
	v23 =	vmul.f32 $1.875000000e-01, v31  }
0x105: {  	v26 =	vor.u32 v36, v63;
	v33 =	vld.idx.msk [tilespmem:v60+s17+$0x0], $0xffff;
	v27 =	vmul.f32 $1.875000000e-01, v27;
	v53 =	vmul.f32 $1.875000000e-01, v37  }
0x106: {  	v39 =	vnsel vm11, $0x0, v39;
	v52 =	vld.idx.msk [tilespmem:v50+s17+$0x0], $0xffff;
	v25 =	vmul.f32 $1.875000000e-01, v25;
	v32 =	vmul.f32 $6.250000000e-02, v32  }
0x107: {  	v18 =	vadd.f32 v39, v30;
	v30 =	vld.idx.msk [tilespmem:v20+s17+$0x0], $0xffff;
	v38 =	vmul.f32 $1.875000000e-01, v38;
	v55 =	vmul.f32 $6.250000000e-02, v42  }
0x108: {  	v56 =	vmul.f32 $6.250000000e-02, v43;
	v57 =	vmul.f32 $6.250000000e-02, v45  }
0x109: {  	v20 =	vadd.s32 v22, v24;
	v59 =	vmul.f32 $6.250000000e-02, v47;
	v21 =	vld.idx.msk [tilespmem:v29+s17+$0x0], $0xffff;
	v29 =	vmul.f32 $6.250000000e-02, v48  }
0x10a: {  	v22 =	vimm.f32 $0.0e+00;
	v26 =	vld.idx.msk [tilespmem:v26+s17+$0x0], $0xffff;
	v28 =	vmul.f32 $6.250000000e-02, v28;
	v24 =	vmul.f32 $1.875000000e-01, v33  }
0x10b: {  	v31 =	vmul.f32 $6.250000000e-02, v52;
	v61 =	vadd.f32 v56, v34;
	v62 =	vadd.f32 v57, v38  }
0x10c: {  	v30 =	vmul.f32 $1.875000000e-01, v30;
	v36 =	vadd.f32 v59, v58;
	v38 =	vadd.f32 v29, v23  }
0x10d: {  	v40 =	vadd.f32 v55, v54;
	v34 =	vadd.f32 v28, v27;
	v23 =	vmul.f32 $3.000000000e+00, v62  }
0x10e: {  	v37 =	vadd.f32 v31, v24;
	v24 =	vmul.f32 $3.000000000e+00, v36;
	v42 =	vmul.f32 $3.000000000e+00, v38  }
0x10f: {  	v44 =	vmul.f32 $3.000000000e+00, v34;
	v60 =	vmul.f32 $6.250000000e-02, v26;
	v26 =	vadd.f32 v32, v53  }
0x110: {  	v21 =	vmul.f32 $6.250000000e-02, v21;
	v43 =	vmul.f32 $3.000000000e+00, v37;
	v28 =	vadd.f32 v23, v36  }
0x111: {  	s15 =	simm.s32 $0x0;
	v27 =	vadd.f32 v24, v38;
	v25 =	vadd.f32 v60, v25;
	v63 =	vmul.f32 $3.000000000e+00, v26  }
0x112: {  	s24 =	sand.u32 $0x70, s15;
	s7 =	sand.u32 $0xC00, s15;
	v32 =	vadd.f32 v61, v23;
	v39 =	vadd.f32 v21, v30;
	v21 =	vmul.f32 $3.000000000e+00, v61  }
0x113: {  	s9 =	sor.u32 s24, s7;
	v23 =	vimm.f32 $0.0e+00;
	v30 =	vadd.f32 v62, v24;
	v33 =	vadd.f32 v63, v25  }
0x114: {  	v41 =	vld [tilespmem:s9+$0x2080];
	v24 =	vimm.f32 $0.0e+00;
	v35 =	vadd.f32 v39, v63;
	v29 =	vadd.f32 v21, v62  }
0x115: {  	s7 =	simm.s32 $0x10;
	s5 =	simm.s32 $0x0;
	v31 =	vadd.f32 v40, v21;
	v40 =	vld [tilespmem:s9+$0x2000];
	v25 =	vadd.f32 v42, v37;
	v21 =	vimm.s32 $0x0  }
.LBB2_7:
0x116: {  	p0 =	sne.s32 s7, $0x1F0;
	v45 =	vmul.f32 $3.000000000e+00, v39;
	v46 =	vadd.f32 v43, v34;
	v36 =	vadd.f32 v36, v42;
	v42 =	vld [tilespmem:s9+$0x3300]  }
0x117: {  	v38 =	vadd.f32 v38, v43;
	v39 =	vadd.f32 v44, v39;
	v43 =	vld [tilespmem:s9+$0x3380]  }
0x118: {  	v37 =	vadd.f32 v37, v44;
	v47 =	vadd.f32 v45, v26;
	v26 =	vld [tilespmem:s9+$0x3200]  }
0x119: {  	vm8 =	vgt.f32 v33, $0.0e+00;
	vm9 =	vgt.f32 v35, $0.0e+00;
	v34 =	vadd.f32 v34, v45;
	v44 =	vld [tilespmem:s9+$0x3280]  }
0x11a: {  	vm10 =	vgt.f32 v29, $0.0e+00;
	v33 =	vsub.f32 v40, v33;
	v35 =	vsub.f32 v41, v35;
	v40 =	vld [tilespmem:s9+$0x3100]  }
0x11b: {  	vm7 =	vgt.f32 v28, $0.0e+00;
	vm6 =	vgt.f32 v32, $0.0e+00;
	vm11 =	vgt.f32 v31, $0.0e+00;
	v41 =	vld [tilespmem:s9+$0x3180]  }
0x11c: {  	vm4 =	vgt.f32 v27, $0.0e+00;
	vm2 =	vgt.f32 v30, $0.0e+00;
	v42 =	vsub.f32 v42, v29  }
0x11d: {  	vm1 =	vgt.f32 v25, $0.0e+00;
	vm0 =	vgt.f32 v36, $0.0e+00;
	v43 =	vsub.f32 v43, v31  }
0x11e: {  	v31 =	vmpcnt.ones.xlane vm8;
	v48 =	vsub.f32 v26, v28;
	v45 =	vld [tilespmem:s9+$0x3000];
	v32 =	vsub.f32 v44, v32  }
0x11f: {  	vm5 =	vgt.f32 v46, $0.0e+00;
	vm3 =	vgt.f32 v38, $0.0e+00;
	v44 =	vmpcnt.ones.xlane vm9  }
0x120: {  	v26 =	vmpcnt.ones.xlane vm10;
	v40 =	vsub.f32 v40, v27;
	v41 =	vsub.f32 v41, v30  }
0x121: {  	vm12 =	vgt.f32 v39, $0.0e+00;
	v28 =	vmpcnt.ones.xlane vm7;
	v27 =	vmpcnt.ones.xlane vm11;
	v49 =	vld [tilespmem:s9+$0x2300]  }
0x122: {  	vm13 =	vgt.f32 v37, $0.0e+00;
	v29 =	vmpcnt.ones.xlane vm6;
	v30 =	vmpcnt.ones.xlane vm4;
	v50 =	vld [tilespmem:s9+$0x2200]  }
0x123: {  	v52 =	vmpcnt.ones.xlane vm1;
	v51 =	vld [tilespmem:s9+$0x2100];
	v45 =	vsub.f32 v45, v25;
	v25 =	vmpcnt.ones.xlane vm2  }
0x124: {  	v54 =	vmpcnt.ones.xlane vm5;
	v55 =	vmpcnt.ones.xlane vm0;
	vm14 =	vgt.f32 v47, $0.0e+00;
	v53 =	vld [tilespmem:s9+$0x2180]  }
0x125: {  	s11 =	sor.u32 s5, s15;
	s15 =	smov.u32 s7;
	v58 =	vmpcnt.ones.xlane vm3;
	vm15 =	vgt.f32 v34, $0.0e+00;
	v57 =	vmpcnt.ones.xlane vm12;
	v56 =	vld [tilespmem:s9+$0x2280]  }
0x126: {  	s11 =	sor.u32 $0x380, s11;
	v60 =	vmpcnt.ones.xlane vm13;
	v59 =	vmpcnt.ones.xlane vm14;
	v46 =	vsub.f32 v49, v46  }
0x127: {  	v33 =	vmul.f32 v33, v33;
	v49 =	vmpcnt.ones.xlane vm15;
	v39 =	vsub.f32 v50, v39;
	v50 =	vld [tilespmem:s11+$0x2000]  }
0x128: {  	v35 =	vmul.f32 v35, v35;
	v42 =	vmul.f32 v42, v42;
	v47 =	vsub.f32 v51, v47  }
0x129: {  	v43 =	vmul.f32 v43, v43;
	v48 =	vmul.f32 v48, v48;
	v34 =	vsub.f32 v53, v34;
	v51 =	vld [tilespmem:s9+$0x3080]  }
0x12a: {  	v32 =	vmul.f32 v32, v32;
	v40 =	vmul.f32 v40, v40;
	v37 =	vsub.f32 v56, v37  }
0x12b: {  	v53 =	vadd.f32 v35, v33;
	v47 =	vmul.f32 v47, v47;
	v34 =	vmul.f32 v34, v34  }
0x12c: {  	v41 =	vmul.f32 v41, v41;
	v39 =	vmul.f32 v39, v39;
	v38 =	vsub.f32 v50, v38  }
0x12d: {  	v22 =	vadd.f32 v53, v22;
	v37 =	vmul.f32 v37, v37;
	v50 =	vadd.f32 v34, v47  }
0x12e: {  	v45 =	vmul.f32 v45, v45;
	v46 =	vmul.f32 v46, v46;
	v36 =	vsub.f32 v51, v36  }
0x12f: {  	v38 =	vmul.f32 v38, v38;
	v22 =	vadd.f32 v50, v22;
	v50 =	vadd.f32 v37, v39  }
0x130: {  	v33 =	vnsel vm8, $0x0, v33;
	v35 =	vnsel vm9, $0x0, v35;
	v36 =	vmul.f32 v36, v36  }
0x131: {  	v51 =	vnsel vm10, $0x0, v42;
	v22 =	vadd.f32 v50, v22;
	v50 =	vadd.f32 v38, v46  }
0x132: {  	v53 =	vadd.f32 v32, v48;
	v42 =	vadd.f32 v43, v42;
	v43 =	vnsel vm11, $0x0, v43  }
0x133: {  	v48 =	vnsel vm7, $0x0, v48;
	v22 =	vadd.f32 v50, v22;
	v50 =	vadd.f32 v36, v45  }
0x134: {  	v24 =	vadd.f32 v33, v24;
	v33 =	vadd.f32 v41, v40;
	v32 =	vnsel vm6, $0x0, v32  }
0x135: {  	v23 =	vadd.f32 v35, v23;
	v35 =	vnsel vm14, $0x0, v47;
	v22 =	vadd.f32 v50, v22  }
0x136: {  	v24 =	vadd.f32 v35, v24;
	v34 =	vnsel vm15, $0x0, v34;
	v35 =	vnsel vm4, $0x0, v40  }
0x137: {  	v23 =	vadd.f32 v34, v23;
	v34 =	vnsel vm12, $0x0, v39;
	v22 =	vadd.f32 v33, v22  }
0x138: {  	v24 =	vadd.f32 v34, v24;
	v34 =	vnsel vm2, $0x0, v41;
	v33 =	vnsel vm13, $0x0, v37  }
0x139: {  	v23 =	vadd.f32 v33, v23;
	v33 =	vnsel vm5, $0x0, v46;
	v22 =	vadd.f32 v53, v22  }
0x13a: {  	v37 =	vnsel vm1, $0x0, v45;
	v24 =	vadd.f32 v33, v24;
	v33 =	vnsel vm3, $0x0, v38  }
0x13b: {  	v23 =	vadd.f32 v33, v23;
	v33 =	vnsel vm0, $0x0, v36;
	v22 =	vadd.f32 v42, v22  }
0x13c: {  	v15 =	vadd.s32 v15, v31;
	v21 =	vadd.s32 v21, v44;
	v24 =	vadd.f32 v37, v24  }
0x13d: {  	s4 =	sadd.s32 $0x10, s4;
	v15 =	vadd.s32 v59, v15;
	v21 =	vadd.s32 v49, v21;
	v23 =	vadd.f32 v33, v23  }
0x13e: {  	s0 =	sadd.s32 $0x10, s0;
	v15 =	vadd.s32 v57, v15;
	v21 =	vadd.s32 v60, v21;
	v24 =	vadd.f32 v35, v24;
	v31 =	vld [tilespmem:s4+$0x0]  }
0x13f: {  	v15 =	vadd.s32 v54, v15;
	v21 =	vadd.s32 v58, v21;
	v23 =	vadd.f32 v34, v23;
	v33 =	vld [tilespmem:s0+$0x0]  }
0x140: {  	v15 =	vadd.s32 v52, v15;
	v21 =	vadd.s32 v55, v21;
	v24 =	vadd.f32 v48, v24  }
0x141: {  	v15 =	vadd.s32 v30, v15;
	v21 =	vadd.s32 v25, v21;
	v23 =	vadd.f32 v32, v23  }
0x142: {  	v15 =	vadd.s32 v28, v15;
	v21 =	vadd.s32 v29, v21;
	v24 =	vadd.f32 v51, v24  }
0x143: {  	v15 =	vadd.s32 v26, v15;
	v21 =	vadd.s32 v27, v21;
	v23 =	vadd.f32 v43, v23  }
0x144: {  	v25 =	vand.u32 $0x7F, v31;
	v26 =	vshll.u32 v31, $0x3;
	v27 =	vand.u32 $0x7F, v33  }
0x145: {  	v26 =	vand.u32 $0xFFFFFC00, v26;
	v28 =	vshll.u32 v33, $0x3;
	v29 =	vor.u32 v25, v1  }
0x146: {  	v28 =	vand.u32 $0xFFFFFC00, v28;
	v29 =	vadd.s32 v26, v29;
	v30 =	vor.u32 v27, v1  }
0x147: {  	v31 =	vadd.s32 v10, v26;
	v30 =	vadd.s32 v28, v30  }
0x148: {  	v31 =	vor.u32 v25, v31;
	v32 =	vadd.s32 v10, v28  }
0x149: {  	v33 =	vadd.s32 v9, v26;
	v32 =	vor.u32 v27, v32  }
0x14a: {  	v33 =	vor.u32 v25, v33;
	v34 =	vadd.s32 v9, v28  }
0x14b: {  	v35 =	vadd.s32 v7, v26;
	v34 =	vor.u32 v27, v34;
	v29 =	vld.idx.msk [tilespmem:v29+s17+$0x0], $0xffff  }
0x14c: {  	v35 =	vor.u32 v25, v35;
	v36 =	vadd.s32 v7, v28;
	v30 =	vld.idx.msk [tilespmem:v30+s17+$0x0], $0xffff  }
0x14d: {  	v37 =	vadd.s32 v6, v26;
	v36 =	vor.u32 v27, v36;
	v31 =	vld.idx.msk [tilespmem:v31+s17+$0x0], $0xffff  }
0x14e: {  	v37 =	vor.u32 v25, v37;
	v38 =	vadd.s32 v6, v28;
	v32 =	vld.idx.msk [tilespmem:v32+s17+$0x0], $0xffff  }
0x14f: {  	v39 =	vadd.s32 v5, v26;
	v38 =	vor.u32 v27, v38;
	v33 =	vld.idx.msk [tilespmem:v33+s17+$0x0], $0xffff  }
0x150: {  	v39 =	vor.u32 v25, v39;
	v40 =	vadd.s32 v5, v28;
	v34 =	vld.idx.msk [tilespmem:v34+s17+$0x0], $0xffff  }
0x151: {  	v41 =	vadd.s32 v4, v26;
	v40 =	vor.u32 v27, v40;
	v35 =	vld.idx.msk [tilespmem:v35+s17+$0x0], $0xffff  }
0x152: {  	v41 =	vor.u32 v25, v41;
	v42 =	vadd.s32 v4, v28;
	v36 =	vld.idx.msk [tilespmem:v36+s17+$0x0], $0xffff  }
0x153: {  	v43 =	vadd.s32 v3, v26;
	v42 =	vor.u32 v27, v42;
	v37 =	vld.idx.msk [tilespmem:v37+s17+$0x0], $0xffff  }
0x154: {  	v43 =	vor.u32 v25, v43;
	v44 =	vadd.s32 v3, v28;
	v38 =	vld.idx.msk [tilespmem:v38+s17+$0x0], $0xffff  }
0x155: {  	v45 =	vadd.s32 v0, v26;
	v44 =	vor.u32 v27, v44;
	v39 =	vld.idx.msk [tilespmem:v39+s17+$0x0], $0xffff  }
0x156: {  	v45 =	vor.u32 v25, v45;
	v46 =	vadd.s32 v0, v28;
	v40 =	vld.idx.msk [tilespmem:v40+s17+$0x0], $0xffff  }
0x157: {  	v26 =	vadd.s32 v2, v26;
	v46 =	vor.u32 v27, v46;
	v41 =	vld.idx.msk [tilespmem:v41+s17+$0x0], $0xffff  }
0x158: {  	v25 =	vor.u32 v25, v26;
	v26 =	vadd.s32 v2, v28;
	v28 =	vld.idx.msk [tilespmem:v42+s17+$0x0], $0xffff  }
0x159: {  	v26 =	vor.u32 v27, v26;
	v27 =	vld.idx.msk [tilespmem:v43+s17+$0x0], $0xffff  }
0x15a: {  	v29 =	vmul.f32 $1.875000000e-01, v29;
	v30 =	vmul.f32 $6.250000000e-02, v30;
	v42 =	vld.idx.msk [tilespmem:v44+s17+$0x0], $0xffff  }
0x15b: {  	v31 =	vmul.f32 $1.875000000e-01, v31;
	v32 =	vmul.f32 $6.250000000e-02, v32;
	v43 =	vld.idx.msk [tilespmem:v45+s17+$0x0], $0xffff  }
0x15c: {  	v33 =	vmul.f32 $1.875000000e-01, v33;
	v34 =	vmul.f32 $6.250000000e-02, v34;
	v44 =	vld.idx.msk [tilespmem:v46+s17+$0x0], $0xffff  }
0x15d: {  	v35 =	vmul.f32 $1.875000000e-01, v35;
	v45 =	vmul.f32 $6.250000000e-02, v36;
	v25 =	vld.idx.msk [tilespmem:v25+s17+$0x0], $0xffff  }
0x15e: {  	v37 =	vmul.f32 $1.875000000e-01, v37;
	v38 =	vmul.f32 $6.250000000e-02, v38;
	v36 =	vld.idx.msk [tilespmem:v26+s17+$0x0], $0xffff  }
0x15f: {  	v39 =	vmul.f32 $1.875000000e-01, v39;
	v40 =	vmul.f32 $6.250000000e-02, v40  }
0x160: {  	v41 =	vmul.f32 $1.875000000e-01, v41;
	v28 =	vmul.f32 $6.250000000e-02, v28  }
0x161: {  	v27 =	vmul.f32 $1.875000000e-01, v27;
	v42 =	vmul.f32 $6.250000000e-02, v42  }
0x162: {  	v26 =	vadd.f32 v30, v29;
	v43 =	vmul.f32 $1.875000000e-01, v43;
	v44 =	vmul.f32 $6.250000000e-02, v44  }
0x163: {  	v31 =	vadd.f32 v32, v31;
	v30 =	vadd.f32 v34, v33;
	v25 =	vmul.f32 $1.875000000e-01, v25  }
0x164: {  	v45 =	vadd.f32 v45, v35;
	v29 =	vmul.f32 $6.250000000e-02, v36;
	v36 =	vadd.f32 v38, v37  }
0x165: {  	v35 =	vmul.f32 $3.000000000e+00, v26;
	v32 =	vadd.f32 v44, v43;
	v38 =	vadd.f32 v40, v39  }
0x166: {  	v37 =	vadd.f32 v28, v41;
	v39 =	vadd.f32 v29, v25;
	v25 =	vmul.f32 $3.000000000e+00, v30  }
.Ltmp2:
0x167: {  	s5 =	sadd.s32 $0x80, s5;
	v34 =	vadd.f32 v42, v27;
	v33 =	vadd.f32 v35, v32;
	v32 =	vmul.f32 $3.000000000e+00, v45;
	(pc) =	sbr.rel @p0 .LBB2_7-.Ltmp2, $4  }
0x168: {  	s11 =	sand.u32 $0xC00, s5;
	s9 =	sand.u32 $0x70, s7;
	v46 =	vmul.f32 $3.000000000e+00, v36;
	v35 =	vadd.f32 v39, v35;
	v29 =	vadd.f32 v25, v45  }
0x169: {  	s9 =	sor.u32 s9, s11;
	v42 =	vmul.f32 $3.000000000e+00, v38;
	v28 =	vadd.f32 v32, v36;
	v31 =	vadd.f32 v31, v25  }
0x16a: {  	v43 =	vmul.f32 $3.000000000e+00, v37;
	v27 =	vadd.f32 v46, v38;
	v32 =	vadd.f32 v30, v32;
	v40 =	vld [tilespmem:s9+$0x2000]  }
0x16b: {  	s7 =	sadd.s32 $0x10, s7;
	v44 =	vmul.f32 $3.000000000e+00, v34;
	v25 =	vadd.f32 v42, v37;
	v30 =	vadd.f32 v45, v46;
	v41 =	vld [tilespmem:s9+$0x2080]  }
0x16c: {  	v45 =	vmul.f32 $3.000000000e+00, v39;
	v46 =	vadd.f32 v43, v34  }
0x16d: {  	v36 =	vadd.f32 v36, v42;
	v38 =	vadd.f32 v38, v43;
	vm11 =	vgt.f32 v33, $0.0e+00  }
0x16e: {  	vm9 =	vgt.f32 v35, $0.0e+00;
	vm0 =	vgt.f32 v29, $0.0e+00;
	vm3 =	vgt.f32 v28, $0.0e+00  }
0x16f: {  	vm2 =	vgt.f32 v32, $0.0e+00;
	vm1 =	vgt.f32 v31, $0.0e+00;
	vm5 =	vgt.f32 v27, $0.0e+00  }
0x170: {  	v39 =	vadd.f32 v44, v39;
	v37 =	vadd.f32 v37, v44;
	v42 =	vmpcnt.ones.xlane vm11  }
0x171: {  	v56 =	vld [tilespmem:s9+$0x3380];
	vm4 =	vgt.f32 v30, $0.0e+00;
	v43 =	vmpcnt.ones.xlane vm9;
	v44 =	vmpcnt.ones.xlane vm3  }
0x172: {  	v57 =	vld [tilespmem:s9+$0x3200];
	vm7 =	vgt.f32 v25, $0.0e+00;
	v47 =	vmpcnt.ones.xlane vm1;
	v48 =	vmpcnt.ones.xlane vm5  }
0x173: {  	v58 =	vld [tilespmem:s9+$0x3280];
	v50 =	vmpcnt.ones.xlane vm2;
	v26 =	vadd.f32 v45, v26;
	v34 =	vadd.f32 v34, v45  }
0x174: {  	v59 =	vld [tilespmem:s9+$0x3100];
	vm6 =	vgt.f32 v36, $0.0e+00;
	vm10 =	vgt.f32 v46, $0.0e+00;
	vm8 =	vgt.f32 v38, $0.0e+00  }
0x175: {  	v60 =	vld [tilespmem:s9+$0x3180];
	v51 =	vmpcnt.ones.xlane vm7;
	v53 =	vmpcnt.ones.xlane vm4;
	v33 =	vsub.f32 v40, v33  }
0x176: {  	v49 =	vld [tilespmem:s9+$0x2100];
	vm12 =	vgt.f32 v39, $0.0e+00;
	vm13 =	vgt.f32 v37, $0.0e+00;
	v54 =	vmpcnt.ones.xlane vm10  }
0x177: {  	v52 =	vld [tilespmem:s9+$0x2180];
	v15 =	vadd.s32 v15, v42;
	v35 =	vsub.f32 v41, v35;
	v41 =	vmpcnt.ones.xlane vm0  }
0x178: {  	v61 =	vld [tilespmem:s9+$0x2300];
	vm14 =	vgt.f32 v26, $0.0e+00;
	vm15 =	vgt.f32 v34, $0.0e+00;
	v31 =	vsub.f32 v56, v31  }
0x179: {  	v28 =	vsub.f32 v57, v28;
	v32 =	vsub.f32 v58, v32;
	v56 =	vmpcnt.ones.xlane vm6  }
0x17a: {  	v62 =	vld [tilespmem:s9+$0x3000];
	v27 =	vsub.f32 v59, v27;
	v57 =	vmpcnt.ones.xlane vm12;
	v58 =	vmpcnt.ones.xlane vm8  }
0x17b: {  	v55 =	vld [tilespmem:s9+$0x3300];
	v30 =	vsub.f32 v60, v30;
	v59 =	vmpcnt.ones.xlane vm14;
	v60 =	vmpcnt.ones.xlane vm13  }
0x17c: {  	v45 =	vld [tilespmem:s9+$0x2200];
	v33 =	vmul.f32 v33, v33;
	v26 =	vsub.f32 v49, v26;
	v34 =	vsub.f32 v52, v34  }
0x17d: {  	v40 =	vsub.f32 v61, v46;
	v52 =	vmpcnt.ones.xlane vm15;
	v35 =	vmul.f32 v35, v35  }
0x17e: {  	v21 =	vadd.s32 v21, v43;
	v26 =	vmul.f32 v26, v26;
	v34 =	vmul.f32 v34, v34  }
0x17f: {  	v25 =	vsub.f32 v62, v25;
	v28 =	vmul.f32 v28, v28;
	v40 =	vmul.f32 v40, v40  }
0x180: {  	s0 =	sor.u32 s5, s15;
	v29 =	vsub.f32 v55, v29;
	v27 =	vmul.f32 v27, v27;
	v32 =	vmul.f32 v32, v32  }
0x181: {  	s0 =	sor.u32 $0x380, s0;
	v55 =	vld [tilespmem:s9+$0x2280];
	v39 =	vsub.f32 v45, v39;
	v25 =	vmul.f32 v25, v25;
	v30 =	vmul.f32 v30, v30  }
0x182: {  	v46 =	vld [tilespmem:s0+$0x2000];
	v15 =	vadd.s32 v59, v15;
	v21 =	vadd.s32 v52, v21;
	v63 =	vadd.f32 v35, v33  }
0x183: {  	v33 =	vnsel vm11, $0x0, v33;
	v35 =	vnsel vm9, $0x0, v35;
	v15 =	vadd.s32 v57, v15  }
0x184: {  	v21 =	vadd.s32 v60, v21;
	v39 =	vmul.f32 v39, v39;
	v61 =	vadd.f32 v34, v26  }
0x185: {  	v24 =	vadd.f32 v33, v24;
	v26 =	vnsel vm14, $0x0, v26;
	v23 =	vadd.f32 v35, v23  }
0x186: {  	v45 =	vld [tilespmem:s9+$0x3080];
	v34 =	vnsel vm15, $0x0, v34;
	v15 =	vadd.s32 v54, v15;
	v37 =	vsub.f32 v55, v37  }
0x187: {  	v21 =	vadd.s32 v58, v21;
	v38 =	vsub.f32 v46, v38;
	v22 =	vadd.f32 v63, v22  }
0x188: {  	v15 =	vadd.s32 v51, v15;
	v21 =	vadd.s32 v56, v21;
	v24 =	vadd.f32 v26, v24  }
0x189: {  	v23 =	vadd.f32 v34, v23;
	v15 =	vadd.s32 v48, v15;
	v21 =	vadd.s32 v53, v21  }
0x18a: {  	v37 =	vmul.f32 v37, v37;
	v22 =	vadd.f32 v61, v22;
	v38 =	vmul.f32 v38, v38  }
0x18b: {  	v36 =	vsub.f32 v45, v36;
	v45 =	vnsel vm10, $0x0, v40;
	v15 =	vadd.s32 v44, v15  }
0x18c: {  	v21 =	vadd.s32 v50, v21;
	v62 =	vadd.f32 v37, v39;
	v39 =	vnsel vm12, $0x0, v39  }
0x18d: {  	v15 =	vadd.s32 v41, v15;
	v42 =	vnsel vm13, $0x0, v37;
	v24 =	vadd.f32 v39, v24  }
0x18e: {  	v63 =	vadd.f32 v38, v40;
	v36 =	vmul.f32 v36, v36;
	v23 =	vadd.f32 v42, v23  }
0x18f: {  	v46 =	vnsel vm8, $0x0, v38;
	v22 =	vadd.f32 v62, v22;
	v24 =	vadd.f32 v45, v24  }
0x190: {  	(xrf0) =	vadd.scan.msk.s32 $0xffff, v19;
	v26 =	vadd.f32 v36, v25;
	v25 =	vnsel vm7, $0x0, v25;
	v19 =	vadd.f32 v46, v23  }
0x191: {  	(xrf0) =	vadd.scan.msk.s32 $0xffff, v20;
	v20 =	vnsel vm6, $0x0, v36;
	v22 =	vadd.f32 v63, v22;
	v23 =	vadd.f32 v25, v24  }
0x192: {  	v21 =	vadd.s32 v47, v21;
	(xrf0) =	vadd.scan.msk.s32 $0xffff, v15;
	v24 =	vnsel vm5, $0x0, v27;
	v19 =	vadd.f32 v20, v19  }
0x193: {  	(xrf0) =	vadd.scan.msk.s32 $0xffff, v21;
	v21 =	vnsel vm4, $0x0, v30;
	v20 =	vadd.f32 v26, v22;
	v22 =	vadd.f32 v24, v23  }
0x194: {  	v17 =	vadd.f32 v18, v17;
	v15 =	vadd.f32 v30, v27  }
0x195: {  	v29 =	vmul.f32 v29, v29;
	v31 =	vmul.f32 v31, v31;
	v23 =	vadd.f32 v32, v28  }
0x196: {  	v24 =	vnsel vm3, $0x0, v28;
	v19 =	vadd.f32 v21, v19;
	v21, _, _ =	vpop (xrf0);
	v15 =	vadd.f32 v15, v20  }
0x197: {  	v25 =	vnsel vm2, $0x0, v32;
	(v2sf) =	vpush v21, $0xF;
	v20 =	vadd.f32 v24, v22;
	v22, _, _ =	vpop (xrf0)  }
0x198: {  	v24 =	vnsel vm0, $0x0, v29;
	v19 =	vadd.f32 v25, v19;
	v21, _, _ =	vpop (xrf0);
	(v2sf) =	vpush v22, $0xF  }
0x199: {  	v25 =	vnsel vm1, $0x0, v31;
	v20 =	vadd.f32 v24, v20;
	(v2sf) =	vpush v21, $0xF;
	v21, _, _ =	vpop (xrf0)  }
0x19a: {  	v19 =	vadd.f32 v25, v19;
	(v2sf) =	vpush v21, $0xF  }
0x19b: {  	v18 =	vadd.f32 v31, v29;
	v15 =	vadd.f32 v23, v15  }
0x19c: {  	(xrf2) =	vadd.scan.msk.f32 $0xffff, v17;
	v17 =	vadd.f32 v19, v20  }
0x19d: {  	(xrf2) =	vadd.scan.msk.f32 $0xffff, v16;
	v15 =	vadd.f32 v18, v15  }
0x19e: {  	(xrf2) =	vadd.scan.msk.f32 $0xffff, v17  }
0x19f: {  	(xrf2) =	vadd.scan.msk.f32 $0xffff, v15;
	_ =	sdelay $0x6  }
0x1a0: {  	v15, _, _ =	vpop (xrf2);
	s7 =	spop (v2sf)  }
0x1a1: {  	v16, _, _ =	vpop (xrf2);
	s0 =	spop (v2sf)  }
0x1a2: {  	v17, _, _ =	vpop (xrf2);
	s5 =	spop (v2sf)  }
0x1a3: {  	v18, _, _ =	vpop (xrf2);
	s14 =	spop (v2sf)  }
0x1a4: {  	_ =	swait.ge [sflag:s23], $0x2000  }
0x1a5: {  	[sflag:s23] =	ssyncset.done $0x0  }
0x1a6: {  	[sflag:s23] =	ssyncadd.s32 $0xFFFFE000  }
0x1a7: {  	_ =	swait.ge [sflag:s23], $0x2000  }
0x1a8: {  	[sflag:s23] =	ssyncset.done $0x0  }
0x1a9: {  	[sflag:s23] =	ssyncadd.s32 $0xFFFFE000  }
0x1aa: {  	p0 =	seq.s32 s29, $0x3;
	_ =	swait.ge [sflag:s23], $0x1800  }
0x1ab: {  	s4 =	sadd.s32 @!p0 $0x2, s31;
	[sflag:s23] =	ssyncset.done $0x0  }
0x1ac: {  	s11 =	sshll.u32 @!p0 s4, $0x13;
	[sflag:s23] =	ssyncadd.s32 $0xFFFFE800  }
0x1ad: {  	s13 =	simm.s32 @!p0 $0x0;
	s11 =	sor.u32 @!p0 s6, s11;
	_ =	swait.ge [sflag:s23], $0x1800  }
0x1ae: {  	s4 =	sshll.u32 @!p0 s4, $0x10;
	s11 =	sshrl.u32 @!p0 s11, $0x3;
	[sflag:s23] =	ssyncset.done $0x0  }
0x1af: {  	s4 =	sadd.s32 @!p0 s10, s4;
	s12 =	sadd.s32 @!p0 s1, s11;
	[sflag:s23] =	ssyncadd.s32 $0xFFFFE800  }
0x1b0: {  	[tilespmem:s13], [sflag:$0x1] =	stream.linear.gather @!p0 [hbm4b:s12+s13], $0x2000, $0x38;
	[tilespmem:$0xE480] =	vst v63  }
0x1b1: {  	s4 =	sshrl.u32 @!p0 s4, $0x3;
	s11 =	sadd.s32 @!p0 s11, s8;
	s12 =	simm.s32 @!p0 $0x2000  }
0x1b2: {  	[tilespmem:s12], [sflag:$0x1] =	stream.linear.gather @!p0 [hbm4b:s11+s13], $0x2000, $0x38;
	[tilespmem:$0xE480] =	vst v63  }
0x1b3: {  	s11 =	sadd.s32 @!p0 s2, s4;
	s12 =	simm.s32 @!p0 $0x8000  }
0x1b4: {  	[tilespmem:s12], [sflag:$0x1] =	stream.linear.gather @!p0 [hbm4b:s11+s13], $0x1800, $0x38;
	[tilespmem:$0xE480] =	vst v63  }
0x1b5: {  	s31 =	simm.s32 $0xE000;
	s4 =	sadd.s32 @!p0 s3, s4;
	s11 =	simm.s32 @!p0 $0x9800  }
0x1b6: {  	[tilespmem:s11], [sflag:$0x1] =	stream.linear.gather @!p0 [hbm4b:s4+s13], $0x1800, $0x38;
	[tilespmem:$0xE480] =	vst v63  }
0x1b7: {  	s4 =	simm.s32 $0xE200;
	v19 =	vld [tilespmem:s31+$0x0]  }
0x1b8: {  	v20 =	vld [tilespmem:s4+$0x0];
	_ =	sdelay $0x1  }
0x1b9: {  	s15 =	sshll.u32 s29, $0x2  }
0x1ba: {  	v21 =	vmov s15  }
0x1bb: {  	vm14 =	veq.s32 v21, v8  }
0x1bc: {  	s7 =	sadd.s32 s7, s0;
	v22 =	vand.u32 $0x7F, v19;
	v19 =	vshll.u32 v19, $0x3;
	v23 =	vand.u32 $0x7F, v20  }
0x1bd: {  	s7 =	scvt.s32.f32 s7;
	v20 =	vshll.u32 v20, $0x3;
	v19 =	vand.u32 $0xFFFFFC00, v19;
	v24 =	vor.u32 v22, v1  }
0x1be: {  	v20 =	vand.u32 $0xFFFFFC00, v20;
	v25 =	vor.u32 v23, v1;
	v24 =	vadd.s32 v19, v24  }
0x1bf: {  	v15 =	vbroadcast v15, $0xF;
	s7 =	smul.f32 $6.250000000e-02, s7;
	v21 =	vadd.s32 v20, v25;
	v25 =	vadd.s32 v10, v19  }
0x1c0: {  	v16 =	vbroadcast v16, $0xF;
	v27 =	vadd.s32 v10, v20;
	v25 =	vor.u32 v22, v25  }
0x1c1: {  	v26 =	vmov s7;
	v28 =	vadd.s32 v9, v19;
	v27 =	vor.u32 v23, v27  }
0x1c2: {  	v26 =	vnsel vm14, $0x0, v26;
	v29 =	vadd.s32 v9, v20;
	v28 =	vor.u32 v22, v28  }
0x1c3: {  	v14 =	vadd.f32 v26, v14;
	v26 =	vadd.s32 v7, v19;
	v29 =	vor.u32 v23, v29;
	v24 =	vld.idx.msk [tilespmem:v24+s21+$0x0], $0xffff  }
0x1c4: {  	v15 =	vnsel vm14, $0x0, v15;
	v30 =	vadd.s32 v7, v20;
	v26 =	vor.u32 v22, v26;
	v21 =	vld.idx.msk [tilespmem:v21+s21+$0x0], $0xffff  }
0x1c5: {  	v13 =	vadd.f32 v15, v13;
	v31 =	vadd.s32 v6, v19;
	v30 =	vor.u32 v23, v30;
	v25 =	vld.idx.msk [tilespmem:v25+s21+$0x0], $0xffff  }
0x1c6: {  	v16 =	vnsel vm14, $0x0, v16;
	v48 =	vadd.s32 v5, v19;
	v15 =	vor.u32 v22, v31;
	v27 =	vld.idx.msk [tilespmem:v27+s21+$0x0], $0xffff  }
0x1c7: {  	v16 =	vadd.f32 v16, v12;
	s0 =	sadd.s32 s5, s14;
	v49 =	vadd.s32 v5, v20;
	v12 =	vor.u32 v22, v48;
	v28 =	vld.idx.msk [tilespmem:v28+s21+$0x0], $0xffff  }
0x1c8: {  	s0 =	scvt.s32.f32 s0;
	v51 =	vadd.s32 v4, v19;
	v32 =	vor.u32 v23, v49;
	v29 =	vld.idx.msk [tilespmem:v29+s21+$0x0], $0xffff  }
0x1c9: {  	s24 =	sor.u32 $0x1, s15;
	v53 =	vadd.s32 v4, v20;
	v52 =	vor.u32 v22, v51;
	v26 =	vld.idx.msk [tilespmem:v26+s21+$0x0], $0xffff  }
0x1ca: {  	v50 =	vmov s24;
	s0 =	smul.f32 $6.250000000e-02, s0;
	v55 =	vadd.s32 v3, v19;
	v34 =	vor.u32 v23, v53;
	v30 =	vld.idx.msk [tilespmem:v30+s21+$0x0], $0xffff  }
0x1cb: {  	vm15 =	veq.s32 v50, v8;
	v56 =	vadd.s32 v0, v19;
	v36 =	vor.u32 v22, v55;
	v15 =	vld.idx.msk [tilespmem:v15+s21+$0x0], $0xffff  }
0x1cc: {  	v54 =	vmov s0;
	v31 =	vadd.s32 v6, v20;
	v37 =	vor.u32 v22, v56;
	v57 =	vld.idx.msk [tilespmem:v12+s21+$0x0], $0xffff  }
0x1cd: {  	v35 =	vnsel vm15, $0x0, v54;
	v58 =	vadd.s32 v0, v20;
	v31 =	vor.u32 v23, v31;
	v32 =	vld.idx.msk [tilespmem:v32+s21+$0x0], $0xffff  }
0x1ce: {  	v19 =	vadd.s32 v2, v19;
	v12 =	vadd.f32 v35, v14;
	v14 =	vor.u32 v23, v58;
	v33 =	vld.idx.msk [tilespmem:v52+s21+$0x0], $0xffff  }
0x1cf: {  	v17 =	vbroadcast v17, $0xF;
	v19 =	vor.u32 v22, v19;
	v22 =	vadd.s32 v2, v20;
	v34 =	vld.idx.msk [tilespmem:v34+s21+$0x0], $0xffff  }
0x1d0: {  	v18 =	vbroadcast v18, $0xF;
	v20 =	vadd.s32 v3, v20;
	v22 =	vor.u32 v23, v22;
	v59 =	vld.idx.msk [tilespmem:v36+s21+$0x0], $0xffff  }
0x1d1: {  	v20 =	vor.u32 v23, v20;
	v23 =	vld.idx.msk [tilespmem:v37+s21+$0x0], $0xffff;
	v24 =	vmul.f32 $1.875000000e-01, v24;
	v21 =	vmul.f32 $6.250000000e-02, v21  }
0x1d2: {  	v17 =	vnsel vm15, $0x0, v17;
	v31 =	vld.idx.msk [tilespmem:v31+s21+$0x0], $0xffff;
	v25 =	vmul.f32 $1.875000000e-01, v25;
	v27 =	vmul.f32 $6.250000000e-02, v27  }
0x1d3: {  	v13 =	vadd.f32 v17, v13;
	v28 =	vmul.f32 $1.875000000e-01, v28;
	v17 =	vld.idx.msk [tilespmem:v14+s21+$0x0], $0xffff;
	v29 =	vmul.f32 $6.250000000e-02, v29  }
0x1d4: {  	v26 =	vmul.f32 $1.875000000e-01, v26;
	v14 =	vnsel vm15, $0x0, v18;
	v18 =	vld.idx.msk [tilespmem:v19+s21+$0x0], $0xffff;
	v19 =	vmul.f32 $6.250000000e-02, v30  }
0x1d5: {  	v22 =	vld.idx.msk [tilespmem:v22+s21+$0x0], $0xffff;
	v30 =	vmul.f32 $1.875000000e-01, v15;
	v60 =	vmul.f32 $1.875000000e-01, v57  }
0x1d6: {  	v20 =	vld.idx.msk [tilespmem:v20+s21+$0x0], $0xffff;
	v61 =	vmul.f32 $6.250000000e-02, v32;
	v33 =	vmul.f32 $1.875000000e-01, v33  }
0x1d7: {  	v15 =	vimm.s32 $0x0;
	v34 =	vmul.f32 $6.250000000e-02, v34;
	v62 =	vmul.f32 $1.875000000e-01, v59  }
0x1d8: {  	v63 =	vmul.f32 $1.875000000e-01, v23;
	v14 =	vadd.f32 v14, v16;
	v31 =	vmul.f32 $6.250000000e-02, v31  }
0x1d9: {  	v16 =	vimm.f32 $0.0e+00;
	v23 =	vadd.f32 v21, v24;
	v21 =	vadd.f32 v29, v28  }
0x1da: {  	v22 =	vmul.f32 $6.250000000e-02, v22;
	v25 =	vadd.f32 v27, v25;
	v19 =	vadd.f32 v19, v26  }
0x1db: {  	v20 =	vmul.f32 $6.250000000e-02, v20;
	v35 =	vadd.f32 v61, v60;
	v34 =	vadd.f32 v34, v33  }
0x1dc: {  	v32 =	vadd.f32 v31, v30;
	v24 =	vmul.f32 $3.000000000e+00, v23;
	v17 =	vmul.f32 $6.250000000e-02, v17  }
0x1dd: {  	v33 =	vadd.f32 v20, v62;
	v39 =	vmul.f32 $3.000000000e+00, v35;
	v18 =	vmul.f32 $1.875000000e-01, v18  }
0x1de: {  	v40 =	vmul.f32 $3.000000000e+00, v34;
	v20 =	vmul.f32 $3.000000000e+00, v32;
	v17 =	vadd.f32 v17, v63  }
0x1df: {  	v29 =	vadd.f32 v39, v34;
	v36 =	vadd.f32 v22, v18;
	v18 =	vmul.f32 $3.000000000e+00, v21  }
0x1e0: {  	s0 =	simm.s32 $0x0;
	v41 =	vmul.f32 $3.000000000e+00, v33;
	v22 =	vadd.f32 v20, v35;
	v30 =	vadd.f32 v24, v17  }
0x1e1: {  	s15 =	sand.u32 $0x70, s0;
	s24 =	sand.u32 $0xC00, s0;
	v17 =	vmul.f32 $3.000000000e+00, v19;
	v31 =	vadd.f32 v36, v24;
	v26 =	vadd.f32 v18, v19  }
0x1e2: {  	s13 =	sor.u32 s15, s24;
	v27 =	vadd.f32 v25, v18;
	v25 =	vadd.f32 v19, v20;
	v20 =	vimm.f32 $0.0e+00  }
0x1e3: {  	s9 =	simm.s32 $0x10;
	s5 =	simm.s32 $0x0;
	v38 =	vld [tilespmem:s13+$0x4080];
	v19 =	vimm.s32 $0x0;
	v18 =	vimm.s32 $0x0;
	v24 =	vadd.f32 v17, v32  }
0x1e4: {  	s7 =	simm.s32 $0x0;
	s12 =	simm.s32 $0xE200;
	s11 =	simm.s32 $0xE000;
	v37 =	vld [tilespmem:s13+$0x4000];
	v28 =	vadd.f32 v21, v17;
	v21 =	vimm.f32 $0.0e+00;
	v17 =	vimm.f32 $0.0e+00  }
.LBB2_9:
0x1e5: {  	p0 =	sne.s32 s9, $0x1F0;
	v42 =	vmul.f32 $3.000000000e+00, v36;
	v43 =	vadd.f32 v40, v33;
	v32 =	vadd.f32 v32, v39;
	v39 =	vld [tilespmem:s13+$0x5300]  }
0x1e6: {  	v35 =	vadd.f32 v35, v40;
	v36 =	vadd.f32 v41, v36;
	v40 =	vld [tilespmem:s13+$0x5380]  }
0x1e7: {  	v34 =	vadd.f32 v34, v41;
	v44 =	vadd.f32 v42, v23;
	v23 =	vld [tilespmem:s13+$0x5200]  }
0x1e8: {  	vm8 =	vgt.f32 v30, $0.0e+00;
	vm9 =	vgt.f32 v31, $0.0e+00;
	v33 =	vadd.f32 v33, v42;
	v41 =	vld [tilespmem:s13+$0x5280]  }
0x1e9: {  	vm10 =	vgt.f32 v26, $0.0e+00;
	v30 =	vsub.f32 v37, v30;
	v31 =	vsub.f32 v38, v31;
	v37 =	vld [tilespmem:s13+$0x5100]  }
0x1ea: {  	vm7 =	vgt.f32 v24, $0.0e+00;
	vm6 =	vgt.f32 v28, $0.0e+00;
	vm11 =	vgt.f32 v27, $0.0e+00;
	v38 =	vld [tilespmem:s13+$0x5180]  }
0x1eb: {  	vm4 =	vgt.f32 v22, $0.0e+00;
	vm2 =	vgt.f32 v25, $0.0e+00;
	v39 =	vsub.f32 v39, v26  }
0x1ec: {  	vm1 =	vgt.f32 v29, $0.0e+00;
	vm0 =	vgt.f32 v32, $0.0e+00;
	v40 =	vsub.f32 v40, v27  }
0x1ed: {  	v27 =	vmpcnt.ones.xlane vm8;
	v45 =	vsub.f32 v23, v24;
	v42 =	vld [tilespmem:s13+$0x5000];
	v41 =	vsub.f32 v41, v28  }
0x1ee: {  	v46 =	vmpcnt.ones.xlane vm9;
	vm5 =	vgt.f32 v43, $0.0e+00;
	vm3 =	vgt.f32 v35, $0.0e+00  }
0x1ef: {  	v37 =	vsub.f32 v37, v22;
	v22 =	vmpcnt.ones.xlane vm10;
	v38 =	vsub.f32 v38, v25  }
0x1f0: {  	vm12 =	vgt.f32 v36, $0.0e+00;
	v24 =	vmpcnt.ones.xlane vm7;
	v23 =	vmpcnt.ones.xlane vm11;
	v47 =	vld [tilespmem:s13+$0x4300]  }
0x1f1: {  	vm13 =	vgt.f32 v34, $0.0e+00;
	v26 =	vmpcnt.ones.xlane vm4;
	v25 =	vmpcnt.ones.xlane vm6;
	v48 =	vld [tilespmem:s13+$0x4200]  }
0x1f2: {  	v28 =	vmpcnt.ones.xlane vm2;
	v49 =	vld [tilespmem:s13+$0x4100];
	v29 =	vsub.f32 v42, v29;
	v42 =	vmpcnt.ones.xlane vm1  }
0x1f3: {  	v51 =	vmpcnt.ones.xlane vm5;
	v52 =	vmpcnt.ones.xlane vm0;
	vm14 =	vgt.f32 v44, $0.0e+00;
	v50 =	vld [tilespmem:s13+$0x4180]  }
0x1f4: {  	s14 =	sor.u32 s7, s5;
	s5 =	smov.u32 s9;
	v55 =	vmpcnt.ones.xlane vm3;
	vm15 =	vgt.f32 v33, $0.0e+00;
	v54 =	vmpcnt.ones.xlane vm12;
	v53 =	vld [tilespmem:s13+$0x4280]  }
0x1f5: {  	s14 =	sor.u32 $0x380, s14;
	v57 =	vmpcnt.ones.xlane vm13;
	v56 =	vmpcnt.ones.xlane vm14;
	v43 =	vsub.f32 v47, v43  }
0x1f6: {  	v30 =	vmul.f32 v30, v30;
	v47 =	vmpcnt.ones.xlane vm15;
	v36 =	vsub.f32 v48, v36;
	v48 =	vld [tilespmem:s14+$0x4000]  }
0x1f7: {  	v31 =	vmul.f32 v31, v31;
	v39 =	vmul.f32 v39, v39;
	v44 =	vsub.f32 v49, v44  }
0x1f8: {  	v40 =	vmul.f32 v40, v40;
	v45 =	vmul.f32 v45, v45;
	v33 =	vsub.f32 v50, v33;
	v49 =	vld [tilespmem:s13+$0x5080]  }
0x1f9: {  	v41 =	vmul.f32 v41, v41;
	v37 =	vmul.f32 v37, v37;
	v34 =	vsub.f32 v53, v34  }
0x1fa: {  	v50 =	vadd.f32 v31, v30;
	v44 =	vmul.f32 v44, v44;
	v33 =	vmul.f32 v33, v33  }
0x1fb: {  	v38 =	vmul.f32 v38, v38;
	v36 =	vmul.f32 v36, v36;
	v35 =	vsub.f32 v48, v35  }
0x1fc: {  	v21 =	vadd.f32 v50, v21;
	v34 =	vmul.f32 v34, v34;
	v48 =	vadd.f32 v33, v44  }
0x1fd: {  	v29 =	vmul.f32 v29, v29;
	v43 =	vmul.f32 v43, v43;
	v32 =	vsub.f32 v49, v32  }
0x1fe: {  	v35 =	vmul.f32 v35, v35;
	v21 =	vadd.f32 v48, v21;
	v48 =	vadd.f32 v34, v36  }
0x1ff: {  	v30 =	vnsel vm8, $0x0, v30;
	v31 =	vnsel vm9, $0x0, v31;
	v32 =	vmul.f32 v32, v32  }
0x200: {  	v49 =	vnsel vm10, $0x0, v39;
	v21 =	vadd.f32 v48, v21;
	v48 =	vadd.f32 v35, v43  }
0x201: {  	v50 =	vadd.f32 v41, v45;
	v39 =	vadd.f32 v40, v39;
	v40 =	vnsel vm11, $0x0, v40  }
0x202: {  	v45 =	vnsel vm7, $0x0, v45;
	v21 =	vadd.f32 v48, v21;
	v48 =	vadd.f32 v32, v29  }
0x203: {  	v20 =	vadd.f32 v30, v20;
	v30 =	vadd.f32 v38, v37;
	v41 =	vnsel vm6, $0x0, v41  }
0x204: {  	v17 =	vadd.f32 v31, v17;
	v31 =	vnsel vm14, $0x0, v44;
	v21 =	vadd.f32 v48, v21  }
0x205: {  	v20 =	vadd.f32 v31, v20;
	v31 =	vnsel vm15, $0x0, v33;
	v33 =	vnsel vm4, $0x0, v37  }
0x206: {  	v17 =	vadd.f32 v31, v17;
	v31 =	vnsel vm12, $0x0, v36;
	v21 =	vadd.f32 v30, v21  }
0x207: {  	v20 =	vadd.f32 v31, v20;
	v31 =	vnsel vm2, $0x0, v38;
	v30 =	vnsel vm13, $0x0, v34  }
0x208: {  	v17 =	vadd.f32 v30, v17;
	v30 =	vnsel vm5, $0x0, v43;
	v21 =	vadd.f32 v50, v21  }
0x209: {  	v29 =	vnsel vm1, $0x0, v29;
	v20 =	vadd.f32 v30, v20;
	v30 =	vnsel vm3, $0x0, v35  }
0x20a: {  	v17 =	vadd.f32 v30, v17;
	v30 =	vnsel vm0, $0x0, v32;
	v21 =	vadd.f32 v39, v21  }
0x20b: {  	v18 =	vadd.s32 v18, v46;
	v19 =	vadd.s32 v19, v27;
	v20 =	vadd.f32 v29, v20  }
0x20c: {  	s11 =	sadd.s32 $0x10, s11;
	v19 =	vadd.s32 v56, v19;
	v18 =	vadd.s32 v47, v18;
	v17 =	vadd.f32 v30, v17  }
0x20d: {  	s12 =	sadd.s32 $0x10, s12;
	v19 =	vadd.s32 v54, v19;
	v18 =	vadd.s32 v57, v18;
	v20 =	vadd.f32 v33, v20;
	v27 =	vld [tilespmem:s11+$0x0]  }
0x20e: {  	v19 =	vadd.s32 v51, v19;
	v18 =	vadd.s32 v55, v18;
	v17 =	vadd.f32 v31, v17;
	v29 =	vld [tilespmem:s12+$0x0]  }
0x20f: {  	v19 =	vadd.s32 v42, v19;
	v18 =	vadd.s32 v52, v18;
	v20 =	vadd.f32 v45, v20  }
0x210: {  	v19 =	vadd.s32 v26, v19;
	v18 =	vadd.s32 v28, v18;
	v17 =	vadd.f32 v41, v17  }
0x211: {  	v19 =	vadd.s32 v24, v19;
	v18 =	vadd.s32 v25, v18;
	v20 =	vadd.f32 v49, v20  }
0x212: {  	v19 =	vadd.s32 v22, v19;
	v18 =	vadd.s32 v23, v18;
	v17 =	vadd.f32 v40, v17  }
0x213: {  	v22 =	vand.u32 $0x7F, v27;
	v23 =	vshll.u32 v27, $0x3;
	v24 =	vand.u32 $0x7F, v29  }
0x214: {  	v23 =	vand.u32 $0xFFFFFC00, v23;
	v25 =	vshll.u32 v29, $0x3;
	v26 =	vor.u32 v22, v1  }
0x215: {  	v25 =	vand.u32 $0xFFFFFC00, v25;
	v26 =	vadd.s32 v23, v26;
	v27 =	vor.u32 v24, v1  }
0x216: {  	v28 =	vadd.s32 v10, v23;
	v27 =	vadd.s32 v25, v27  }
0x217: {  	v28 =	vor.u32 v22, v28;
	v29 =	vadd.s32 v10, v25  }
0x218: {  	v30 =	vadd.s32 v9, v23;
	v29 =	vor.u32 v24, v29  }
0x219: {  	v30 =	vor.u32 v22, v30;
	v31 =	vadd.s32 v9, v25  }
0x21a: {  	v32 =	vadd.s32 v7, v23;
	v31 =	vor.u32 v24, v31;
	v26 =	vld.idx.msk [tilespmem:v26+s21+$0x0], $0xffff  }
0x21b: {  	v32 =	vor.u32 v22, v32;
	v33 =	vadd.s32 v7, v25;
	v27 =	vld.idx.msk [tilespmem:v27+s21+$0x0], $0xffff  }
0x21c: {  	v34 =	vadd.s32 v6, v23;
	v33 =	vor.u32 v24, v33;
	v28 =	vld.idx.msk [tilespmem:v28+s21+$0x0], $0xffff  }
0x21d: {  	v34 =	vor.u32 v22, v34;
	v35 =	vadd.s32 v6, v25;
	v29 =	vld.idx.msk [tilespmem:v29+s21+$0x0], $0xffff  }
0x21e: {  	v36 =	vadd.s32 v5, v23;
	v35 =	vor.u32 v24, v35;
	v30 =	vld.idx.msk [tilespmem:v30+s21+$0x0], $0xffff  }
0x21f: {  	v36 =	vor.u32 v22, v36;
	v37 =	vadd.s32 v5, v25;
	v31 =	vld.idx.msk [tilespmem:v31+s21+$0x0], $0xffff  }
0x220: {  	v38 =	vadd.s32 v4, v23;
	v37 =	vor.u32 v24, v37;
	v32 =	vld.idx.msk [tilespmem:v32+s21+$0x0], $0xffff  }
0x221: {  	v38 =	vor.u32 v22, v38;
	v39 =	vadd.s32 v4, v25;
	v33 =	vld.idx.msk [tilespmem:v33+s21+$0x0], $0xffff  }
0x222: {  	v40 =	vadd.s32 v3, v23;
	v39 =	vor.u32 v24, v39;
	v34 =	vld.idx.msk [tilespmem:v34+s21+$0x0], $0xffff  }
0x223: {  	v40 =	vor.u32 v22, v40;
	v41 =	vadd.s32 v3, v25;
	v35 =	vld.idx.msk [tilespmem:v35+s21+$0x0], $0xffff  }
0x224: {  	v42 =	vadd.s32 v0, v23;
	v41 =	vor.u32 v24, v41;
	v36 =	vld.idx.msk [tilespmem:v36+s21+$0x0], $0xffff  }
0x225: {  	v42 =	vor.u32 v22, v42;
	v43 =	vadd.s32 v0, v25;
	v37 =	vld.idx.msk [tilespmem:v37+s21+$0x0], $0xffff  }
0x226: {  	v23 =	vadd.s32 v2, v23;
	v43 =	vor.u32 v24, v43;
	v38 =	vld.idx.msk [tilespmem:v38+s21+$0x0], $0xffff  }
0x227: {  	v22 =	vor.u32 v22, v23;
	v23 =	vadd.s32 v2, v25;
	v25 =	vld.idx.msk [tilespmem:v39+s21+$0x0], $0xffff  }
0x228: {  	v23 =	vor.u32 v24, v23;
	v24 =	vld.idx.msk [tilespmem:v40+s21+$0x0], $0xffff  }
0x229: {  	v26 =	vmul.f32 $1.875000000e-01, v26;
	v27 =	vmul.f32 $6.250000000e-02, v27;
	v39 =	vld.idx.msk [tilespmem:v41+s21+$0x0], $0xffff  }
0x22a: {  	v28 =	vmul.f32 $1.875000000e-01, v28;
	v29 =	vmul.f32 $6.250000000e-02, v29;
	v40 =	vld.idx.msk [tilespmem:v42+s21+$0x0], $0xffff  }
0x22b: {  	v30 =	vmul.f32 $1.875000000e-01, v30;
	v31 =	vmul.f32 $6.250000000e-02, v31;
	v41 =	vld.idx.msk [tilespmem:v43+s21+$0x0], $0xffff  }
0x22c: {  	v33 =	vmul.f32 $6.250000000e-02, v33;
	v42 =	vmul.f32 $1.875000000e-01, v32;
	v22 =	vld.idx.msk [tilespmem:v22+s21+$0x0], $0xffff  }
0x22d: {  	v34 =	vmul.f32 $1.875000000e-01, v34;
	v35 =	vmul.f32 $6.250000000e-02, v35;
	v32 =	vld.idx.msk [tilespmem:v23+s21+$0x0], $0xffff  }
0x22e: {  	v36 =	vmul.f32 $1.875000000e-01, v36;
	v37 =	vmul.f32 $6.250000000e-02, v37  }
0x22f: {  	v38 =	vmul.f32 $1.875000000e-01, v38;
	v25 =	vmul.f32 $6.250000000e-02, v25  }
0x230: {  	v24 =	vmul.f32 $1.875000000e-01, v24;
	v39 =	vmul.f32 $6.250000000e-02, v39  }
0x231: {  	v23 =	vadd.f32 v27, v26;
	v40 =	vmul.f32 $1.875000000e-01, v40;
	v41 =	vmul.f32 $6.250000000e-02, v41  }
0x232: {  	v43 =	vadd.f32 v31, v30;
	v27 =	vadd.f32 v29, v28;
	v22 =	vmul.f32 $1.875000000e-01, v22  }
0x233: {  	v42 =	vadd.f32 v33, v42;
	v26 =	vmul.f32 $6.250000000e-02, v32;
	v32 =	vadd.f32 v35, v34  }
0x234: {  	v29 =	vmul.f32 $3.000000000e+00, v23;
	v28 =	vadd.f32 v41, v40;
	v35 =	vadd.f32 v37, v36  }
0x235: {  	v34 =	vadd.f32 v25, v38;
	v36 =	vadd.f32 v26, v22;
	v22 =	vmul.f32 $3.000000000e+00, v43  }
.Ltmp3:
0x236: {  	s7 =	sadd.s32 $0x80, s7;
	v33 =	vadd.f32 v39, v24;
	v25 =	vmul.f32 $3.000000000e+00, v42;
	v30 =	vadd.f32 v29, v28;
	(pc) =	sbr.rel @p0 .LBB2_9-.Ltmp3, $4  }
0x237: {  	s14 =	sand.u32 $0xC00, s7;
	s13 =	sand.u32 $0x70, s9;
	v44 =	vmul.f32 $3.000000000e+00, v32;
	v31 =	vadd.f32 v36, v29;
	v26 =	vadd.f32 v22, v42  }
0x238: {  	s13 =	sor.u32 s13, s14;
	v39 =	vmul.f32 $3.000000000e+00, v35;
	v24 =	vadd.f32 v25, v32;
	v27 =	vadd.f32 v27, v22  }
0x239: {  	v40 =	vmul.f32 $3.000000000e+00, v34;
	v28 =	vadd.f32 v43, v25;
	v22 =	vadd.f32 v44, v35;
	v37 =	vld [tilespmem:s13+$0x4000]  }
0x23a: {  	s9 =	sadd.s32 $0x10, s9;
	v41 =	vmul.f32 $3.000000000e+00, v33;
	v29 =	vadd.f32 v39, v34;
	v25 =	vadd.f32 v42, v44;
	v38 =	vld [tilespmem:s13+$0x4080]  }
0x23b: {  	v43 =	vadd.f32 v40, v33  }
0x23c: {  	v42 =	vmul.f32 $3.000000000e+00, v36;
	v32 =	vadd.f32 v32, v39;
	v35 =	vadd.f32 v35, v40  }
0x23d: {  	vm8 =	vgt.f32 v30, $0.0e+00;
	vm9 =	vgt.f32 v31, $0.0e+00;
	vm10 =	vgt.f32 v26, $0.0e+00  }
0x23e: {  	vm7 =	vgt.f32 v24, $0.0e+00;
	vm6 =	vgt.f32 v28, $0.0e+00;
	vm11 =	vgt.f32 v27, $0.0e+00  }
0x23f: {  	v58 =	vld [tilespmem:s13+$0x5300];
	vm3 =	vgt.f32 v22, $0.0e+00;
	v36 =	vadd.f32 v41, v36;
	v34 =	vadd.f32 v34, v41  }
0x240: {  	v62 =	vld [tilespmem:s13+$0x5380];
	vm2 =	vgt.f32 v25, $0.0e+00;
	vm1 =	vgt.f32 v29, $0.0e+00;
	v47 =	vmpcnt.ones.xlane vm9  }
0x241: {  	v59 =	vld [tilespmem:s13+$0x5280];
	v44 =	vadd.f32 v42, v23;
	v63 =	vadd.f32 v33, v42;
	vm0 =	vgt.f32 v32, $0.0e+00  }
0x242: {  	v60 =	vld [tilespmem:s13+$0x5100];
	v42 =	vmpcnt.ones.xlane vm8;
	vm5 =	vgt.f32 v43, $0.0e+00;
	vm4 =	vgt.f32 v35, $0.0e+00  }
0x243: {  	v61 =	vld [tilespmem:s13+$0x5180];
	v30 =	vsub.f32 v37, v30;
	vm12 =	vgt.f32 v36, $0.0e+00;
	vm13 =	vgt.f32 v34, $0.0e+00  }
0x244: {  	v46 =	vld [tilespmem:s13+$0x5000];
	v52 =	vmpcnt.ones.xlane vm5;
	v55 =	vmpcnt.ones.xlane vm4;
	v31 =	vsub.f32 v38, v31  }
0x245: {  	v49 =	vld [tilespmem:s13+$0x4200];
	vm14 =	vgt.f32 v44, $0.0e+00;
	v54 =	vmpcnt.ones.xlane vm12;
	v39 =	vsub.f32 v58, v26  }
0x246: {  	v50 =	vld [tilespmem:s13+$0x4100];
	v57 =	vmpcnt.ones.xlane vm13;
	v40 =	vsub.f32 v62, v27;
	v41 =	vsub.f32 v59, v28  }
0x247: {  	v23 =	vld [tilespmem:s13+$0x5200];
	v37 =	vsub.f32 v60, v22;
	v22 =	vmpcnt.ones.xlane vm10;
	v26 =	vmpcnt.ones.xlane vm3  }
0x248: {  	v51 =	vld [tilespmem:s13+$0x4180];
	v38 =	vsub.f32 v61, v25;
	v25 =	vmpcnt.ones.xlane vm6;
	v28 =	vmpcnt.ones.xlane vm1  }
0x249: {  	v27 =	vmpcnt.ones.xlane vm2;
	v46 =	vsub.f32 v46, v29;
	v29 =	vmpcnt.ones.xlane vm0  }
0x24a: {  	v53 =	vld [tilespmem:s13+$0x4280];
	vm15 =	vgt.f32 v63, $0.0e+00;
	v56 =	vmpcnt.ones.xlane vm14;
	v30 =	vmul.f32 v30, v30  }
0x24b: {  	v48 =	vld [tilespmem:s13+$0x4300];
	v36 =	vsub.f32 v49, v36;
	v49 =	vmpcnt.ones.xlane vm15;
	v44 =	vsub.f32 v50, v44  }
0x24c: {  	v31 =	vmul.f32 v31, v31;
	v45 =	vsub.f32 v23, v24;
	v24 =	vmpcnt.ones.xlane vm7  }
0x24d: {  	v33 =	vsub.f32 v51, v63;
	v23 =	vmpcnt.ones.xlane vm11;
	v39 =	vmul.f32 v39, v39  }
0x24e: {  	s5 =	sor.u32 s7, s5;
	v40 =	vmul.f32 v40, v40;
	v37 =	vmul.f32 v37, v37  }
0x24f: {  	s5 =	sor.u32 $0x380, s5;
	v34 =	vsub.f32 v53, v34;
	v44 =	vmul.f32 v44, v44;
	v33 =	vmul.f32 v33, v33  }
0x250: {  	v43 =	vsub.f32 v48, v43;
	v62 =	vld [tilespmem:s5+$0x4000];
	v41 =	vmul.f32 v41, v41;
	v36 =	vmul.f32 v36, v36  }
0x251: {  	v18 =	vadd.s32 v18, v47;
	v34 =	vmul.f32 v34, v34;
	v38 =	vmul.f32 v38, v38  }
0x252: {  	v19 =	vadd.s32 v19, v42;
	v63 =	vld [tilespmem:s13+$0x5080];
	v43 =	vmul.f32 v43, v43;
	v46 =	vmul.f32 v46, v46  }
0x253: {  	v19 =	vadd.s32 v56, v19;
	v18 =	vadd.s32 v49, v18;
	v58 =	vadd.f32 v31, v30  }
0x254: {  	v30 =	vnsel vm8, $0x0, v30;
	v31 =	vnsel vm9, $0x0, v31;
	v59 =	vadd.f32 v33, v44  }
0x255: {  	v19 =	vadd.s32 v54, v19;
	v35 =	vsub.f32 v62, v35;
	v21 =	vadd.f32 v58, v21  }
0x256: {  	v18 =	vadd.s32 v57, v18;
	v45 =	vmul.f32 v45, v45;
	v60 =	vadd.f32 v34, v36  }
0x257: {  	v32 =	vsub.f32 v63, v32;
	v21 =	vadd.f32 v59, v21;
	v35 =	vmul.f32 v35, v35  }
0x258: {  	v50 =	vnsel vm10, $0x0, v39;
	v39 =	vadd.f32 v40, v39;
	v20 =	vadd.f32 v30, v20  }
0x259: {  	v48 =	vld [tilespmem:s4+$0x0];
	v32 =	vmul.f32 v32, v32;
	v21 =	vadd.f32 v60, v21;
	v61 =	vadd.f32 v35, v43  }
0x25a: {  	v40 =	vnsel vm11, $0x0, v40;
	v30 =	vadd.f32 v38, v37;
	v17 =	vadd.f32 v31, v17  }
0x25b: {  	v31 =	vnsel vm14, $0x0, v44;
	v63 =	vadd.f32 v32, v46;
	v21 =	vadd.f32 v61, v21  }
0x25c: {  	v37 =	vnsel vm3, $0x0, v37;
	v51 =	vnsel vm1, $0x0, v46;
	v62 =	vadd.f32 v41, v45  }
0x25d: {  	v44 =	vld [tilespmem:s31+$0x0];
	v20 =	vadd.f32 v31, v20;
	v31 =	vnsel vm15, $0x0, v33;
	v21 =	vadd.f32 v63, v21  }
0x25e: {  	v33 =	vand.u32 $0x7F, v48;
	v17 =	vadd.f32 v31, v17;
	v31 =	vnsel vm12, $0x0, v36  }
0x25f: {  	v20 =	vadd.f32 v31, v20;
	v21 =	vadd.f32 v30, v21;
	v30 =	vnsel vm13, $0x0, v34  }
0x260: {  	v31 =	vnsel vm2, $0x0, v38;
	v17 =	vadd.f32 v30, v17;
	v30 =	vnsel vm5, $0x0, v43  }
0x261: {  	v21 =	vadd.f32 v62, v21;
	v20 =	vadd.f32 v30, v20;
	v30 =	vnsel vm4, $0x0, v35  }
0x262: {  	v35 =	vand.u32 $0x7F, v44;
	v30 =	vadd.f32 v30, v17;
	v17 =	vshll.u32 v44, $0x3  }
0x263: {  	v53 =	vor.u32 v35, v1;
	v38 =	vand.u32 $0xFFFFFC00, v17;
	v17 =	vshll.u32 v48, $0x3  }
0x264: {  	v58 =	vor.u32 v33, v1;
	v43 =	vand.u32 $0xFFFFFC00, v17;
	v36 =	vadd.s32 v38, v53  }
0x265: {  	v17 =	vadd.f32 v39, v21;
	v59 =	vadd.s32 v10, v38;
	v21 =	vadd.s32 v43, v58  }
0x266: {  	v19 =	vadd.s32 v52, v19;
	v61 =	vadd.s32 v9, v38;
	v39 =	vor.u32 v35, v59  }
0x267: {  	v18 =	vadd.s32 v55, v18;
	v48 =	vadd.s32 v7, v38;
	v62 =	vor.u32 v35, v61  }
0x268: {  	v32 =	vnsel vm0, $0x0, v32;
	v53 =	vadd.s32 v6, v38;
	v46 =	vor.u32 v35, v48  }
0x269: {  	v30 =	vadd.f32 v32, v30;
	v57 =	vadd.s32 v5, v38;
	v32 =	vor.u32 v35, v53;
	v36 =	vld.idx.msk [tilespmem:v36+s22+$0x0], $0xffff  }
0x26a: {  	v19 =	vadd.s32 v28, v19;
	v60 =	vadd.s32 v10, v43;
	v58 =	vor.u32 v35, v57;
	v21 =	vld.idx.msk [tilespmem:v21+s22+$0x0], $0xffff  }
0x26b: {  	v18 =	vadd.s32 v29, v18;
	v63 =	vadd.s32 v9, v43;
	v42 =	vor.u32 v33, v60;
	v39 =	vld.idx.msk [tilespmem:v39+s22+$0x0], $0xffff  }
0x26c: {  	v20 =	vadd.f32 v51, v20;
	v51 =	vadd.s32 v7, v43;
	v44 =	vor.u32 v33, v63;
	v34 =	vld.idx.msk [tilespmem:v62+s22+$0x0], $0xffff  }
0x26d: {  	v45 =	vnsel vm7, $0x0, v45;
	v56 =	vadd.s32 v6, v43;
	v47 =	vor.u32 v33, v51;
	v46 =	vld.idx.msk [tilespmem:v46+s22+$0x0], $0xffff  }
0x26e: {  	v20 =	vadd.f32 v37, v20;
	v59 =	vadd.s32 v5, v43;
	v48 =	vor.u32 v33, v56;
	v32 =	vld.idx.msk [tilespmem:v32+s22+$0x0], $0xffff  }
0x26f: {  	v61 =	vadd.s32 v4, v43;
	v60 =	vadd.s32 v4, v38;
	v49 =	vor.u32 v33, v59;
	v37 =	vld.idx.msk [tilespmem:v58+s22+$0x0], $0xffff  }
0x270: {  	v30 =	vadd.f32 v31, v30;
	v31 =	vadd.s32 v3, v38;
	v52 =	vor.u32 v33, v61;
	v42 =	vld.idx.msk [tilespmem:v42+s22+$0x0], $0xffff  }
0x271: {  	v51 =	vor.u32 v35, v60;
	v28 =	vor.u32 v35, v31;
	v31 =	vadd.s32 v3, v43;
	v44 =	vld.idx.msk [tilespmem:v44+s22+$0x0], $0xffff  }
0x272: {  	v41 =	vnsel vm6, $0x0, v41;
	v19 =	vadd.s32 v26, v19;
	v31 =	vor.u32 v33, v31;
	v47 =	vld.idx.msk [tilespmem:v47+s22+$0x0], $0xffff  }
0x273: {  	v18 =	vadd.s32 v27, v18;
	v24 =	vadd.s32 v24, v19;
	v29 =	vadd.s32 v0, v38;
	v48 =	vld.idx.msk [tilespmem:v48+s22+$0x0], $0xffff  }
0x274: {  	v25 =	vadd.s32 v25, v18;
	v29 =	vor.u32 v35, v29;
	v38 =	vadd.s32 v2, v38;
	v49 =	vld.idx.msk [tilespmem:v49+s22+$0x0], $0xffff  }
0x275: {  	v20 =	vadd.f32 v45, v20;
	v27 =	vor.u32 v35, v38;
	v62 =	vadd.s32 v0, v43;
	v53 =	vld.idx.msk [tilespmem:v52+s22+$0x0], $0xffff  }
0x276: {  	v26 =	vor.u32 v33, v62;
	v63 =	vld.idx.msk [tilespmem:v51+s22+$0x0], $0xffff;
	v54 =	vmul.f32 $1.875000000e-01, v36;
	v55 =	vmul.f32 $6.250000000e-02, v21  }
0x277: {  	v21 =	vadd.f32 v41, v30;
	v30 =	vld.idx.msk [tilespmem:v31+s22+$0x0], $0xffff;
	v31 =	vmul.f32 $1.875000000e-01, v39;
	v34 =	vmul.f32 $1.875000000e-01, v34  }
0x278: {  	v51 =	vadd.s32 v2, v43;
	v28 =	vld.idx.msk [tilespmem:v28+s22+$0x0], $0xffff;
	v58 =	vmul.f32 $1.875000000e-01, v46;
	v32 =	vmul.f32 $1.875000000e-01, v32  }
0x279: {  	v29 =	vld.idx.msk [tilespmem:v29+s22+$0x0], $0xffff;
	v33 =	vor.u32 v33, v51;
	v37 =	vmul.f32 $1.875000000e-01, v37;
	v56 =	vmul.f32 $6.250000000e-02, v42  }
0x27a: {  	v18 =	vadd.f32 v50, v20;
	v60 =	vld.idx.msk [tilespmem:v27+s22+$0x0], $0xffff;
	v57 =	vmul.f32 $6.250000000e-02, v44;
	v59 =	vmul.f32 $6.250000000e-02, v47  }
0x27b: {  	v20 =	vadd.s32 v23, v25;
	v61 =	vmul.f32 $6.250000000e-02, v48;
	v62 =	vmul.f32 $6.250000000e-02, v49  }
0x27c: {  	v26 =	vld.idx.msk [tilespmem:v26+s22+$0x0], $0xffff;
	v19 =	vadd.f32 v40, v21;
	v21 =	vadd.s32 v22, v24;
	v22 =	vmul.f32 $1.875000000e-01, v63  }
0x27d: {  	v24 =	vmul.f32 $6.250000000e-02, v53;
	v23 =	vmul.f32 $1.875000000e-01, v28;
	v41 =	vadd.f32 v57, v34  }
0x27e: {  	v28 =	vmul.f32 $1.875000000e-01, v29;
	v33 =	vld.idx.msk [tilespmem:v33+s22+$0x0], $0xffff;
	v36 =	vadd.f32 v61, v32;
	v63 =	vadd.f32 v59, v58  }
0x27f: {  	v29 =	vmul.f32 $1.875000000e-01, v60;
	v38 =	vadd.f32 v62, v37;
	v37 =	vadd.f32 v24, v22  }
0x280: {  	v25 =	vmul.f32 $6.250000000e-02, v30;
	v30 =	vadd.f32 v56, v31;
	v22 =	vmul.f32 $3.000000000e+00, v41  }
0x281: {  	v27 =	vadd.f32 v55, v54;
	v24 =	vmul.f32 $3.000000000e+00, v36;
	v26 =	vmul.f32 $6.250000000e-02, v26  }
0x282: {  	v34 =	vadd.f32 v25, v23;
	v23 =	vmul.f32 $3.000000000e+00, v63;
	v30 =	vadd.f32 v30, v22  }
0x283: {  	v31 =	vmul.f32 $6.250000000e-02, v33;
	v26 =	vadd.f32 v26, v28;
	v28 =	vmul.f32 $3.000000000e+00, v27  }
0x284: {  	v42 =	vmul.f32 $3.000000000e+00, v38;
	v25 =	vadd.f32 v24, v38;
	v32 =	vadd.f32 v41, v23  }
0x285: {  	v43 =	vmul.f32 $3.000000000e+00, v37;
	v39 =	vadd.f32 v31, v29;
	v33 =	vadd.f32 v28, v26  }
0x286: {  	s9 =	sor.u32 s15, s24;
	v44 =	vmul.f32 $3.000000000e+00, v34;
	v29 =	vadd.f32 v22, v63;
	v26 =	vadd.f32 v23, v36  }
0x287: {  	v40 =	vld [tilespmem:s9+$0x6000];
	v31 =	vadd.f32 v42, v37;
	v23 =	vimm.f32 $0.0e+00;
	v22 =	vimm.s32 $0x0  }
0x288: {  	s7 =	simm.s32 $0x10;
	s5 =	simm.s32 $0x0;
	v41 =	vld [tilespmem:s9+$0x6080];
	v35 =	vadd.f32 v39, v28;
	v28 =	vadd.f32 v63, v24;
	v24 =	vimm.f32 $0.0e+00  }
.LBB2_11:
0x289: {  	p0 =	sne.s32 s7, $0x1F0;
	v45 =	vmul.f32 $3.000000000e+00, v39;
	v46 =	vadd.f32 v43, v34;
	v36 =	vadd.f32 v36, v42;
	v42 =	vld [tilespmem:s9+$0x7300]  }
0x28a: {  	v38 =	vadd.f32 v38, v43;
	v39 =	vadd.f32 v44, v39;
	v43 =	vld [tilespmem:s9+$0x7380]  }
0x28b: {  	v37 =	vadd.f32 v37, v44;
	v47 =	vadd.f32 v45, v27;
	v27 =	vld [tilespmem:s9+$0x7200]  }
0x28c: {  	vm8 =	vgt.f32 v33, $0.0e+00;
	vm9 =	vgt.f32 v35, $0.0e+00;
	v34 =	vadd.f32 v34, v45;
	v44 =	vld [tilespmem:s9+$0x7280]  }
0x28d: {  	vm10 =	vgt.f32 v29, $0.0e+00;
	v33 =	vsub.f32 v40, v33;
	v35 =	vsub.f32 v41, v35;
	v40 =	vld [tilespmem:s9+$0x7100]  }
0x28e: {  	vm7 =	vgt.f32 v26, $0.0e+00;
	vm6 =	vgt.f32 v32, $0.0e+00;
	vm11 =	vgt.f32 v30, $0.0e+00;
	v41 =	vld [tilespmem:s9+$0x7180]  }
0x28f: {  	vm4 =	vgt.f32 v25, $0.0e+00;
	vm2 =	vgt.f32 v28, $0.0e+00;
	v42 =	vsub.f32 v42, v29  }
0x290: {  	vm1 =	vgt.f32 v31, $0.0e+00;
	vm0 =	vgt.f32 v36, $0.0e+00;
	v43 =	vsub.f32 v43, v30  }
0x291: {  	v30 =	vmpcnt.ones.xlane vm8;
	v48 =	vsub.f32 v27, v26;
	v45 =	vld [tilespmem:s9+$0x7000];
	v32 =	vsub.f32 v44, v32  }
0x292: {  	vm5 =	vgt.f32 v46, $0.0e+00;
	vm3 =	vgt.f32 v38, $0.0e+00;
	v44 =	vmpcnt.ones.xlane vm9  }
0x293: {  	v40 =	vsub.f32 v40, v25;
	v25 =	vmpcnt.ones.xlane vm10;
	v41 =	vsub.f32 v41, v28  }
0x294: {  	vm12 =	vgt.f32 v39, $0.0e+00;
	v27 =	vmpcnt.ones.xlane vm7;
	v26 =	vmpcnt.ones.xlane vm11;
	v49 =	vld [tilespmem:s9+$0x6300]  }
0x295: {  	vm13 =	vgt.f32 v37, $0.0e+00;
	v29 =	vmpcnt.ones.xlane vm4;
	v28 =	vmpcnt.ones.xlane vm6;
	v50 =	vld [tilespmem:s9+$0x6200]  }
0x296: {  	v52 =	vmpcnt.ones.xlane vm1;
	v51 =	vld [tilespmem:s9+$0x6100];
	v45 =	vsub.f32 v45, v31;
	v31 =	vmpcnt.ones.xlane vm2  }
0x297: {  	v54 =	vmpcnt.ones.xlane vm5;
	v55 =	vmpcnt.ones.xlane vm0;
	vm14 =	vgt.f32 v47, $0.0e+00;
	v53 =	vld [tilespmem:s9+$0x6180]  }
0x298: {  	s11 =	sor.u32 s5, s0;
	s0 =	smov.u32 s7;
	v58 =	vmpcnt.ones.xlane vm3;
	vm15 =	vgt.f32 v34, $0.0e+00;
	v57 =	vmpcnt.ones.xlane vm12;
	v56 =	vld [tilespmem:s9+$0x6280]  }
0x299: {  	s11 =	sor.u32 $0x380, s11;
	v60 =	vmpcnt.ones.xlane vm13;
	v59 =	vmpcnt.ones.xlane vm14;
	v46 =	vsub.f32 v49, v46  }
0x29a: {  	v33 =	vmul.f32 v33, v33;
	v49 =	vmpcnt.ones.xlane vm15;
	v39 =	vsub.f32 v50, v39;
	v50 =	vld [tilespmem:s11+$0x6000]  }
0x29b: {  	v35 =	vmul.f32 v35, v35;
	v42 =	vmul.f32 v42, v42;
	v47 =	vsub.f32 v51, v47  }
0x29c: {  	v43 =	vmul.f32 v43, v43;
	v48 =	vmul.f32 v48, v48;
	v34 =	vsub.f32 v53, v34;
	v51 =	vld [tilespmem:s9+$0x7080]  }
0x29d: {  	v32 =	vmul.f32 v32, v32;
	v40 =	vmul.f32 v40, v40;
	v37 =	vsub.f32 v56, v37  }
0x29e: {  	v53 =	vadd.f32 v35, v33;
	v47 =	vmul.f32 v47, v47;
	v34 =	vmul.f32 v34, v34  }
0x29f: {  	v41 =	vmul.f32 v41, v41;
	v39 =	vmul.f32 v39, v39;
	v38 =	vsub.f32 v50, v38  }
0x2a0: {  	v16 =	vadd.f32 v53, v16;
	v37 =	vmul.f32 v37, v37;
	v50 =	vadd.f32 v34, v47  }
0x2a1: {  	v45 =	vmul.f32 v45, v45;
	v46 =	vmul.f32 v46, v46;
	v36 =	vsub.f32 v51, v36  }
0x2a2: {  	v38 =	vmul.f32 v38, v38;
	v16 =	vadd.f32 v50, v16;
	v50 =	vadd.f32 v37, v39  }
0x2a3: {  	v33 =	vnsel vm8, $0x0, v33;
	v35 =	vnsel vm9, $0x0, v35;
	v36 =	vmul.f32 v36, v36  }
0x2a4: {  	v51 =	vnsel vm10, $0x0, v42;
	v16 =	vadd.f32 v50, v16;
	v50 =	vadd.f32 v38, v46  }
0x2a5: {  	v53 =	vadd.f32 v32, v48;
	v42 =	vadd.f32 v43, v42;
	v43 =	vnsel vm11, $0x0, v43  }
0x2a6: {  	v48 =	vnsel vm7, $0x0, v48;
	v16 =	vadd.f32 v50, v16;
	v50 =	vadd.f32 v36, v45  }
0x2a7: {  	v24 =	vadd.f32 v33, v24;
	v33 =	vadd.f32 v41, v40;
	v32 =	vnsel vm6, $0x0, v32  }
0x2a8: {  	v23 =	vadd.f32 v35, v23;
	v35 =	vnsel vm14, $0x0, v47;
	v16 =	vadd.f32 v50, v16  }
0x2a9: {  	v24 =	vadd.f32 v35, v24;
	v34 =	vnsel vm15, $0x0, v34;
	v35 =	vnsel vm4, $0x0, v40  }
0x2aa: {  	v23 =	vadd.f32 v34, v23;
	v34 =	vnsel vm12, $0x0, v39;
	v16 =	vadd.f32 v33, v16  }
0x2ab: {  	v24 =	vadd.f32 v34, v24;
	v34 =	vnsel vm2, $0x0, v41;
	v33 =	vnsel vm13, $0x0, v37  }
0x2ac: {  	v23 =	vadd.f32 v33, v23;
	v33 =	vnsel vm5, $0x0, v46;
	v16 =	vadd.f32 v53, v16  }
0x2ad: {  	v37 =	vnsel vm1, $0x0, v45;
	v24 =	vadd.f32 v33, v24;
	v33 =	vnsel vm3, $0x0, v38  }
0x2ae: {  	v23 =	vadd.f32 v33, v23;
	v33 =	vnsel vm0, $0x0, v36;
	v16 =	vadd.f32 v42, v16  }
0x2af: {  	v15 =	vadd.s32 v15, v30;
	v22 =	vadd.s32 v22, v44;
	v24 =	vadd.f32 v37, v24  }
0x2b0: {  	s31 =	sadd.s32 $0x10, s31;
	v15 =	vadd.s32 v59, v15;
	v22 =	vadd.s32 v49, v22;
	v23 =	vadd.f32 v33, v23  }
0x2b1: {  	s4 =	sadd.s32 $0x10, s4;
	v15 =	vadd.s32 v57, v15;
	v22 =	vadd.s32 v60, v22;
	v24 =	vadd.f32 v35, v24;
	v30 =	vld [tilespmem:s31+$0x0]  }
0x2b2: {  	v15 =	vadd.s32 v54, v15;
	v22 =	vadd.s32 v58, v22;
	v23 =	vadd.f32 v34, v23;
	v33 =	vld [tilespmem:s4+$0x0]  }
0x2b3: {  	v15 =	vadd.s32 v52, v15;
	v22 =	vadd.s32 v55, v22;
	v24 =	vadd.f32 v48, v24  }
0x2b4: {  	v15 =	vadd.s32 v29, v15;
	v22 =	vadd.s32 v31, v22;
	v23 =	vadd.f32 v32, v23  }
0x2b5: {  	v15 =	vadd.s32 v27, v15;
	v22 =	vadd.s32 v28, v22;
	v24 =	vadd.f32 v51, v24  }
0x2b6: {  	v15 =	vadd.s32 v25, v15;
	v22 =	vadd.s32 v26, v22;
	v23 =	vadd.f32 v43, v23  }
0x2b7: {  	v25 =	vand.u32 $0x7F, v30;
	v26 =	vshll.u32 v30, $0x3;
	v27 =	vand.u32 $0x7F, v33  }
0x2b8: {  	v26 =	vand.u32 $0xFFFFFC00, v26;
	v28 =	vshll.u32 v33, $0x3;
	v29 =	vor.u32 v25, v1  }
0x2b9: {  	v28 =	vand.u32 $0xFFFFFC00, v28;
	v29 =	vadd.s32 v26, v29;
	v30 =	vor.u32 v27, v1  }
0x2ba: {  	v31 =	vadd.s32 v10, v26;
	v30 =	vadd.s32 v28, v30  }
0x2bb: {  	v31 =	vor.u32 v25, v31;
	v32 =	vadd.s32 v10, v28  }
0x2bc: {  	v33 =	vadd.s32 v9, v26;
	v32 =	vor.u32 v27, v32  }
0x2bd: {  	v33 =	vor.u32 v25, v33;
	v34 =	vadd.s32 v9, v28  }
0x2be: {  	v35 =	vadd.s32 v7, v26;
	v34 =	vor.u32 v27, v34;
	v29 =	vld.idx.msk [tilespmem:v29+s22+$0x0], $0xffff  }
0x2bf: {  	v35 =	vor.u32 v25, v35;
	v36 =	vadd.s32 v7, v28;
	v30 =	vld.idx.msk [tilespmem:v30+s22+$0x0], $0xffff  }
0x2c0: {  	v37 =	vadd.s32 v6, v26;
	v36 =	vor.u32 v27, v36;
	v31 =	vld.idx.msk [tilespmem:v31+s22+$0x0], $0xffff  }
0x2c1: {  	v37 =	vor.u32 v25, v37;
	v38 =	vadd.s32 v6, v28;
	v32 =	vld.idx.msk [tilespmem:v32+s22+$0x0], $0xffff  }
0x2c2: {  	v39 =	vadd.s32 v5, v26;
	v38 =	vor.u32 v27, v38;
	v33 =	vld.idx.msk [tilespmem:v33+s22+$0x0], $0xffff  }
0x2c3: {  	v39 =	vor.u32 v25, v39;
	v40 =	vadd.s32 v5, v28;
	v34 =	vld.idx.msk [tilespmem:v34+s22+$0x0], $0xffff  }
0x2c4: {  	v41 =	vadd.s32 v4, v26;
	v40 =	vor.u32 v27, v40;
	v35 =	vld.idx.msk [tilespmem:v35+s22+$0x0], $0xffff  }
0x2c5: {  	v41 =	vor.u32 v25, v41;
	v42 =	vadd.s32 v4, v28;
	v36 =	vld.idx.msk [tilespmem:v36+s22+$0x0], $0xffff  }
0x2c6: {  	v43 =	vadd.s32 v3, v26;
	v42 =	vor.u32 v27, v42;
	v37 =	vld.idx.msk [tilespmem:v37+s22+$0x0], $0xffff  }
0x2c7: {  	v43 =	vor.u32 v25, v43;
	v44 =	vadd.s32 v3, v28;
	v38 =	vld.idx.msk [tilespmem:v38+s22+$0x0], $0xffff  }
0x2c8: {  	v45 =	vadd.s32 v0, v26;
	v44 =	vor.u32 v27, v44;
	v39 =	vld.idx.msk [tilespmem:v39+s22+$0x0], $0xffff  }
0x2c9: {  	v45 =	vor.u32 v25, v45;
	v46 =	vadd.s32 v0, v28;
	v40 =	vld.idx.msk [tilespmem:v40+s22+$0x0], $0xffff  }
0x2ca: {  	v26 =	vadd.s32 v2, v26;
	v46 =	vor.u32 v27, v46;
	v41 =	vld.idx.msk [tilespmem:v41+s22+$0x0], $0xffff  }
0x2cb: {  	v25 =	vor.u32 v25, v26;
	v26 =	vadd.s32 v2, v28;
	v28 =	vld.idx.msk [tilespmem:v42+s22+$0x0], $0xffff  }
0x2cc: {  	v26 =	vor.u32 v27, v26;
	v27 =	vld.idx.msk [tilespmem:v43+s22+$0x0], $0xffff  }
0x2cd: {  	v29 =	vmul.f32 $1.875000000e-01, v29;
	v30 =	vmul.f32 $6.250000000e-02, v30;
	v42 =	vld.idx.msk [tilespmem:v44+s22+$0x0], $0xffff  }
0x2ce: {  	v31 =	vmul.f32 $1.875000000e-01, v31;
	v32 =	vmul.f32 $6.250000000e-02, v32;
	v43 =	vld.idx.msk [tilespmem:v45+s22+$0x0], $0xffff  }
0x2cf: {  	v33 =	vmul.f32 $1.875000000e-01, v33;
	v34 =	vmul.f32 $6.250000000e-02, v34;
	v44 =	vld.idx.msk [tilespmem:v46+s22+$0x0], $0xffff  }
0x2d0: {  	v35 =	vmul.f32 $1.875000000e-01, v35;
	v45 =	vmul.f32 $6.250000000e-02, v36;
	v25 =	vld.idx.msk [tilespmem:v25+s22+$0x0], $0xffff  }
0x2d1: {  	v36 =	vmul.f32 $1.875000000e-01, v37;
	v37 =	vmul.f32 $6.250000000e-02, v38;
	v26 =	vld.idx.msk [tilespmem:v26+s22+$0x0], $0xffff  }
0x2d2: {  	v38 =	vmul.f32 $1.875000000e-01, v39;
	v39 =	vmul.f32 $6.250000000e-02, v40  }
0x2d3: {  	v40 =	vmul.f32 $1.875000000e-01, v41;
	v28 =	vmul.f32 $6.250000000e-02, v28  }
0x2d4: {  	v41 =	vmul.f32 $1.875000000e-01, v27;
	v42 =	vmul.f32 $6.250000000e-02, v42  }
0x2d5: {  	v27 =	vadd.f32 v30, v29;
	v43 =	vmul.f32 $1.875000000e-01, v43;
	v44 =	vmul.f32 $6.250000000e-02, v44  }
0x2d6: {  	v46 =	vadd.f32 v34, v33;
	v30 =	vadd.f32 v32, v31;
	v25 =	vmul.f32 $1.875000000e-01, v25  }
0x2d7: {  	v36 =	vadd.f32 v37, v36;
	v45 =	vadd.f32 v45, v35;
	v26 =	vmul.f32 $6.250000000e-02, v26  }
0x2d8: {  	v38 =	vadd.f32 v39, v38;
	v31 =	vmul.f32 $3.000000000e+00, v27;
	v29 =	vadd.f32 v44, v43  }
0x2d9: {  	v37 =	vadd.f32 v28, v40;
	v39 =	vadd.f32 v26, v25;
	v25 =	vmul.f32 $3.000000000e+00, v46  }
.Ltmp4:
0x2da: {  	s5 =	sadd.s32 $0x80, s5;
	v28 =	vmul.f32 $3.000000000e+00, v45;
	v34 =	vadd.f32 v42, v41;
	v33 =	vadd.f32 v31, v29;
	(pc) =	sbr.rel @p0 .LBB2_11-.Ltmp4, $4  }
0x2db: {  	s11 =	sand.u32 $0xC00, s5;
	s9 =	sand.u32 $0x70, s7;
	v47 =	vmul.f32 $3.000000000e+00, v36;
	v35 =	vadd.f32 v39, v31;
	v29 =	vadd.f32 v25, v45  }
0x2dc: {  	s9 =	sor.u32 s9, s11;
	v42 =	vmul.f32 $3.000000000e+00, v38;
	v26 =	vadd.f32 v28, v36;
	v30 =	vadd.f32 v30, v25  }
0x2dd: {  	v32 =	vadd.f32 v46, v28;
	v43 =	vmul.f32 $3.000000000e+00, v37;
	v25 =	vadd.f32 v47, v38;
	v40 =	vld [tilespmem:s9+$0x6000]  }
0x2de: {  	s7 =	sadd.s32 $0x10, s7;
	v44 =	vmul.f32 $3.000000000e+00, v34;
	v28 =	vadd.f32 v45, v47;
	v31 =	vadd.f32 v42, v37;
	v41 =	vld [tilespmem:s9+$0x6080]  }
0x2df: {  	v46 =	vadd.f32 v43, v34  }
0x2e0: {  	v45 =	vmul.f32 $3.000000000e+00, v39;
	v36 =	vadd.f32 v36, v42;
	v38 =	vadd.f32 v38, v43  }
0x2e1: {  	vm13 =	vgt.f32 v33, $0.0e+00;
	vm10 =	vgt.f32 v35, $0.0e+00;
	vm0 =	vgt.f32 v29, $0.0e+00  }
0x2e2: {  	vm3 =	vgt.f32 v26, $0.0e+00;
	vm2 =	vgt.f32 v32, $0.0e+00;
	vm1 =	vgt.f32 v30, $0.0e+00  }
0x2e3: {  	vm4 =	vgt.f32 v25, $0.0e+00;
	v18 =	vadd.f32 v19, v18;
	v39 =	vadd.f32 v44, v39  }
0x2e4: {  	v54 =	vld [tilespmem:s9+$0x7300];
	v37 =	vadd.f32 v37, v44;
	vm5 =	vgt.f32 v28, $0.0e+00;
	v42 =	vmpcnt.ones.xlane vm13  }
0x2e5: {  	v55 =	vld [tilespmem:s9+$0x7380];
	vm7 =	vgt.f32 v31, $0.0e+00;
	v44 =	vmpcnt.ones.xlane vm10;
	v47 =	vmpcnt.ones.xlane vm1  }
0x2e6: {  	v56 =	vld [tilespmem:s9+$0x7200];
	v48 =	vmpcnt.ones.xlane vm4;
	v49 =	vmpcnt.ones.xlane vm2;
	v27 =	vadd.f32 v45, v27  }
0x2e7: {  	v57 =	vld [tilespmem:s9+$0x7280];
	v34 =	vadd.f32 v34, v45;
	vm6 =	vgt.f32 v36, $0.0e+00;
	vm9 =	vgt.f32 v46, $0.0e+00  }
0x2e8: {  	v58 =	vld [tilespmem:s9+$0x7100];
	vm8 =	vgt.f32 v38, $0.0e+00;
	v45 =	vmpcnt.ones.xlane vm3;
	v43 =	vmpcnt.ones.xlane vm7  }
0x2e9: {  	v59 =	vld [tilespmem:s9+$0x7180];
	v51 =	vmpcnt.ones.xlane vm5;
	v33 =	vsub.f32 v40, v33;
	v40 =	vmpcnt.ones.xlane vm0  }
0x2ea: {  	v60 =	vld [tilespmem:s9+$0x7000];
	vm12 =	vgt.f32 v39, $0.0e+00;
	vm11 =	vgt.f32 v37, $0.0e+00;
	v15 =	vadd.s32 v15, v42  }
0x2eb: {  	v50 =	vld [tilespmem:s9+$0x6100];
	v35 =	vsub.f32 v41, v35;
	vm15 =	vgt.f32 v27, $0.0e+00;
	v29 =	vsub.f32 v54, v29  }
0x2ec: {  	v52 =	vld [tilespmem:s9+$0x6180];
	vm14 =	vgt.f32 v34, $0.0e+00;
	v30 =	vsub.f32 v55, v30;
	v26 =	vsub.f32 v56, v26  }
0x2ed: {  	v53 =	vld [tilespmem:s9+$0x6200];
	v32 =	vsub.f32 v57, v32;
	v25 =	vsub.f32 v58, v25;
	v54 =	vmpcnt.ones.xlane vm9  }
0x2ee: {  	s0 =	sor.u32 s5, s0;
	v28 =	vsub.f32 v59, v28;
	v55 =	vmpcnt.ones.xlane vm6;
	v56 =	vmpcnt.ones.xlane vm12  }
0x2ef: {  	v62 =	vld [tilespmem:s9+$0x7080];
	s0 =	sor.u32 $0x380, s0;
	v31 =	vsub.f32 v60, v31;
	v57 =	vmpcnt.ones.xlane vm8;
	v59 =	vmpcnt.ones.xlane vm15  }
0x2f0: {  	v61 =	vld [tilespmem:s0+$0x6000];
	v60 =	vmpcnt.ones.xlane vm11;
	v33 =	vmul.f32 v33, v33;
	v27 =	vsub.f32 v50, v27  }
0x2f1: {  	v34 =	vsub.f32 v52, v34;
	v35 =	vmul.f32 v35, v35;
	v29 =	vmul.f32 v29, v29  }
0x2f2: {  	v39 =	vsub.f32 v53, v39;
	v26 =	vmul.f32 v26, v26;
	v25 =	vmul.f32 v25, v25  }
0x2f3: {  	v22 =	vadd.s32 v22, v44;
	v41 =	vld [tilespmem:s9+$0x6300];
	v27 =	vmul.f32 v27, v27;
	v34 =	vmul.f32 v34, v34  }
0x2f4: {  	v36 =	vsub.f32 v62, v36;
	v32 =	vmul.f32 v32, v32;
	v39 =	vmul.f32 v39, v39  }
0x2f5: {  	v28 =	vmul.f32 v28, v28;
	v38 =	vsub.f32 v61, v38;
	v31 =	vmul.f32 v31, v31  }
0x2f6: {  	v58 =	vld [tilespmem:s9+$0x6280];
	v15 =	vadd.s32 v59, v15;
	v36 =	vmul.f32 v36, v36;
	v63 =	vadd.f32 v35, v33  }
0x2f7: {  	v33 =	vnsel vm13, $0x0, v33;
	v35 =	vnsel vm10, $0x0, v35;
	v15 =	vadd.s32 v56, v15  }
0x2f8: {  	v41 =	vsub.f32 v41, v46;
	v46 =	vmpcnt.ones.xlane vm14;
	v38 =	vmul.f32 v38, v38  }
0x2f9: {  	v15 =	vadd.s32 v54, v15;
	v62 =	vadd.f32 v33, v24;
	v24 =	vnsel vm15, $0x0, v27  }
0x2fa: {  	(xrf0) =	vadd.scan.msk.s32 $0xffff, v21;
	v33 =	vnsel vm12, $0x0, v39;
	v50 =	vnsel vm5, $0x0, v28;
	v22 =	vadd.s32 v46, v22  }
0x2fb: {  	v37 =	vsub.f32 v58, v37;
	v16 =	vadd.f32 v63, v16;
	v22 =	vadd.s32 v60, v22  }
0x2fc: {  	v58 =	vadd.f32 v34, v27;
	v15 =	vadd.s32 v43, v15;
	v22 =	vadd.s32 v57, v22  }
0x2fd: {  	v63 =	vadd.f32 v35, v23;
	v15 =	vadd.s32 v48, v15;
	v22 =	vadd.s32 v55, v22  }
0x2fe: {  	(xrf0) =	vadd.scan.msk.s32 $0xffff, v20;
	v27 =	vnsel vm14, $0x0, v34;
	v15 =	vadd.s32 v45, v15;
	v22 =	vadd.s32 v51, v22  }
0x2ff: {  	v21 =	vadd.f32 v24, v62;
	v15 =	vadd.s32 v40, v15;
	v22 =	vadd.s32 v49, v22  }
0x300: {  	v34, _, _ =	vpop (xrf0);
	v37 =	vmul.f32 v37, v37;
	v16 =	vadd.f32 v58, v16;
	(xrf0) =	vadd.scan.msk.s32 $0xffff, v15;
	v22 =	vadd.s32 v47, v22  }
0x301: {  	v41 =	vmul.f32 v41, v41;
	v20 =	vadd.f32 v27, v63;
	(v2sf) =	vpush v34, $0xF;
	(xrf0) =	vadd.scan.msk.s32 $0xffff, v22  }
0x302: {  	v21 =	vadd.f32 v33, v21;
	v61 =	vadd.f32 v37, v39;
	v39 =	vnsel vm11, $0x0, v37  }
0x303: {  	v15 =	vadd.f32 v38, v41;
	v41 =	vnsel vm9, $0x0, v41;
	v20 =	vadd.f32 v39, v20  }
0x304: {  	v42 =	vnsel vm8, $0x0, v38;
	v40, _, _ =	vpop (xrf0);
	v21 =	vadd.f32 v41, v21;
	v16 =	vadd.f32 v61, v16  }
0x305: {  	v43 =	vnsel vm7, $0x0, v31;
	(v2sf) =	vpush v40, $0xF;
	v20 =	vadd.f32 v42, v20  }
0x306: {  	v46 =	vnsel vm6, $0x0, v36;
	v15 =	vadd.f32 v15, v16;
	v16 =	vadd.f32 v43, v21;
	v44, _, _ =	vpop (xrf0)  }
0x307: {  	v52 =	vnsel vm2, $0x0, v32;
	v20 =	vadd.f32 v46, v20;
	(v2sf) =	vpush v44, $0xF;
	v48, _, _ =	vpop (xrf0)  }
0x308: {  	v45 =	vadd.f32 v36, v31;
	v49 =	vnsel vm4, $0x0, v25;
	(v2sf) =	vpush v48, $0xF  }
0x309: {  	v51 =	vnsel vm3, $0x0, v26;
	v16 =	vadd.f32 v49, v16;
	v20 =	vadd.f32 v50, v20  }
0x30a: {  	v25 =	vadd.f32 v28, v25;
	v47 =	vmul.f32 v30, v30;
	v15 =	vadd.f32 v45, v15  }
0x30b: {  	v53 =	vnsel vm0, $0x0, v29;
	v16 =	vadd.f32 v51, v16;
	v20 =	vadd.f32 v52, v20  }
0x30c: {  	v35 =	vadd.f32 v32, v26;
	v54 =	vnsel vm1, $0x0, v47;
	v15 =	vadd.f32 v25, v15  }
0x30d: {  	v16 =	vadd.f32 v53, v16;
	v55 =	vadd.f32 v54, v20  }
0x30e: {  	(xrf2) =	vadd.scan.msk.f32 $0xffff, v18;
	v56 =	vadd.f32 v47, v29;
	v15 =	vadd.f32 v35, v15  }
0x30f: {  	(xrf2) =	vadd.scan.msk.f32 $0xffff, v17;
	v16 =	vadd.f32 v55, v16  }
0x310: {  	v15 =	vadd.f32 v56, v15  }
0x311: {  	(xrf2) =	vadd.scan.msk.f32 $0xffff, v16  }
0x312: {  	(xrf2) =	vadd.scan.msk.f32 $0xffff, v15  }
0x313: {  	s13 =	spop (v2sf)  }
0x314: {  	s4 =	spop (v2sf)  }
0x315: {  	s0 =	sadd.s32 s13, s4  }
0x316: {  	s0 =	scvt.s32.f32 s0;
	s14 =	spop (v2sf)  }
0x317: {  	s15 =	sshll.u32 s30, $0x1;
	s7 =	spop (v2sf)  }
0x318: {  	s31 =	sshllo.u32 s30, $0x1;
	v57 =	vmov s15;
	v15, _, _ =	vpop (xrf2);
	s0 =	smul.f32 $6.250000000e-02, s0;
	s4 =	sadd.s32 s14, s7  }
0x319: {  	v60 =	vmov s31;
	vm14 =	veq.s32 v57, v8;
	v17, _, _ =	vpop (xrf2);
	s24 =	scvt.s32.f32 s4  }
0x31a: {  	s29 =	sadd.s32 $0x1, s29;
	v15 =	vbroadcast v15, $0xF;
	v17 =	vbroadcast v17, $0xF;
	v58 =	vmov s0  }
0x31b: {  	p0 =	sne.s32 s29, $0x4;
	vm15 =	veq.s32 v60, v8;
	v16 =	vnsel vm14, $0x0, v58;
	v59, _, _ =	vpop (xrf2);
	s0 =	smul.f32 $6.250000000e-02, s24  }
.Ltmp5:
0x31c: {  	v15 =	vnsel vm14, $0x0, v15;
	v17 =	vnsel vm14, $0x0, v17;
	v12 =	vadd.f32 v16, v12;
	v61, _, _ =	vpop (xrf2);
	(pc) =	sbr.rel @p0 .LBB2_4-.Ltmp5, $4  }
0x31d: {  	v18 =	vbroadcast v59, $0xF;
	v19 =	vbroadcast v61, $0xF;
	v62 =	vmov s0  }
0x31e: {  	v13 =	vadd.f32 v15, v13;
	v15 =	vadd.f32 v17, v14;
	v14 =	vnsel vm15, $0x0, v62  }
0x31f: {  	v63 =	vnsel vm15, $0x0, v19;
	v14 =	vadd.f32 v14, v12;
	v12 =	vnsel vm15, $0x0, v18  }
0x320: {  	v13 =	vadd.f32 v12, v13;
	v12 =	vadd.f32 v63, v15  }
0x321: {  	[tilespmem:$0xE400] =	vst v14  }
0x322: {  	[tilespmem:$0xE410] =	vst v13  }
0x323: {  	s15 =	simm.s32 $0x0;
	s0 =	rddreg [dreg:$0x9];
	s4 =	simm.s32 $0xE400;
	[tilespmem:$0xE420] =	vst v12  }
0x324: {  	[hbm4b:s0+s15] =	stream.linear.scatter [tilespmem:s4], [sflag:$0x3], $0x80, $0x38;
	[tilespmem:$0xE480] =	vst v63  }
0x325: {  	_ =	swait.ge [sflag:s25], $0x80  }
0x326: {  	s26 =	sadd.s32 $0x1, s26;
	s31 =	rddreg [dreg:$0xa]  }
0x327: {  	p0 =	sne.s32 s26, s31  }
.Ltmp6:
0x328: {  	_ = 	snop;
	(pc) =	sbr.rel @p0 .LBB2_1-.Ltmp6, $3  }
0x329: {  	_ =	sdelay $0x1  }
0x32a: {  	[sflag:s25] =	ssyncset.done $0x0  }
0x32b: {  	[sflag:s25] =	ssyncadd.s32 $0xFFFFFF80  }
0x32c: {  	_ =	sfence.sel $0x180000  }
0x32d: {  	[bflag:$0x0] =	sbarrier.arrive $0xFFFF  }
0x32e: {  	_ =	strace $0x9000004D  }
0x32f: {  	s0 =	stileid.u32;
	[bflag:$0x2] =	sbarrier.arrive $0xFFFF  }
0x330: {  	p0 =	sne.s32 s0, $0x0;
	s0 =	rddreg [dreg:$0x4]  }
0x331: {  	s0 =	sadd.s32 @!p0 $0x100000, s0  }
0x332: {  	[sflag:s0] =	ssyncadd.tile.s32 @!p0 $0x1;
	_ =	shalt  }
.Lfunc_end2:
_tile_overlayer_lowered:
.L_overlay_start_2:
0x333: {  	(tag) =	ssettag $0x2  }
0x334: {  	s0 =	rddreg [dreg:$0x0];
	s2 =	stileid.u32  }
0x335: {  	s1 =	rddreg [dreg:$0x1];
	p0 =	sne.s32 s2, $0x0  }
0x336: {  	s3 =	rddreg [dreg:$0x2];
	[bflag:$0x3] =	sbarrier.arrive $0xFFFF;
	s2 =	simm.s32 @!p0 $0x1C03  }
0x337: {  	[timem:s3], [sflag:s2] =	dma.local @!p0 [hbm:s0], s1  }
0x338: {  	s0 =	simm.s32 @!p0 $0x3  }
0x339: {  	_ =	swait.ge @!p0 [sflag:s0], s1  }
0x33a: {  	s1 =	ssub.s32 @!p0 $0x0, s1;
	[sflag:s0] =	ssyncset.done @!p0 $0x0  }
0x33b: {  	[sflag:s0] =	ssyncadd.s32 @!p0 s1  }
0x33c: {  	[bflag:$0x3] =	sbarrier.arrive $0xFFFF  }
0x33d: {  	_ =	shalt  }

</sc_bundles>
